<compile_context>
chip_gen: v7x
topology: tpu7x:2x2x1
jax: 0.10.2.dev20260603
libtpu: 0.0.44.dev20260713+nightly
codegen_flags: <defaults>
</compile_context>

<pallas_src>
import functools

import jax
import jax.numpy as jnp
from jax import lax
from jax.experimental import pallas as pl
from jax.experimental.pallas import tpu as pltpu
from jax.experimental.pallas import tpu_sc as plsc

B, S, D, E, DFF, TOPK = 1, 2048, 768, 8, 1536, 2
N = B * S
A = N * TOPK
NW = 32
APW = A // NW
TPW = N // NW
TBS = 256
NB = A // TBS + E
CAP = NB * TBS
NBPAD = 24
NEG = -1e30



RB = 4
RT = N // RB
WPB = NW // RB


def _router_body(h_ref, wmix_ref, bmix_ref, wg_ref,
                 tok_ref, probs_ref, ev_ref, wv_ref,
                 zloss_ref, lb_ref, load_ref, counts_ref, start_ref, be_ref,
                 hist_s, zacc, pacc):
    i = pl.program_id(0)
    x = h_ref[...]
    mu = jnp.mean(x, axis=1, keepdims=True)
    var = jnp.mean((x - mu) ** 2, axis=1, keepdims=True)
    ln = (x - mu) / jnp.sqrt(var + 1e-5)
    h = x + jnp.dot(ln, wmix_ref[...], preferred_element_type=jnp.float32) + bmix_ref[...]
    tok_ref[...] = h
    logits = jnp.dot(h, wg_ref[...], preferred_element_type=jnp.float32)
    mx = jnp.max(logits, axis=1, keepdims=True)
    ex = jnp.exp(logits - mx)
    sx = jnp.sum(ex, axis=1, keepdims=True)
    probs = ex / sx
    probs_ref[...] = probs
    lane = jax.lax.broadcasted_iota(jnp.int32, probs.shape, 1)
    m1 = jnp.max(probs, axis=1, keepdims=True)
    i1 = jnp.min(jnp.where(probs == m1, lane, E), axis=1, keepdims=True)
    oh1 = lane == i1
    p2 = jnp.where(oh1, NEG, probs)
    m2 = jnp.max(p2, axis=1, keepdims=True)
    i2 = jnp.min(jnp.where(p2 == m2, lane, E), axis=1, keepdims=True)
    oh2 = lane == i2
    denom = m1 + m2
    ev_ref[...] = jnp.concatenate(
        [i1.reshape(1, RT), i2.reshape(1, RT)], axis=0)
    wv_ref[...] = jnp.concatenate(
        [(m1 / denom).reshape(1, RT), (m2 / denom).reshape(1, RT)], axis=0)
    lse = jnp.log(sx) + mx[:, 0:1]
    zpart = jnp.sum(lse * lse, keepdims=True).reshape(1, 1)
    ppart = jnp.sum(probs, axis=0, keepdims=True)
    oh1f = oh1.astype(jnp.float32)
    oh2f = oh2.astype(jnp.float32)
    hist_s[pl.ds(i * WPB, WPB), :] = jnp.sum(
        (oh1f + oh2f).reshape(WPB, TPW, E), axis=1)

    @pl.when(i == 0)
    def _init_acc():
        zacc[...] = zpart
        pacc[...] = ppart

    @pl.when(i > 0)
    def _add_acc():
        zacc[...] += zpart
        pacc[...] += ppart

    @pl.when(i == RB - 1)
    def _finalize():
        hist = hist_s[...]
        total = jnp.sum(hist, axis=0, keepdims=True)
        counts_ref[...] = total
        load = total / A
        load_ref[...] = load
        lb_ref[...] = E * jnp.sum(load * (pacc[...] / N), keepdims=True).reshape(1, 1)
        zloss_ref[...] = (zacc[...] / N).reshape(1, 1)
        rows = jax.lax.broadcasted_iota(jnp.int32, (NW, NW), 0)
        cols = jax.lax.broadcasted_iota(jnp.int32, (NW, NW), 1)
        lstrict = (cols < rows).astype(jnp.float32)
        pre = jnp.dot(lstrict, hist, preferred_element_type=jnp.float32)
        padded = jnp.floor((total + (TBS - 1)) * (1.0 / TBS)) * TBS
        er = jax.lax.broadcasted_iota(jnp.int32, (E, E), 0)
        ec = jax.lax.broadcasted_iota(jnp.int32, (E, E), 1)
        ustrict = (er < ec).astype(jnp.float32)
        off = jnp.dot(padded, ustrict, preferred_element_type=jnp.float32)
        start = off + pre
        start_ref[...] = jnp.concatenate(
            [start, jnp.zeros((NW, 16 - E), jnp.float32)], axis=1).astype(jnp.int32)
        endv = off + padded
        bvals = jax.lax.broadcasted_iota(
            jnp.int32, (1, NBPAD), 1).astype(jnp.float32) * TBS
        becnt = jnp.zeros((1, NBPAD), jnp.float32)
        first = jnp.zeros((1, NBPAD), jnp.float32)
        for e in range(E):
            becnt = becnt + (bvals >= endv[0, e]).astype(jnp.float32)
            first = first + (bvals == off[0, e]).astype(jnp.float32) * (padded[0, e] > 0)
        first = jnp.minimum(first, 1.0)
        bev = jnp.minimum(becnt, E - 1)
        lr = jax.lax.broadcasted_iota(jnp.int32, (NBPAD, NBPAD), 0)
        lc = jax.lax.broadcasted_iota(jnp.int32, (NBPAD, NBPAD), 1)
        ltincl = (lr <= lc).astype(jnp.float32)
        d = jnp.dot(first, ltincl, preferred_element_type=jnp.float32)
        dm1 = d - 1.0
        slot = dm1 - 2.0 * jnp.floor(dm1 * 0.5)
        nxt = jnp.full((1, NBPAD), -1.0)
        for e in range(E - 1, -1, -1):
            nxt = jnp.where((padded[0, e] > 0) & (bev < e), float(e), nxt)
        valid = (bvals < jnp.max(endv)).astype(jnp.float32)
        be_ref[...] = jnp.concatenate(
            [bev, slot, first, nxt, valid], axis=0).astype(jnp.int32)


def _lane_gather(x, idx):
    return lax.gather(
        x, idx[:, None],
        dimension_numbers=lax.GatherDimensionNumbers(
            offset_dims=(), collapsed_slice_dims=(0,), start_index_map=(0,)),
        slice_sizes=(1,),
        mode=lax.GatherScatterMode.PROMISE_IN_BOUNDS)



def _dispatch_body(ev_hbm, start_hbm, tok_hbm, gath_hbm, pos_hbm,
                   ev0, ev1, pos0, pos1, srow, tv, sem, sem2):
    w = lax.axis_index("c") * 16 + lax.axis_index("s")
    n0 = w * TPW
    tok_cp = pltpu.async_copy(tok_hbm.at[pl.ds(n0, TPW)], tv, sem2)
    pltpu.sync_copy(ev_hbm.at[pl.ds(n0, TPW)], ev0)
    pltpu.sync_copy(ev_hbm.at[pl.ds(N + n0, TPW)], ev1)
    pltpu.sync_copy(start_hbm.at[w], srow)
    lane16 = jax.lax.iota(jnp.int32, 16)
    ctr = srow[...]
    for j in range(APW // 16):
        half = j // (TPW // 16)
        jj = j % (TPW // 16)
        src = ev0 if half == 0 else ev1
        v = src[pl.ds(jj * 16, 16)]
        base = _lane_gather(ctr, v)
        rank = jnp.zeros((16,), jnp.int32)
        newctr = ctr
        for e in range(E):
            ind = jnp.where(v == e, 1, 0).astype(jnp.int32)
            c = jnp.cumsum(ind)
            rank = rank + jnp.where(v == e, c - 1, 0)
            cnt = jnp.sum(ind)
            newctr = jnp.where(lane16 == e, newctr + cnt, newctr)
        dst = pos0 if half == 0 else pos1
        dst[pl.ds(jj * 16, 16)] = base + rank
        ctr = newctr
    pltpu.sync_copy(pos0, pos_hbm.at[pl.ds(n0, TPW)])
    pltpu.sync_copy(pos1, pos_hbm.at[pl.ds(N + n0, TPW)])
    tok_cp.wait()
    ca = pltpu.async_copy(tv, gath_hbm.at[pos0], sem)
    cb = pltpu.async_copy(tv, gath_hbm.at[pos1], sem2)
    ca.wait()
    cb.wait()



def _experts_body(meta_ref, x_ref, b1_ref, b2_ref, w1_any, w2_any, out_ref,
                  w1s, w2s, sems):
    i = pl.program_id(0)
    e = meta_ref[0, i]
    slot = meta_ref[1, i]
    first = meta_ref[2, i]
    nxt = meta_ref[3, i]

    @pl.when(i == 0)
    def _prime():
        pltpu.make_async_copy(w1_any.at[e], w1s.at[slot], sems.at[slot, 0]).start()
        pltpu.make_async_copy(w2_any.at[e], w2s.at[slot], sems.at[slot, 1]).start()

    @pl.when((first == 1) & (nxt >= 0))
    def _prefetch_next():
        ns = 1 - slot
        pltpu.make_async_copy(w1_any.at[nxt], w1s.at[ns], sems.at[ns, 0]).start()
        pltpu.make_async_copy(w2_any.at[nxt], w2s.at[ns], sems.at[ns, 1]).start()

    @pl.when(first == 1)
    def _wait_mine():
        pltpu.make_async_copy(w1_any.at[e], w1s.at[slot], sems.at[slot, 0]).wait()
        pltpu.make_async_copy(w2_any.at[e], w2s.at[slot], sems.at[slot, 1]).wait()

    @pl.when(meta_ref[4, i] == 1)
    def _compute():
        h1 = (jnp.dot(x_ref[...], w1s[slot], preferred_element_type=jnp.float32)
              + b1_ref[0])
        g = jax.nn.gelu(h1, approximate=True)
        out_ref[...] = (jnp.dot(g, w2s[slot], preferred_element_type=jnp.float32)
                        + b2_ref[0])



def _combine_body(rows_hbm, pos_hbm, wv_hbm, out_hbm,
                  i0v, i1v, w0v, w1v, bufa, bufb, sa, sb):
    w = lax.axis_index("c") * 16 + lax.axis_index("s")
    n0 = w * (N // NW)
    tpw = N // NW
    pltpu.sync_copy(pos_hbm.at[pl.ds(n0, tpw)], i0v)
    pltpu.sync_copy(pos_hbm.at[pl.ds(N + n0, tpw)], i1v)
    pltpu.sync_copy(wv_hbm.at[0, pl.ds(n0, tpw)], w0v)
    pltpu.sync_copy(wv_hbm.at[1, pl.ds(n0, tpw)], w1v)
    ca = pltpu.async_copy(rows_hbm.at[i0v], bufa, sa)
    cb = pltpu.async_copy(rows_hbm.at[i1v], bufb, sb)
    ca.wait()
    cb.wait()

    def body(r, _):
        q = (r // 16) * 16
        l = lax.rem(r, 16)
        idxv = jnp.full((16,), l, jnp.int32)
        w0 = _lane_gather(w0v[pl.ds(q, 16)], idxv)
        w1 = _lane_gather(w1v[pl.ds(q, 16)], idxv)
        for j in range(D // 16):
            sl = pl.ds(j * 16, 16)
            bufa[r, sl] = w0 * bufa[r, sl] + w1 * bufb[r, sl]
        return 0

    lax.fori_loop(0, tpw, body, 0)
    pltpu.sync_copy(bufa, out_hbm.at[pl.ds(n0, tpw)])



def kernel(h_t, W_mix, b_mix, Wg, W1, b1, W2, b2):
    h2d = h_t.reshape(N, D)
    (tok, probs, ev2, wv, zloss, lb, load, counts, start, be) = pl.pallas_call(
        _router_body,
        grid=(RB,),
        in_specs=[
            pl.BlockSpec((RT, D), lambda i: (i, 0)),
            pl.BlockSpec((D, D), lambda i: (0, 0)),
            pl.BlockSpec((1, D), lambda i: (0, 0)),
            pl.BlockSpec((D, E), lambda i: (0, 0)),
        ],
        out_specs=(
            pl.BlockSpec((RT, D), lambda i: (i, 0)),
            pl.BlockSpec((RT, E), lambda i: (i, 0)),
            pl.BlockSpec((2, RT), lambda i: (0, i)),
            pl.BlockSpec((2, RT), lambda i: (0, i)),
            pl.BlockSpec((1, 1), lambda i: (0, 0)),
            pl.BlockSpec((1, 1), lambda i: (0, 0)),
            pl.BlockSpec((1, E), lambda i: (0, 0)),
            pl.BlockSpec((1, E), lambda i: (0, 0)),
            pl.BlockSpec((NW, 16), lambda i: (0, 0)),
            pl.BlockSpec((5, NBPAD), lambda i: (0, 0)),
        ),
        out_shape=(
            jax.ShapeDtypeStruct((N, D), jnp.float32),
            jax.ShapeDtypeStruct((N, E), jnp.float32),
            jax.ShapeDtypeStruct((2, N), jnp.int32),
            jax.ShapeDtypeStruct((2, N), jnp.float32),
            jax.ShapeDtypeStruct((1, 1), jnp.float32),
            jax.ShapeDtypeStruct((1, 1), jnp.float32),
            jax.ShapeDtypeStruct((1, E), jnp.float32),
            jax.ShapeDtypeStruct((1, E), jnp.float32),
            jax.ShapeDtypeStruct((NW, 16), jnp.int32),
            jax.ShapeDtypeStruct((5, NBPAD), jnp.int32),
        ),
        scratch_shapes=[
            pltpu.VMEM((NW, E), jnp.float32),
            pltpu.VMEM((1, 1), jnp.float32),
            pltpu.VMEM((1, E), jnp.float32),
        ],
        compiler_params=pltpu.CompilerParams(
            dimension_semantics=("arbitrary",),
        ),
    )(h2d, W_mix, b_mix.reshape(1, D), Wg)

    ev_flat = ev2.reshape(A)

    mesh = plsc.VectorSubcoreMesh(core_axis_name="c", subcore_axis_name="s")
    gathered, pos = pl.kernel(
        _dispatch_body,
        out_type=(
            jax.ShapeDtypeStruct((CAP, D), jnp.float32),
            jax.ShapeDtypeStruct((A,), jnp.int32),
        ),
        mesh=mesh,
        compiler_params=pltpu.CompilerParams(needs_layout_passes=False),
        scratch_types=[
            pltpu.VMEM((TPW,), jnp.int32),
            pltpu.VMEM((TPW,), jnp.int32),
            pltpu.VMEM((TPW,), jnp.int32),
            pltpu.VMEM((TPW,), jnp.int32),
            pltpu.VMEM((16,), jnp.int32),
            pltpu.VMEM((TPW, D), jnp.float32),
            pltpu.SemaphoreType.DMA,
            pltpu.SemaphoreType.DMA,
        ],
    )(ev_flat, start, tok)

    wrows = pl.pallas_call(
        _experts_body,
        grid_spec=pltpu.PrefetchScalarGridSpec(
            num_scalar_prefetch=1,
            grid=(NB,),
            in_specs=[
                pl.BlockSpec((TBS, D), lambda i, m: (m[4, i] * i, 0)),
                pl.BlockSpec((1, 1, DFF), lambda i, m: (m[0, i], 0, 0)),
                pl.BlockSpec((1, 1, D), lambda i, m: (m[0, i], 0, 0)),
                pl.BlockSpec(memory_space=pl.ANY),
                pl.BlockSpec(memory_space=pl.ANY),
            ],
            out_specs=pl.BlockSpec((TBS, D), lambda i, m: (i, 0)),
            scratch_shapes=[
                pltpu.VMEM((2, D, DFF), jnp.float32),
                pltpu.VMEM((2, DFF, D), jnp.float32),
                pltpu.SemaphoreType.DMA((2, 2)),
            ],
        ),
        out_shape=jax.ShapeDtypeStruct((CAP, D), jnp.float32),
        compiler_params=pltpu.CompilerParams(
            dimension_semantics=("arbitrary",),
        ),
    )(be, gathered, b1.reshape(E, 1, DFF), b2.reshape(E, 1, D), W1, W2)

    final = pl.kernel(
        _combine_body,
        out_type=jax.ShapeDtypeStruct((N, D), jnp.float32),
        mesh=mesh,
        compiler_params=pltpu.CompilerParams(needs_layout_passes=False),
        scratch_types=[
            pltpu.VMEM((N // NW,), jnp.int32),
            pltpu.VMEM((N // NW,), jnp.int32),
            pltpu.VMEM((N // NW,), jnp.float32),
            pltpu.VMEM((N // NW,), jnp.float32),
            pltpu.VMEM((N // NW, D), jnp.float32),
            pltpu.VMEM((N // NW, D), jnp.float32),
            pltpu.SemaphoreType.DMA,
            pltpu.SemaphoreType.DMA,
        ],
    )(wrows, pos, wv)

    return (final.reshape(B, S, D), probs, zloss.reshape(()), lb.reshape(()),
            load.reshape(E), counts.reshape(E))

# --- scband reference (transcript-rebuilt; emitter-appended) ---
"""Pipeline reference for scband-mox-elayer-6416681140790 (READ-ONLY COPY).

The authoritative reference and input builder live on the scoring server;
editing this copy changes nothing except your own understanding.
"""

import jax, jax.numpy as jnp
import numpy as np

B, S, D, E, DFF, TOPK = 1, 2048, 768, 8, 1536, 2


def _ln(x, eps=1e-5):
    mu = jnp.mean(x, axis=-1, keepdims=True)
    var = jnp.var(x, axis=-1, keepdims=True)
    return (x - mu) / jnp.sqrt(var + eps)


def setup_inputs(seed: int = 0):
    key = jax.random.key(seed)
    ks = jax.random.split(key, 8)
    return {
        "h_t": jax.random.normal(ks[0], (B, S, D), dtype=jnp.float32),
        "W_mix": jax.random.normal(ks[1], (D, D), dtype=jnp.float32) * 0.02,
        "b_mix": jnp.zeros((D,), dtype=jnp.float32),
        "Wg": jax.random.normal(ks[2], (D, E), dtype=jnp.float32) * 0.02,
        "W1": jax.random.normal(ks[3], (E, D, DFF), dtype=jnp.float32) * 0.02,
        "b1": jnp.zeros((E, DFF), dtype=jnp.float32),
        "W2": jax.random.normal(ks[4], (E, DFF, D), dtype=jnp.float32) * 0.02,
        "b2": jnp.zeros((E, D), dtype=jnp.float32),
    }


def reference(h_t, W_mix, b_mix, Wg, W1, b1, W2, b2):
    # sequence mixer (xLSTM block stack stand-in: pre-LN token-wise linear, residual)
    h = h_t + (_ln(h_t) @ W_mix + b_mix)
    Bb, Ss, Dd = h.shape
    N = Bb * Ss
    tokens = h.reshape(N, Dd)
    # standard router (nnx.Linear without bias)
    gate_logits = tokens @ Wg  # (N, E)
    router_probs = jax.nn.softmax(gate_logits, axis=1)
    top_k_weights, top_k_indices = jax.lax.top_k(router_probs, TOPK)
    top_k_weights = top_k_weights / top_k_weights.sum(axis=-1, keepdims=True)
    top_k_weights = top_k_weights.astype(h.dtype)
    dense_weights = jnp.zeros_like(gate_logits, dtype=h.dtype)
    batch_indices = jnp.arange(N)[:, None]
    dense_weights = dense_weights.at[batch_indices, top_k_indices].set(top_k_weights)
    # all experts run densely (per original: stack of per-expert outputs)
    hidden = jax.nn.gelu(jnp.einsum("nd,edf->enf", tokens, W1) + b1[:, None, :])
    expert_out = jnp.einsum("enf,efd->end", hidden, W2) + b2[:, None, :]  # (E, N, D)
    all_expert_outputs = jnp.transpose(expert_out, (1, 0, 2))  # (N, E, D)
    weighted_outputs = all_expert_outputs * dense_weights[..., None]
    final_hidden_states = jnp.sum(weighted_outputs, axis=1).reshape(Bb, Ss, Dd)
    # router z-loss
    z = jax.nn.logsumexp(gate_logits, axis=-1)
    z_loss = jnp.mean(z ** 2)
    # auxiliary load-balancing loss (Switch-style, top-k)
    one_hot = jax.nn.one_hot(top_k_indices, E, dtype=jnp.float32).sum(axis=1)  # (N, E)
    expert_token_counts = one_hot.sum(axis=0)
    expert_load = expert_token_counts / (N * TOPK)
    mean_probs = router_probs.mean(axis=0)
    load_balancing_loss = E * jnp.sum(expert_load * mean_probs)
    return (final_hidden_states, router_probs, z_loss, load_balancing_loss, expert_load, expert_token_counts)

if __name__ == "__main__":
    import jax
    _d = setup_inputs()
    print(jax.jit(kernel)(*tuple(_d.values())))

</pallas_src>

<mosaic_0001>
#map = affine_map<(d0, d1) -> (0, 0)>
#map1 = affine_map<(d0, d1) -> (0)>
module attributes {stable_mosaic.version = 14 : i64} {
  func.func @_combine_body(%arg0: i32, %arg1: i32, %arg2: memref<6144x768xf32, #tpu.memory_space<hbm>>, %arg3: memref<4096xi32, #tpu.memory_space<hbm>>, %arg4: memref<2x2048xf32, #tpu.memory_space<hbm>>, %arg5: memref<2048x768xf32, #tpu.memory_space<hbm>>, %arg6: memref<64xi32, #tpu.memory_space<vmem>>, %arg7: memref<64xi32, #tpu.memory_space<vmem>>, %arg8: memref<64xf32, #tpu.memory_space<vmem>>, %arg9: memref<64xf32, #tpu.memory_space<vmem>>, %arg10: memref<64x768xf32, #tpu.memory_space<vmem>>, %arg11: memref<64x768xf32, #tpu.memory_space<vmem>>, %arg12: memref<!tpu.dma_semaphore, #tpu.memory_space<semaphore_mem>>, %arg13: memref<!tpu.dma_semaphore, #tpu.memory_space<semaphore_mem>>) attributes {dimension_semantics = [#tpu.dimension_semantics<core_parallel>, #tpu.dimension_semantics<subcore_parallel>], iteration_bounds = array<i64: 2, 16>, scalar_prefetch = 0 : i64, scratch_operands = 8 : i64, tpu.core_type = #tpu.core_type<sc_vector_subcore>, window_params = [{transform_indices = #map}, {transform_indices = #map1}, {transform_indices = #map}, {transform_indices = #map}]} {
    %mul3A = arith.constant 16 : i32
    %mul3A_0 = arith.muli %arg0, %mul3A : i32
    %add3A = arith.addi %mul3A_0, %arg1 : i32
    %mul3A_1 = arith.constant 64 : i32
    %mul3A_2 = arith.muli %add3A, %mul3A_1 : i32
    "tpu.region"() ({
      %run_scoped3A_22 = tpu.sem_alloc : memref<!tpu.dma_semaphore, #tpu.memory_space<semaphore_mem>>
      %dma_start3A_23 = tpu.memref_slice %arg3[%mul3A_2] : memref<4096xi32, #tpu.memory_space<hbm>> -> memref<64xi32, #tpu.memory_space<hbm>>
      %dma_start3A_24 = tpu.memref_slice %arg3[%mul3A_2] : memref<4096xi32, #tpu.memory_space<hbm>> -> memref<64xi32, #tpu.memory_space<hbm>>
      tpu.enqueue_dma source(%dma_start3A_24 : memref<64xi32, #tpu.memory_space<hbm>>) target(%arg6 : memref<64xi32, #tpu.memory_space<vmem>>) target_semaphore(%run_scoped3A_22 : memref<!tpu.dma_semaphore, #tpu.memory_space<semaphore_mem>>)
      %dma_wait3A_25 = tpu.memref_slice %arg3[%mul3A_2] : memref<4096xi32, #tpu.memory_space<hbm>> -> memref<64xi32, #tpu.memory_space<hbm>>
      %dma_wait3A_26 = tpu.memref_slice %arg3[%mul3A_2] : memref<4096xi32, #tpu.memory_space<hbm>> -> memref<64xi32, #tpu.memory_space<hbm>>
      tpu.wait_dma2 semaphore(%run_scoped3A_22 : memref<!tpu.dma_semaphore, #tpu.memory_space<semaphore_mem>>) src(%dma_wait3A_26 : memref<64xi32, #tpu.memory_space<hbm>>) dst(%arg6 : memref<64xi32, #tpu.memory_space<vmem>>)
      tpu.yield
    }) : () -> ()
    %add3A_3 = arith.constant 2048 : i32
    %add3A_4 = arith.addi %add3A_3, %mul3A_2 : i32
    "tpu.region"() ({
      %run_scoped3A_22 = tpu.sem_alloc : memref<!tpu.dma_semaphore, #tpu.memory_space<semaphore_mem>>
      %dma_start3A_23 = tpu.memref_slice %arg3[%add3A_4] : memref<4096xi32, #tpu.memory_space<hbm>> -> memref<64xi32, #tpu.memory_space<hbm>>
      %dma_start3A_24 = tpu.memref_slice %arg3[%add3A_4] : memref<4096xi32, #tpu.memory_space<hbm>> -> memref<64xi32, #tpu.memory_space<hbm>>
      tpu.enqueue_dma source(%dma_start3A_24 : memref<64xi32, #tpu.memory_space<hbm>>) target(%arg7 : memref<64xi32, #tpu.memory_space<vmem>>) target_semaphore(%run_scoped3A_22 : memref<!tpu.dma_semaphore, #tpu.memory_space<semaphore_mem>>)
      %dma_wait3A_25 = tpu.memref_slice %arg3[%add3A_4] : memref<4096xi32, #tpu.memory_space<hbm>> -> memref<64xi32, #tpu.memory_space<hbm>>
      %dma_wait3A_26 = tpu.memref_slice %arg3[%add3A_4] : memref<4096xi32, #tpu.memory_space<hbm>> -> memref<64xi32, #tpu.memory_space<hbm>>
      tpu.wait_dma2 semaphore(%run_scoped3A_22 : memref<!tpu.dma_semaphore, #tpu.memory_space<semaphore_mem>>) src(%dma_wait3A_26 : memref<64xi32, #tpu.memory_space<hbm>>) dst(%arg7 : memref<64xi32, #tpu.memory_space<vmem>>)
      tpu.yield
    }) : () -> ()
    %run_scoped3A = arith.constant 0 : i32
    "tpu.region"() ({
      %run_scoped3A_22 = tpu.sem_alloc : memref<!tpu.dma_semaphore, #tpu.memory_space<semaphore_mem>>
      %dma_start3A_23 = tpu.memref_slice %arg4[%run_scoped3A, %mul3A_2] : memref<2x2048xf32, #tpu.memory_space<hbm>> -> memref<1x64xf32, #tpu.memory_space<hbm>>
      %dma_start3A_24 = tpu.memref_squeeze %dma_start3A_23 : memref<1x64xf32, #tpu.memory_space<hbm>> -> memref<64xf32, #tpu.memory_space<hbm>>
      %dma_start3A_25 = tpu.memref_slice %arg4[%run_scoped3A, %mul3A_2] : memref<2x2048xf32, #tpu.memory_space<hbm>> -> memref<1x64xf32, #tpu.memory_space<hbm>>
      %dma_start3A_26 = tpu.memref_squeeze %dma_start3A_25 : memref<1x64xf32, #tpu.memory_space<hbm>> -> memref<64xf32, #tpu.memory_space<hbm>>
      tpu.enqueue_dma source(%dma_start3A_26 : memref<64xf32, #tpu.memory_space<hbm>>) target(%arg8 : memref<64xf32, #tpu.memory_space<vmem>>) target_semaphore(%run_scoped3A_22 : memref<!tpu.dma_semaphore, #tpu.memory_space<semaphore_mem>>)
      %dma_wait3A_27 = tpu.memref_slice %arg4[%run_scoped3A, %mul3A_2] : memref<2x2048xf32, #tpu.memory_space<hbm>> -> memref<1x64xf32, #tpu.memory_space<hbm>>
      %dma_wait3A_28 = tpu.memref_squeeze %dma_wait3A_27 : memref<1x64xf32, #tpu.memory_space<hbm>> -> memref<64xf32, #tpu.memory_space<hbm>>
      %dma_wait3A_29 = tpu.memref_slice %arg4[%run_scoped3A, %mul3A_2] : memref<2x2048xf32, #tpu.memory_space<hbm>> -> memref<1x64xf32, #tpu.memory_space<hbm>>
      %dma_wait3A_30 = tpu.memref_squeeze %dma_wait3A_29 : memref<1x64xf32, #tpu.memory_space<hbm>> -> memref<64xf32, #tpu.memory_space<hbm>>
      tpu.wait_dma2 semaphore(%run_scoped3A_22 : memref<!tpu.dma_semaphore, #tpu.memory_space<semaphore_mem>>) src(%dma_wait3A_30 : memref<64xf32, #tpu.memory_space<hbm>>) dst(%arg8 : memref<64xf32, #tpu.memory_space<vmem>>)
      tpu.yield
    }) : () -> ()
    %run_scoped3A_5 = arith.constant 1 : i32
    "tpu.region"() ({
      %run_scoped3A_22 = tpu.sem_alloc : memref<!tpu.dma_semaphore, #tpu.memory_space<semaphore_mem>>
      %dma_start3A_23 = tpu.memref_slice %arg4[%run_scoped3A_5, %mul3A_2] : memref<2x2048xf32, #tpu.memory_space<hbm>> -> memref<1x64xf32, #tpu.memory_space<hbm>>
      %dma_start3A_24 = tpu.memref_squeeze %dma_start3A_23 : memref<1x64xf32, #tpu.memory_space<hbm>> -> memref<64xf32, #tpu.memory_space<hbm>>
      %dma_start3A_25 = tpu.memref_slice %arg4[%run_scoped3A_5, %mul3A_2] : memref<2x2048xf32, #tpu.memory_space<hbm>> -> memref<1x64xf32, #tpu.memory_space<hbm>>
      %dma_start3A_26 = tpu.memref_squeeze %dma_start3A_25 : memref<1x64xf32, #tpu.memory_space<hbm>> -> memref<64xf32, #tpu.memory_space<hbm>>
      tpu.enqueue_dma source(%dma_start3A_26 : memref<64xf32, #tpu.memory_space<hbm>>) target(%arg9 : memref<64xf32, #tpu.memory_space<vmem>>) target_semaphore(%run_scoped3A_22 : memref<!tpu.dma_semaphore, #tpu.memory_space<semaphore_mem>>)
      %dma_wait3A_27 = tpu.memref_slice %arg4[%run_scoped3A_5, %mul3A_2] : memref<2x2048xf32, #tpu.memory_space<hbm>> -> memref<1x64xf32, #tpu.memory_space<hbm>>
      %dma_wait3A_28 = tpu.memref_squeeze %dma_wait3A_27 : memref<1x64xf32, #tpu.memory_space<hbm>> -> memref<64xf32, #tpu.memory_space<hbm>>
      %dma_wait3A_29 = tpu.memref_slice %arg4[%run_scoped3A_5, %mul3A_2] : memref<2x2048xf32, #tpu.memory_space<hbm>> -> memref<1x64xf32, #tpu.memory_space<hbm>>
      %dma_wait3A_30 = tpu.memref_squeeze %dma_wait3A_29 : memref<1x64xf32, #tpu.memory_space<hbm>> -> memref<64xf32, #tpu.memory_space<hbm>>
      tpu.wait_dma2 semaphore(%run_scoped3A_22 : memref<!tpu.dma_semaphore, #tpu.memory_space<semaphore_mem>>) src(%dma_wait3A_30 : memref<64xf32, #tpu.memory_space<hbm>>) dst(%arg9 : memref<64xf32, #tpu.memory_space<vmem>>)
      tpu.yield
    }) : () -> ()
    %dma_start3A = arith.constant 0 : i32
    %dma_start3A_6 = arith.constant 0 : i32
    %dma_start3A_7 = tpu.memref_slice %arg2[%dma_start3A, %dma_start3A_6] : memref<6144x768xf32, #tpu.memory_space<hbm>> -> memref<6144x768xf32, #tpu.memory_space<hbm>>
    tpu.enqueue_indirect_dma source(%dma_start3A_7 : memref<6144x768xf32, #tpu.memory_space<hbm>>) target(%arg10 : memref<64x768xf32, #tpu.memory_space<vmem>>) offsets(%arg6 : memref<64xi32, #tpu.memory_space<vmem>>) semaphore(%arg12 : memref<!tpu.dma_semaphore, #tpu.memory_space<semaphore_mem>>)
    %dma_start3A_8 = arith.constant 0 : i32
    %dma_start3A_9 = arith.constant 0 : i32
    %dma_start3A_10 = tpu.memref_slice %arg2[%dma_start3A_8, %dma_start3A_9] : memref<6144x768xf32, #tpu.memory_space<hbm>> -> memref<6144x768xf32, #tpu.memory_space<hbm>>
    tpu.enqueue_indirect_dma source(%dma_start3A_10 : memref<6144x768xf32, #tpu.memory_space<hbm>>) target(%arg11 : memref<64x768xf32, #tpu.memory_space<vmem>>) offsets(%arg7 : memref<64xi32, #tpu.memory_space<vmem>>) semaphore(%arg13 : memref<!tpu.dma_semaphore, #tpu.memory_space<semaphore_mem>>)
    %dma_wait3A = arith.constant 0 : i32
    %dma_wait3A_11 = arith.constant 0 : i32
    %dma_wait3A_12 = tpu.memref_slice %arg2[%dma_wait3A, %dma_wait3A_11] : memref<6144x768xf32, #tpu.memory_space<hbm>> -> memref<6144x768xf32, #tpu.memory_space<hbm>>
    tpu.wait_indirect_dma semaphore(%arg12 : memref<!tpu.dma_semaphore, #tpu.memory_space<semaphore_mem>>) src(%dma_wait3A_12 : memref<6144x768xf32, #tpu.memory_space<hbm>>) dst(%arg10 : memref<64x768xf32, #tpu.memory_space<vmem>>)
    %dma_wait3A_13 = arith.constant 0 : i32
    %dma_wait3A_14 = arith.constant 0 : i32
    %dma_wait3A_15 = tpu.memref_slice %arg2[%dma_wait3A_13, %dma_wait3A_14] : memref<6144x768xf32, #tpu.memory_space<hbm>> -> memref<6144x768xf32, #tpu.memory_space<hbm>>
    tpu.wait_indirect_dma semaphore(%arg13 : memref<!tpu.dma_semaphore, #tpu.memory_space<semaphore_mem>>) src(%dma_wait3A_15 : memref<6144x768xf32, #tpu.memory_space<hbm>>) dst(%arg11 : memref<64x768xf32, #tpu.memory_space<vmem>>)
    %scan3A = arith.constant 0 : i32
    %scan3A_16 = arith.constant 0 : i32
    %scan3A_17 = arith.constant 64 : i32
    %scan3A_18 = arith.addi %scan3A_16, %scan3A_17 : i32
    %scan3A_19 = arith.constant 1 : i32
    %scan3A_20 = scf.for %scan3A_22 = %scan3A_16 to %scan3A_18 step %scan3A_19 iter_args(%scan3A_23 = %scan3A) -> (i32)  : i32 {
      %jit3A = arith.constant 16 : i32
      %div3A = arith.divsi %scan3A_22, %jit3A : i32
      %sign3A = arith.constant 0 : i32
      %sign3A_24 = arith.cmpi sgt, %scan3A_22, %sign3A : i32
      %sign3A_25 = arith.extui %sign3A_24 : i1 to i32
      %sign3A_26 = arith.constant 0 : i32
      %sign3A_27 = arith.cmpi slt, %scan3A_22, %sign3A_26 : i32
      %sign3A_28 = arith.extui %sign3A_27 : i1 to i32
      %sign3A_29 = arith.subi %sign3A_25, %sign3A_28 : i32
      %sign3A_30 = arith.constant 0 : i32
      %sign3A_31 = arith.cmpi sgt, %jit3A, %sign3A_30 : i32
      %sign3A_32 = arith.extui %sign3A_31 : i1 to i32
      %sign3A_33 = arith.constant 0 : i32
      %sign3A_34 = arith.cmpi slt, %jit3A, %sign3A_33 : i32
      %sign3A_35 = arith.extui %sign3A_34 : i1 to i32
      %sign3A_36 = arith.subi %sign3A_32, %sign3A_35 : i32
      %ne3A = arith.cmpi ne, %sign3A_29, %sign3A_36 : i32
      %rem3A = arith.remsi %scan3A_22, %jit3A : i32
      %ne3A_37 = arith.constant 0 : i32
      %ne3A_38 = arith.cmpi ne, %rem3A, %ne3A_37 : i32
      %and3A = arith.andi %ne3A, %ne3A_38 : i1
      %sub3A = arith.constant 1 : i32
      %sub3A_39 = arith.subi %div3A, %sub3A : i32
      %select_n3A = arith.select %and3A, %sub3A_39, %div3A : i32
      %mul3A_40 = arith.constant 16 : i32
      %mul3A_41 = arith.muli %select_n3A, %mul3A_40 : i32
      %rem3A_42 = arith.constant 16 : i32
      %rem3A_43 = arith.remsi %scan3A_22, %rem3A_42 : i32
      %broadcast_in_dim3A = vector.broadcast %rem3A_43 : i32 to vector<16xi32>
      %get3A = arith.index_cast %mul3A_41 : i32 to index
      %get3A_44 = tpu.vector_load %arg8[%get3A] {strides = array<i32>} : memref<64xf32, #tpu.memory_space<vmem>>, vector<16xf32>,
      %broadcast_in_dim3A_45 = vector.shape_cast %broadcast_in_dim3A : vector<16xi32> to vector<16x1xi32>
      %gather3A = vector.shape_cast %broadcast_in_dim3A_45 : vector<16x1xi32> to vector<16xi32>
      %gather3A_46 = tpu.dynamic_gather %get3A_44[%gather3A] in [0] : vector<16xf32>, vector<16xi32> -> vector<16xf32>
      %get3A_47 = arith.index_cast %mul3A_41 : i32 to index
      %get3A_48 = tpu.vector_load %arg9[%get3A_47] {strides = array<i32>} : memref<64xf32, #tpu.memory_space<vmem>>, vector<16xf32>,
      %broadcast_in_dim3A_49 = vector.shape_cast %broadcast_in_dim3A : vector<16xi32> to vector<16x1xi32>
      %gather3A_50 = vector.shape_cast %broadcast_in_dim3A_49 : vector<16x1xi32> to vector<16xi32>
      %gather3A_51 = tpu.dynamic_gather %get3A_48[%gather3A_50] in [0] : vector<16xf32>, vector<16xi32> -> vector<16xf32>
      %get3A_52 = arith.index_cast %scan3A_22 : i32 to index
      %get3A_53 = arith.constant 0 : index
      %get3A_54 = tpu.vector_load %arg10[%get3A_52, %get3A_53] {strides = array<i32>} : memref<64x768xf32, #tpu.memory_space<vmem>>, vector<16xf32>,
      %mul3A_55 = arith.mulf %gather3A_46, %get3A_54 : vector<16xf32>
      %get3A_56 = arith.index_cast %scan3A_22 : i32 to index
      %get3A_57 = arith.constant 0 : index
      %get3A_58 = tpu.vector_load %arg11[%get3A_56, %get3A_57] {strides = array<i32>} : memref<64x768xf32, #tpu.memory_space<vmem>>, vector<16xf32>,
      %mul3A_59 = arith.mulf %gather3A_51, %get3A_58 : vector<16xf32>
      %add3A_60 = arith.addf %mul3A_55, %mul3A_59 : vector<16xf32>
      %swap3A = arith.index_cast %scan3A_22 : i32 to index
      %swap3A_61 = arith.constant 0 : index
      %swap3A_62 = tpu.vector_load %arg10[%swap3A, %swap3A_61] {strides = array<i32>} : memref<64x768xf32, #tpu.memory_space<vmem>>, vector<16xf32>,
      tpu.vector_store %arg10[%swap3A, %swap3A_61], %add3A_60 {strides = array<i32>} : memref<64x768xf32, #tpu.memory_space<vmem>>, vector<16xf32>,
      %get3A_63 = arith.index_cast %scan3A_22 : i32 to index
      %get3A_64 = arith.constant 16 : index
      %get3A_65 = tpu.vector_load %arg10[%get3A_63, %get3A_64] {strides = array<i32>} : memref<64x768xf32, #tpu.memory_space<vmem>>, vector<16xf32>,
      %mul3A_66 = arith.mulf %gather3A_46, %get3A_65 : vector<16xf32>
      %get3A_67 = arith.index_cast %scan3A_22 : i32 to index
      %get3A_68 = arith.constant 16 : index
      %get3A_69 = tpu.vector_load %arg11[%get3A_67, %get3A_68] {strides = array<i32>} : memref<64x768xf32, #tpu.memory_space<vmem>>, vector<16xf32>,
      %mul3A_70 = arith.mulf %gather3A_51, %get3A_69 : vector<16xf32>
      %add3A_71 = arith.addf %mul3A_66, %mul3A_70 : vector<16xf32>
      %swap3A_72 = arith.index_cast %scan3A_22 : i32 to index
      %swap3A_73 = arith.constant 16 : index
      %swap3A_74 = tpu.vector_load %arg10[%swap3A_72, %swap3A_73] {strides = array<i32>} : memref<64x768xf32, #tpu.memory_space<vmem>>, vector<16xf32>,
      tpu.vector_store %arg10[%swap3A_72, %swap3A_73], %add3A_71 {strides = array<i32>} : memref<64x768xf32, #tpu.memory_space<vmem>>, vector<16xf32>,
      %get3A_75 = arith.index_cast %scan3A_22 : i32 to index
      %get3A_76 = arith.constant 32 : index
      %get3A_77 = tpu.vector_load %arg10[%get3A_75, %get3A_76] {strides = array<i32>} : memref<64x768xf32, #tpu.memory_space<vmem>>, vector<16xf32>,
      %mul3A_78 = arith.mulf %gather3A_46, %get3A_77 : vector<16xf32>
      %get3A_79 = arith.index_cast %scan3A_22 : i32 to index
      %get3A_80 = arith.constant 32 : index
      %get3A_81 = tpu.vector_load %arg11[%get3A_79, %get3A_80] {strides = array<i32>} : memref<64x768xf32, #tpu.memory_space<vmem>>, vector<16xf32>,
      %mul3A_82 = arith.mulf %gather3A_51, %get3A_81 : vector<16xf32>
      %add3A_83 = arith.addf %mul3A_78, %mul3A_82 : vector<16xf32>
      %swap3A_84 = arith.index_cast %scan3A_22 : i32 to index
      %swap3A_85 = arith.constant 32 : index
      %swap3A_86 = tpu.vector_load %arg10[%swap3A_84, %swap3A_85] {strides = array<i32>} : memref<64x768xf32, #tpu.memory_space<vmem>>, vector<16xf32>,
      tpu.vector_store %arg10[%swap3A_84, %swap3A_85], %add3A_83 {strides = array<i32>} : memref<64x768xf32, #tpu.memory_space<vmem>>, vector<16xf32>,
      %get3A_87 = arith.index_cast %scan3A_22 : i32 to index
      %get3A_88 = arith.constant 48 : index
      %get3A_89 = tpu.vector_load %arg10[%get3A_87, %get3A_88] {strides = array<i32>} : memref<64x768xf32, #tpu.memory_space<vmem>>, vector<16xf32>,
      %mul3A_90 = arith.mulf %gather3A_46, %get3A_89 : vector<16xf32>
      %get3A_91 = arith.index_cast %scan3A_22 : i32 to index
      %get3A_92 = arith.constant 48 : index
      %get3A_93 = tpu.vector_load %arg11[%get3A_91, %get3A_92] {strides = array<i32>} : memref<64x768xf32, #tpu.memory_space<vmem>>, vector<16xf32>,
      %mul3A_94 = arith.mulf %gather3A_51, %get3A_93 : vector<16xf32>
      %add3A_95 = arith.addf %mul3A_90, %mul3A_94 : vector<16xf32>
      %swap3A_96 = arith.index_cast %scan3A_22 : i32 to index
      %swap3A_97 = arith.constant 48 : index
      %swap3A_98 = tpu.vector_load %arg10[%swap3A_96, %swap3A_97] {strides = array<i32>} : memref<64x768xf32, #tpu.memory_space<vmem>>, vector<16xf32>,
      tpu.vector_store %arg10[%swap3A_96, %swap3A_97], %add3A_95 {strides = array<i32>} : memref<64x768xf32, #tpu.memory_space<vmem>>, vector<16xf32>,
      %get3A_99 = arith.index_cast %scan3A_22 : i32 to index
      %get3A_100 = arith.constant 64 : index
      %get3A_101 = tpu.vector_load %arg10[%get3A_99, %get3A_100] {strides = array<i32>} : memref<64x768xf32, #tpu.memory_space<vmem>>, vector<16xf32>,
      %mul3A_102 = arith.mulf %gather3A_46, %get3A_101 : vector<16xf32>
      %get3A_103 = arith.index_cast %scan3A_22 : i32 to index
      %get3A_104 = arith.constant 64 : index
      %get3A_105 = tpu.vector_load %arg11[%get3A_103, %get3A_104] {strides = array<i32>} : memref<64x768xf32, #tpu.memory_space<vmem>>, vector<16xf32>,
      %mul3A_106 = arith.mulf %gather3A_51, %get3A_105 : vector<16xf32>
      %add3A_107 = arith.addf %mul3A_102, %mul3A_106 : vector<16xf32>
      %swap3A_108 = arith.index_cast %scan3A_22 : i32 to index
      %swap3A_109 = arith.constant 64 : index
      %swap3A_110 = tpu.vector_load %arg10[%swap3A_108, %swap3A_109] {strides = array<i32>} : memref<64x768xf32, #tpu.memory_space<vmem>>, vector<16xf32>,
      tpu.vector_store %arg10[%swap3A_108, %swap3A_109], %add3A_107 {strides = array<i32>} : memref<64x768xf32, #tpu.memory_space<vmem>>, vector<16xf32>,
      %get3A_111 = arith.index_cast %scan3A_22 : i32 to index
      %get3A_112 = arith.constant 80 : index
      %get3A_113 = tpu.vector_load %arg10[%get3A_111, %get3A_112] {strides = array<i32>} : memref<64x768xf32, #tpu.memory_space<vmem>>, vector<16xf32>,
      %mul3A_114 = arith.mulf %gather3A_46, %get3A_113 : vector<16xf32>
      %get3A_115 = arith.index_cast %scan3A_22 : i32 to index
      %get3A_116 = arith.constant 80 : index
      %get3A_117 = tpu.vector_load %arg11[%get3A_115, %get3A_116] {strides = array<i32>} : memref<64x768xf32, #tpu.memory_space<vmem>>, vector<16xf32>,
      %mul3A_118 = arith.mulf %gather3A_51, %get3A_117 : vector<16xf32>
      %add3A_119 = arith.addf %mul3A_114, %mul3A_118 : vector<16xf32>
      %swap3A_120 = arith.index_cast %scan3A_22 : i32 to index
      %swap3A_121 = arith.constant 80 : index
      %swap3A_122 = tpu.vector_load %arg10[%swap3A_120, %swap3A_121] {strides = array<i32>} : memref<64x768xf32, #tpu.memory_space<vmem>>, vector<16xf32>,
      tpu.vector_store %arg10[%swap3A_120, %swap3A_121], %add3A_119 {strides = array<i32>} : memref<64x768xf32, #tpu.memory_space<vmem>>, vector<16xf32>,
      %get3A_123 = arith.index_cast %scan3A_22 : i32 to index
      %get3A_124 = arith.constant 96 : index
      %get3A_125 = tpu.vector_load %arg10[%get3A_123, %get3A_124] {strides = array<i32>} : memref<64x768xf32, #tpu.memory_space<vmem>>, vector<16xf32>,
      %mul3A_126 = arith.mulf %gather3A_46, %get3A_125 : vector<16xf32>
      %get3A_127 = arith.index_cast %scan3A_22 : i32 to index
      %get3A_128 = arith.constant 96 : index
      %get3A_129 = tpu.vector_load %arg11[%get3A_127, %get3A_128] {strides = array<i32>} : memref<64x768xf32, #tpu.memory_space<vmem>>, vector<16xf32>,
      %mul3A_130 = arith.mulf %gather3A_51, %get3A_129 : vector<16xf32>
      %add3A_131 = arith.addf %mul3A_126, %mul3A_130 : vector<16xf32>
      %swap3A_132 = arith.index_cast %scan3A_22 : i32 to index
      %swap3A_133 = arith.constant 96 : index
      %swap3A_134 = tpu.vector_load %arg10[%swap3A_132, %swap3A_133] {strides = array<i32>} : memref<64x768xf32, #tpu.memory_space<vmem>>, vector<16xf32>,
      tpu.vector_store %arg10[%swap3A_132, %swap3A_133], %add3A_131 {strides = array<i32>} : memref<64x768xf32, #tpu.memory_space<vmem>>, vector<16xf32>,
      %get3A_135 = arith.index_cast %scan3A_22 : i32 to index
      %get3A_136 = arith.constant 112 : index
      %get3A_137 = tpu.vector_load %arg10[%get3A_135, %get3A_136] {strides = array<i32>} : memref<64x768xf32, #tpu.memory_space<vmem>>, vector<16xf32>,
      %mul3A_138 = arith.mulf %gather3A_46, %get3A_137 : vector<16xf32>
      %get3A_139 = arith.index_cast %scan3A_22 : i32 to index
      %get3A_140 = arith.constant 112 : index
      %get3A_141 = tpu.vector_load %arg11[%get3A_139, %get3A_140] {strides = array<i32>} : memref<64x768xf32, #tpu.memory_space<vmem>>, vector<16xf32>,
      %mul3A_142 = arith.mulf %gather3A_51, %get3A_141 : vector<16xf32>
      %add3A_143 = arith.addf %mul3A_138, %mul3A_142 : vector<16xf32>
      %swap3A_144 = arith.index_cast %scan3A_22 : i32 to index
      %swap3A_145 = arith.constant 112 : index
      %swap3A_146 = tpu.vector_load %arg10[%swap3A_144, %swap3A_145] {strides = array<i32>} : memref<64x768xf32, #tpu.memory_space<vmem>>, vector<16xf32>,
      tpu.vector_store %arg10[%swap3A_144, %swap3A_145], %add3A_143 {strides = array<i32>} : memref<64x768xf32, #tpu.memory_space<vmem>>, vector<16xf32>,
      %get3A_147 = arith.index_cast %scan3A_22 : i32 to index
      %get3A_148 = arith.constant 128 : index
      %get3A_149 = tpu.vector_load %arg10[%get3A_147, %get3A_148] {strides = array<i32>} : memref<64x768xf32, #tpu.memory_space<vmem>>, vector<16xf32>,
      %mul3A_150 = arith.mulf %gather3A_46, %get3A_149 : vector<16xf32>
      %get3A_151 = arith.index_cast %scan3A_22 : i32 to index
      %get3A_152 = arith.constant 128 : index
      %get3A_153 = tpu.vector_load %arg11[%get3A_151, %get3A_152] {strides = array<i32>} : memref<64x768xf32, #tpu.memory_space<vmem>>, vector<16xf32>,
      %mul3A_154 = arith.mulf %gather3A_51, %get3A_153 : vector<16xf32>
      %add3A_155 = arith.addf %mul3A_150, %mul3A_154 : vector<16xf32>
      %swap3A_156 = arith.index_cast %scan3A_22 : i32 to index
      %swap3A_157 = arith.constant 128 : index
      %swap3A_158 = tpu.vector_load %arg10[%swap3A_156, %swap3A_157] {strides = array<i32>} : memref<64x768xf32, #tpu.memory_space<vmem>>, vector<16xf32>,
      tpu.vector_store %arg10[%swap3A_156, %swap3A_157], %add3A_155 {strides = array<i32>} : memref<64x768xf32, #tpu.memory_space<vmem>>, vector<16xf32>,
      %get3A_159 = arith.index_cast %scan3A_22 : i32 to index
      %get3A_160 = arith.constant 144 : index
      %get3A_161 = tpu.vector_load %arg10[%get3A_159, %get3A_160] {strides = array<i32>} : memref<64x768xf32, #tpu.memory_space<vmem>>, vector<16xf32>,
      %mul3A_162 = arith.mulf %gather3A_46, %get3A_161 : vector<16xf32>
      %get3A_163 = arith.index_cast %scan3A_22 : i32 to index
      %get3A_164 = arith.constant 144 : index
      %get3A_165 = tpu.vector_load %arg11[%get3A_163, %get3A_164] {strides = array<i32>} : memref<64x768xf32, #tpu.memory_space<vmem>>, vector<16xf32>,
      %mul3A_166 = arith.mulf %gather3A_51, %get3A_165 : vector<16xf32>
      %add3A_167 = arith.addf %mul3A_162, %mul3A_166 : vector<16xf32>
      %swap3A_168 = arith.index_cast %scan3A_22 : i32 to index
      %swap3A_169 = arith.constant 144 : index
      %swap3A_170 = tpu.vector_load %arg10[%swap3A_168, %swap3A_169] {strides = array<i32>} : memref<64x768xf32, #tpu.memory_space<vmem>>, vector<16xf32>,
      tpu.vector_store %arg10[%swap3A_168, %swap3A_169], %add3A_167 {strides = array<i32>} : memref<64x768xf32, #tpu.memory_space<vmem>>, vector<16xf32>,
      %get3A_171 = arith.index_cast %scan3A_22 : i32 to index
      %get3A_172 = arith.constant 160 : index
      %get3A_173 = tpu.vector_load %arg10[%get3A_171, %get3A_172] {strides = array<i32>} : memref<64x768xf32, #tpu.memory_space<vmem>>, vector<16xf32>,
      %mul3A_174 = arith.mulf %gather3A_46, %get3A_173 : vector<16xf32>
      %get3A_175 = arith.index_cast %scan3A_22 : i32 to index
      %get3A_176 = arith.constant 160 : index
      %get3A_177 = tpu.vector_load %arg11[%get3A_175, %get3A_176] {strides = array<i32>} : memref<64x768xf32, #tpu.memory_space<vmem>>, vector<16xf32>,
      %mul3A_178 = arith.mulf %gather3A_51, %get3A_177 : vector<16xf32>
      %add3A_179 = arith.addf %mul3A_174, %mul3A_178 : vector<16xf32>
      %swap3A_180 = arith.index_cast %scan3A_22 : i32 to index
      %swap3A_181 = arith.constant 160 : index
      %swap3A_182 = tpu.vector_load %arg10[%swap3A_180, %swap3A_181] {strides = array<i32>} : memref<64x768xf32, #tpu.memory_space<vmem>>, vector<16xf32>,
      tpu.vector_store %arg10[%swap3A_180, %swap3A_181], %add3A_179 {strides = array<i32>} : memref<64x768xf32, #tpu.memory_space<vmem>>, vector<16xf32>,
      %get3A_183 = arith.index_cast %scan3A_22 : i32 to index
      %get3A_184 = arith.constant 176 : index
      %get3A_185 = tpu.vector_load %arg10[%get3A_183, %get3A_184] {strides = array<i32>} : memref<64x768xf32, #tpu.memory_space<vmem>>, vector<16xf32>,
      %mul3A_186 = arith.mulf %gather3A_46, %get3A_185 : vector<16xf32>
      %get3A_187 = arith.index_cast %scan3A_22 : i32 to index
      %get3A_188 = arith.constant 176 : index
      %get3A_189 = tpu.vector_load %arg11[%get3A_187, %get3A_188] {strides = array<i32>} : memref<64x768xf32, #tpu.memory_space<vmem>>, vector<16xf32>,
      %mul3A_190 = arith.mulf %gather3A_51, %get3A_189 : vector<16xf32>
      %add3A_191 = arith.addf %mul3A_186, %mul3A_190 : vector<16xf32>
      %swap3A_192 = arith.index_cast %scan3A_22 : i32 to index
      %swap3A_193 = arith.constant 176 : index
      %swap3A_194 = tpu.vector_load %arg10[%swap3A_192, %swap3A_193] {strides = array<i32>} : memref<64x768xf32, #tpu.memory_space<vmem>>, vector<16xf32>,
      tpu.vector_store %arg10[%swap3A_192, %swap3A_193], %add3A_191 {strides = array<i32>} : memref<64x768xf32, #tpu.memory_space<vmem>>, vector<16xf32>,
      %get3A_195 = arith.index_cast %scan3A_22 : i32 to index
      %get3A_196 = arith.constant 192 : index
      %get3A_197 = tpu.vector_load %arg10[%get3A_195, %get3A_196] {strides = array<i32>} : memref<64x768xf32, #tpu.memory_space<vmem>>, vector<16xf32>,
      %mul3A_198 = arith.mulf %gather3A_46, %get3A_197 : vector<16xf32>
      %get3A_199 = arith.index_cast %scan3A_22 : i32 to index
      %get3A_200 = arith.constant 192 : index
      %get3A_201 = tpu.vector_load %arg11[%get3A_199, %get3A_200] {strides = array<i32>} : memref<64x768xf32, #tpu.memory_space<vmem>>, vector<16xf32>,
      %mul3A_202 = arith.mulf %gather3A_51, %get3A_201 : vector<16xf32>
      %add3A_203 = arith.addf %mul3A_198, %mul3A_202 : vector<16xf32>
      %swap3A_204 = arith.index_cast %scan3A_22 : i32 to index
      %swap3A_205 = arith.constant 192 : index
      %swap3A_206 = tpu.vector_load %arg10[%swap3A_204, %swap3A_205] {strides = array<i32>} : memref<64x768xf32, #tpu.memory_space<vmem>>, vector<16xf32>,
      tpu.vector_store %arg10[%swap3A_204, %swap3A_205], %add3A_203 {strides = array<i32>} : memref<64x768xf32, #tpu.memory_space<vmem>>, vector<16xf32>,
      %get3A_207 = arith.index_cast %scan3A_22 : i32 to index
      %get3A_208 = arith.constant 208 : index
      %get3A_209 = tpu.vector_load %arg10[%get3A_207, %get3A_208] {strides = array<i32>} : memref<64x768xf32, #tpu.memory_space<vmem>>, vector<16xf32>,
      %mul3A_210 = arith.mulf %gather3A_46, %get3A_209 : vector<16xf32>
      %get3A_211 = arith.index_cast %scan3A_22 : i32 to index
      %get3A_212 = arith.constant 208 : index
      %get3A_213 = tpu.vector_load %arg11[%get3A_211, %get3A_212] {strides = array<i32>} : memref<64x768xf32, #tpu.memory_space<vmem>>, vector<16xf32>,
      %mul3A_214 = arith.mulf %gather3A_51, %get3A_213 : vector<16xf32>
      %add3A_215 = arith.addf %mul3A_210, %mul3A_214 : vector<16xf32>
      %swap3A_216 = arith.index_cast %scan3A_22 : i32 to index
      %swap3A_217 = arith.constant 208 : index
      %swap3A_218 = tpu.vector_load %arg10[%swap3A_216, %swap3A_217] {strides = array<i32>} : memref<64x768xf32, #tpu.memory_space<vmem>>, vector<16xf32>,
      tpu.vector_store %arg10[%swap3A_216, %swap3A_217], %add3A_215 {strides = array<i32>} : memref<64x768xf32, #tpu.memory_space<vmem>>, vector<16xf32>,
      %get3A_219 = arith.index_cast %scan3A_22 : i32 to index
      %get3A_220 = arith.constant 224 : index
      %get3A_221 = tpu.vector_load %arg10[%get3A_219, %get3A_220] {strides = array<i32>} : memref<64x768xf32, #tpu.memory_space<vmem>>, vector<16xf32>,
      %mul3A_222 = arith.mulf %gather3A_46, %get3A_221 : vector<16xf32>
      %get3A_223 = arith.index_cast %scan3A_22 : i32 to index
      %get3A_224 = arith.constant 224 : index
      %get3A_225 = tpu.vector_load %arg11[%get3A_223, %get3A_224] {strides = array<i32>} : memref<64x768xf32, #tpu.memory_space<vmem>>, vector<16xf32>,
      %mul3A_226 = arith.mulf %gather3A_51, %get3A_225 : vector<16xf32>
      %add3A_227 = arith.addf %mul3A_222, %mul3A_226 : vector<16xf32>
      %swap3A_228 = arith.index_cast %scan3A_22 : i32 to index
      %swap3A_229 = arith.constant 224 : index
      %swap3A_230 = tpu.vector_load %arg10[%swap3A_228, %swap3A_229] {strides = array<i32>} : memref<64x768xf32, #tpu.memory_space<vmem>>, vector<16xf32>,
      tpu.vector_store %arg10[%swap3A_228, %swap3A_229], %add3A_227 {strides = array<i32>} : memref<64x768xf32, #tpu.memory_space<vmem>>, vector<16xf32>,
      %get3A_231 = arith.index_cast %scan3A_22 : i32 to index
      %get3A_232 = arith.constant 240 : index
      %get3A_233 = tpu.vector_load %arg10[%get3A_231, %get3A_232] {strides = array<i32>} : memref<64x768xf32, #tpu.memory_space<vmem>>, vector<16xf32>,
      %mul3A_234 = arith.mulf %gather3A_46, %get3A_233 : vector<16xf32>
      %get3A_235 = arith.index_cast %scan3A_22 : i32 to index
      %get3A_236 = arith.constant 240 : index
      %get3A_237 = tpu.vector_load %arg11[%get3A_235, %get3A_236] {strides = array<i32>} : memref<64x768xf32, #tpu.memory_space<vmem>>, vector<16xf32>,
      %mul3A_238 = arith.mulf %gather3A_51, %get3A_237 : vector<16xf32>
      %add3A_239 = arith.addf %mul3A_234, %mul3A_238 : vector<16xf32>
      %swap3A_240 = arith.index_cast %scan3A_22 : i32 to index
      %swap3A_241 = arith.constant 240 : index
      %swap3A_242 = tpu.vector_load %arg10[%swap3A_240, %swap3A_241] {strides = array<i32>} : memref<64x768xf32, #tpu.memory_space<vmem>>, vector<16xf32>,
      tpu.vector_store %arg10[%swap3A_240, %swap3A_241], %add3A_239 {strides = array<i32>} : memref<64x768xf32, #tpu.memory_space<vmem>>, vector<16xf32>,
      %get3A_243 = arith.index_cast %scan3A_22 : i32 to index
      %get3A_244 = arith.constant 256 : index
      %get3A_245 = tpu.vector_load %arg10[%get3A_243, %get3A_244] {strides = array<i32>} : memref<64x768xf32, #tpu.memory_space<vmem>>, vector<16xf32>,
      %mul3A_246 = arith.mulf %gather3A_46, %get3A_245 : vector<16xf32>
      %get3A_247 = arith.index_cast %scan3A_22 : i32 to index
      %get3A_248 = arith.constant 256 : index
      %get3A_249 = tpu.vector_load %arg11[%get3A_247, %get3A_248] {strides = array<i32>} : memref<64x768xf32, #tpu.memory_space<vmem>>, vector<16xf32>,
      %mul3A_250 = arith.mulf %gather3A_51, %get3A_249 : vector<16xf32>
      %add3A_251 = arith.addf %mul3A_246, %mul3A_250 : vector<16xf32>
      %swap3A_252 = arith.index_cast %scan3A_22 : i32 to index
      %swap3A_253 = arith.constant 256 : index
      %swap3A_254 = tpu.vector_load %arg10[%swap3A_252, %swap3A_253] {strides = array<i32>} : memref<64x768xf32, #tpu.memory_space<vmem>>, vector<16xf32>,
      tpu.vector_store %arg10[%swap3A_252, %swap3A_253], %add3A_251 {strides = array<i32>} : memref<64x768xf32, #tpu.memory_space<vmem>>, vector<16xf32>,
      %get3A_255 = arith.index_cast %scan3A_22 : i32 to index
      %get3A_256 = arith.constant 272 : index
      %get3A_257 = tpu.vector_load %arg10[%get3A_255, %get3A_256] {strides = array<i32>} : memref<64x768xf32, #tpu.memory_space<vmem>>, vector<16xf32>,
      %mul3A_258 = arith.mulf %gather3A_46, %get3A_257 : vector<16xf32>
      %get3A_259 = arith.index_cast %scan3A_22 : i32 to index
      %get3A_260 = arith.constant 272 : index
      %get3A_261 = tpu.vector_load %arg11[%get3A_259, %get3A_260] {strides = array<i32>} : memref<64x768xf32, #tpu.memory_space<vmem>>, vector<16xf32>,
      %mul3A_262 = arith.mulf %gather3A_51, %get3A_261 : vector<16xf32>
      %add3A_263 = arith.addf %mul3A_258, %mul3A_262 : vector<16xf32>
      %swap3A_264 = arith.index_cast %scan3A_22 : i32 to index
      %swap3A_265 = arith.constant 272 : index
      %swap3A_266 = tpu.vector_load %arg10[%swap3A_264, %swap3A_265] {strides = array<i32>} : memref<64x768xf32, #tpu.memory_space<vmem>>, vector<16xf32>,
      tpu.vector_store %arg10[%swap3A_264, %swap3A_265], %add3A_263 {strides = array<i32>} : memref<64x768xf32, #tpu.memory_space<vmem>>, vector<16xf32>,
      %get3A_267 = arith.index_cast %scan3A_22 : i32 to index
      %get3A_268 = arith.constant 288 : index
      %get3A_269 = tpu.vector_load %arg10[%get3A_267, %get3A_268] {strides = array<i32>} : memref<64x768xf32, #tpu.memory_space<vmem>>, vector<16xf32>,
      %mul3A_270 = arith.mulf %gather3A_46, %get3A_269 : vector<16xf32>
      %get3A_271 = arith.index_cast %scan3A_22 : i32 to index
      %get3A_272 = arith.constant 288 : index
      %get3A_273 = tpu.vector_load %arg11[%get3A_271, %get3A_272] {strides = array<i32>} : memref<64x768xf32, #tpu.memory_space<vmem>>, vector<16xf32>,
      %mul3A_274 = arith.mulf %gather3A_51, %get3A_273 : vector<16xf32>
      %add3A_275 = arith.addf %mul3A_270, %mul3A_274 : vector<16xf32>
      %swap3A_276 = arith.index_cast %scan3A_22 : i32 to index
      %swap3A_277 = arith.constant 288 : index
      %swap3A_278 = tpu.vector_load %arg10[%swap3A_276, %swap3A_277] {strides = array<i32>} : memref<64x768xf32, #tpu.memory_space<vmem>>, vector<16xf32>,
      tpu.vector_store %arg10[%swap3A_276, %swap3A_277], %add3A_275 {strides = array<i32>} : memref<64x768xf32, #tpu.memory_space<vmem>>, vector<16xf32>,
      %get3A_279 = arith.index_cast %scan3A_22 : i32 to index
      %get3A_280 = arith.constant 304 : index
      %get3A_281 = tpu.vector_load %arg10[%get3A_279, %get3A_280] {strides = array<i32>} : memref<64x768xf32, #tpu.memory_space<vmem>>, vector<16xf32>,
      %mul3A_282 = arith.mulf %gather3A_46, %get3A_281 : vector<16xf32>
      %get3A_283 = arith.index_cast %scan3A_22 : i32 to index
      %get3A_284 = arith.constant 304 : index
      %get3A_285 = tpu.vector_load %arg11[%get3A_283, %get3A_284] {strides = array<i32>} : memref<64x768xf32, #tpu.memory_space<vmem>>, vector<16xf32>,
      %mul3A_286 = arith.mulf %gather3A_51, %get3A_285 : vector<16xf32>
      %add3A_287 = arith.addf %mul3A_282, %mul3A_286 : vector<16xf32>
      %swap3A_288 = arith.index_cast %scan3A_22 : i32 to index
      %swap3A_289 = arith.constant 304 : index
      %swap3A_290 = tpu.vector_load %arg10[%swap3A_288, %swap3A_289] {strides = array<i32>} : memref<64x768xf32, #tpu.memory_space<vmem>>, vector<16xf32>,
      tpu.vector_store %arg10[%swap3A_288, %swap3A_289], %add3A_287 {strides = array<i32>} : memref<64x768xf32, #tpu.memory_space<vmem>>, vector<16xf32>,
      %get3A_291 = arith.index_cast %scan3A_22 : i32 to index
      %get3A_292 = arith.constant 320 : index
      %get3A_293 = tpu.vector_load %arg10[%get3A_291, %get3A_292] {strides = array<i32>} : memref<64x768xf32, #tpu.memory_space<vmem>>, vector<16xf32>,
      %mul3A_294 = arith.mulf %gather3A_46, %get3A_293 : vector<16xf32>
      %get3A_295 = arith.index_cast %scan3A_22 : i32 to index
      %get3A_296 = arith.constant 320 : index
      %get3A_297 = tpu.vector_load %arg11[%get3A_295, %get3A_296] {strides = array<i32>} : memref<64x768xf32, #tpu.memory_space<vmem>>, vector<16xf32>,
      %mul3A_298 = arith.mulf %gather3A_51, %get3A_297 : vector<16xf32>
      %add3A_299 = arith.addf %mul3A_294, %mul3A_298 : vector<16xf32>
      %swap3A_300 = arith.index_cast %scan3A_22 : i32 to index
      %swap3A_301 = arith.constant 320 : index
      %swap3A_302 = tpu.vector_load %arg10[%swap3A_300, %swap3A_301] {strides = array<i32>} : memref<64x768xf32, #tpu.memory_space<vmem>>, vector<16xf32>,
      tpu.vector_store %arg10[%swap3A_300, %swap3A_301], %add3A_299 {strides = array<i32>} : memref<64x768xf32, #tpu.memory_space<vmem>>, vector<16xf32>,
      %get3A_303 = arith.index_cast %scan3A_22 : i32 to index
      %get3A_304 = arith.constant 336 : index
      %get3A_305 = tpu.vector_load %arg10[%get3A_303, %get3A_304] {strides = array<i32>} : memref<64x768xf32, #tpu.memory_space<vmem>>, vector<16xf32>,
      %mul3A_306 = arith.mulf %gather3A_46, %get3A_305 : vector<16xf32>
      %get3A_307 = arith.index_cast %scan3A_22 : i32 to index
      %get3A_308 = arith.constant 336 : index
      %get3A_309 = tpu.vector_load %arg11[%get3A_307, %get3A_308] {strides = array<i32>} : memref<64x768xf32, #tpu.memory_space<vmem>>, vector<16xf32>,
      %mul3A_310 = arith.mulf %gather3A_51, %get3A_309 : vector<16xf32>
      %add3A_311 = arith.addf %mul3A_306, %mul3A_310 : vector<16xf32>
      %swap3A_312 = arith.index_cast %scan3A_22 : i32 to index
      %swap3A_313 = arith.constant 336 : index
      %swap3A_314 = tpu.vector_load %arg10[%swap3A_312, %swap3A_313] {strides = array<i32>} : memref<64x768xf32, #tpu.memory_space<vmem>>, vector<16xf32>,
      tpu.vector_store %arg10[%swap3A_312, %swap3A_313], %add3A_311 {strides = array<i32>} : memref<64x768xf32, #tpu.memory_space<vmem>>, vector<16xf32>,
      %get3A_315 = arith.index_cast %scan3A_22 : i32 to index
      %get3A_316 = arith.constant 352 : index
      %get3A_317 = tpu.vector_load %arg10[%get3A_315, %get3A_316] {strides = array<i32>} : memref<64x768xf32, #tpu.memory_space<vmem>>, vector<16xf32>,
      %mul3A_318 = arith.mulf %gather3A_46, %get3A_317 : vector<16xf32>
      %get3A_319 = arith.index_cast %scan3A_22 : i32 to index
      %get3A_320 = arith.constant 352 : index
      %get3A_321 = tpu.vector_load %arg11[%get3A_319, %get3A_320] {strides = array<i32>} : memref<64x768xf32, #tpu.memory_space<vmem>>, vector<16xf32>,
      %mul3A_322 = arith.mulf %gather3A_51, %get3A_321 : vector<16xf32>
      %add3A_323 = arith.addf %mul3A_318, %mul3A_322 : vector<16xf32>
      %swap3A_324 = arith.index_cast %scan3A_22 : i32 to index
      %swap3A_325 = arith.constant 352 : index
      %swap3A_326 = tpu.vector_load %arg10[%swap3A_324, %swap3A_325] {strides = array<i32>} : memref<64x768xf32, #tpu.memory_space<vmem>>, vector<16xf32>,
      tpu.vector_store %arg10[%swap3A_324, %swap3A_325], %add3A_323 {strides = array<i32>} : memref<64x768xf32, #tpu.memory_space<vmem>>, vector<16xf32>,
      %get3A_327 = arith.index_cast %scan3A_22 : i32 to index
      %get3A_328 = arith.constant 368 : index
      %get3A_329 = tpu.vector_load %arg10[%get3A_327, %get3A_328] {strides = array<i32>} : memref<64x768xf32, #tpu.memory_space<vmem>>, vector<16xf32>,
      %mul3A_330 = arith.mulf %gather3A_46, %get3A_329 : vector<16xf32>
      %get3A_331 = arith.index_cast %scan3A_22 : i32 to index
      %get3A_332 = arith.constant 368 : index
      %get3A_333 = tpu.vector_load %arg11[%get3A_331, %get3A_332] {strides = array<i32>} : memref<64x768xf32, #tpu.memory_space<vmem>>, vector<16xf32>,
      %mul3A_334 = arith.mulf %gather3A_51, %get3A_333 : vector<16xf32>
      %add3A_335 = arith.addf %mul3A_330, %mul3A_334 : vector<16xf32>
      %swap3A_336 = arith.index_cast %scan3A_22 : i32 to index
      %swap3A_337 = arith.constant 368 : index
      %swap3A_338 = tpu.vector_load %arg10[%swap3A_336, %swap3A_337] {strides = array<i32>} : memref<64x768xf32, #tpu.memory_space<vmem>>, vector<16xf32>,
      tpu.vector_store %arg10[%swap3A_336, %swap3A_337], %add3A_335 {strides = array<i32>} : memref<64x768xf32, #tpu.memory_space<vmem>>, vector<16xf32>,
      %get3A_339 = arith.index_cast %scan3A_22 : i32 to index
      %get3A_340 = arith.constant 384 : index
      %get3A_341 = tpu.vector_load %arg10[%get3A_339, %get3A_340] {strides = array<i32>} : memref<64x768xf32, #tpu.memory_space<vmem>>, vector<16xf32>,
      %mul3A_342 = arith.mulf %gather3A_46, %get3A_341 : vector<16xf32>
      %get3A_343 = arith.index_cast %scan3A_22 : i32 to index
      %get3A_344 = arith.constant 384 : index
      %get3A_345 = tpu.vector_load %arg11[%get3A_343, %get3A_344] {strides = array<i32>} : memref<64x768xf32, #tpu.memory_space<vmem>>, vector<16xf32>,
      %mul3A_346 = arith.mulf %gather3A_51, %get3A_345 : vector<16xf32>
      %add3A_347 = arith.addf %mul3A_342, %mul3A_346 : vector<16xf32>
      %swap3A_348 = arith.index_cast %scan3A_22 : i32 to index
      %swap3A_349 = arith.constant 384 : index
      %swap3A_350 = tpu.vector_load %arg10[%swap3A_348, %swap3A_349] {strides = array<i32>} : memref<64x768xf32, #tpu.memory_space<vmem>>, vector<16xf32>,
      tpu.vector_store %arg10[%swap3A_348, %swap3A_349], %add3A_347 {strides = array<i32>} : memref<64x768xf32, #tpu.memory_space<vmem>>, vector<16xf32>,
      %get3A_351 = arith.index_cast %scan3A_22 : i32 to index
      %get3A_352 = arith.constant 400 : index
      %get3A_353 = tpu.vector_load %arg10[%get3A_351, %get3A_352] {strides = array<i32>} : memref<64x768xf32, #tpu.memory_space<vmem>>, vector<16xf32>,
      %mul3A_354 = arith.mulf %gather3A_46, %get3A_353 : vector<16xf32>
      %get3A_355 = arith.index_cast %scan3A_22 : i32 to index
      %get3A_356 = arith.constant 400 : index
      %get3A_357 = tpu.vector_load %arg11[%get3A_355, %get3A_356] {strides = array<i32>} : memref<64x768xf32, #tpu.memory_space<vmem>>, vector<16xf32>,
      %mul3A_358 = arith.mulf %gather3A_51, %get3A_357 : vector<16xf32>
      %add3A_359 = arith.addf %mul3A_354, %mul3A_358 : vector<16xf32>
      %swap3A_360 = arith.index_cast %scan3A_22 : i32 to index
      %swap3A_361 = arith.constant 400 : index
      %swap3A_362 = tpu.vector_load %arg10[%swap3A_360, %swap3A_361] {strides = array<i32>} : memref<64x768xf32, #tpu.memory_space<vmem>>, vector<16xf32>,
      tpu.vector_store %arg10[%swap3A_360, %swap3A_361], %add3A_359 {strides = array<i32>} : memref<64x768xf32, #tpu.memory_space<vmem>>, vector<16xf32>,
      %get3A_363 = arith.index_cast %scan3A_22 : i32 to index
      %get3A_364 = arith.constant 416 : index
      %get3A_365 = tpu.vector_load %arg10[%get3A_363, %get3A_364] {strides = array<i32>} : memref<64x768xf32, #tpu.memory_space<vmem>>, vector<16xf32>,
      %mul3A_366 = arith.mulf %gather3A_46, %get3A_365 : vector<16xf32>
      %get3A_367 = arith.index_cast %scan3A_22 : i32 to index
      %get3A_368 = arith.constant 416 : index
      %get3A_369 = tpu.vector_load %arg11[%get3A_367, %get3A_368] {strides = array<i32>} : memref<64x768xf32, #tpu.memory_space<vmem>>, vector<16xf32>,
      %mul3A_370 = arith.mulf %gather3A_51, %get3A_369 : vector<16xf32>
      %add3A_371 = arith.addf %mul3A_366, %mul3A_370 : vector<16xf32>
      %swap3A_372 = arith.index_cast %scan3A_22 : i32 to index
      %swap3A_373 = arith.constant 416 : index
      %swap3A_374 = tpu.vector_load %arg10[%swap3A_372, %swap3A_373] {strides = array<i32>} : memref<64x768xf32, #tpu.memory_space<vmem>>, vector<16xf32>,
      tpu.vector_store %arg10[%swap3A_372, %swap3A_373], %add3A_371 {strides = array<i32>} : memref<64x768xf32, #tpu.memory_space<vmem>>, vector<16xf32>,
      %get3A_375 = arith.index_cast %scan3A_22 : i32 to index
      %get3A_376 = arith.constant 432 : index
      %get3A_377 = tpu.vector_load %arg10[%get3A_375, %get3A_376] {strides = array<i32>} : memref<64x768xf32, #tpu.memory_space<vmem>>, vector<16xf32>,
      %mul3A_378 = arith.mulf %gather3A_46, %get3A_377 : vector<16xf32>
      %get3A_379 = arith.index_cast %scan3A_22 : i32 to index
      %get3A_380 = arith.constant 432 : index
      %get3A_381 = tpu.vector_load %arg11[%get3A_379, %get3A_380] {strides = array<i32>} : memref<64x768xf32, #tpu.memory_space<vmem>>, vector<16xf32>,
      %mul3A_382 = arith.mulf %gather3A_51, %get3A_381 : vector<16xf32>
      %add3A_383 = arith.addf %mul3A_378, %mul3A_382 : vector<16xf32>
      %swap3A_384 = arith.index_cast %scan3A_22 : i32 to index
      %swap3A_385 = arith.constant 432 : index
      %swap3A_386 = tpu.vector_load %arg10[%swap3A_384, %swap3A_385] {strides = array<i32>} : memref<64x768xf32, #tpu.memory_space<vmem>>, vector<16xf32>,
      tpu.vector_store %arg10[%swap3A_384, %swap3A_385], %add3A_383 {strides = array<i32>} : memref<64x768xf32, #tpu.memory_space<vmem>>, vector<16xf32>,
      %get3A_387 = arith.index_cast %scan3A_22 : i32 to index
      %get3A_388 = arith.constant 448 : index
      %get3A_389 = tpu.vector_load %arg10[%get3A_387, %get3A_388] {strides = array<i32>} : memref<64x768xf32, #tpu.memory_space<vmem>>, vector<16xf32>,
      %mul3A_390 = arith.mulf %gather3A_46, %get3A_389 : vector<16xf32>
      %get3A_391 = arith.index_cast %scan3A_22 : i32 to index
      %get3A_392 = arith.constant 448 : index
      %get3A_393 = tpu.vector_load %arg11[%get3A_391, %get3A_392] {strides = array<i32>} : memref<64x768xf32, #tpu.memory_space<vmem>>, vector<16xf32>,
      %mul3A_394 = arith.mulf %gather3A_51, %get3A_393 : vector<16xf32>
      %add3A_395 = arith.addf %mul3A_390, %mul3A_394 : vector<16xf32>
      %swap3A_396 = arith.index_cast %scan3A_22 : i32 to index
      %swap3A_397 = arith.constant 448 : index
      %swap3A_398 = tpu.vector_load %arg10[%swap3A_396, %swap3A_397] {strides = array<i32>} : memref<64x768xf32, #tpu.memory_space<vmem>>, vector<16xf32>,
      tpu.vector_store %arg10[%swap3A_396, %swap3A_397], %add3A_395 {strides = array<i32>} : memref<64x768xf32, #tpu.memory_space<vmem>>, vector<16xf32>,
      %get3A_399 = arith.index_cast %scan3A_22 : i32 to index
      %get3A_400 = arith.constant 464 : index
      %get3A_401 = tpu.vector_load %arg10[%get3A_399, %get3A_400] {strides = array<i32>} : memref<64x768xf32, #tpu.memory_space<vmem>>, vector<16xf32>,
      %mul3A_402 = arith.mulf %gather3A_46, %get3A_401 : vector<16xf32>
      %get3A_403 = arith.index_cast %scan3A_22 : i32 to index
      %get3A_404 = arith.constant 464 : index
      %get3A_405 = tpu.vector_load %arg11[%get3A_403, %get3A_404] {strides = array<i32>} : memref<64x768xf32, #tpu.memory_space<vmem>>, vector<16xf32>,
      %mul3A_406 = arith.mulf %gather3A_51, %get3A_405 : vector<16xf32>
      %add3A_407 = arith.addf %mul3A_402, %mul3A_406 : vector<16xf32>
      %swap3A_408 = arith.index_cast %scan3A_22 : i32 to index
      %swap3A_409 = arith.constant 464 : index
      %swap3A_410 = tpu.vector_load %arg10[%swap3A_408, %swap3A_409] {strides = array<i32>} : memref<64x768xf32, #tpu.memory_space<vmem>>, vector<16xf32>,
      tpu.vector_store %arg10[%swap3A_408, %swap3A_409], %add3A_407 {strides = array<i32>} : memref<64x768xf32, #tpu.memory_space<vmem>>, vector<16xf32>,
      %get3A_411 = arith.index_cast %scan3A_22 : i32 to index
      %get3A_412 = arith.constant 480 : index
      %get3A_413 = tpu.vector_load %arg10[%get3A_411, %get3A_412] {strides = array<i32>} : memref<64x768xf32, #tpu.memory_space<vmem>>, vector<16xf32>,
      %mul3A_414 = arith.mulf %gather3A_46, %get3A_413 : vector<16xf32>
      %get3A_415 = arith.index_cast %scan3A_22 : i32 to index
      %get3A_416 = arith.constant 480 : index
      %get3A_417 = tpu.vector_load %arg11[%get3A_415, %get3A_416] {strides = array<i32>} : memref<64x768xf32, #tpu.memory_space<vmem>>, vector<16xf32>,
      %mul3A_418 = arith.mulf %gather3A_51, %get3A_417 : vector<16xf32>
      %add3A_419 = arith.addf %mul3A_414, %mul3A_418 : vector<16xf32>
      %swap3A_420 = arith.index_cast %scan3A_22 : i32 to index
      %swap3A_421 = arith.constant 480 : index
      %swap3A_422 = tpu.vector_load %arg10[%swap3A_420, %swap3A_421] {strides = array<i32>} : memref<64x768xf32, #tpu.memory_space<vmem>>, vector<16xf32>,
      tpu.vector_store %arg10[%swap3A_420, %swap3A_421], %add3A_419 {strides = array<i32>} : memref<64x768xf32, #tpu.memory_space<vmem>>, vector<16xf32>,
      %get3A_423 = arith.index_cast %scan3A_22 : i32 to index
      %get3A_424 = arith.constant 496 : index
      %get3A_425 = tpu.vector_load %arg10[%get3A_423, %get3A_424] {strides = array<i32>} : memref<64x768xf32, #tpu.memory_space<vmem>>, vector<16xf32>,
      %mul3A_426 = arith.mulf %gather3A_46, %get3A_425 : vector<16xf32>
      %get3A_427 = arith.index_cast %scan3A_22 : i32 to index
      %get3A_428 = arith.constant 496 : index
      %get3A_429 = tpu.vector_load %arg11[%get3A_427, %get3A_428] {strides = array<i32>} : memref<64x768xf32, #tpu.memory_space<vmem>>, vector<16xf32>,
      %mul3A_430 = arith.mulf %gather3A_51, %get3A_429 : vector<16xf32>
      %add3A_431 = arith.addf %mul3A_426, %mul3A_430 : vector<16xf32>
      %swap3A_432 = arith.index_cast %scan3A_22 : i32 to index
      %swap3A_433 = arith.constant 496 : index
      %swap3A_434 = tpu.vector_load %arg10[%swap3A_432, %swap3A_433] {strides = array<i32>} : memref<64x768xf32, #tpu.memory_space<vmem>>, vector<16xf32>,
      tpu.vector_store %arg10[%swap3A_432, %swap3A_433], %add3A_431 {strides = array<i32>} : memref<64x768xf32, #tpu.memory_space<vmem>>, vector<16xf32>,
      %get3A_435 = arith.index_cast %scan3A_22 : i32 to index
      %get3A_436 = arith.constant 512 : index
      %get3A_437 = tpu.vector_load %arg10[%get3A_435, %get3A_436] {strides = array<i32>} : memref<64x768xf32, #tpu.memory_space<vmem>>, vector<16xf32>,
      %mul3A_438 = arith.mulf %gather3A_46, %get3A_437 : vector<16xf32>
      %get3A_439 = arith.index_cast %scan3A_22 : i32 to index
      %get3A_440 = arith.constant 512 : index
      %get3A_441 = tpu.vector_load %arg11[%get3A_439, %get3A_440] {strides = array<i32>} : memref<64x768xf32, #tpu.memory_space<vmem>>, vector<16xf32>,
      %mul3A_442 = arith.mulf %gather3A_51, %get3A_441 : vector<16xf32>
      %add3A_443 = arith.addf %mul3A_438, %mul3A_442 : vector<16xf32>
      %swap3A_444 = arith.index_cast %scan3A_22 : i32 to index
      %swap3A_445 = arith.constant 512 : index
      %swap3A_446 = tpu.vector_load %arg10[%swap3A_444, %swap3A_445] {strides = array<i32>} : memref<64x768xf32, #tpu.memory_space<vmem>>, vector<16xf32>,
      tpu.vector_store %arg10[%swap3A_444, %swap3A_445], %add3A_443 {strides = array<i32>} : memref<64x768xf32, #tpu.memory_space<vmem>>, vector<16xf32>,
      %get3A_447 = arith.index_cast %scan3A_22 : i32 to index
      %get3A_448 = arith.constant 528 : index
      %get3A_449 = tpu.vector_load %arg10[%get3A_447, %get3A_448] {strides = array<i32>} : memref<64x768xf32, #tpu.memory_space<vmem>>, vector<16xf32>,
      %mul3A_450 = arith.mulf %gather3A_46, %get3A_449 : vector<16xf32>
      %get3A_451 = arith.index_cast %scan3A_22 : i32 to index
      %get3A_452 = arith.constant 528 : index
      %get3A_453 = tpu.vector_load %arg11[%get3A_451, %get3A_452] {strides = array<i32>} : memref<64x768xf32, #tpu.memory_space<vmem>>, vector<16xf32>,
      %mul3A_454 = arith.mulf %gather3A_51, %get3A_453 : vector<16xf32>
      %add3A_455 = arith.addf %mul3A_450, %mul3A_454 : vector<16xf32>
      %swap3A_456 = arith.index_cast %scan3A_22 : i32 to index
      %swap3A_457 = arith.constant 528 : index
      %swap3A_458 = tpu.vector_load %arg10[%swap3A_456, %swap3A_457] {strides = array<i32>} : memref<64x768xf32, #tpu.memory_space<vmem>>, vector<16xf32>,
      tpu.vector_store %arg10[%swap3A_456, %swap3A_457], %add3A_455 {strides = array<i32>} : memref<64x768xf32, #tpu.memory_space<vmem>>, vector<16xf32>,
      %get3A_459 = arith.index_cast %scan3A_22 : i32 to index
      %get3A_460 = arith.constant 544 : index
      %get3A_461 = tpu.vector_load %arg10[%get3A_459, %get3A_460] {strides = array<i32>} : memref<64x768xf32, #tpu.memory_space<vmem>>, vector<16xf32>,
      %mul3A_462 = arith.mulf %gather3A_46, %get3A_461 : vector<16xf32>
      %get3A_463 = arith.index_cast %scan3A_22 : i32 to index
      %get3A_464 = arith.constant 544 : index
      %get3A_465 = tpu.vector_load %arg11[%get3A_463, %get3A_464] {strides = array<i32>} : memref<64x768xf32, #tpu.memory_space<vmem>>, vector<16xf32>,
      %mul3A_466 = arith.mulf %gather3A_51, %get3A_465 : vector<16xf32>
      %add3A_467 = arith.addf %mul3A_462, %mul3A_466 : vector<16xf32>
      %swap3A_468 = arith.index_cast %scan3A_22 : i32 to index
      %swap3A_469 = arith.constant 544 : index
      %swap3A_470 = tpu.vector_load %arg10[%swap3A_468, %swap3A_469] {strides = array<i32>} : memref<64x768xf32, #tpu.memory_space<vmem>>, vector<16xf32>,
      tpu.vector_store %arg10[%swap3A_468, %swap3A_469], %add3A_467 {strides = array<i32>} : memref<64x768xf32, #tpu.memory_space<vmem>>, vector<16xf32>,
      %get3A_471 = arith.index_cast %scan3A_22 : i32 to index
      %get3A_472 = arith.constant 560 : index
      %get3A_473 = tpu.vector_load %arg10[%get3A_471, %get3A_472] {strides = array<i32>} : memref<64x768xf32, #tpu.memory_space<vmem>>, vector<16xf32>,
      %mul3A_474 = arith.mulf %gather3A_46, %get3A_473 : vector<16xf32>
      %get3A_475 = arith.index_cast %scan3A_22 : i32 to index
      %get3A_476 = arith.constant 560 : index
      %get3A_477 = tpu.vector_load %arg11[%get3A_475, %get3A_476] {strides = array<i32>} : memref<64x768xf32, #tpu.memory_space<vmem>>, vector<16xf32>,
      %mul3A_478 = arith.mulf %gather3A_51, %get3A_477 : vector<16xf32>
      %add3A_479 = arith.addf %mul3A_474, %mul3A_478 : vector<16xf32>
      %swap3A_480 = arith.index_cast %scan3A_22 : i32 to index
      %swap3A_481 = arith.constant 560 : index
      %swap3A_482 = tpu.vector_load %arg10[%swap3A_480, %swap3A_481] {strides = array<i32>} : memref<64x768xf32, #tpu.memory_space<vmem>>, vector<16xf32>,
      tpu.vector_store %arg10[%swap3A_480, %swap3A_481], %add3A_479 {strides = array<i32>} : memref<64x768xf32, #tpu.memory_space<vmem>>, vector<16xf32>,
      %get3A_483 = arith.index_cast %scan3A_22 : i32 to index
      %get3A_484 = arith.constant 576 : index
      %get3A_485 = tpu.vector_load %arg10[%get3A_483, %get3A_484] {strides = array<i32>} : memref<64x768xf32, #tpu.memory_space<vmem>>, vector<16xf32>,
      %mul3A_486 = arith.mulf %gather3A_46, %get3A_485 : vector<16xf32>
      %get3A_487 = arith.index_cast %scan3A_22 : i32 to index
      %get3A_488 = arith.constant 576 : index
      %get3A_489 = tpu.vector_load %arg11[%get3A_487, %get3A_488] {strides = array<i32>} : memref<64x768xf32, #tpu.memory_space<vmem>>, vector<16xf32>,
      %mul3A_490 = arith.mulf %gather3A_51, %get3A_489 : vector<16xf32>
      %add3A_491 = arith.addf %mul3A_486, %mul3A_490 : vector<16xf32>
      %swap3A_492 = arith.index_cast %scan3A_22 : i32 to index
      %swap3A_493 = arith.constant 576 : index
      %swap3A_494 = tpu.vector_load %arg10[%swap3A_492, %swap3A_493] {strides = array<i32>} : memref<64x768xf32, #tpu.memory_space<vmem>>, vector<16xf32>,
      tpu.vector_store %arg10[%swap3A_492, %swap3A_493], %add3A_491 {strides = array<i32>} : memref<64x768xf32, #tpu.memory_space<vmem>>, vector<16xf32>,
      %get3A_495 = arith.index_cast %scan3A_22 : i32 to index
      %get3A_496 = arith.constant 592 : index
      %get3A_497 = tpu.vector_load %arg10[%get3A_495, %get3A_496] {strides = array<i32>} : memref<64x768xf32, #tpu.memory_space<vmem>>, vector<16xf32>,
      %mul3A_498 = arith.mulf %gather3A_46, %get3A_497 : vector<16xf32>
      %get3A_499 = arith.index_cast %scan3A_22 : i32 to index
      %get3A_500 = arith.constant 592 : index
      %get3A_501 = tpu.vector_load %arg11[%get3A_499, %get3A_500] {strides = array<i32>} : memref<64x768xf32, #tpu.memory_space<vmem>>, vector<16xf32>,
      %mul3A_502 = arith.mulf %gather3A_51, %get3A_501 : vector<16xf32>
      %add3A_503 = arith.addf %mul3A_498, %mul3A_502 : vector<16xf32>
      %swap3A_504 = arith.index_cast %scan3A_22 : i32 to index
      %swap3A_505 = arith.constant 592 : index
      %swap3A_506 = tpu.vector_load %arg10[%swap3A_504, %swap3A_505] {strides = array<i32>} : memref<64x768xf32, #tpu.memory_space<vmem>>, vector<16xf32>,
      tpu.vector_store %arg10[%swap3A_504, %swap3A_505], %add3A_503 {strides = array<i32>} : memref<64x768xf32, #tpu.memory_space<vmem>>, vector<16xf32>,
      %get3A_507 = arith.index_cast %scan3A_22 : i32 to index
      %get3A_508 = arith.constant 608 : index
      %get3A_509 = tpu.vector_load %arg10[%get3A_507, %get3A_508] {strides = array<i32>} : memref<64x768xf32, #tpu.memory_space<vmem>>, vector<16xf32>,
      %mul3A_510 = arith.mulf %gather3A_46, %get3A_509 : vector<16xf32>
      %get3A_511 = arith.index_cast %scan3A_22 : i32 to index
      %get3A_512 = arith.constant 608 : index
      %get3A_513 = tpu.vector_load %arg11[%get3A_511, %get3A_512] {strides = array<i32>} : memref<64x768xf32, #tpu.memory_space<vmem>>, vector<16xf32>,
      %mul3A_514 = arith.mulf %gather3A_51, %get3A_513 : vector<16xf32>
      %add3A_515 = arith.addf %mul3A_510, %mul3A_514 : vector<16xf32>
      %swap3A_516 = arith.index_cast %scan3A_22 : i32 to index
      %swap3A_517 = arith.constant 608 : index
      %swap3A_518 = tpu.vector_load %arg10[%swap3A_516, %swap3A_517] {strides = array<i32>} : memref<64x768xf32, #tpu.memory_space<vmem>>, vector<16xf32>,
      tpu.vector_store %arg10[%swap3A_516, %swap3A_517], %add3A_515 {strides = array<i32>} : memref<64x768xf32, #tpu.memory_space<vmem>>, vector<16xf32>,
      %get3A_519 = arith.index_cast %scan3A_22 : i32 to index
      %get3A_520 = arith.constant 624 : index
      %get3A_521 = tpu.vector_load %arg10[%get3A_519, %get3A_520] {strides = array<i32>} : memref<64x768xf32, #tpu.memory_space<vmem>>, vector<16xf32>,
      %mul3A_522 = arith.mulf %gather3A_46, %get3A_521 : vector<16xf32>
      %get3A_523 = arith.index_cast %scan3A_22 : i32 to index
      %get3A_524 = arith.constant 624 : index
      %get3A_525 = tpu.vector_load %arg11[%get3A_523, %get3A_524] {strides = array<i32>} : memref<64x768xf32, #tpu.memory_space<vmem>>, vector<16xf32>,
      %mul3A_526 = arith.mulf %gather3A_51, %get3A_525 : vector<16xf32>
      %add3A_527 = arith.addf %mul3A_522, %mul3A_526 : vector<16xf32>
      %swap3A_528 = arith.index_cast %scan3A_22 : i32 to index
      %swap3A_529 = arith.constant 624 : index
      %swap3A_530 = tpu.vector_load %arg10[%swap3A_528, %swap3A_529] {strides = array<i32>} : memref<64x768xf32, #tpu.memory_space<vmem>>, vector<16xf32>,
      tpu.vector_store %arg10[%swap3A_528, %swap3A_529], %add3A_527 {strides = array<i32>} : memref<64x768xf32, #tpu.memory_space<vmem>>, vector<16xf32>,
      %get3A_531 = arith.index_cast %scan3A_22 : i32 to index
      %get3A_532 = arith.constant 640 : index
      %get3A_533 = tpu.vector_load %arg10[%get3A_531, %get3A_532] {strides = array<i32>} : memref<64x768xf32, #tpu.memory_space<vmem>>, vector<16xf32>,
      %mul3A_534 = arith.mulf %gather3A_46, %get3A_533 : vector<16xf32>
      %get3A_535 = arith.index_cast %scan3A_22 : i32 to index
      %get3A_536 = arith.constant 640 : index
      %get3A_537 = tpu.vector_load %arg11[%get3A_535, %get3A_536] {strides = array<i32>} : memref<64x768xf32, #tpu.memory_space<vmem>>, vector<16xf32>,
      %mul3A_538 = arith.mulf %gather3A_51, %get3A_537 : vector<16xf32>
      %add3A_539 = arith.addf %mul3A_534, %mul3A_538 : vector<16xf32>
      %swap3A_540 = arith.index_cast %scan3A_22 : i32 to index
      %swap3A_541 = arith.constant 640 : index
      %swap3A_542 = tpu.vector_load %arg10[%swap3A_540, %swap3A_541] {strides = array<i32>} : memref<64x768xf32, #tpu.memory_space<vmem>>, vector<16xf32>,
      tpu.vector_store %arg10[%swap3A_540, %swap3A_541], %add3A_539 {strides = array<i32>} : memref<64x768xf32, #tpu.memory_space<vmem>>, vector<16xf32>,
      %get3A_543 = arith.index_cast %scan3A_22 : i32 to index
      %get3A_544 = arith.constant 656 : index
      %get3A_545 = tpu.vector_load %arg10[%get3A_543, %get3A_544] {strides = array<i32>} : memref<64x768xf32, #tpu.memory_space<vmem>>, vector<16xf32>,
      %mul3A_546 = arith.mulf %gather3A_46, %get3A_545 : vector<16xf32>
      %get3A_547 = arith.index_cast %scan3A_22 : i32 to index
      %get3A_548 = arith.constant 656 : index
      %get3A_549 = tpu.vector_load %arg11[%get3A_547, %get3A_548] {strides = array<i32>} : memref<64x768xf32, #tpu.memory_space<vmem>>, vector<16xf32>,
      %mul3A_550 = arith.mulf %gather3A_51, %get3A_549 : vector<16xf32>
      %add3A_551 = arith.addf %mul3A_546, %mul3A_550 : vector<16xf32>
      %swap3A_552 = arith.index_cast %scan3A_22 : i32 to index
      %swap3A_553 = arith.constant 656 : index
      %swap3A_554 = tpu.vector_load %arg10[%swap3A_552, %swap3A_553] {strides = array<i32>} : memref<64x768xf32, #tpu.memory_space<vmem>>, vector<16xf32>,
      tpu.vector_store %arg10[%swap3A_552, %swap3A_553], %add3A_551 {strides = array<i32>} : memref<64x768xf32, #tpu.memory_space<vmem>>, vector<16xf32>,
      %get3A_555 = arith.index_cast %scan3A_22 : i32 to index
      %get3A_556 = arith.constant 672 : index
      %get3A_557 = tpu.vector_load %arg10[%get3A_555, %get3A_556] {strides = array<i32>} : memref<64x768xf32, #tpu.memory_space<vmem>>, vector<16xf32>,
      %mul3A_558 = arith.mulf %gather3A_46, %get3A_557 : vector<16xf32>
      %get3A_559 = arith.index_cast %scan3A_22 : i32 to index
      %get3A_560 = arith.constant 672 : index
      %get3A_561 = tpu.vector_load %arg11[%get3A_559, %get3A_560] {strides = array<i32>} : memref<64x768xf32, #tpu.memory_space<vmem>>, vector<16xf32>,
      %mul3A_562 = arith.mulf %gather3A_51, %get3A_561 : vector<16xf32>
      %add3A_563 = arith.addf %mul3A_558, %mul3A_562 : vector<16xf32>
      %swap3A_564 = arith.index_cast %scan3A_22 : i32 to index
      %swap3A_565 = arith.constant 672 : index
      %swap3A_566 = tpu.vector_load %arg10[%swap3A_564, %swap3A_565] {strides = array<i32>} : memref<64x768xf32, #tpu.memory_space<vmem>>, vector<16xf32>,
      tpu.vector_store %arg10[%swap3A_564, %swap3A_565], %add3A_563 {strides = array<i32>} : memref<64x768xf32, #tpu.memory_space<vmem>>, vector<16xf32>,
      %get3A_567 = arith.index_cast %scan3A_22 : i32 to index
      %get3A_568 = arith.constant 688 : index
      %get3A_569 = tpu.vector_load %arg10[%get3A_567, %get3A_568] {strides = array<i32>} : memref<64x768xf32, #tpu.memory_space<vmem>>, vector<16xf32>,
      %mul3A_570 = arith.mulf %gather3A_46, %get3A_569 : vector<16xf32>
      %get3A_571 = arith.index_cast %scan3A_22 : i32 to index
      %get3A_572 = arith.constant 688 : index
      %get3A_573 = tpu.vector_load %arg11[%get3A_571, %get3A_572] {strides = array<i32>} : memref<64x768xf32, #tpu.memory_space<vmem>>, vector<16xf32>,
      %mul3A_574 = arith.mulf %gather3A_51, %get3A_573 : vector<16xf32>
      %add3A_575 = arith.addf %mul3A_570, %mul3A_574 : vector<16xf32>
      %swap3A_576 = arith.index_cast %scan3A_22 : i32 to index
      %swap3A_577 = arith.constant 688 : index
      %swap3A_578 = tpu.vector_load %arg10[%swap3A_576, %swap3A_577] {strides = array<i32>} : memref<64x768xf32, #tpu.memory_space<vmem>>, vector<16xf32>,
      tpu.vector_store %arg10[%swap3A_576, %swap3A_577], %add3A_575 {strides = array<i32>} : memref<64x768xf32, #tpu.memory_space<vmem>>, vector<16xf32>,
      %get3A_579 = arith.index_cast %scan3A_22 : i32 to index
      %get3A_580 = arith.constant 704 : index
      %get3A_581 = tpu.vector_load %arg10[%get3A_579, %get3A_580] {strides = array<i32>} : memref<64x768xf32, #tpu.memory_space<vmem>>, vector<16xf32>,
      %mul3A_582 = arith.mulf %gather3A_46, %get3A_581 : vector<16xf32>
      %get3A_583 = arith.index_cast %scan3A_22 : i32 to index
      %get3A_584 = arith.constant 704 : index
      %get3A_585 = tpu.vector_load %arg11[%get3A_583, %get3A_584] {strides = array<i32>} : memref<64x768xf32, #tpu.memory_space<vmem>>, vector<16xf32>,
      %mul3A_586 = arith.mulf %gather3A_51, %get3A_585 : vector<16xf32>
      %add3A_587 = arith.addf %mul3A_582, %mul3A_586 : vector<16xf32>
      %swap3A_588 = arith.index_cast %scan3A_22 : i32 to index
      %swap3A_589 = arith.constant 704 : index
      %swap3A_590 = tpu.vector_load %arg10[%swap3A_588, %swap3A_589] {strides = array<i32>} : memref<64x768xf32, #tpu.memory_space<vmem>>, vector<16xf32>,
      tpu.vector_store %arg10[%swap3A_588, %swap3A_589], %add3A_587 {strides = array<i32>} : memref<64x768xf32, #tpu.memory_space<vmem>>, vector<16xf32>,
      %get3A_591 = arith.index_cast %scan3A_22 : i32 to index
      %get3A_592 = arith.constant 720 : index
      %get3A_593 = tpu.vector_load %arg10[%get3A_591, %get3A_592] {strides = array<i32>} : memref<64x768xf32, #tpu.memory_space<vmem>>, vector<16xf32>,
      %mul3A_594 = arith.mulf %gather3A_46, %get3A_593 : vector<16xf32>
      %get3A_595 = arith.index_cast %scan3A_22 : i32 to index
      %get3A_596 = arith.constant 720 : index
      %get3A_597 = tpu.vector_load %arg11[%get3A_595, %get3A_596] {strides = array<i32>} : memref<64x768xf32, #tpu.memory_space<vmem>>, vector<16xf32>,
      %mul3A_598 = arith.mulf %gather3A_51, %get3A_597 : vector<16xf32>
      %add3A_599 = arith.addf %mul3A_594, %mul3A_598 : vector<16xf32>
      %swap3A_600 = arith.index_cast %scan3A_22 : i32 to index
      %swap3A_601 = arith.constant 720 : index
      %swap3A_602 = tpu.vector_load %arg10[%swap3A_600, %swap3A_601] {strides = array<i32>} : memref<64x768xf32, #tpu.memory_space<vmem>>, vector<16xf32>,
      tpu.vector_store %arg10[%swap3A_600, %swap3A_601], %add3A_599 {strides = array<i32>} : memref<64x768xf32, #tpu.memory_space<vmem>>, vector<16xf32>,
      %get3A_603 = arith.index_cast %scan3A_22 : i32 to index
      %get3A_604 = arith.constant 736 : index
      %get3A_605 = tpu.vector_load %arg10[%get3A_603, %get3A_604] {strides = array<i32>} : memref<64x768xf32, #tpu.memory_space<vmem>>, vector<16xf32>,
      %mul3A_606 = arith.mulf %gather3A_46, %get3A_605 : vector<16xf32>
      %get3A_607 = arith.index_cast %scan3A_22 : i32 to index
      %get3A_608 = arith.constant 736 : index
      %get3A_609 = tpu.vector_load %arg11[%get3A_607, %get3A_608] {strides = array<i32>} : memref<64x768xf32, #tpu.memory_space<vmem>>, vector<16xf32>,
      %mul3A_610 = arith.mulf %gather3A_51, %get3A_609 : vector<16xf32>
      %add3A_611 = arith.addf %mul3A_606, %mul3A_610 : vector<16xf32>
      %swap3A_612 = arith.index_cast %scan3A_22 : i32 to index
      %swap3A_613 = arith.constant 736 : index
      %swap3A_614 = tpu.vector_load %arg10[%swap3A_612, %swap3A_613] {strides = array<i32>} : memref<64x768xf32, #tpu.memory_space<vmem>>, vector<16xf32>,
      tpu.vector_store %arg10[%swap3A_612, %swap3A_613], %add3A_611 {strides = array<i32>} : memref<64x768xf32, #tpu.memory_space<vmem>>, vector<16xf32>,
      %get3A_615 = arith.index_cast %scan3A_22 : i32 to index
      %get3A_616 = arith.constant 752 : index
      %get3A_617 = tpu.vector_load %arg10[%get3A_615, %get3A_616] {strides = array<i32>} : memref<64x768xf32, #tpu.memory_space<vmem>>, vector<16xf32>,
      %mul3A_618 = arith.mulf %gather3A_46, %get3A_617 : vector<16xf32>
      %get3A_619 = arith.index_cast %scan3A_22 : i32 to index
      %get3A_620 = arith.constant 752 : index
      %get3A_621 = tpu.vector_load %arg11[%get3A_619, %get3A_620] {strides = array<i32>} : memref<64x768xf32, #tpu.memory_space<vmem>>, vector<16xf32>,
      %mul3A_622 = arith.mulf %gather3A_51, %get3A_621 : vector<16xf32>
      %add3A_623 = arith.addf %mul3A_618, %mul3A_622 : vector<16xf32>
      %swap3A_624 = arith.index_cast %scan3A_22 : i32 to index
      %swap3A_625 = arith.constant 752 : index
      %swap3A_626 = tpu.vector_load %arg10[%swap3A_624, %swap3A_625] {strides = array<i32>} : memref<64x768xf32, #tpu.memory_space<vmem>>, vector<16xf32>,
      tpu.vector_store %arg10[%swap3A_624, %swap3A_625], %add3A_623 {strides = array<i32>} : memref<64x768xf32, #tpu.memory_space<vmem>>, vector<16xf32>,
      %scan3A_627 = arith.constant 0 : i32
      scf.yield %scan3A_627 : i32
    }
    %scan3A_21 = arith.constant 64 : i32
    "tpu.region"() ({
      %run_scoped3A_22 = tpu.sem_alloc : memref<!tpu.dma_semaphore, #tpu.memory_space<semaphore_mem>>
      %dma_start3A_23 = arith.constant 0 : i32
      %dma_start3A_24 = tpu.memref_slice %arg5[%mul3A_2, %dma_start3A_23] : memref<2048x768xf32, #tpu.memory_space<hbm>> -> memref<64x768xf32, #tpu.memory_space<hbm>>
      %dma_start3A_25 = arith.constant 0 : i32
      %dma_start3A_26 = tpu.memref_slice %arg5[%mul3A_2, %dma_start3A_25] : memref<2048x768xf32, #tpu.memory_space<hbm>> -> memref<64x768xf32, #tpu.memory_space<hbm>>
      tpu.enqueue_dma source(%arg10 : memref<64x768xf32, #tpu.memory_space<vmem>>) target(%dma_start3A_26 : memref<64x768xf32, #tpu.memory_space<hbm>>) target_semaphore(%run_scoped3A_22 : memref<!tpu.dma_semaphore, #tpu.memory_space<semaphore_mem>>)
      %dma_wait3A_27 = arith.constant 0 : i32
      %dma_wait3A_28 = tpu.memref_slice %arg5[%mul3A_2, %dma_wait3A_27] : memref<2048x768xf32, #tpu.memory_space<hbm>> -> memref<64x768xf32, #tpu.memory_space<hbm>>
      %dma_wait3A_29 = arith.constant 0 : i32
      %dma_wait3A_30 = tpu.memref_slice %arg5[%mul3A_2, %dma_wait3A_29] : memref<2048x768xf32, #tpu.memory_space<hbm>> -> memref<64x768xf32, #tpu.memory_space<hbm>>
      tpu.wait_dma2 semaphore(%run_scoped3A_22 : memref<!tpu.dma_semaphore, #tpu.memory_space<semaphore_mem>>) src(%arg10 : memref<64x768xf32, #tpu.memory_space<vmem>>) dst(%dma_wait3A_30 : memref<64x768xf32, #tpu.memory_space<hbm>>)
      tpu.yield
    }) : () -> ()
    return
  }
}

#map = affine_map<(d0, d1) -> (0)>
#map1 = affine_map<(d0, d1) -> (0, 0)>
module attributes {stable_mosaic.version = 14 : i64} {
  func.func @_dispatch_body(%arg0: i32, %arg1: i32, %arg2: memref<4096xi32, #tpu.memory_space<hbm>>, %arg3: memref<32x16xi32, #tpu.memory_space<hbm>>, %arg4: memref<2048x768xf32, #tpu.memory_space<hbm>>, %arg5: memref<6144x768xf32, #tpu.memory_space<hbm>>, %arg6: memref<4096xi32, #tpu.memory_space<hbm>>, %arg7: memref<64xi32, #tpu.memory_space<vmem>>, %arg8: memref<64xi32, #tpu.memory_space<vmem>>, %arg9: memref<64xi32, #tpu.memory_space<vmem>>, %arg10: memref<64xi32, #tpu.memory_space<vmem>>, %arg11: memref<16xi32, #tpu.memory_space<vmem>>, %arg12: memref<64x768xf32, #tpu.memory_space<vmem>>, %arg13: memref<!tpu.dma_semaphore, #tpu.memory_space<semaphore_mem>>, %arg14: memref<!tpu.dma_semaphore, #tpu.memory_space<semaphore_mem>>) attributes {dimension_semantics = [#tpu.dimension_semantics<core_parallel>, #tpu.dimension_semantics<subcore_parallel>], iteration_bounds = array<i64: 2, 16>, scalar_prefetch = 0 : i64, scratch_operands = 8 : i64, tpu.core_type = #tpu.core_type<sc_vector_subcore>, window_params = [{transform_indices = #map}, {transform_indices = #map1}, {transform_indices = #map1}, {transform_indices = #map1}, {transform_indices = #map}]} {
    %mul3A = arith.constant 16 : i32
    %mul3A_0 = arith.muli %arg0, %mul3A : i32
    %add3A = arith.addi %mul3A_0, %arg1 : i32
    %mul3A_1 = arith.constant 64 : i32
    %mul3A_2 = arith.muli %add3A, %mul3A_1 : i32
    %dma_start3A = arith.constant 0 : i32
    %dma_start3A_3 = tpu.memref_slice %arg4[%mul3A_2, %dma_start3A] : memref<2048x768xf32, #tpu.memory_space<hbm>> -> memref<64x768xf32, #tpu.memory_space<hbm>>
    %dma_start3A_4 = arith.constant 0 : i32
    %dma_start3A_5 = tpu.memref_slice %arg4[%mul3A_2, %dma_start3A_4] : memref<2048x768xf32, #tpu.memory_space<hbm>> -> memref<64x768xf32, #tpu.memory_space<hbm>>
    tpu.enqueue_dma source(%dma_start3A_5 : memref<64x768xf32, #tpu.memory_space<hbm>>) target(%arg12 : memref<64x768xf32, #tpu.memory_space<vmem>>) target_semaphore(%arg14 : memref<!tpu.dma_semaphore, #tpu.memory_space<semaphore_mem>>)
    "tpu.region"() ({
      %run_scoped3A = tpu.sem_alloc : memref<!tpu.dma_semaphore, #tpu.memory_space<semaphore_mem>>
      %dma_start3A_2081 = tpu.memref_slice %arg2[%mul3A_2] : memref<4096xi32, #tpu.memory_space<hbm>> -> memref<64xi32, #tpu.memory_space<hbm>>
      %dma_start3A_2082 = tpu.memref_slice %arg2[%mul3A_2] : memref<4096xi32, #tpu.memory_space<hbm>> -> memref<64xi32, #tpu.memory_space<hbm>>
      tpu.enqueue_dma source(%dma_start3A_2082 : memref<64xi32, #tpu.memory_space<hbm>>) target(%arg7 : memref<64xi32, #tpu.memory_space<vmem>>) target_semaphore(%run_scoped3A : memref<!tpu.dma_semaphore, #tpu.memory_space<semaphore_mem>>)
      %dma_wait3A_2083 = tpu.memref_slice %arg2[%mul3A_2] : memref<4096xi32, #tpu.memory_space<hbm>> -> memref<64xi32, #tpu.memory_space<hbm>>
      %dma_wait3A_2084 = tpu.memref_slice %arg2[%mul3A_2] : memref<4096xi32, #tpu.memory_space<hbm>> -> memref<64xi32, #tpu.memory_space<hbm>>
      tpu.wait_dma2 semaphore(%run_scoped3A : memref<!tpu.dma_semaphore, #tpu.memory_space<semaphore_mem>>) src(%dma_wait3A_2084 : memref<64xi32, #tpu.memory_space<hbm>>) dst(%arg7 : memref<64xi32, #tpu.memory_space<vmem>>)
      tpu.yield
    }) : () -> ()
    %add3A_6 = arith.constant 2048 : i32
    %add3A_7 = arith.addi %add3A_6, %mul3A_2 : i32
    "tpu.region"() ({
      %run_scoped3A = tpu.sem_alloc : memref<!tpu.dma_semaphore, #tpu.memory_space<semaphore_mem>>
      %dma_start3A_2081 = tpu.memref_slice %arg2[%add3A_7] : memref<4096xi32, #tpu.memory_space<hbm>> -> memref<64xi32, #tpu.memory_space<hbm>>
      %dma_start3A_2082 = tpu.memref_slice %arg2[%add3A_7] : memref<4096xi32, #tpu.memory_space<hbm>> -> memref<64xi32, #tpu.memory_space<hbm>>
      tpu.enqueue_dma source(%dma_start3A_2082 : memref<64xi32, #tpu.memory_space<hbm>>) target(%arg8 : memref<64xi32, #tpu.memory_space<vmem>>) target_semaphore(%run_scoped3A : memref<!tpu.dma_semaphore, #tpu.memory_space<semaphore_mem>>)
      %dma_wait3A_2083 = tpu.memref_slice %arg2[%add3A_7] : memref<4096xi32, #tpu.memory_space<hbm>> -> memref<64xi32, #tpu.memory_space<hbm>>
      %dma_wait3A_2084 = tpu.memref_slice %arg2[%add3A_7] : memref<4096xi32, #tpu.memory_space<hbm>> -> memref<64xi32, #tpu.memory_space<hbm>>
      tpu.wait_dma2 semaphore(%run_scoped3A : memref<!tpu.dma_semaphore, #tpu.memory_space<semaphore_mem>>) src(%dma_wait3A_2084 : memref<64xi32, #tpu.memory_space<hbm>>) dst(%arg8 : memref<64xi32, #tpu.memory_space<vmem>>)
      tpu.yield
    }) : () -> ()
    "tpu.region"() ({
      %run_scoped3A = tpu.sem_alloc : memref<!tpu.dma_semaphore, #tpu.memory_space<semaphore_mem>>
      %dma_start3A_2081 = arith.constant 0 : i32
      %dma_start3A_2082 = tpu.memref_slice %arg3[%add3A, %dma_start3A_2081] : memref<32x16xi32, #tpu.memory_space<hbm>> -> memref<1x16xi32, #tpu.memory_space<hbm>>
      %dma_start3A_2083 = tpu.memref_squeeze %dma_start3A_2082 : memref<1x16xi32, #tpu.memory_space<hbm>> -> memref<16xi32, #tpu.memory_space<hbm>>
      %dma_start3A_2084 = arith.constant 0 : i32
      %dma_start3A_2085 = tpu.memref_slice %arg3[%add3A, %dma_start3A_2084] : memref<32x16xi32, #tpu.memory_space<hbm>> -> memref<1x16xi32, #tpu.memory_space<hbm>>
      %dma_start3A_2086 = tpu.memref_squeeze %dma_start3A_2085 : memref<1x16xi32, #tpu.memory_space<hbm>> -> memref<16xi32, #tpu.memory_space<hbm>>
      tpu.enqueue_dma source(%dma_start3A_2086 : memref<16xi32, #tpu.memory_space<hbm>>) target(%arg11 : memref<16xi32, #tpu.memory_space<vmem>>) target_semaphore(%run_scoped3A : memref<!tpu.dma_semaphore, #tpu.memory_space<semaphore_mem>>)
      %dma_wait3A_2087 = arith.constant 0 : i32
      %dma_wait3A_2088 = tpu.memref_slice %arg3[%add3A, %dma_wait3A_2087] : memref<32x16xi32, #tpu.memory_space<hbm>> -> memref<1x16xi32, #tpu.memory_space<hbm>>
      %dma_wait3A_2089 = tpu.memref_squeeze %dma_wait3A_2088 : memref<1x16xi32, #tpu.memory_space<hbm>> -> memref<16xi32, #tpu.memory_space<hbm>>
      %dma_wait3A_2090 = arith.constant 0 : i32
      %dma_wait3A_2091 = tpu.memref_slice %arg3[%add3A, %dma_wait3A_2090] : memref<32x16xi32, #tpu.memory_space<hbm>> -> memref<1x16xi32, #tpu.memory_space<hbm>>
      %dma_wait3A_2092 = tpu.memref_squeeze %dma_wait3A_2091 : memref<1x16xi32, #tpu.memory_space<hbm>> -> memref<16xi32, #tpu.memory_space<hbm>>
      tpu.wait_dma2 semaphore(%run_scoped3A : memref<!tpu.dma_semaphore, #tpu.memory_space<semaphore_mem>>) src(%dma_wait3A_2092 : memref<16xi32, #tpu.memory_space<hbm>>) dst(%arg11 : memref<16xi32, #tpu.memory_space<vmem>>)
      tpu.yield
    }) : () -> ()
    %iota3A = tpu.iota {dimensions = array<i32: 0>} : vector<16xi32>
    %get3A = arith.constant 0 : index
    %get3A_8 = tpu.vector_load %arg11[%get3A] {strides = array<i32>} : memref<16xi32, #tpu.memory_space<vmem>>, vector<16xi32>,
    %get3A_9 = arith.constant 0 : index
    %get3A_10 = tpu.vector_load %arg7[%get3A_9] {strides = array<i32>} : memref<64xi32, #tpu.memory_space<vmem>>, vector<16xi32>,
    %broadcast_in_dim3A = vector.shape_cast %get3A_10 : vector<16xi32> to vector<16x1xi32>
    %gather3A = vector.shape_cast %broadcast_in_dim3A : vector<16x1xi32> to vector<16xi32>
    %gather3A_11 = tpu.dynamic_gather %get3A_8[%gather3A] in [0] : vector<16xi32>, vector<16xi32> -> vector<16xi32>
    %broadcast_in_dim3A_12 = arith.constant 0 : i32
    %broadcast_in_dim3A_13 = vector.broadcast %broadcast_in_dim3A_12 : i32 to vector<16xi32>
    %eq3A = arith.constant 0 : i32
    %eq3A_14 = vector.broadcast %eq3A : i32 to vector<16xi32>
    %eq3A_15 = arith.cmpi eq, %get3A_10, %eq3A_14 : vector<16xi32>
    %jit3A = arith.constant 1 : i32
    %jit3A_16 = arith.constant 0 : i32
    %broadcast_in_dim3A_17 = vector.broadcast %jit3A : i32 to vector<16xi32>
    %broadcast_in_dim3A_18 = vector.broadcast %jit3A_16 : i32 to vector<16xi32>
    %select_n3A = arith.select %eq3A_15, %broadcast_in_dim3A_17, %broadcast_in_dim3A_18 : vector<16xi1>, vector<16xi32>
    %cumsum3A = arith.constant true
    %cumsum3A_19 = vector.broadcast %cumsum3A : i1 to vector<16xi1>
    %cumsum3A_20 = tpu.scan <sum>, %select_n3A masked %cumsum3A_19 : vector<16xi32>, vector<16xi1> -> vector<16xi32>
    %eq3A_21 = arith.constant 0 : i32
    %eq3A_22 = vector.broadcast %eq3A_21 : i32 to vector<16xi32>
    %eq3A_23 = arith.cmpi eq, %get3A_10, %eq3A_22 : vector<16xi32>
    %sub3A = arith.constant 1 : i32
    %sub3A_24 = vector.broadcast %sub3A : i32 to vector<16xi32>
    %sub3A_25 = arith.subi %cumsum3A_20, %sub3A_24 : vector<16xi32>
    %jit3A_26 = arith.constant 0 : i32
    %broadcast_in_dim3A_27 = vector.broadcast %jit3A_26 : i32 to vector<16xi32>
    %select_n3A_28 = arith.select %eq3A_23, %sub3A_25, %broadcast_in_dim3A_27 : vector<16xi1>, vector<16xi32>
    %add3A_29 = arith.addi %broadcast_in_dim3A_13, %select_n3A_28 : vector<16xi32>
    %reduce_sum3A = arith.constant true
    %reduce_sum3A_30 = vector.broadcast %reduce_sum3A : i1 to vector<16xi1>
    %reduce_sum3A_31 = tpu.scan <sum>, %select_n3A masked %reduce_sum3A_30 : vector<16xi32>, vector<16xi1> -> vector<16xi32>
    %reduce_sum3A_32 = vector.extract %reduce_sum3A_31[15] : i32 from vector<16xi32>
    %eq3A_33 = arith.constant 0 : i32
    %eq3A_34 = vector.broadcast %eq3A_33 : i32 to vector<16xi32>
    %eq3A_35 = arith.cmpi eq, %iota3A, %eq3A_34 : vector<16xi32>
    %add3A_36 = vector.broadcast %reduce_sum3A_32 : i32 to vector<16xi32>
    %add3A_37 = arith.addi %get3A_8, %add3A_36 : vector<16xi32>
    %select_n3A_38 = arith.select %eq3A_35, %add3A_37, %get3A_8 : vector<16xi1>, vector<16xi32>
    %eq3A_39 = arith.constant 1 : i32
    %eq3A_40 = vector.broadcast %eq3A_39 : i32 to vector<16xi32>
    %eq3A_41 = arith.cmpi eq, %get3A_10, %eq3A_40 : vector<16xi32>
    %jit3A_42 = arith.constant 1 : i32
    %jit3A_43 = arith.constant 0 : i32
    %broadcast_in_dim3A_44 = vector.broadcast %jit3A_42 : i32 to vector<16xi32>
    %broadcast_in_dim3A_45 = vector.broadcast %jit3A_43 : i32 to vector<16xi32>
    %select_n3A_46 = arith.select %eq3A_41, %broadcast_in_dim3A_44, %broadcast_in_dim3A_45 : vector<16xi1>, vector<16xi32>
    %cumsum3A_47 = arith.constant true
    %cumsum3A_48 = vector.broadcast %cumsum3A_47 : i1 to vector<16xi1>
    %cumsum3A_49 = tpu.scan <sum>, %select_n3A_46 masked %cumsum3A_48 : vector<16xi32>, vector<16xi1> -> vector<16xi32>
    %eq3A_50 = arith.constant 1 : i32
    %eq3A_51 = vector.broadcast %eq3A_50 : i32 to vector<16xi32>
    %eq3A_52 = arith.cmpi eq, %get3A_10, %eq3A_51 : vector<16xi32>
    %sub3A_53 = arith.constant 1 : i32
    %sub3A_54 = vector.broadcast %sub3A_53 : i32 to vector<16xi32>
    %sub3A_55 = arith.subi %cumsum3A_49, %sub3A_54 : vector<16xi32>
    %jit3A_56 = arith.constant 0 : i32
    %broadcast_in_dim3A_57 = vector.broadcast %jit3A_56 : i32 to vector<16xi32>
    %select_n3A_58 = arith.select %eq3A_52, %sub3A_55, %broadcast_in_dim3A_57 : vector<16xi1>, vector<16xi32>
    %add3A_59 = arith.addi %add3A_29, %select_n3A_58 : vector<16xi32>
    %reduce_sum3A_60 = arith.constant true
    %reduce_sum3A_61 = vector.broadcast %reduce_sum3A_60 : i1 to vector<16xi1>
    %reduce_sum3A_62 = tpu.scan <sum>, %select_n3A_46 masked %reduce_sum3A_61 : vector<16xi32>, vector<16xi1> -> vector<16xi32>
    %reduce_sum3A_63 = vector.extract %reduce_sum3A_62[15] : i32 from vector<16xi32>
    %eq3A_64 = arith.constant 1 : i32
    %eq3A_65 = vector.broadcast %eq3A_64 : i32 to vector<16xi32>
    %eq3A_66 = arith.cmpi eq, %iota3A, %eq3A_65 : vector<16xi32>
    %add3A_67 = vector.broadcast %reduce_sum3A_63 : i32 to vector<16xi32>
    %add3A_68 = arith.addi %select_n3A_38, %add3A_67 : vector<16xi32>
    %select_n3A_69 = arith.select %eq3A_66, %add3A_68, %select_n3A_38 : vector<16xi1>, vector<16xi32>
    %eq3A_70 = arith.constant 2 : i32
    %eq3A_71 = vector.broadcast %eq3A_70 : i32 to vector<16xi32>
    %eq3A_72 = arith.cmpi eq, %get3A_10, %eq3A_71 : vector<16xi32>
    %jit3A_73 = arith.constant 1 : i32
    %jit3A_74 = arith.constant 0 : i32
    %broadcast_in_dim3A_75 = vector.broadcast %jit3A_73 : i32 to vector<16xi32>
    %broadcast_in_dim3A_76 = vector.broadcast %jit3A_74 : i32 to vector<16xi32>
    %select_n3A_77 = arith.select %eq3A_72, %broadcast_in_dim3A_75, %broadcast_in_dim3A_76 : vector<16xi1>, vector<16xi32>
    %cumsum3A_78 = arith.constant true
    %cumsum3A_79 = vector.broadcast %cumsum3A_78 : i1 to vector<16xi1>
    %cumsum3A_80 = tpu.scan <sum>, %select_n3A_77 masked %cumsum3A_79 : vector<16xi32>, vector<16xi1> -> vector<16xi32>
    %eq3A_81 = arith.constant 2 : i32
    %eq3A_82 = vector.broadcast %eq3A_81 : i32 to vector<16xi32>
    %eq3A_83 = arith.cmpi eq, %get3A_10, %eq3A_82 : vector<16xi32>
    %sub3A_84 = arith.constant 1 : i32
    %sub3A_85 = vector.broadcast %sub3A_84 : i32 to vector<16xi32>
    %sub3A_86 = arith.subi %cumsum3A_80, %sub3A_85 : vector<16xi32>
    %jit3A_87 = arith.constant 0 : i32
    %broadcast_in_dim3A_88 = vector.broadcast %jit3A_87 : i32 to vector<16xi32>
    %select_n3A_89 = arith.select %eq3A_83, %sub3A_86, %broadcast_in_dim3A_88 : vector<16xi1>, vector<16xi32>
    %add3A_90 = arith.addi %add3A_59, %select_n3A_89 : vector<16xi32>
    %reduce_sum3A_91 = arith.constant true
    %reduce_sum3A_92 = vector.broadcast %reduce_sum3A_91 : i1 to vector<16xi1>
    %reduce_sum3A_93 = tpu.scan <sum>, %select_n3A_77 masked %reduce_sum3A_92 : vector<16xi32>, vector<16xi1> -> vector<16xi32>
    %reduce_sum3A_94 = vector.extract %reduce_sum3A_93[15] : i32 from vector<16xi32>
    %eq3A_95 = arith.constant 2 : i32
    %eq3A_96 = vector.broadcast %eq3A_95 : i32 to vector<16xi32>
    %eq3A_97 = arith.cmpi eq, %iota3A, %eq3A_96 : vector<16xi32>
    %add3A_98 = vector.broadcast %reduce_sum3A_94 : i32 to vector<16xi32>
    %add3A_99 = arith.addi %select_n3A_69, %add3A_98 : vector<16xi32>
    %select_n3A_100 = arith.select %eq3A_97, %add3A_99, %select_n3A_69 : vector<16xi1>, vector<16xi32>
    %eq3A_101 = arith.constant 3 : i32
    %eq3A_102 = vector.broadcast %eq3A_101 : i32 to vector<16xi32>
    %eq3A_103 = arith.cmpi eq, %get3A_10, %eq3A_102 : vector<16xi32>
    %jit3A_104 = arith.constant 1 : i32
    %jit3A_105 = arith.constant 0 : i32
    %broadcast_in_dim3A_106 = vector.broadcast %jit3A_104 : i32 to vector<16xi32>
    %broadcast_in_dim3A_107 = vector.broadcast %jit3A_105 : i32 to vector<16xi32>
    %select_n3A_108 = arith.select %eq3A_103, %broadcast_in_dim3A_106, %broadcast_in_dim3A_107 : vector<16xi1>, vector<16xi32>
    %cumsum3A_109 = arith.constant true
    %cumsum3A_110 = vector.broadcast %cumsum3A_109 : i1 to vector<16xi1>
    %cumsum3A_111 = tpu.scan <sum>, %select_n3A_108 masked %cumsum3A_110 : vector<16xi32>, vector<16xi1> -> vector<16xi32>
    %eq3A_112 = arith.constant 3 : i32
    %eq3A_113 = vector.broadcast %eq3A_112 : i32 to vector<16xi32>
    %eq3A_114 = arith.cmpi eq, %get3A_10, %eq3A_113 : vector<16xi32>
    %sub3A_115 = arith.constant 1 : i32
    %sub3A_116 = vector.broadcast %sub3A_115 : i32 to vector<16xi32>
    %sub3A_117 = arith.subi %cumsum3A_111, %sub3A_116 : vector<16xi32>
    %jit3A_118 = arith.constant 0 : i32
    %broadcast_in_dim3A_119 = vector.broadcast %jit3A_118 : i32 to vector<16xi32>
    %select_n3A_120 = arith.select %eq3A_114, %sub3A_117, %broadcast_in_dim3A_119 : vector<16xi1>, vector<16xi32>
    %add3A_121 = arith.addi %add3A_90, %select_n3A_120 : vector<16xi32>
    %reduce_sum3A_122 = arith.constant true
    %reduce_sum3A_123 = vector.broadcast %reduce_sum3A_122 : i1 to vector<16xi1>
    %reduce_sum3A_124 = tpu.scan <sum>, %select_n3A_108 masked %reduce_sum3A_123 : vector<16xi32>, vector<16xi1> -> vector<16xi32>
    %reduce_sum3A_125 = vector.extract %reduce_sum3A_124[15] : i32 from vector<16xi32>
    %eq3A_126 = arith.constant 3 : i32
    %eq3A_127 = vector.broadcast %eq3A_126 : i32 to vector<16xi32>
    %eq3A_128 = arith.cmpi eq, %iota3A, %eq3A_127 : vector<16xi32>
    %add3A_129 = vector.broadcast %reduce_sum3A_125 : i32 to vector<16xi32>
    %add3A_130 = arith.addi %select_n3A_100, %add3A_129 : vector<16xi32>
    %select_n3A_131 = arith.select %eq3A_128, %add3A_130, %select_n3A_100 : vector<16xi1>, vector<16xi32>
    %eq3A_132 = arith.constant 4 : i32
    %eq3A_133 = vector.broadcast %eq3A_132 : i32 to vector<16xi32>
    %eq3A_134 = arith.cmpi eq, %get3A_10, %eq3A_133 : vector<16xi32>
    %jit3A_135 = arith.constant 1 : i32
    %jit3A_136 = arith.constant 0 : i32
    %broadcast_in_dim3A_137 = vector.broadcast %jit3A_135 : i32 to vector<16xi32>
    %broadcast_in_dim3A_138 = vector.broadcast %jit3A_136 : i32 to vector<16xi32>
    %select_n3A_139 = arith.select %eq3A_134, %broadcast_in_dim3A_137, %broadcast_in_dim3A_138 : vector<16xi1>, vector<16xi32>
    %cumsum3A_140 = arith.constant true
    %cumsum3A_141 = vector.broadcast %cumsum3A_140 : i1 to vector<16xi1>
    %cumsum3A_142 = tpu.scan <sum>, %select_n3A_139 masked %cumsum3A_141 : vector<16xi32>, vector<16xi1> -> vector<16xi32>
    %eq3A_143 = arith.constant 4 : i32
    %eq3A_144 = vector.broadcast %eq3A_143 : i32 to vector<16xi32>
    %eq3A_145 = arith.cmpi eq, %get3A_10, %eq3A_144 : vector<16xi32>
    %sub3A_146 = arith.constant 1 : i32
    %sub3A_147 = vector.broadcast %sub3A_146 : i32 to vector<16xi32>
    %sub3A_148 = arith.subi %cumsum3A_142, %sub3A_147 : vector<16xi32>
    %jit3A_149 = arith.constant 0 : i32
    %broadcast_in_dim3A_150 = vector.broadcast %jit3A_149 : i32 to vector<16xi32>
    %select_n3A_151 = arith.select %eq3A_145, %sub3A_148, %broadcast_in_dim3A_150 : vector<16xi1>, vector<16xi32>
    %add3A_152 = arith.addi %add3A_121, %select_n3A_151 : vector<16xi32>
    %reduce_sum3A_153 = arith.constant true
    %reduce_sum3A_154 = vector.broadcast %reduce_sum3A_153 : i1 to vector<16xi1>
    %reduce_sum3A_155 = tpu.scan <sum>, %select_n3A_139 masked %reduce_sum3A_154 : vector<16xi32>, vector<16xi1> -> vector<16xi32>
    %reduce_sum3A_156 = vector.extract %reduce_sum3A_155[15] : i32 from vector<16xi32>
    %eq3A_157 = arith.constant 4 : i32
    %eq3A_158 = vector.broadcast %eq3A_157 : i32 to vector<16xi32>
    %eq3A_159 = arith.cmpi eq, %iota3A, %eq3A_158 : vector<16xi32>
    %add3A_160 = vector.broadcast %reduce_sum3A_156 : i32 to vector<16xi32>
    %add3A_161 = arith.addi %select_n3A_131, %add3A_160 : vector<16xi32>
    %select_n3A_162 = arith.select %eq3A_159, %add3A_161, %select_n3A_131 : vector<16xi1>, vector<16xi32>
    %eq3A_163 = arith.constant 5 : i32
    %eq3A_164 = vector.broadcast %eq3A_163 : i32 to vector<16xi32>
    %eq3A_165 = arith.cmpi eq, %get3A_10, %eq3A_164 : vector<16xi32>
    %jit3A_166 = arith.constant 1 : i32
    %jit3A_167 = arith.constant 0 : i32
    %broadcast_in_dim3A_168 = vector.broadcast %jit3A_166 : i32 to vector<16xi32>
    %broadcast_in_dim3A_169 = vector.broadcast %jit3A_167 : i32 to vector<16xi32>
    %select_n3A_170 = arith.select %eq3A_165, %broadcast_in_dim3A_168, %broadcast_in_dim3A_169 : vector<16xi1>, vector<16xi32>
    %cumsum3A_171 = arith.constant true
    %cumsum3A_172 = vector.broadcast %cumsum3A_171 : i1 to vector<16xi1>
    %cumsum3A_173 = tpu.scan <sum>, %select_n3A_170 masked %cumsum3A_172 : vector<16xi32>, vector<16xi1> -> vector<16xi32>
    %eq3A_174 = arith.constant 5 : i32
    %eq3A_175 = vector.broadcast %eq3A_174 : i32 to vector<16xi32>
    %eq3A_176 = arith.cmpi eq, %get3A_10, %eq3A_175 : vector<16xi32>
    %sub3A_177 = arith.constant 1 : i32
    %sub3A_178 = vector.broadcast %sub3A_177 : i32 to vector<16xi32>
    %sub3A_179 = arith.subi %cumsum3A_173, %sub3A_178 : vector<16xi32>
    %jit3A_180 = arith.constant 0 : i32
    %broadcast_in_dim3A_181 = vector.broadcast %jit3A_180 : i32 to vector<16xi32>
    %select_n3A_182 = arith.select %eq3A_176, %sub3A_179, %broadcast_in_dim3A_181 : vector<16xi1>, vector<16xi32>
    %add3A_183 = arith.addi %add3A_152, %select_n3A_182 : vector<16xi32>
    %reduce_sum3A_184 = arith.constant true
    %reduce_sum3A_185 = vector.broadcast %reduce_sum3A_184 : i1 to vector<16xi1>
    %reduce_sum3A_186 = tpu.scan <sum>, %select_n3A_170 masked %reduce_sum3A_185 : vector<16xi32>, vector<16xi1> -> vector<16xi32>
    %reduce_sum3A_187 = vector.extract %reduce_sum3A_186[15] : i32 from vector<16xi32>
    %eq3A_188 = arith.constant 5 : i32
    %eq3A_189 = vector.broadcast %eq3A_188 : i32 to vector<16xi32>
    %eq3A_190 = arith.cmpi eq, %iota3A, %eq3A_189 : vector<16xi32>
    %add3A_191 = vector.broadcast %reduce_sum3A_187 : i32 to vector<16xi32>
    %add3A_192 = arith.addi %select_n3A_162, %add3A_191 : vector<16xi32>
    %select_n3A_193 = arith.select %eq3A_190, %add3A_192, %select_n3A_162 : vector<16xi1>, vector<16xi32>
    %eq3A_194 = arith.constant 6 : i32
    %eq3A_195 = vector.broadcast %eq3A_194 : i32 to vector<16xi32>
    %eq3A_196 = arith.cmpi eq, %get3A_10, %eq3A_195 : vector<16xi32>
    %jit3A_197 = arith.constant 1 : i32
    %jit3A_198 = arith.constant 0 : i32
    %broadcast_in_dim3A_199 = vector.broadcast %jit3A_197 : i32 to vector<16xi32>
    %broadcast_in_dim3A_200 = vector.broadcast %jit3A_198 : i32 to vector<16xi32>
    %select_n3A_201 = arith.select %eq3A_196, %broadcast_in_dim3A_199, %broadcast_in_dim3A_200 : vector<16xi1>, vector<16xi32>
    %cumsum3A_202 = arith.constant true
    %cumsum3A_203 = vector.broadcast %cumsum3A_202 : i1 to vector<16xi1>
    %cumsum3A_204 = tpu.scan <sum>, %select_n3A_201 masked %cumsum3A_203 : vector<16xi32>, vector<16xi1> -> vector<16xi32>
    %eq3A_205 = arith.constant 6 : i32
    %eq3A_206 = vector.broadcast %eq3A_205 : i32 to vector<16xi32>
    %eq3A_207 = arith.cmpi eq, %get3A_10, %eq3A_206 : vector<16xi32>
    %sub3A_208 = arith.constant 1 : i32
    %sub3A_209 = vector.broadcast %sub3A_208 : i32 to vector<16xi32>
    %sub3A_210 = arith.subi %cumsum3A_204, %sub3A_209 : vector<16xi32>
    %jit3A_211 = arith.constant 0 : i32
    %broadcast_in_dim3A_212 = vector.broadcast %jit3A_211 : i32 to vector<16xi32>
    %select_n3A_213 = arith.select %eq3A_207, %sub3A_210, %broadcast_in_dim3A_212 : vector<16xi1>, vector<16xi32>
    %add3A_214 = arith.addi %add3A_183, %select_n3A_213 : vector<16xi32>
    %reduce_sum3A_215 = arith.constant true
    %reduce_sum3A_216 = vector.broadcast %reduce_sum3A_215 : i1 to vector<16xi1>
    %reduce_sum3A_217 = tpu.scan <sum>, %select_n3A_201 masked %reduce_sum3A_216 : vector<16xi32>, vector<16xi1> -> vector<16xi32>
    %reduce_sum3A_218 = vector.extract %reduce_sum3A_217[15] : i32 from vector<16xi32>
    %eq3A_219 = arith.constant 6 : i32
    %eq3A_220 = vector.broadcast %eq3A_219 : i32 to vector<16xi32>
    %eq3A_221 = arith.cmpi eq, %iota3A, %eq3A_220 : vector<16xi32>
    %add3A_222 = vector.broadcast %reduce_sum3A_218 : i32 to vector<16xi32>
    %add3A_223 = arith.addi %select_n3A_193, %add3A_222 : vector<16xi32>
    %select_n3A_224 = arith.select %eq3A_221, %add3A_223, %select_n3A_193 : vector<16xi1>, vector<16xi32>
    %eq3A_225 = arith.constant 7 : i32
    %eq3A_226 = vector.broadcast %eq3A_225 : i32 to vector<16xi32>
    %eq3A_227 = arith.cmpi eq, %get3A_10, %eq3A_226 : vector<16xi32>
    %jit3A_228 = arith.constant 1 : i32
    %jit3A_229 = arith.constant 0 : i32
    %broadcast_in_dim3A_230 = vector.broadcast %jit3A_228 : i32 to vector<16xi32>
    %broadcast_in_dim3A_231 = vector.broadcast %jit3A_229 : i32 to vector<16xi32>
    %select_n3A_232 = arith.select %eq3A_227, %broadcast_in_dim3A_230, %broadcast_in_dim3A_231 : vector<16xi1>, vector<16xi32>
    %cumsum3A_233 = arith.constant true
    %cumsum3A_234 = vector.broadcast %cumsum3A_233 : i1 to vector<16xi1>
    %cumsum3A_235 = tpu.scan <sum>, %select_n3A_232 masked %cumsum3A_234 : vector<16xi32>, vector<16xi1> -> vector<16xi32>
    %eq3A_236 = arith.constant 7 : i32
    %eq3A_237 = vector.broadcast %eq3A_236 : i32 to vector<16xi32>
    %eq3A_238 = arith.cmpi eq, %get3A_10, %eq3A_237 : vector<16xi32>
    %sub3A_239 = arith.constant 1 : i32
    %sub3A_240 = vector.broadcast %sub3A_239 : i32 to vector<16xi32>
    %sub3A_241 = arith.subi %cumsum3A_235, %sub3A_240 : vector<16xi32>
    %jit3A_242 = arith.constant 0 : i32
    %broadcast_in_dim3A_243 = vector.broadcast %jit3A_242 : i32 to vector<16xi32>
    %select_n3A_244 = arith.select %eq3A_238, %sub3A_241, %broadcast_in_dim3A_243 : vector<16xi1>, vector<16xi32>
    %add3A_245 = arith.addi %add3A_214, %select_n3A_244 : vector<16xi32>
    %reduce_sum3A_246 = arith.constant true
    %reduce_sum3A_247 = vector.broadcast %reduce_sum3A_246 : i1 to vector<16xi1>
    %reduce_sum3A_248 = tpu.scan <sum>, %select_n3A_232 masked %reduce_sum3A_247 : vector<16xi32>, vector<16xi1> -> vector<16xi32>
    %reduce_sum3A_249 = vector.extract %reduce_sum3A_248[15] : i32 from vector<16xi32>
    %eq3A_250 = arith.constant 7 : i32
    %eq3A_251 = vector.broadcast %eq3A_250 : i32 to vector<16xi32>
    %eq3A_252 = arith.cmpi eq, %iota3A, %eq3A_251 : vector<16xi32>
    %add3A_253 = vector.broadcast %reduce_sum3A_249 : i32 to vector<16xi32>
    %add3A_254 = arith.addi %select_n3A_224, %add3A_253 : vector<16xi32>
    %select_n3A_255 = arith.select %eq3A_252, %add3A_254, %select_n3A_224 : vector<16xi1>, vector<16xi32>
    %add3A_256 = arith.addi %gather3A_11, %add3A_245 : vector<16xi32>
    %swap3A = arith.constant 0 : index
    %swap3A_257 = tpu.vector_load %arg9[%swap3A] {strides = array<i32>} : memref<64xi32, #tpu.memory_space<vmem>>, vector<16xi32>,
    tpu.vector_store %arg9[%swap3A], %add3A_256 {strides = array<i32>} : memref<64xi32, #tpu.memory_space<vmem>>, vector<16xi32>,
    %get3A_258 = arith.constant 16 : index
    %get3A_259 = tpu.vector_load %arg7[%get3A_258] {strides = array<i32>} : memref<64xi32, #tpu.memory_space<vmem>>, vector<16xi32>,
    %broadcast_in_dim3A_260 = vector.shape_cast %get3A_259 : vector<16xi32> to vector<16x1xi32>
    %gather3A_261 = vector.shape_cast %broadcast_in_dim3A_260 : vector<16x1xi32> to vector<16xi32>
    %gather3A_262 = tpu.dynamic_gather %select_n3A_255[%gather3A_261] in [0] : vector<16xi32>, vector<16xi32> -> vector<16xi32>
    %broadcast_in_dim3A_263 = arith.constant 0 : i32
    %broadcast_in_dim3A_264 = vector.broadcast %broadcast_in_dim3A_263 : i32 to vector<16xi32>
    %eq3A_265 = arith.constant 0 : i32
    %eq3A_266 = vector.broadcast %eq3A_265 : i32 to vector<16xi32>
    %eq3A_267 = arith.cmpi eq, %get3A_259, %eq3A_266 : vector<16xi32>
    %jit3A_268 = arith.constant 1 : i32
    %jit3A_269 = arith.constant 0 : i32
    %broadcast_in_dim3A_270 = vector.broadcast %jit3A_268 : i32 to vector<16xi32>
    %broadcast_in_dim3A_271 = vector.broadcast %jit3A_269 : i32 to vector<16xi32>
    %select_n3A_272 = arith.select %eq3A_267, %broadcast_in_dim3A_270, %broadcast_in_dim3A_271 : vector<16xi1>, vector<16xi32>
    %cumsum3A_273 = arith.constant true
    %cumsum3A_274 = vector.broadcast %cumsum3A_273 : i1 to vector<16xi1>
    %cumsum3A_275 = tpu.scan <sum>, %select_n3A_272 masked %cumsum3A_274 : vector<16xi32>, vector<16xi1> -> vector<16xi32>
    %eq3A_276 = arith.constant 0 : i32
    %eq3A_277 = vector.broadcast %eq3A_276 : i32 to vector<16xi32>
    %eq3A_278 = arith.cmpi eq, %get3A_259, %eq3A_277 : vector<16xi32>
    %sub3A_279 = arith.constant 1 : i32
    %sub3A_280 = vector.broadcast %sub3A_279 : i32 to vector<16xi32>
    %sub3A_281 = arith.subi %cumsum3A_275, %sub3A_280 : vector<16xi32>
    %jit3A_282 = arith.constant 0 : i32
    %broadcast_in_dim3A_283 = vector.broadcast %jit3A_282 : i32 to vector<16xi32>
    %select_n3A_284 = arith.select %eq3A_278, %sub3A_281, %broadcast_in_dim3A_283 : vector<16xi1>, vector<16xi32>
    %add3A_285 = arith.addi %broadcast_in_dim3A_264, %select_n3A_284 : vector<16xi32>
    %reduce_sum3A_286 = arith.constant true
    %reduce_sum3A_287 = vector.broadcast %reduce_sum3A_286 : i1 to vector<16xi1>
    %reduce_sum3A_288 = tpu.scan <sum>, %select_n3A_272 masked %reduce_sum3A_287 : vector<16xi32>, vector<16xi1> -> vector<16xi32>
    %reduce_sum3A_289 = vector.extract %reduce_sum3A_288[15] : i32 from vector<16xi32>
    %eq3A_290 = arith.constant 0 : i32
    %eq3A_291 = vector.broadcast %eq3A_290 : i32 to vector<16xi32>
    %eq3A_292 = arith.cmpi eq, %iota3A, %eq3A_291 : vector<16xi32>
    %add3A_293 = vector.broadcast %reduce_sum3A_289 : i32 to vector<16xi32>
    %add3A_294 = arith.addi %select_n3A_255, %add3A_293 : vector<16xi32>
    %select_n3A_295 = arith.select %eq3A_292, %add3A_294, %select_n3A_255 : vector<16xi1>, vector<16xi32>
    %eq3A_296 = arith.constant 1 : i32
    %eq3A_297 = vector.broadcast %eq3A_296 : i32 to vector<16xi32>
    %eq3A_298 = arith.cmpi eq, %get3A_259, %eq3A_297 : vector<16xi32>
    %jit3A_299 = arith.constant 1 : i32
    %jit3A_300 = arith.constant 0 : i32
    %broadcast_in_dim3A_301 = vector.broadcast %jit3A_299 : i32 to vector<16xi32>
    %broadcast_in_dim3A_302 = vector.broadcast %jit3A_300 : i32 to vector<16xi32>
    %select_n3A_303 = arith.select %eq3A_298, %broadcast_in_dim3A_301, %broadcast_in_dim3A_302 : vector<16xi1>, vector<16xi32>
    %cumsum3A_304 = arith.constant true
    %cumsum3A_305 = vector.broadcast %cumsum3A_304 : i1 to vector<16xi1>
    %cumsum3A_306 = tpu.scan <sum>, %select_n3A_303 masked %cumsum3A_305 : vector<16xi32>, vector<16xi1> -> vector<16xi32>
    %eq3A_307 = arith.constant 1 : i32
    %eq3A_308 = vector.broadcast %eq3A_307 : i32 to vector<16xi32>
    %eq3A_309 = arith.cmpi eq, %get3A_259, %eq3A_308 : vector<16xi32>
    %sub3A_310 = arith.constant 1 : i32
    %sub3A_311 = vector.broadcast %sub3A_310 : i32 to vector<16xi32>
    %sub3A_312 = arith.subi %cumsum3A_306, %sub3A_311 : vector<16xi32>
    %jit3A_313 = arith.constant 0 : i32
    %broadcast_in_dim3A_314 = vector.broadcast %jit3A_313 : i32 to vector<16xi32>
    %select_n3A_315 = arith.select %eq3A_309, %sub3A_312, %broadcast_in_dim3A_314 : vector<16xi1>, vector<16xi32>
    %add3A_316 = arith.addi %add3A_285, %select_n3A_315 : vector<16xi32>
    %reduce_sum3A_317 = arith.constant true
    %reduce_sum3A_318 = vector.broadcast %reduce_sum3A_317 : i1 to vector<16xi1>
    %reduce_sum3A_319 = tpu.scan <sum>, %select_n3A_303 masked %reduce_sum3A_318 : vector<16xi32>, vector<16xi1> -> vector<16xi32>
    %reduce_sum3A_320 = vector.extract %reduce_sum3A_319[15] : i32 from vector<16xi32>
    %eq3A_321 = arith.constant 1 : i32
    %eq3A_322 = vector.broadcast %eq3A_321 : i32 to vector<16xi32>
    %eq3A_323 = arith.cmpi eq, %iota3A, %eq3A_322 : vector<16xi32>
    %add3A_324 = vector.broadcast %reduce_sum3A_320 : i32 to vector<16xi32>
    %add3A_325 = arith.addi %select_n3A_295, %add3A_324 : vector<16xi32>
    %select_n3A_326 = arith.select %eq3A_323, %add3A_325, %select_n3A_295 : vector<16xi1>, vector<16xi32>
    %eq3A_327 = arith.constant 2 : i32
    %eq3A_328 = vector.broadcast %eq3A_327 : i32 to vector<16xi32>
    %eq3A_329 = arith.cmpi eq, %get3A_259, %eq3A_328 : vector<16xi32>
    %jit3A_330 = arith.constant 1 : i32
    %jit3A_331 = arith.constant 0 : i32
    %broadcast_in_dim3A_332 = vector.broadcast %jit3A_330 : i32 to vector<16xi32>
    %broadcast_in_dim3A_333 = vector.broadcast %jit3A_331 : i32 to vector<16xi32>
    %select_n3A_334 = arith.select %eq3A_329, %broadcast_in_dim3A_332, %broadcast_in_dim3A_333 : vector<16xi1>, vector<16xi32>
    %cumsum3A_335 = arith.constant true
    %cumsum3A_336 = vector.broadcast %cumsum3A_335 : i1 to vector<16xi1>
    %cumsum3A_337 = tpu.scan <sum>, %select_n3A_334 masked %cumsum3A_336 : vector<16xi32>, vector<16xi1> -> vector<16xi32>
    %eq3A_338 = arith.constant 2 : i32
    %eq3A_339 = vector.broadcast %eq3A_338 : i32 to vector<16xi32>
    %eq3A_340 = arith.cmpi eq, %get3A_259, %eq3A_339 : vector<16xi32>
    %sub3A_341 = arith.constant 1 : i32
    %sub3A_342 = vector.broadcast %sub3A_341 : i32 to vector<16xi32>
    %sub3A_343 = arith.subi %cumsum3A_337, %sub3A_342 : vector<16xi32>
    %jit3A_344 = arith.constant 0 : i32
    %broadcast_in_dim3A_345 = vector.broadcast %jit3A_344 : i32 to vector<16xi32>
    %select_n3A_346 = arith.select %eq3A_340, %sub3A_343, %broadcast_in_dim3A_345 : vector<16xi1>, vector<16xi32>
    %add3A_347 = arith.addi %add3A_316, %select_n3A_346 : vector<16xi32>
    %reduce_sum3A_348 = arith.constant true
    %reduce_sum3A_349 = vector.broadcast %reduce_sum3A_348 : i1 to vector<16xi1>
    %reduce_sum3A_350 = tpu.scan <sum>, %select_n3A_334 masked %reduce_sum3A_349 : vector<16xi32>, vector<16xi1> -> vector<16xi32>
    %reduce_sum3A_351 = vector.extract %reduce_sum3A_350[15] : i32 from vector<16xi32>
    %eq3A_352 = arith.constant 2 : i32
    %eq3A_353 = vector.broadcast %eq3A_352 : i32 to vector<16xi32>
    %eq3A_354 = arith.cmpi eq, %iota3A, %eq3A_353 : vector<16xi32>
    %add3A_355 = vector.broadcast %reduce_sum3A_351 : i32 to vector<16xi32>
    %add3A_356 = arith.addi %select_n3A_326, %add3A_355 : vector<16xi32>
    %select_n3A_357 = arith.select %eq3A_354, %add3A_356, %select_n3A_326 : vector<16xi1>, vector<16xi32>
    %eq3A_358 = arith.constant 3 : i32
    %eq3A_359 = vector.broadcast %eq3A_358 : i32 to vector<16xi32>
    %eq3A_360 = arith.cmpi eq, %get3A_259, %eq3A_359 : vector<16xi32>
    %jit3A_361 = arith.constant 1 : i32
    %jit3A_362 = arith.constant 0 : i32
    %broadcast_in_dim3A_363 = vector.broadcast %jit3A_361 : i32 to vector<16xi32>
    %broadcast_in_dim3A_364 = vector.broadcast %jit3A_362 : i32 to vector<16xi32>
    %select_n3A_365 = arith.select %eq3A_360, %broadcast_in_dim3A_363, %broadcast_in_dim3A_364 : vector<16xi1>, vector<16xi32>
    %cumsum3A_366 = arith.constant true
    %cumsum3A_367 = vector.broadcast %cumsum3A_366 : i1 to vector<16xi1>
    %cumsum3A_368 = tpu.scan <sum>, %select_n3A_365 masked %cumsum3A_367 : vector<16xi32>, vector<16xi1> -> vector<16xi32>
    %eq3A_369 = arith.constant 3 : i32
    %eq3A_370 = vector.broadcast %eq3A_369 : i32 to vector<16xi32>
    %eq3A_371 = arith.cmpi eq, %get3A_259, %eq3A_370 : vector<16xi32>
    %sub3A_372 = arith.constant 1 : i32
    %sub3A_373 = vector.broadcast %sub3A_372 : i32 to vector<16xi32>
    %sub3A_374 = arith.subi %cumsum3A_368, %sub3A_373 : vector<16xi32>
    %jit3A_375 = arith.constant 0 : i32
    %broadcast_in_dim3A_376 = vector.broadcast %jit3A_375 : i32 to vector<16xi32>
    %select_n3A_377 = arith.select %eq3A_371, %sub3A_374, %broadcast_in_dim3A_376 : vector<16xi1>, vector<16xi32>
    %add3A_378 = arith.addi %add3A_347, %select_n3A_377 : vector<16xi32>
    %reduce_sum3A_379 = arith.constant true
    %reduce_sum3A_380 = vector.broadcast %reduce_sum3A_379 : i1 to vector<16xi1>
    %reduce_sum3A_381 = tpu.scan <sum>, %select_n3A_365 masked %reduce_sum3A_380 : vector<16xi32>, vector<16xi1> -> vector<16xi32>
    %reduce_sum3A_382 = vector.extract %reduce_sum3A_381[15] : i32 from vector<16xi32>
    %eq3A_383 = arith.constant 3 : i32
    %eq3A_384 = vector.broadcast %eq3A_383 : i32 to vector<16xi32>
    %eq3A_385 = arith.cmpi eq, %iota3A, %eq3A_384 : vector<16xi32>
    %add3A_386 = vector.broadcast %reduce_sum3A_382 : i32 to vector<16xi32>
    %add3A_387 = arith.addi %select_n3A_357, %add3A_386 : vector<16xi32>
    %select_n3A_388 = arith.select %eq3A_385, %add3A_387, %select_n3A_357 : vector<16xi1>, vector<16xi32>
    %eq3A_389 = arith.constant 4 : i32
    %eq3A_390 = vector.broadcast %eq3A_389 : i32 to vector<16xi32>
    %eq3A_391 = arith.cmpi eq, %get3A_259, %eq3A_390 : vector<16xi32>
    %jit3A_392 = arith.constant 1 : i32
    %jit3A_393 = arith.constant 0 : i32
    %broadcast_in_dim3A_394 = vector.broadcast %jit3A_392 : i32 to vector<16xi32>
    %broadcast_in_dim3A_395 = vector.broadcast %jit3A_393 : i32 to vector<16xi32>
    %select_n3A_396 = arith.select %eq3A_391, %broadcast_in_dim3A_394, %broadcast_in_dim3A_395 : vector<16xi1>, vector<16xi32>
    %cumsum3A_397 = arith.constant true
    %cumsum3A_398 = vector.broadcast %cumsum3A_397 : i1 to vector<16xi1>
    %cumsum3A_399 = tpu.scan <sum>, %select_n3A_396 masked %cumsum3A_398 : vector<16xi32>, vector<16xi1> -> vector<16xi32>
    %eq3A_400 = arith.constant 4 : i32
    %eq3A_401 = vector.broadcast %eq3A_400 : i32 to vector<16xi32>
    %eq3A_402 = arith.cmpi eq, %get3A_259, %eq3A_401 : vector<16xi32>
    %sub3A_403 = arith.constant 1 : i32
    %sub3A_404 = vector.broadcast %sub3A_403 : i32 to vector<16xi32>
    %sub3A_405 = arith.subi %cumsum3A_399, %sub3A_404 : vector<16xi32>
    %jit3A_406 = arith.constant 0 : i32
    %broadcast_in_dim3A_407 = vector.broadcast %jit3A_406 : i32 to vector<16xi32>
    %select_n3A_408 = arith.select %eq3A_402, %sub3A_405, %broadcast_in_dim3A_407 : vector<16xi1>, vector<16xi32>
    %add3A_409 = arith.addi %add3A_378, %select_n3A_408 : vector<16xi32>
    %reduce_sum3A_410 = arith.constant true
    %reduce_sum3A_411 = vector.broadcast %reduce_sum3A_410 : i1 to vector<16xi1>
    %reduce_sum3A_412 = tpu.scan <sum>, %select_n3A_396 masked %reduce_sum3A_411 : vector<16xi32>, vector<16xi1> -> vector<16xi32>
    %reduce_sum3A_413 = vector.extract %reduce_sum3A_412[15] : i32 from vector<16xi32>
    %eq3A_414 = arith.constant 4 : i32
    %eq3A_415 = vector.broadcast %eq3A_414 : i32 to vector<16xi32>
    %eq3A_416 = arith.cmpi eq, %iota3A, %eq3A_415 : vector<16xi32>
    %add3A_417 = vector.broadcast %reduce_sum3A_413 : i32 to vector<16xi32>
    %add3A_418 = arith.addi %select_n3A_388, %add3A_417 : vector<16xi32>
    %select_n3A_419 = arith.select %eq3A_416, %add3A_418, %select_n3A_388 : vector<16xi1>, vector<16xi32>
    %eq3A_420 = arith.constant 5 : i32
    %eq3A_421 = vector.broadcast %eq3A_420 : i32 to vector<16xi32>
    %eq3A_422 = arith.cmpi eq, %get3A_259, %eq3A_421 : vector<16xi32>
    %jit3A_423 = arith.constant 1 : i32
    %jit3A_424 = arith.constant 0 : i32
    %broadcast_in_dim3A_425 = vector.broadcast %jit3A_423 : i32 to vector<16xi32>
    %broadcast_in_dim3A_426 = vector.broadcast %jit3A_424 : i32 to vector<16xi32>
    %select_n3A_427 = arith.select %eq3A_422, %broadcast_in_dim3A_425, %broadcast_in_dim3A_426 : vector<16xi1>, vector<16xi32>
    %cumsum3A_428 = arith.constant true
    %cumsum3A_429 = vector.broadcast %cumsum3A_428 : i1 to vector<16xi1>
    %cumsum3A_430 = tpu.scan <sum>, %select_n3A_427 masked %cumsum3A_429 : vector<16xi32>, vector<16xi1> -> vector<16xi32>
    %eq3A_431 = arith.constant 5 : i32
    %eq3A_432 = vector.broadcast %eq3A_431 : i32 to vector<16xi32>
    %eq3A_433 = arith.cmpi eq, %get3A_259, %eq3A_432 : vector<16xi32>
    %sub3A_434 = arith.constant 1 : i32
    %sub3A_435 = vector.broadcast %sub3A_434 : i32 to vector<16xi32>
    %sub3A_436 = arith.subi %cumsum3A_430, %sub3A_435 : vector<16xi32>
    %jit3A_437 = arith.constant 0 : i32
    %broadcast_in_dim3A_438 = vector.broadcast %jit3A_437 : i32 to vector<16xi32>
    %select_n3A_439 = arith.select %eq3A_433, %sub3A_436, %broadcast_in_dim3A_438 : vector<16xi1>, vector<16xi32>
    %add3A_440 = arith.addi %add3A_409, %select_n3A_439 : vector<16xi32>
    %reduce_sum3A_441 = arith.constant true
    %reduce_sum3A_442 = vector.broadcast %reduce_sum3A_441 : i1 to vector<16xi1>
    %reduce_sum3A_443 = tpu.scan <sum>, %select_n3A_427 masked %reduce_sum3A_442 : vector<16xi32>, vector<16xi1> -> vector<16xi32>
    %reduce_sum3A_444 = vector.extract %reduce_sum3A_443[15] : i32 from vector<16xi32>
    %eq3A_445 = arith.constant 5 : i32
    %eq3A_446 = vector.broadcast %eq3A_445 : i32 to vector<16xi32>
    %eq3A_447 = arith.cmpi eq, %iota3A, %eq3A_446 : vector<16xi32>
    %add3A_448 = vector.broadcast %reduce_sum3A_444 : i32 to vector<16xi32>
    %add3A_449 = arith.addi %select_n3A_419, %add3A_448 : vector<16xi32>
    %select_n3A_450 = arith.select %eq3A_447, %add3A_449, %select_n3A_419 : vector<16xi1>, vector<16xi32>
    %eq3A_451 = arith.constant 6 : i32
    %eq3A_452 = vector.broadcast %eq3A_451 : i32 to vector<16xi32>
    %eq3A_453 = arith.cmpi eq, %get3A_259, %eq3A_452 : vector<16xi32>
    %jit3A_454 = arith.constant 1 : i32
    %jit3A_455 = arith.constant 0 : i32
    %broadcast_in_dim3A_456 = vector.broadcast %jit3A_454 : i32 to vector<16xi32>
    %broadcast_in_dim3A_457 = vector.broadcast %jit3A_455 : i32 to vector<16xi32>
    %select_n3A_458 = arith.select %eq3A_453, %broadcast_in_dim3A_456, %broadcast_in_dim3A_457 : vector<16xi1>, vector<16xi32>
    %cumsum3A_459 = arith.constant true
    %cumsum3A_460 = vector.broadcast %cumsum3A_459 : i1 to vector<16xi1>
    %cumsum3A_461 = tpu.scan <sum>, %select_n3A_458 masked %cumsum3A_460 : vector<16xi32>, vector<16xi1> -> vector<16xi32>
    %eq3A_462 = arith.constant 6 : i32
    %eq3A_463 = vector.broadcast %eq3A_462 : i32 to vector<16xi32>
    %eq3A_464 = arith.cmpi eq, %get3A_259, %eq3A_463 : vector<16xi32>
    %sub3A_465 = arith.constant 1 : i32
    %sub3A_466 = vector.broadcast %sub3A_465 : i32 to vector<16xi32>
    %sub3A_467 = arith.subi %cumsum3A_461, %sub3A_466 : vector<16xi32>
    %jit3A_468 = arith.constant 0 : i32
    %broadcast_in_dim3A_469 = vector.broadcast %jit3A_468 : i32 to vector<16xi32>
    %select_n3A_470 = arith.select %eq3A_464, %sub3A_467, %broadcast_in_dim3A_469 : vector<16xi1>, vector<16xi32>
    %add3A_471 = arith.addi %add3A_440, %select_n3A_470 : vector<16xi32>
    %reduce_sum3A_472 = arith.constant true
    %reduce_sum3A_473 = vector.broadcast %reduce_sum3A_472 : i1 to vector<16xi1>
    %reduce_sum3A_474 = tpu.scan <sum>, %select_n3A_458 masked %reduce_sum3A_473 : vector<16xi32>, vector<16xi1> -> vector<16xi32>
    %reduce_sum3A_475 = vector.extract %reduce_sum3A_474[15] : i32 from vector<16xi32>
    %eq3A_476 = arith.constant 6 : i32
    %eq3A_477 = vector.broadcast %eq3A_476 : i32 to vector<16xi32>
    %eq3A_478 = arith.cmpi eq, %iota3A, %eq3A_477 : vector<16xi32>
    %add3A_479 = vector.broadcast %reduce_sum3A_475 : i32 to vector<16xi32>
    %add3A_480 = arith.addi %select_n3A_450, %add3A_479 : vector<16xi32>
    %select_n3A_481 = arith.select %eq3A_478, %add3A_480, %select_n3A_450 : vector<16xi1>, vector<16xi32>
    %eq3A_482 = arith.constant 7 : i32
    %eq3A_483 = vector.broadcast %eq3A_482 : i32 to vector<16xi32>
    %eq3A_484 = arith.cmpi eq, %get3A_259, %eq3A_483 : vector<16xi32>
    %jit3A_485 = arith.constant 1 : i32
    %jit3A_486 = arith.constant 0 : i32
    %broadcast_in_dim3A_487 = vector.broadcast %jit3A_485 : i32 to vector<16xi32>
    %broadcast_in_dim3A_488 = vector.broadcast %jit3A_486 : i32 to vector<16xi32>
    %select_n3A_489 = arith.select %eq3A_484, %broadcast_in_dim3A_487, %broadcast_in_dim3A_488 : vector<16xi1>, vector<16xi32>
    %cumsum3A_490 = arith.constant true
    %cumsum3A_491 = vector.broadcast %cumsum3A_490 : i1 to vector<16xi1>
    %cumsum3A_492 = tpu.scan <sum>, %select_n3A_489 masked %cumsum3A_491 : vector<16xi32>, vector<16xi1> -> vector<16xi32>
    %eq3A_493 = arith.constant 7 : i32
    %eq3A_494 = vector.broadcast %eq3A_493 : i32 to vector<16xi32>
    %eq3A_495 = arith.cmpi eq, %get3A_259, %eq3A_494 : vector<16xi32>
    %sub3A_496 = arith.constant 1 : i32
    %sub3A_497 = vector.broadcast %sub3A_496 : i32 to vector<16xi32>
    %sub3A_498 = arith.subi %cumsum3A_492, %sub3A_497 : vector<16xi32>
    %jit3A_499 = arith.constant 0 : i32
    %broadcast_in_dim3A_500 = vector.broadcast %jit3A_499 : i32 to vector<16xi32>
    %select_n3A_501 = arith.select %eq3A_495, %sub3A_498, %broadcast_in_dim3A_500 : vector<16xi1>, vector<16xi32>
    %add3A_502 = arith.addi %add3A_471, %select_n3A_501 : vector<16xi32>
    %reduce_sum3A_503 = arith.constant true
    %reduce_sum3A_504 = vector.broadcast %reduce_sum3A_503 : i1 to vector<16xi1>
    %reduce_sum3A_505 = tpu.scan <sum>, %select_n3A_489 masked %reduce_sum3A_504 : vector<16xi32>, vector<16xi1> -> vector<16xi32>
    %reduce_sum3A_506 = vector.extract %reduce_sum3A_505[15] : i32 from vector<16xi32>
    %eq3A_507 = arith.constant 7 : i32
    %eq3A_508 = vector.broadcast %eq3A_507 : i32 to vector<16xi32>
    %eq3A_509 = arith.cmpi eq, %iota3A, %eq3A_508 : vector<16xi32>
    %add3A_510 = vector.broadcast %reduce_sum3A_506 : i32 to vector<16xi32>
    %add3A_511 = arith.addi %select_n3A_481, %add3A_510 : vector<16xi32>
    %select_n3A_512 = arith.select %eq3A_509, %add3A_511, %select_n3A_481 : vector<16xi1>, vector<16xi32>
    %add3A_513 = arith.addi %gather3A_262, %add3A_502 : vector<16xi32>
    %swap3A_514 = arith.constant 16 : index
    %swap3A_515 = tpu.vector_load %arg9[%swap3A_514] {strides = array<i32>} : memref<64xi32, #tpu.memory_space<vmem>>, vector<16xi32>,
    tpu.vector_store %arg9[%swap3A_514], %add3A_513 {strides = array<i32>} : memref<64xi32, #tpu.memory_space<vmem>>, vector<16xi32>,
    %get3A_516 = arith.constant 32 : index
    %get3A_517 = tpu.vector_load %arg7[%get3A_516] {strides = array<i32>} : memref<64xi32, #tpu.memory_space<vmem>>, vector<16xi32>,
    %broadcast_in_dim3A_518 = vector.shape_cast %get3A_517 : vector<16xi32> to vector<16x1xi32>
    %gather3A_519 = vector.shape_cast %broadcast_in_dim3A_518 : vector<16x1xi32> to vector<16xi32>
    %gather3A_520 = tpu.dynamic_gather %select_n3A_512[%gather3A_519] in [0] : vector<16xi32>, vector<16xi32> -> vector<16xi32>
    %broadcast_in_dim3A_521 = arith.constant 0 : i32
    %broadcast_in_dim3A_522 = vector.broadcast %broadcast_in_dim3A_521 : i32 to vector<16xi32>
    %eq3A_523 = arith.constant 0 : i32
    %eq3A_524 = vector.broadcast %eq3A_523 : i32 to vector<16xi32>
    %eq3A_525 = arith.cmpi eq, %get3A_517, %eq3A_524 : vector<16xi32>
    %jit3A_526 = arith.constant 1 : i32
    %jit3A_527 = arith.constant 0 : i32
    %broadcast_in_dim3A_528 = vector.broadcast %jit3A_526 : i32 to vector<16xi32>
    %broadcast_in_dim3A_529 = vector.broadcast %jit3A_527 : i32 to vector<16xi32>
    %select_n3A_530 = arith.select %eq3A_525, %broadcast_in_dim3A_528, %broadcast_in_dim3A_529 : vector<16xi1>, vector<16xi32>
    %cumsum3A_531 = arith.constant true
    %cumsum3A_532 = vector.broadcast %cumsum3A_531 : i1 to vector<16xi1>
    %cumsum3A_533 = tpu.scan <sum>, %select_n3A_530 masked %cumsum3A_532 : vector<16xi32>, vector<16xi1> -> vector<16xi32>
    %eq3A_534 = arith.constant 0 : i32
    %eq3A_535 = vector.broadcast %eq3A_534 : i32 to vector<16xi32>
    %eq3A_536 = arith.cmpi eq, %get3A_517, %eq3A_535 : vector<16xi32>
    %sub3A_537 = arith.constant 1 : i32
    %sub3A_538 = vector.broadcast %sub3A_537 : i32 to vector<16xi32>
    %sub3A_539 = arith.subi %cumsum3A_533, %sub3A_538 : vector<16xi32>
    %jit3A_540 = arith.constant 0 : i32
    %broadcast_in_dim3A_541 = vector.broadcast %jit3A_540 : i32 to vector<16xi32>
    %select_n3A_542 = arith.select %eq3A_536, %sub3A_539, %broadcast_in_dim3A_541 : vector<16xi1>, vector<16xi32>
    %add3A_543 = arith.addi %broadcast_in_dim3A_522, %select_n3A_542 : vector<16xi32>
    %reduce_sum3A_544 = arith.constant true
    %reduce_sum3A_545 = vector.broadcast %reduce_sum3A_544 : i1 to vector<16xi1>
    %reduce_sum3A_546 = tpu.scan <sum>, %select_n3A_530 masked %reduce_sum3A_545 : vector<16xi32>, vector<16xi1> -> vector<16xi32>
    %reduce_sum3A_547 = vector.extract %reduce_sum3A_546[15] : i32 from vector<16xi32>
    %eq3A_548 = arith.constant 0 : i32
    %eq3A_549 = vector.broadcast %eq3A_548 : i32 to vector<16xi32>
    %eq3A_550 = arith.cmpi eq, %iota3A, %eq3A_549 : vector<16xi32>
    %add3A_551 = vector.broadcast %reduce_sum3A_547 : i32 to vector<16xi32>
    %add3A_552 = arith.addi %select_n3A_512, %add3A_551 : vector<16xi32>
    %select_n3A_553 = arith.select %eq3A_550, %add3A_552, %select_n3A_512 : vector<16xi1>, vector<16xi32>
    %eq3A_554 = arith.constant 1 : i32
    %eq3A_555 = vector.broadcast %eq3A_554 : i32 to vector<16xi32>
    %eq3A_556 = arith.cmpi eq, %get3A_517, %eq3A_555 : vector<16xi32>
    %jit3A_557 = arith.constant 1 : i32
    %jit3A_558 = arith.constant 0 : i32
    %broadcast_in_dim3A_559 = vector.broadcast %jit3A_557 : i32 to vector<16xi32>
    %broadcast_in_dim3A_560 = vector.broadcast %jit3A_558 : i32 to vector<16xi32>
    %select_n3A_561 = arith.select %eq3A_556, %broadcast_in_dim3A_559, %broadcast_in_dim3A_560 : vector<16xi1>, vector<16xi32>
    %cumsum3A_562 = arith.constant true
    %cumsum3A_563 = vector.broadcast %cumsum3A_562 : i1 to vector<16xi1>
    %cumsum3A_564 = tpu.scan <sum>, %select_n3A_561 masked %cumsum3A_563 : vector<16xi32>, vector<16xi1> -> vector<16xi32>
    %eq3A_565 = arith.constant 1 : i32
    %eq3A_566 = vector.broadcast %eq3A_565 : i32 to vector<16xi32>
    %eq3A_567 = arith.cmpi eq, %get3A_517, %eq3A_566 : vector<16xi32>
    %sub3A_568 = arith.constant 1 : i32
    %sub3A_569 = vector.broadcast %sub3A_568 : i32 to vector<16xi32>
    %sub3A_570 = arith.subi %cumsum3A_564, %sub3A_569 : vector<16xi32>
    %jit3A_571 = arith.constant 0 : i32
    %broadcast_in_dim3A_572 = vector.broadcast %jit3A_571 : i32 to vector<16xi32>
    %select_n3A_573 = arith.select %eq3A_567, %sub3A_570, %broadcast_in_dim3A_572 : vector<16xi1>, vector<16xi32>
    %add3A_574 = arith.addi %add3A_543, %select_n3A_573 : vector<16xi32>
    %reduce_sum3A_575 = arith.constant true
    %reduce_sum3A_576 = vector.broadcast %reduce_sum3A_575 : i1 to vector<16xi1>
    %reduce_sum3A_577 = tpu.scan <sum>, %select_n3A_561 masked %reduce_sum3A_576 : vector<16xi32>, vector<16xi1> -> vector<16xi32>
    %reduce_sum3A_578 = vector.extract %reduce_sum3A_577[15] : i32 from vector<16xi32>
    %eq3A_579 = arith.constant 1 : i32
    %eq3A_580 = vector.broadcast %eq3A_579 : i32 to vector<16xi32>
    %eq3A_581 = arith.cmpi eq, %iota3A, %eq3A_580 : vector<16xi32>
    %add3A_582 = vector.broadcast %reduce_sum3A_578 : i32 to vector<16xi32>
    %add3A_583 = arith.addi %select_n3A_553, %add3A_582 : vector<16xi32>
    %select_n3A_584 = arith.select %eq3A_581, %add3A_583, %select_n3A_553 : vector<16xi1>, vector<16xi32>
    %eq3A_585 = arith.constant 2 : i32
    %eq3A_586 = vector.broadcast %eq3A_585 : i32 to vector<16xi32>
    %eq3A_587 = arith.cmpi eq, %get3A_517, %eq3A_586 : vector<16xi32>
    %jit3A_588 = arith.constant 1 : i32
    %jit3A_589 = arith.constant 0 : i32
    %broadcast_in_dim3A_590 = vector.broadcast %jit3A_588 : i32 to vector<16xi32>
    %broadcast_in_dim3A_591 = vector.broadcast %jit3A_589 : i32 to vector<16xi32>
    %select_n3A_592 = arith.select %eq3A_587, %broadcast_in_dim3A_590, %broadcast_in_dim3A_591 : vector<16xi1>, vector<16xi32>
    %cumsum3A_593 = arith.constant true
    %cumsum3A_594 = vector.broadcast %cumsum3A_593 : i1 to vector<16xi1>
    %cumsum3A_595 = tpu.scan <sum>, %select_n3A_592 masked %cumsum3A_594 : vector<16xi32>, vector<16xi1> -> vector<16xi32>
    %eq3A_596 = arith.constant 2 : i32
    %eq3A_597 = vector.broadcast %eq3A_596 : i32 to vector<16xi32>
    %eq3A_598 = arith.cmpi eq, %get3A_517, %eq3A_597 : vector<16xi32>
    %sub3A_599 = arith.constant 1 : i32
    %sub3A_600 = vector.broadcast %sub3A_599 : i32 to vector<16xi32>
    %sub3A_601 = arith.subi %cumsum3A_595, %sub3A_600 : vector<16xi32>
    %jit3A_602 = arith.constant 0 : i32
    %broadcast_in_dim3A_603 = vector.broadcast %jit3A_602 : i32 to vector<16xi32>
    %select_n3A_604 = arith.select %eq3A_598, %sub3A_601, %broadcast_in_dim3A_603 : vector<16xi1>, vector<16xi32>
    %add3A_605 = arith.addi %add3A_574, %select_n3A_604 : vector<16xi32>
    %reduce_sum3A_606 = arith.constant true
    %reduce_sum3A_607 = vector.broadcast %reduce_sum3A_606 : i1 to vector<16xi1>
    %reduce_sum3A_608 = tpu.scan <sum>, %select_n3A_592 masked %reduce_sum3A_607 : vector<16xi32>, vector<16xi1> -> vector<16xi32>
    %reduce_sum3A_609 = vector.extract %reduce_sum3A_608[15] : i32 from vector<16xi32>
    %eq3A_610 = arith.constant 2 : i32
    %eq3A_611 = vector.broadcast %eq3A_610 : i32 to vector<16xi32>
    %eq3A_612 = arith.cmpi eq, %iota3A, %eq3A_611 : vector<16xi32>
    %add3A_613 = vector.broadcast %reduce_sum3A_609 : i32 to vector<16xi32>
    %add3A_614 = arith.addi %select_n3A_584, %add3A_613 : vector<16xi32>
    %select_n3A_615 = arith.select %eq3A_612, %add3A_614, %select_n3A_584 : vector<16xi1>, vector<16xi32>
    %eq3A_616 = arith.constant 3 : i32
    %eq3A_617 = vector.broadcast %eq3A_616 : i32 to vector<16xi32>
    %eq3A_618 = arith.cmpi eq, %get3A_517, %eq3A_617 : vector<16xi32>
    %jit3A_619 = arith.constant 1 : i32
    %jit3A_620 = arith.constant 0 : i32
    %broadcast_in_dim3A_621 = vector.broadcast %jit3A_619 : i32 to vector<16xi32>
    %broadcast_in_dim3A_622 = vector.broadcast %jit3A_620 : i32 to vector<16xi32>
    %select_n3A_623 = arith.select %eq3A_618, %broadcast_in_dim3A_621, %broadcast_in_dim3A_622 : vector<16xi1>, vector<16xi32>
    %cumsum3A_624 = arith.constant true
    %cumsum3A_625 = vector.broadcast %cumsum3A_624 : i1 to vector<16xi1>
    %cumsum3A_626 = tpu.scan <sum>, %select_n3A_623 masked %cumsum3A_625 : vector<16xi32>, vector<16xi1> -> vector<16xi32>
    %eq3A_627 = arith.constant 3 : i32
    %eq3A_628 = vector.broadcast %eq3A_627 : i32 to vector<16xi32>
    %eq3A_629 = arith.cmpi eq, %get3A_517, %eq3A_628 : vector<16xi32>
    %sub3A_630 = arith.constant 1 : i32
    %sub3A_631 = vector.broadcast %sub3A_630 : i32 to vector<16xi32>
    %sub3A_632 = arith.subi %cumsum3A_626, %sub3A_631 : vector<16xi32>
    %jit3A_633 = arith.constant 0 : i32
    %broadcast_in_dim3A_634 = vector.broadcast %jit3A_633 : i32 to vector<16xi32>
    %select_n3A_635 = arith.select %eq3A_629, %sub3A_632, %broadcast_in_dim3A_634 : vector<16xi1>, vector<16xi32>
    %add3A_636 = arith.addi %add3A_605, %select_n3A_635 : vector<16xi32>
    %reduce_sum3A_637 = arith.constant true
    %reduce_sum3A_638 = vector.broadcast %reduce_sum3A_637 : i1 to vector<16xi1>
    %reduce_sum3A_639 = tpu.scan <sum>, %select_n3A_623 masked %reduce_sum3A_638 : vector<16xi32>, vector<16xi1> -> vector<16xi32>
    %reduce_sum3A_640 = vector.extract %reduce_sum3A_639[15] : i32 from vector<16xi32>
    %eq3A_641 = arith.constant 3 : i32
    %eq3A_642 = vector.broadcast %eq3A_641 : i32 to vector<16xi32>
    %eq3A_643 = arith.cmpi eq, %iota3A, %eq3A_642 : vector<16xi32>
    %add3A_644 = vector.broadcast %reduce_sum3A_640 : i32 to vector<16xi32>
    %add3A_645 = arith.addi %select_n3A_615, %add3A_644 : vector<16xi32>
    %select_n3A_646 = arith.select %eq3A_643, %add3A_645, %select_n3A_615 : vector<16xi1>, vector<16xi32>
    %eq3A_647 = arith.constant 4 : i32
    %eq3A_648 = vector.broadcast %eq3A_647 : i32 to vector<16xi32>
    %eq3A_649 = arith.cmpi eq, %get3A_517, %eq3A_648 : vector<16xi32>
    %jit3A_650 = arith.constant 1 : i32
    %jit3A_651 = arith.constant 0 : i32
    %broadcast_in_dim3A_652 = vector.broadcast %jit3A_650 : i32 to vector<16xi32>
    %broadcast_in_dim3A_653 = vector.broadcast %jit3A_651 : i32 to vector<16xi32>
    %select_n3A_654 = arith.select %eq3A_649, %broadcast_in_dim3A_652, %broadcast_in_dim3A_653 : vector<16xi1>, vector<16xi32>
    %cumsum3A_655 = arith.constant true
    %cumsum3A_656 = vector.broadcast %cumsum3A_655 : i1 to vector<16xi1>
    %cumsum3A_657 = tpu.scan <sum>, %select_n3A_654 masked %cumsum3A_656 : vector<16xi32>, vector<16xi1> -> vector<16xi32>
    %eq3A_658 = arith.constant 4 : i32
    %eq3A_659 = vector.broadcast %eq3A_658 : i32 to vector<16xi32>
    %eq3A_660 = arith.cmpi eq, %get3A_517, %eq3A_659 : vector<16xi32>
    %sub3A_661 = arith.constant 1 : i32
    %sub3A_662 = vector.broadcast %sub3A_661 : i32 to vector<16xi32>
    %sub3A_663 = arith.subi %cumsum3A_657, %sub3A_662 : vector<16xi32>
    %jit3A_664 = arith.constant 0 : i32
    %broadcast_in_dim3A_665 = vector.broadcast %jit3A_664 : i32 to vector<16xi32>
    %select_n3A_666 = arith.select %eq3A_660, %sub3A_663, %broadcast_in_dim3A_665 : vector<16xi1>, vector<16xi32>
    %add3A_667 = arith.addi %add3A_636, %select_n3A_666 : vector<16xi32>
    %reduce_sum3A_668 = arith.constant true
    %reduce_sum3A_669 = vector.broadcast %reduce_sum3A_668 : i1 to vector<16xi1>
    %reduce_sum3A_670 = tpu.scan <sum>, %select_n3A_654 masked %reduce_sum3A_669 : vector<16xi32>, vector<16xi1> -> vector<16xi32>
    %reduce_sum3A_671 = vector.extract %reduce_sum3A_670[15] : i32 from vector<16xi32>
    %eq3A_672 = arith.constant 4 : i32
    %eq3A_673 = vector.broadcast %eq3A_672 : i32 to vector<16xi32>
    %eq3A_674 = arith.cmpi eq, %iota3A, %eq3A_673 : vector<16xi32>
    %add3A_675 = vector.broadcast %reduce_sum3A_671 : i32 to vector<16xi32>
    %add3A_676 = arith.addi %select_n3A_646, %add3A_675 : vector<16xi32>
    %select_n3A_677 = arith.select %eq3A_674, %add3A_676, %select_n3A_646 : vector<16xi1>, vector<16xi32>
    %eq3A_678 = arith.constant 5 : i32
    %eq3A_679 = vector.broadcast %eq3A_678 : i32 to vector<16xi32>
    %eq3A_680 = arith.cmpi eq, %get3A_517, %eq3A_679 : vector<16xi32>
    %jit3A_681 = arith.constant 1 : i32
    %jit3A_682 = arith.constant 0 : i32
    %broadcast_in_dim3A_683 = vector.broadcast %jit3A_681 : i32 to vector<16xi32>
    %broadcast_in_dim3A_684 = vector.broadcast %jit3A_682 : i32 to vector<16xi32>
    %select_n3A_685 = arith.select %eq3A_680, %broadcast_in_dim3A_683, %broadcast_in_dim3A_684 : vector<16xi1>, vector<16xi32>
    %cumsum3A_686 = arith.constant true
    %cumsum3A_687 = vector.broadcast %cumsum3A_686 : i1 to vector<16xi1>
    %cumsum3A_688 = tpu.scan <sum>, %select_n3A_685 masked %cumsum3A_687 : vector<16xi32>, vector<16xi1> -> vector<16xi32>
    %eq3A_689 = arith.constant 5 : i32
    %eq3A_690 = vector.broadcast %eq3A_689 : i32 to vector<16xi32>
    %eq3A_691 = arith.cmpi eq, %get3A_517, %eq3A_690 : vector<16xi32>
    %sub3A_692 = arith.constant 1 : i32
    %sub3A_693 = vector.broadcast %sub3A_692 : i32 to vector<16xi32>
    %sub3A_694 = arith.subi %cumsum3A_688, %sub3A_693 : vector<16xi32>
    %jit3A_695 = arith.constant 0 : i32
    %broadcast_in_dim3A_696 = vector.broadcast %jit3A_695 : i32 to vector<16xi32>
    %select_n3A_697 = arith.select %eq3A_691, %sub3A_694, %broadcast_in_dim3A_696 : vector<16xi1>, vector<16xi32>
    %add3A_698 = arith.addi %add3A_667, %select_n3A_697 : vector<16xi32>
    %reduce_sum3A_699 = arith.constant true
    %reduce_sum3A_700 = vector.broadcast %reduce_sum3A_699 : i1 to vector<16xi1>
    %reduce_sum3A_701 = tpu.scan <sum>, %select_n3A_685 masked %reduce_sum3A_700 : vector<16xi32>, vector<16xi1> -> vector<16xi32>
    %reduce_sum3A_702 = vector.extract %reduce_sum3A_701[15] : i32 from vector<16xi32>
    %eq3A_703 = arith.constant 5 : i32
    %eq3A_704 = vector.broadcast %eq3A_703 : i32 to vector<16xi32>
    %eq3A_705 = arith.cmpi eq, %iota3A, %eq3A_704 : vector<16xi32>
    %add3A_706 = vector.broadcast %reduce_sum3A_702 : i32 to vector<16xi32>
    %add3A_707 = arith.addi %select_n3A_677, %add3A_706 : vector<16xi32>
    %select_n3A_708 = arith.select %eq3A_705, %add3A_707, %select_n3A_677 : vector<16xi1>, vector<16xi32>
    %eq3A_709 = arith.constant 6 : i32
    %eq3A_710 = vector.broadcast %eq3A_709 : i32 to vector<16xi32>
    %eq3A_711 = arith.cmpi eq, %get3A_517, %eq3A_710 : vector<16xi32>
    %jit3A_712 = arith.constant 1 : i32
    %jit3A_713 = arith.constant 0 : i32
    %broadcast_in_dim3A_714 = vector.broadcast %jit3A_712 : i32 to vector<16xi32>
    %broadcast_in_dim3A_715 = vector.broadcast %jit3A_713 : i32 to vector<16xi32>
    %select_n3A_716 = arith.select %eq3A_711, %broadcast_in_dim3A_714, %broadcast_in_dim3A_715 : vector<16xi1>, vector<16xi32>
    %cumsum3A_717 = arith.constant true
    %cumsum3A_718 = vector.broadcast %cumsum3A_717 : i1 to vector<16xi1>
    %cumsum3A_719 = tpu.scan <sum>, %select_n3A_716 masked %cumsum3A_718 : vector<16xi32>, vector<16xi1> -> vector<16xi32>
    %eq3A_720 = arith.constant 6 : i32
    %eq3A_721 = vector.broadcast %eq3A_720 : i32 to vector<16xi32>
    %eq3A_722 = arith.cmpi eq, %get3A_517, %eq3A_721 : vector<16xi32>
    %sub3A_723 = arith.constant 1 : i32
    %sub3A_724 = vector.broadcast %sub3A_723 : i32 to vector<16xi32>
    %sub3A_725 = arith.subi %cumsum3A_719, %sub3A_724 : vector<16xi32>
    %jit3A_726 = arith.constant 0 : i32
    %broadcast_in_dim3A_727 = vector.broadcast %jit3A_726 : i32 to vector<16xi32>
    %select_n3A_728 = arith.select %eq3A_722, %sub3A_725, %broadcast_in_dim3A_727 : vector<16xi1>, vector<16xi32>
    %add3A_729 = arith.addi %add3A_698, %select_n3A_728 : vector<16xi32>
    %reduce_sum3A_730 = arith.constant true
    %reduce_sum3A_731 = vector.broadcast %reduce_sum3A_730 : i1 to vector<16xi1>
    %reduce_sum3A_732 = tpu.scan <sum>, %select_n3A_716 masked %reduce_sum3A_731 : vector<16xi32>, vector<16xi1> -> vector<16xi32>
    %reduce_sum3A_733 = vector.extract %reduce_sum3A_732[15] : i32 from vector<16xi32>
    %eq3A_734 = arith.constant 6 : i32
    %eq3A_735 = vector.broadcast %eq3A_734 : i32 to vector<16xi32>
    %eq3A_736 = arith.cmpi eq, %iota3A, %eq3A_735 : vector<16xi32>
    %add3A_737 = vector.broadcast %reduce_sum3A_733 : i32 to vector<16xi32>
    %add3A_738 = arith.addi %select_n3A_708, %add3A_737 : vector<16xi32>
    %select_n3A_739 = arith.select %eq3A_736, %add3A_738, %select_n3A_708 : vector<16xi1>, vector<16xi32>
    %eq3A_740 = arith.constant 7 : i32
    %eq3A_741 = vector.broadcast %eq3A_740 : i32 to vector<16xi32>
    %eq3A_742 = arith.cmpi eq, %get3A_517, %eq3A_741 : vector<16xi32>
    %jit3A_743 = arith.constant 1 : i32
    %jit3A_744 = arith.constant 0 : i32
    %broadcast_in_dim3A_745 = vector.broadcast %jit3A_743 : i32 to vector<16xi32>
    %broadcast_in_dim3A_746 = vector.broadcast %jit3A_744 : i32 to vector<16xi32>
    %select_n3A_747 = arith.select %eq3A_742, %broadcast_in_dim3A_745, %broadcast_in_dim3A_746 : vector<16xi1>, vector<16xi32>
    %cumsum3A_748 = arith.constant true
    %cumsum3A_749 = vector.broadcast %cumsum3A_748 : i1 to vector<16xi1>
    %cumsum3A_750 = tpu.scan <sum>, %select_n3A_747 masked %cumsum3A_749 : vector<16xi32>, vector<16xi1> -> vector<16xi32>
    %eq3A_751 = arith.constant 7 : i32
    %eq3A_752 = vector.broadcast %eq3A_751 : i32 to vector<16xi32>
    %eq3A_753 = arith.cmpi eq, %get3A_517, %eq3A_752 : vector<16xi32>
    %sub3A_754 = arith.constant 1 : i32
    %sub3A_755 = vector.broadcast %sub3A_754 : i32 to vector<16xi32>
    %sub3A_756 = arith.subi %cumsum3A_750, %sub3A_755 : vector<16xi32>
    %jit3A_757 = arith.constant 0 : i32
    %broadcast_in_dim3A_758 = vector.broadcast %jit3A_757 : i32 to vector<16xi32>
    %select_n3A_759 = arith.select %eq3A_753, %sub3A_756, %broadcast_in_dim3A_758 : vector<16xi1>, vector<16xi32>
    %add3A_760 = arith.addi %add3A_729, %select_n3A_759 : vector<16xi32>
    %reduce_sum3A_761 = arith.constant true
    %reduce_sum3A_762 = vector.broadcast %reduce_sum3A_761 : i1 to vector<16xi1>
    %reduce_sum3A_763 = tpu.scan <sum>, %select_n3A_747 masked %reduce_sum3A_762 : vector<16xi32>, vector<16xi1> -> vector<16xi32>
    %reduce_sum3A_764 = vector.extract %reduce_sum3A_763[15] : i32 from vector<16xi32>
    %eq3A_765 = arith.constant 7 : i32
    %eq3A_766 = vector.broadcast %eq3A_765 : i32 to vector<16xi32>
    %eq3A_767 = arith.cmpi eq, %iota3A, %eq3A_766 : vector<16xi32>
    %add3A_768 = vector.broadcast %reduce_sum3A_764 : i32 to vector<16xi32>
    %add3A_769 = arith.addi %select_n3A_739, %add3A_768 : vector<16xi32>
    %select_n3A_770 = arith.select %eq3A_767, %add3A_769, %select_n3A_739 : vector<16xi1>, vector<16xi32>
    %add3A_771 = arith.addi %gather3A_520, %add3A_760 : vector<16xi32>
    %swap3A_772 = arith.constant 32 : index
    %swap3A_773 = tpu.vector_load %arg9[%swap3A_772] {strides = array<i32>} : memref<64xi32, #tpu.memory_space<vmem>>, vector<16xi32>,
    tpu.vector_store %arg9[%swap3A_772], %add3A_771 {strides = array<i32>} : memref<64xi32, #tpu.memory_space<vmem>>, vector<16xi32>,
    %get3A_774 = arith.constant 48 : index
    %get3A_775 = tpu.vector_load %arg7[%get3A_774] {strides = array<i32>} : memref<64xi32, #tpu.memory_space<vmem>>, vector<16xi32>,
    %broadcast_in_dim3A_776 = vector.shape_cast %get3A_775 : vector<16xi32> to vector<16x1xi32>
    %gather3A_777 = vector.shape_cast %broadcast_in_dim3A_776 : vector<16x1xi32> to vector<16xi32>
    %gather3A_778 = tpu.dynamic_gather %select_n3A_770[%gather3A_777] in [0] : vector<16xi32>, vector<16xi32> -> vector<16xi32>
    %broadcast_in_dim3A_779 = arith.constant 0 : i32
    %broadcast_in_dim3A_780 = vector.broadcast %broadcast_in_dim3A_779 : i32 to vector<16xi32>
    %eq3A_781 = arith.constant 0 : i32
    %eq3A_782 = vector.broadcast %eq3A_781 : i32 to vector<16xi32>
    %eq3A_783 = arith.cmpi eq, %get3A_775, %eq3A_782 : vector<16xi32>
    %jit3A_784 = arith.constant 1 : i32
    %jit3A_785 = arith.constant 0 : i32
    %broadcast_in_dim3A_786 = vector.broadcast %jit3A_784 : i32 to vector<16xi32>
    %broadcast_in_dim3A_787 = vector.broadcast %jit3A_785 : i32 to vector<16xi32>
    %select_n3A_788 = arith.select %eq3A_783, %broadcast_in_dim3A_786, %broadcast_in_dim3A_787 : vector<16xi1>, vector<16xi32>
    %cumsum3A_789 = arith.constant true
    %cumsum3A_790 = vector.broadcast %cumsum3A_789 : i1 to vector<16xi1>
    %cumsum3A_791 = tpu.scan <sum>, %select_n3A_788 masked %cumsum3A_790 : vector<16xi32>, vector<16xi1> -> vector<16xi32>
    %eq3A_792 = arith.constant 0 : i32
    %eq3A_793 = vector.broadcast %eq3A_792 : i32 to vector<16xi32>
    %eq3A_794 = arith.cmpi eq, %get3A_775, %eq3A_793 : vector<16xi32>
    %sub3A_795 = arith.constant 1 : i32
    %sub3A_796 = vector.broadcast %sub3A_795 : i32 to vector<16xi32>
    %sub3A_797 = arith.subi %cumsum3A_791, %sub3A_796 : vector<16xi32>
    %jit3A_798 = arith.constant 0 : i32
    %broadcast_in_dim3A_799 = vector.broadcast %jit3A_798 : i32 to vector<16xi32>
    %select_n3A_800 = arith.select %eq3A_794, %sub3A_797, %broadcast_in_dim3A_799 : vector<16xi1>, vector<16xi32>
    %add3A_801 = arith.addi %broadcast_in_dim3A_780, %select_n3A_800 : vector<16xi32>
    %reduce_sum3A_802 = arith.constant true
    %reduce_sum3A_803 = vector.broadcast %reduce_sum3A_802 : i1 to vector<16xi1>
    %reduce_sum3A_804 = tpu.scan <sum>, %select_n3A_788 masked %reduce_sum3A_803 : vector<16xi32>, vector<16xi1> -> vector<16xi32>
    %reduce_sum3A_805 = vector.extract %reduce_sum3A_804[15] : i32 from vector<16xi32>
    %eq3A_806 = arith.constant 0 : i32
    %eq3A_807 = vector.broadcast %eq3A_806 : i32 to vector<16xi32>
    %eq3A_808 = arith.cmpi eq, %iota3A, %eq3A_807 : vector<16xi32>
    %add3A_809 = vector.broadcast %reduce_sum3A_805 : i32 to vector<16xi32>
    %add3A_810 = arith.addi %select_n3A_770, %add3A_809 : vector<16xi32>
    %select_n3A_811 = arith.select %eq3A_808, %add3A_810, %select_n3A_770 : vector<16xi1>, vector<16xi32>
    %eq3A_812 = arith.constant 1 : i32
    %eq3A_813 = vector.broadcast %eq3A_812 : i32 to vector<16xi32>
    %eq3A_814 = arith.cmpi eq, %get3A_775, %eq3A_813 : vector<16xi32>
    %jit3A_815 = arith.constant 1 : i32
    %jit3A_816 = arith.constant 0 : i32
    %broadcast_in_dim3A_817 = vector.broadcast %jit3A_815 : i32 to vector<16xi32>
    %broadcast_in_dim3A_818 = vector.broadcast %jit3A_816 : i32 to vector<16xi32>
    %select_n3A_819 = arith.select %eq3A_814, %broadcast_in_dim3A_817, %broadcast_in_dim3A_818 : vector<16xi1>, vector<16xi32>
    %cumsum3A_820 = arith.constant true
    %cumsum3A_821 = vector.broadcast %cumsum3A_820 : i1 to vector<16xi1>
    %cumsum3A_822 = tpu.scan <sum>, %select_n3A_819 masked %cumsum3A_821 : vector<16xi32>, vector<16xi1> -> vector<16xi32>
    %eq3A_823 = arith.constant 1 : i32
    %eq3A_824 = vector.broadcast %eq3A_823 : i32 to vector<16xi32>
    %eq3A_825 = arith.cmpi eq, %get3A_775, %eq3A_824 : vector<16xi32>
    %sub3A_826 = arith.constant 1 : i32
    %sub3A_827 = vector.broadcast %sub3A_826 : i32 to vector<16xi32>
    %sub3A_828 = arith.subi %cumsum3A_822, %sub3A_827 : vector<16xi32>
    %jit3A_829 = arith.constant 0 : i32
    %broadcast_in_dim3A_830 = vector.broadcast %jit3A_829 : i32 to vector<16xi32>
    %select_n3A_831 = arith.select %eq3A_825, %sub3A_828, %broadcast_in_dim3A_830 : vector<16xi1>, vector<16xi32>
    %add3A_832 = arith.addi %add3A_801, %select_n3A_831 : vector<16xi32>
    %reduce_sum3A_833 = arith.constant true
    %reduce_sum3A_834 = vector.broadcast %reduce_sum3A_833 : i1 to vector<16xi1>
    %reduce_sum3A_835 = tpu.scan <sum>, %select_n3A_819 masked %reduce_sum3A_834 : vector<16xi32>, vector<16xi1> -> vector<16xi32>
    %reduce_sum3A_836 = vector.extract %reduce_sum3A_835[15] : i32 from vector<16xi32>
    %eq3A_837 = arith.constant 1 : i32
    %eq3A_838 = vector.broadcast %eq3A_837 : i32 to vector<16xi32>
    %eq3A_839 = arith.cmpi eq, %iota3A, %eq3A_838 : vector<16xi32>
    %add3A_840 = vector.broadcast %reduce_sum3A_836 : i32 to vector<16xi32>
    %add3A_841 = arith.addi %select_n3A_811, %add3A_840 : vector<16xi32>
    %select_n3A_842 = arith.select %eq3A_839, %add3A_841, %select_n3A_811 : vector<16xi1>, vector<16xi32>
    %eq3A_843 = arith.constant 2 : i32
    %eq3A_844 = vector.broadcast %eq3A_843 : i32 to vector<16xi32>
    %eq3A_845 = arith.cmpi eq, %get3A_775, %eq3A_844 : vector<16xi32>
    %jit3A_846 = arith.constant 1 : i32
    %jit3A_847 = arith.constant 0 : i32
    %broadcast_in_dim3A_848 = vector.broadcast %jit3A_846 : i32 to vector<16xi32>
    %broadcast_in_dim3A_849 = vector.broadcast %jit3A_847 : i32 to vector<16xi32>
    %select_n3A_850 = arith.select %eq3A_845, %broadcast_in_dim3A_848, %broadcast_in_dim3A_849 : vector<16xi1>, vector<16xi32>
    %cumsum3A_851 = arith.constant true
    %cumsum3A_852 = vector.broadcast %cumsum3A_851 : i1 to vector<16xi1>
    %cumsum3A_853 = tpu.scan <sum>, %select_n3A_850 masked %cumsum3A_852 : vector<16xi32>, vector<16xi1> -> vector<16xi32>
    %eq3A_854 = arith.constant 2 : i32
    %eq3A_855 = vector.broadcast %eq3A_854 : i32 to vector<16xi32>
    %eq3A_856 = arith.cmpi eq, %get3A_775, %eq3A_855 : vector<16xi32>
    %sub3A_857 = arith.constant 1 : i32
    %sub3A_858 = vector.broadcast %sub3A_857 : i32 to vector<16xi32>
    %sub3A_859 = arith.subi %cumsum3A_853, %sub3A_858 : vector<16xi32>
    %jit3A_860 = arith.constant 0 : i32
    %broadcast_in_dim3A_861 = vector.broadcast %jit3A_860 : i32 to vector<16xi32>
    %select_n3A_862 = arith.select %eq3A_856, %sub3A_859, %broadcast_in_dim3A_861 : vector<16xi1>, vector<16xi32>
    %add3A_863 = arith.addi %add3A_832, %select_n3A_862 : vector<16xi32>
    %reduce_sum3A_864 = arith.constant true
    %reduce_sum3A_865 = vector.broadcast %reduce_sum3A_864 : i1 to vector<16xi1>
    %reduce_sum3A_866 = tpu.scan <sum>, %select_n3A_850 masked %reduce_sum3A_865 : vector<16xi32>, vector<16xi1> -> vector<16xi32>
    %reduce_sum3A_867 = vector.extract %reduce_sum3A_866[15] : i32 from vector<16xi32>
    %eq3A_868 = arith.constant 2 : i32
    %eq3A_869 = vector.broadcast %eq3A_868 : i32 to vector<16xi32>
    %eq3A_870 = arith.cmpi eq, %iota3A, %eq3A_869 : vector<16xi32>
    %add3A_871 = vector.broadcast %reduce_sum3A_867 : i32 to vector<16xi32>
    %add3A_872 = arith.addi %select_n3A_842, %add3A_871 : vector<16xi32>
    %select_n3A_873 = arith.select %eq3A_870, %add3A_872, %select_n3A_842 : vector<16xi1>, vector<16xi32>
    %eq3A_874 = arith.constant 3 : i32
    %eq3A_875 = vector.broadcast %eq3A_874 : i32 to vector<16xi32>
    %eq3A_876 = arith.cmpi eq, %get3A_775, %eq3A_875 : vector<16xi32>
    %jit3A_877 = arith.constant 1 : i32
    %jit3A_878 = arith.constant 0 : i32
    %broadcast_in_dim3A_879 = vector.broadcast %jit3A_877 : i32 to vector<16xi32>
    %broadcast_in_dim3A_880 = vector.broadcast %jit3A_878 : i32 to vector<16xi32>
    %select_n3A_881 = arith.select %eq3A_876, %broadcast_in_dim3A_879, %broadcast_in_dim3A_880 : vector<16xi1>, vector<16xi32>
    %cumsum3A_882 = arith.constant true
    %cumsum3A_883 = vector.broadcast %cumsum3A_882 : i1 to vector<16xi1>
    %cumsum3A_884 = tpu.scan <sum>, %select_n3A_881 masked %cumsum3A_883 : vector<16xi32>, vector<16xi1> -> vector<16xi32>
    %eq3A_885 = arith.constant 3 : i32
    %eq3A_886 = vector.broadcast %eq3A_885 : i32 to vector<16xi32>
    %eq3A_887 = arith.cmpi eq, %get3A_775, %eq3A_886 : vector<16xi32>
    %sub3A_888 = arith.constant 1 : i32
    %sub3A_889 = vector.broadcast %sub3A_888 : i32 to vector<16xi32>
    %sub3A_890 = arith.subi %cumsum3A_884, %sub3A_889 : vector<16xi32>
    %jit3A_891 = arith.constant 0 : i32
    %broadcast_in_dim3A_892 = vector.broadcast %jit3A_891 : i32 to vector<16xi32>
    %select_n3A_893 = arith.select %eq3A_887, %sub3A_890, %broadcast_in_dim3A_892 : vector<16xi1>, vector<16xi32>
    %add3A_894 = arith.addi %add3A_863, %select_n3A_893 : vector<16xi32>
    %reduce_sum3A_895 = arith.constant true
    %reduce_sum3A_896 = vector.broadcast %reduce_sum3A_895 : i1 to vector<16xi1>
    %reduce_sum3A_897 = tpu.scan <sum>, %select_n3A_881 masked %reduce_sum3A_896 : vector<16xi32>, vector<16xi1> -> vector<16xi32>
    %reduce_sum3A_898 = vector.extract %reduce_sum3A_897[15] : i32 from vector<16xi32>
    %eq3A_899 = arith.constant 3 : i32
    %eq3A_900 = vector.broadcast %eq3A_899 : i32 to vector<16xi32>
    %eq3A_901 = arith.cmpi eq, %iota3A, %eq3A_900 : vector<16xi32>
    %add3A_902 = vector.broadcast %reduce_sum3A_898 : i32 to vector<16xi32>
    %add3A_903 = arith.addi %select_n3A_873, %add3A_902 : vector<16xi32>
    %select_n3A_904 = arith.select %eq3A_901, %add3A_903, %select_n3A_873 : vector<16xi1>, vector<16xi32>
    %eq3A_905 = arith.constant 4 : i32
    %eq3A_906 = vector.broadcast %eq3A_905 : i32 to vector<16xi32>
    %eq3A_907 = arith.cmpi eq, %get3A_775, %eq3A_906 : vector<16xi32>
    %jit3A_908 = arith.constant 1 : i32
    %jit3A_909 = arith.constant 0 : i32
    %broadcast_in_dim3A_910 = vector.broadcast %jit3A_908 : i32 to vector<16xi32>
    %broadcast_in_dim3A_911 = vector.broadcast %jit3A_909 : i32 to vector<16xi32>
    %select_n3A_912 = arith.select %eq3A_907, %broadcast_in_dim3A_910, %broadcast_in_dim3A_911 : vector<16xi1>, vector<16xi32>
    %cumsum3A_913 = arith.constant true
    %cumsum3A_914 = vector.broadcast %cumsum3A_913 : i1 to vector<16xi1>
    %cumsum3A_915 = tpu.scan <sum>, %select_n3A_912 masked %cumsum3A_914 : vector<16xi32>, vector<16xi1> -> vector<16xi32>
    %eq3A_916 = arith.constant 4 : i32
    %eq3A_917 = vector.broadcast %eq3A_916 : i32 to vector<16xi32>
    %eq3A_918 = arith.cmpi eq, %get3A_775, %eq3A_917 : vector<16xi32>
    %sub3A_919 = arith.constant 1 : i32
    %sub3A_920 = vector.broadcast %sub3A_919 : i32 to vector<16xi32>
    %sub3A_921 = arith.subi %cumsum3A_915, %sub3A_920 : vector<16xi32>
    %jit3A_922 = arith.constant 0 : i32
    %broadcast_in_dim3A_923 = vector.broadcast %jit3A_922 : i32 to vector<16xi32>
    %select_n3A_924 = arith.select %eq3A_918, %sub3A_921, %broadcast_in_dim3A_923 : vector<16xi1>, vector<16xi32>
    %add3A_925 = arith.addi %add3A_894, %select_n3A_924 : vector<16xi32>
    %reduce_sum3A_926 = arith.constant true
    %reduce_sum3A_927 = vector.broadcast %reduce_sum3A_926 : i1 to vector<16xi1>
    %reduce_sum3A_928 = tpu.scan <sum>, %select_n3A_912 masked %reduce_sum3A_927 : vector<16xi32>, vector<16xi1> -> vector<16xi32>
    %reduce_sum3A_929 = vector.extract %reduce_sum3A_928[15] : i32 from vector<16xi32>
    %eq3A_930 = arith.constant 4 : i32
    %eq3A_931 = vector.broadcast %eq3A_930 : i32 to vector<16xi32>
    %eq3A_932 = arith.cmpi eq, %iota3A, %eq3A_931 : vector<16xi32>
    %add3A_933 = vector.broadcast %reduce_sum3A_929 : i32 to vector<16xi32>
    %add3A_934 = arith.addi %select_n3A_904, %add3A_933 : vector<16xi32>
    %select_n3A_935 = arith.select %eq3A_932, %add3A_934, %select_n3A_904 : vector<16xi1>, vector<16xi32>
    %eq3A_936 = arith.constant 5 : i32
    %eq3A_937 = vector.broadcast %eq3A_936 : i32 to vector<16xi32>
    %eq3A_938 = arith.cmpi eq, %get3A_775, %eq3A_937 : vector<16xi32>
    %jit3A_939 = arith.constant 1 : i32
    %jit3A_940 = arith.constant 0 : i32
    %broadcast_in_dim3A_941 = vector.broadcast %jit3A_939 : i32 to vector<16xi32>
    %broadcast_in_dim3A_942 = vector.broadcast %jit3A_940 : i32 to vector<16xi32>
    %select_n3A_943 = arith.select %eq3A_938, %broadcast_in_dim3A_941, %broadcast_in_dim3A_942 : vector<16xi1>, vector<16xi32>
    %cumsum3A_944 = arith.constant true
    %cumsum3A_945 = vector.broadcast %cumsum3A_944 : i1 to vector<16xi1>
    %cumsum3A_946 = tpu.scan <sum>, %select_n3A_943 masked %cumsum3A_945 : vector<16xi32>, vector<16xi1> -> vector<16xi32>
    %eq3A_947 = arith.constant 5 : i32
    %eq3A_948 = vector.broadcast %eq3A_947 : i32 to vector<16xi32>
    %eq3A_949 = arith.cmpi eq, %get3A_775, %eq3A_948 : vector<16xi32>
    %sub3A_950 = arith.constant 1 : i32
    %sub3A_951 = vector.broadcast %sub3A_950 : i32 to vector<16xi32>
    %sub3A_952 = arith.subi %cumsum3A_946, %sub3A_951 : vector<16xi32>
    %jit3A_953 = arith.constant 0 : i32
    %broadcast_in_dim3A_954 = vector.broadcast %jit3A_953 : i32 to vector<16xi32>
    %select_n3A_955 = arith.select %eq3A_949, %sub3A_952, %broadcast_in_dim3A_954 : vector<16xi1>, vector<16xi32>
    %add3A_956 = arith.addi %add3A_925, %select_n3A_955 : vector<16xi32>
    %reduce_sum3A_957 = arith.constant true
    %reduce_sum3A_958 = vector.broadcast %reduce_sum3A_957 : i1 to vector<16xi1>
    %reduce_sum3A_959 = tpu.scan <sum>, %select_n3A_943 masked %reduce_sum3A_958 : vector<16xi32>, vector<16xi1> -> vector<16xi32>
    %reduce_sum3A_960 = vector.extract %reduce_sum3A_959[15] : i32 from vector<16xi32>
    %eq3A_961 = arith.constant 5 : i32
    %eq3A_962 = vector.broadcast %eq3A_961 : i32 to vector<16xi32>
    %eq3A_963 = arith.cmpi eq, %iota3A, %eq3A_962 : vector<16xi32>
    %add3A_964 = vector.broadcast %reduce_sum3A_960 : i32 to vector<16xi32>
    %add3A_965 = arith.addi %select_n3A_935, %add3A_964 : vector<16xi32>
    %select_n3A_966 = arith.select %eq3A_963, %add3A_965, %select_n3A_935 : vector<16xi1>, vector<16xi32>
    %eq3A_967 = arith.constant 6 : i32
    %eq3A_968 = vector.broadcast %eq3A_967 : i32 to vector<16xi32>
    %eq3A_969 = arith.cmpi eq, %get3A_775, %eq3A_968 : vector<16xi32>
    %jit3A_970 = arith.constant 1 : i32
    %jit3A_971 = arith.constant 0 : i32
    %broadcast_in_dim3A_972 = vector.broadcast %jit3A_970 : i32 to vector<16xi32>
    %broadcast_in_dim3A_973 = vector.broadcast %jit3A_971 : i32 to vector<16xi32>
    %select_n3A_974 = arith.select %eq3A_969, %broadcast_in_dim3A_972, %broadcast_in_dim3A_973 : vector<16xi1>, vector<16xi32>
    %cumsum3A_975 = arith.constant true
    %cumsum3A_976 = vector.broadcast %cumsum3A_975 : i1 to vector<16xi1>
    %cumsum3A_977 = tpu.scan <sum>, %select_n3A_974 masked %cumsum3A_976 : vector<16xi32>, vector<16xi1> -> vector<16xi32>
    %eq3A_978 = arith.constant 6 : i32
    %eq3A_979 = vector.broadcast %eq3A_978 : i32 to vector<16xi32>
    %eq3A_980 = arith.cmpi eq, %get3A_775, %eq3A_979 : vector<16xi32>
    %sub3A_981 = arith.constant 1 : i32
    %sub3A_982 = vector.broadcast %sub3A_981 : i32 to vector<16xi32>
    %sub3A_983 = arith.subi %cumsum3A_977, %sub3A_982 : vector<16xi32>
    %jit3A_984 = arith.constant 0 : i32
    %broadcast_in_dim3A_985 = vector.broadcast %jit3A_984 : i32 to vector<16xi32>
    %select_n3A_986 = arith.select %eq3A_980, %sub3A_983, %broadcast_in_dim3A_985 : vector<16xi1>, vector<16xi32>
    %add3A_987 = arith.addi %add3A_956, %select_n3A_986 : vector<16xi32>
    %reduce_sum3A_988 = arith.constant true
    %reduce_sum3A_989 = vector.broadcast %reduce_sum3A_988 : i1 to vector<16xi1>
    %reduce_sum3A_990 = tpu.scan <sum>, %select_n3A_974 masked %reduce_sum3A_989 : vector<16xi32>, vector<16xi1> -> vector<16xi32>
    %reduce_sum3A_991 = vector.extract %reduce_sum3A_990[15] : i32 from vector<16xi32>
    %eq3A_992 = arith.constant 6 : i32
    %eq3A_993 = vector.broadcast %eq3A_992 : i32 to vector<16xi32>
    %eq3A_994 = arith.cmpi eq, %iota3A, %eq3A_993 : vector<16xi32>
    %add3A_995 = vector.broadcast %reduce_sum3A_991 : i32 to vector<16xi32>
    %add3A_996 = arith.addi %select_n3A_966, %add3A_995 : vector<16xi32>
    %select_n3A_997 = arith.select %eq3A_994, %add3A_996, %select_n3A_966 : vector<16xi1>, vector<16xi32>
    %eq3A_998 = arith.constant 7 : i32
    %eq3A_999 = vector.broadcast %eq3A_998 : i32 to vector<16xi32>
    %eq3A_1000 = arith.cmpi eq, %get3A_775, %eq3A_999 : vector<16xi32>
    %jit3A_1001 = arith.constant 1 : i32
    %jit3A_1002 = arith.constant 0 : i32
    %broadcast_in_dim3A_1003 = vector.broadcast %jit3A_1001 : i32 to vector<16xi32>
    %broadcast_in_dim3A_1004 = vector.broadcast %jit3A_1002 : i32 to vector<16xi32>
    %select_n3A_1005 = arith.select %eq3A_1000, %broadcast_in_dim3A_1003, %broadcast_in_dim3A_1004 : vector<16xi1>, vector<16xi32>
    %cumsum3A_1006 = arith.constant true
    %cumsum3A_1007 = vector.broadcast %cumsum3A_1006 : i1 to vector<16xi1>
    %cumsum3A_1008 = tpu.scan <sum>, %select_n3A_1005 masked %cumsum3A_1007 : vector<16xi32>, vector<16xi1> -> vector<16xi32>
    %eq3A_1009 = arith.constant 7 : i32
    %eq3A_1010 = vector.broadcast %eq3A_1009 : i32 to vector<16xi32>
    %eq3A_1011 = arith.cmpi eq, %get3A_775, %eq3A_1010 : vector<16xi32>
    %sub3A_1012 = arith.constant 1 : i32
    %sub3A_1013 = vector.broadcast %sub3A_1012 : i32 to vector<16xi32>
    %sub3A_1014 = arith.subi %cumsum3A_1008, %sub3A_1013 : vector<16xi32>
    %jit3A_1015 = arith.constant 0 : i32
    %broadcast_in_dim3A_1016 = vector.broadcast %jit3A_1015 : i32 to vector<16xi32>
    %select_n3A_1017 = arith.select %eq3A_1011, %sub3A_1014, %broadcast_in_dim3A_1016 : vector<16xi1>, vector<16xi32>
    %add3A_1018 = arith.addi %add3A_987, %select_n3A_1017 : vector<16xi32>
    %reduce_sum3A_1019 = arith.constant true
    %reduce_sum3A_1020 = vector.broadcast %reduce_sum3A_1019 : i1 to vector<16xi1>
    %reduce_sum3A_1021 = tpu.scan <sum>, %select_n3A_1005 masked %reduce_sum3A_1020 : vector<16xi32>, vector<16xi1> -> vector<16xi32>
    %reduce_sum3A_1022 = vector.extract %reduce_sum3A_1021[15] : i32 from vector<16xi32>
    %eq3A_1023 = arith.constant 7 : i32
    %eq3A_1024 = vector.broadcast %eq3A_1023 : i32 to vector<16xi32>
    %eq3A_1025 = arith.cmpi eq, %iota3A, %eq3A_1024 : vector<16xi32>
    %add3A_1026 = vector.broadcast %reduce_sum3A_1022 : i32 to vector<16xi32>
    %add3A_1027 = arith.addi %select_n3A_997, %add3A_1026 : vector<16xi32>
    %select_n3A_1028 = arith.select %eq3A_1025, %add3A_1027, %select_n3A_997 : vector<16xi1>, vector<16xi32>
    %add3A_1029 = arith.addi %gather3A_778, %add3A_1018 : vector<16xi32>
    %swap3A_1030 = arith.constant 48 : index
    %swap3A_1031 = tpu.vector_load %arg9[%swap3A_1030] {strides = array<i32>} : memref<64xi32, #tpu.memory_space<vmem>>, vector<16xi32>,
    tpu.vector_store %arg9[%swap3A_1030], %add3A_1029 {strides = array<i32>} : memref<64xi32, #tpu.memory_space<vmem>>, vector<16xi32>,
    %get3A_1032 = arith.constant 0 : index
    %get3A_1033 = tpu.vector_load %arg8[%get3A_1032] {strides = array<i32>} : memref<64xi32, #tpu.memory_space<vmem>>, vector<16xi32>,
    %broadcast_in_dim3A_1034 = vector.shape_cast %get3A_1033 : vector<16xi32> to vector<16x1xi32>
    %gather3A_1035 = vector.shape_cast %broadcast_in_dim3A_1034 : vector<16x1xi32> to vector<16xi32>
    %gather3A_1036 = tpu.dynamic_gather %select_n3A_1028[%gather3A_1035] in [0] : vector<16xi32>, vector<16xi32> -> vector<16xi32>
    %broadcast_in_dim3A_1037 = arith.constant 0 : i32
    %broadcast_in_dim3A_1038 = vector.broadcast %broadcast_in_dim3A_1037 : i32 to vector<16xi32>
    %eq3A_1039 = arith.constant 0 : i32
    %eq3A_1040 = vector.broadcast %eq3A_1039 : i32 to vector<16xi32>
    %eq3A_1041 = arith.cmpi eq, %get3A_1033, %eq3A_1040 : vector<16xi32>
    %jit3A_1042 = arith.constant 1 : i32
    %jit3A_1043 = arith.constant 0 : i32
    %broadcast_in_dim3A_1044 = vector.broadcast %jit3A_1042 : i32 to vector<16xi32>
    %broadcast_in_dim3A_1045 = vector.broadcast %jit3A_1043 : i32 to vector<16xi32>
    %select_n3A_1046 = arith.select %eq3A_1041, %broadcast_in_dim3A_1044, %broadcast_in_dim3A_1045 : vector<16xi1>, vector<16xi32>
    %cumsum3A_1047 = arith.constant true
    %cumsum3A_1048 = vector.broadcast %cumsum3A_1047 : i1 to vector<16xi1>
    %cumsum3A_1049 = tpu.scan <sum>, %select_n3A_1046 masked %cumsum3A_1048 : vector<16xi32>, vector<16xi1> -> vector<16xi32>
    %eq3A_1050 = arith.constant 0 : i32
    %eq3A_1051 = vector.broadcast %eq3A_1050 : i32 to vector<16xi32>
    %eq3A_1052 = arith.cmpi eq, %get3A_1033, %eq3A_1051 : vector<16xi32>
    %sub3A_1053 = arith.constant 1 : i32
    %sub3A_1054 = vector.broadcast %sub3A_1053 : i32 to vector<16xi32>
    %sub3A_1055 = arith.subi %cumsum3A_1049, %sub3A_1054 : vector<16xi32>
    %jit3A_1056 = arith.constant 0 : i32
    %broadcast_in_dim3A_1057 = vector.broadcast %jit3A_1056 : i32 to vector<16xi32>
    %select_n3A_1058 = arith.select %eq3A_1052, %sub3A_1055, %broadcast_in_dim3A_1057 : vector<16xi1>, vector<16xi32>
    %add3A_1059 = arith.addi %broadcast_in_dim3A_1038, %select_n3A_1058 : vector<16xi32>
    %reduce_sum3A_1060 = arith.constant true
    %reduce_sum3A_1061 = vector.broadcast %reduce_sum3A_1060 : i1 to vector<16xi1>
    %reduce_sum3A_1062 = tpu.scan <sum>, %select_n3A_1046 masked %reduce_sum3A_1061 : vector<16xi32>, vector<16xi1> -> vector<16xi32>
    %reduce_sum3A_1063 = vector.extract %reduce_sum3A_1062[15] : i32 from vector<16xi32>
    %eq3A_1064 = arith.constant 0 : i32
    %eq3A_1065 = vector.broadcast %eq3A_1064 : i32 to vector<16xi32>
    %eq3A_1066 = arith.cmpi eq, %iota3A, %eq3A_1065 : vector<16xi32>
    %add3A_1067 = vector.broadcast %reduce_sum3A_1063 : i32 to vector<16xi32>
    %add3A_1068 = arith.addi %select_n3A_1028, %add3A_1067 : vector<16xi32>
    %select_n3A_1069 = arith.select %eq3A_1066, %add3A_1068, %select_n3A_1028 : vector<16xi1>, vector<16xi32>
    %eq3A_1070 = arith.constant 1 : i32
    %eq3A_1071 = vector.broadcast %eq3A_1070 : i32 to vector<16xi32>
    %eq3A_1072 = arith.cmpi eq, %get3A_1033, %eq3A_1071 : vector<16xi32>
    %jit3A_1073 = arith.constant 1 : i32
    %jit3A_1074 = arith.constant 0 : i32
    %broadcast_in_dim3A_1075 = vector.broadcast %jit3A_1073 : i32 to vector<16xi32>
    %broadcast_in_dim3A_1076 = vector.broadcast %jit3A_1074 : i32 to vector<16xi32>
    %select_n3A_1077 = arith.select %eq3A_1072, %broadcast_in_dim3A_1075, %broadcast_in_dim3A_1076 : vector<16xi1>, vector<16xi32>
    %cumsum3A_1078 = arith.constant true
    %cumsum3A_1079 = vector.broadcast %cumsum3A_1078 : i1 to vector<16xi1>
    %cumsum3A_1080 = tpu.scan <sum>, %select_n3A_1077 masked %cumsum3A_1079 : vector<16xi32>, vector<16xi1> -> vector<16xi32>
    %eq3A_1081 = arith.constant 1 : i32
    %eq3A_1082 = vector.broadcast %eq3A_1081 : i32 to vector<16xi32>
    %eq3A_1083 = arith.cmpi eq, %get3A_1033, %eq3A_1082 : vector<16xi32>
    %sub3A_1084 = arith.constant 1 : i32
    %sub3A_1085 = vector.broadcast %sub3A_1084 : i32 to vector<16xi32>
    %sub3A_1086 = arith.subi %cumsum3A_1080, %sub3A_1085 : vector<16xi32>
    %jit3A_1087 = arith.constant 0 : i32
    %broadcast_in_dim3A_1088 = vector.broadcast %jit3A_1087 : i32 to vector<16xi32>
    %select_n3A_1089 = arith.select %eq3A_1083, %sub3A_1086, %broadcast_in_dim3A_1088 : vector<16xi1>, vector<16xi32>
    %add3A_1090 = arith.addi %add3A_1059, %select_n3A_1089 : vector<16xi32>
    %reduce_sum3A_1091 = arith.constant true
    %reduce_sum3A_1092 = vector.broadcast %reduce_sum3A_1091 : i1 to vector<16xi1>
    %reduce_sum3A_1093 = tpu.scan <sum>, %select_n3A_1077 masked %reduce_sum3A_1092 : vector<16xi32>, vector<16xi1> -> vector<16xi32>
    %reduce_sum3A_1094 = vector.extract %reduce_sum3A_1093[15] : i32 from vector<16xi32>
    %eq3A_1095 = arith.constant 1 : i32
    %eq3A_1096 = vector.broadcast %eq3A_1095 : i32 to vector<16xi32>
    %eq3A_1097 = arith.cmpi eq, %iota3A, %eq3A_1096 : vector<16xi32>
    %add3A_1098 = vector.broadcast %reduce_sum3A_1094 : i32 to vector<16xi32>
    %add3A_1099 = arith.addi %select_n3A_1069, %add3A_1098 : vector<16xi32>
    %select_n3A_1100 = arith.select %eq3A_1097, %add3A_1099, %select_n3A_1069 : vector<16xi1>, vector<16xi32>
    %eq3A_1101 = arith.constant 2 : i32
    %eq3A_1102 = vector.broadcast %eq3A_1101 : i32 to vector<16xi32>
    %eq3A_1103 = arith.cmpi eq, %get3A_1033, %eq3A_1102 : vector<16xi32>
    %jit3A_1104 = arith.constant 1 : i32
    %jit3A_1105 = arith.constant 0 : i32
    %broadcast_in_dim3A_1106 = vector.broadcast %jit3A_1104 : i32 to vector<16xi32>
    %broadcast_in_dim3A_1107 = vector.broadcast %jit3A_1105 : i32 to vector<16xi32>
    %select_n3A_1108 = arith.select %eq3A_1103, %broadcast_in_dim3A_1106, %broadcast_in_dim3A_1107 : vector<16xi1>, vector<16xi32>
    %cumsum3A_1109 = arith.constant true
    %cumsum3A_1110 = vector.broadcast %cumsum3A_1109 : i1 to vector<16xi1>
    %cumsum3A_1111 = tpu.scan <sum>, %select_n3A_1108 masked %cumsum3A_1110 : vector<16xi32>, vector<16xi1> -> vector<16xi32>
    %eq3A_1112 = arith.constant 2 : i32
    %eq3A_1113 = vector.broadcast %eq3A_1112 : i32 to vector<16xi32>
    %eq3A_1114 = arith.cmpi eq, %get3A_1033, %eq3A_1113 : vector<16xi32>
    %sub3A_1115 = arith.constant 1 : i32
    %sub3A_1116 = vector.broadcast %sub3A_1115 : i32 to vector<16xi32>
    %sub3A_1117 = arith.subi %cumsum3A_1111, %sub3A_1116 : vector<16xi32>
    %jit3A_1118 = arith.constant 0 : i32
    %broadcast_in_dim3A_1119 = vector.broadcast %jit3A_1118 : i32 to vector<16xi32>
    %select_n3A_1120 = arith.select %eq3A_1114, %sub3A_1117, %broadcast_in_dim3A_1119 : vector<16xi1>, vector<16xi32>
    %add3A_1121 = arith.addi %add3A_1090, %select_n3A_1120 : vector<16xi32>
    %reduce_sum3A_1122 = arith.constant true
    %reduce_sum3A_1123 = vector.broadcast %reduce_sum3A_1122 : i1 to vector<16xi1>
    %reduce_sum3A_1124 = tpu.scan <sum>, %select_n3A_1108 masked %reduce_sum3A_1123 : vector<16xi32>, vector<16xi1> -> vector<16xi32>
    %reduce_sum3A_1125 = vector.extract %reduce_sum3A_1124[15] : i32 from vector<16xi32>
    %eq3A_1126 = arith.constant 2 : i32
    %eq3A_1127 = vector.broadcast %eq3A_1126 : i32 to vector<16xi32>
    %eq3A_1128 = arith.cmpi eq, %iota3A, %eq3A_1127 : vector<16xi32>
    %add3A_1129 = vector.broadcast %reduce_sum3A_1125 : i32 to vector<16xi32>
    %add3A_1130 = arith.addi %select_n3A_1100, %add3A_1129 : vector<16xi32>
    %select_n3A_1131 = arith.select %eq3A_1128, %add3A_1130, %select_n3A_1100 : vector<16xi1>, vector<16xi32>
    %eq3A_1132 = arith.constant 3 : i32
    %eq3A_1133 = vector.broadcast %eq3A_1132 : i32 to vector<16xi32>
    %eq3A_1134 = arith.cmpi eq, %get3A_1033, %eq3A_1133 : vector<16xi32>
    %jit3A_1135 = arith.constant 1 : i32
    %jit3A_1136 = arith.constant 0 : i32
    %broadcast_in_dim3A_1137 = vector.broadcast %jit3A_1135 : i32 to vector<16xi32>
    %broadcast_in_dim3A_1138 = vector.broadcast %jit3A_1136 : i32 to vector<16xi32>
    %select_n3A_1139 = arith.select %eq3A_1134, %broadcast_in_dim3A_1137, %broadcast_in_dim3A_1138 : vector<16xi1>, vector<16xi32>
    %cumsum3A_1140 = arith.constant true
    %cumsum3A_1141 = vector.broadcast %cumsum3A_1140 : i1 to vector<16xi1>
    %cumsum3A_1142 = tpu.scan <sum>, %select_n3A_1139 masked %cumsum3A_1141 : vector<16xi32>, vector<16xi1> -> vector<16xi32>
    %eq3A_1143 = arith.constant 3 : i32
    %eq3A_1144 = vector.broadcast %eq3A_1143 : i32 to vector<16xi32>
    %eq3A_1145 = arith.cmpi eq, %get3A_1033, %eq3A_1144 : vector<16xi32>
    %sub3A_1146 = arith.constant 1 : i32
    %sub3A_1147 = vector.broadcast %sub3A_1146 : i32 to vector<16xi32>
    %sub3A_1148 = arith.subi %cumsum3A_1142, %sub3A_1147 : vector<16xi32>
    %jit3A_1149 = arith.constant 0 : i32
    %broadcast_in_dim3A_1150 = vector.broadcast %jit3A_1149 : i32 to vector<16xi32>
    %select_n3A_1151 = arith.select %eq3A_1145, %sub3A_1148, %broadcast_in_dim3A_1150 : vector<16xi1>, vector<16xi32>
    %add3A_1152 = arith.addi %add3A_1121, %select_n3A_1151 : vector<16xi32>
    %reduce_sum3A_1153 = arith.constant true
    %reduce_sum3A_1154 = vector.broadcast %reduce_sum3A_1153 : i1 to vector<16xi1>
    %reduce_sum3A_1155 = tpu.scan <sum>, %select_n3A_1139 masked %reduce_sum3A_1154 : vector<16xi32>, vector<16xi1> -> vector<16xi32>
    %reduce_sum3A_1156 = vector.extract %reduce_sum3A_1155[15] : i32 from vector<16xi32>
    %eq3A_1157 = arith.constant 3 : i32
    %eq3A_1158 = vector.broadcast %eq3A_1157 : i32 to vector<16xi32>
    %eq3A_1159 = arith.cmpi eq, %iota3A, %eq3A_1158 : vector<16xi32>
    %add3A_1160 = vector.broadcast %reduce_sum3A_1156 : i32 to vector<16xi32>
    %add3A_1161 = arith.addi %select_n3A_1131, %add3A_1160 : vector<16xi32>
    %select_n3A_1162 = arith.select %eq3A_1159, %add3A_1161, %select_n3A_1131 : vector<16xi1>, vector<16xi32>
    %eq3A_1163 = arith.constant 4 : i32
    %eq3A_1164 = vector.broadcast %eq3A_1163 : i32 to vector<16xi32>
    %eq3A_1165 = arith.cmpi eq, %get3A_1033, %eq3A_1164 : vector<16xi32>
    %jit3A_1166 = arith.constant 1 : i32
    %jit3A_1167 = arith.constant 0 : i32
    %broadcast_in_dim3A_1168 = vector.broadcast %jit3A_1166 : i32 to vector<16xi32>
    %broadcast_in_dim3A_1169 = vector.broadcast %jit3A_1167 : i32 to vector<16xi32>
    %select_n3A_1170 = arith.select %eq3A_1165, %broadcast_in_dim3A_1168, %broadcast_in_dim3A_1169 : vector<16xi1>, vector<16xi32>
    %cumsum3A_1171 = arith.constant true
    %cumsum3A_1172 = vector.broadcast %cumsum3A_1171 : i1 to vector<16xi1>
    %cumsum3A_1173 = tpu.scan <sum>, %select_n3A_1170 masked %cumsum3A_1172 : vector<16xi32>, vector<16xi1> -> vector<16xi32>
    %eq3A_1174 = arith.constant 4 : i32
    %eq3A_1175 = vector.broadcast %eq3A_1174 : i32 to vector<16xi32>
    %eq3A_1176 = arith.cmpi eq, %get3A_1033, %eq3A_1175 : vector<16xi32>
    %sub3A_1177 = arith.constant 1 : i32
    %sub3A_1178 = vector.broadcast %sub3A_1177 : i32 to vector<16xi32>
    %sub3A_1179 = arith.subi %cumsum3A_1173, %sub3A_1178 : vector<16xi32>
    %jit3A_1180 = arith.constant 0 : i32
    %broadcast_in_dim3A_1181 = vector.broadcast %jit3A_1180 : i32 to vector<16xi32>
    %select_n3A_1182 = arith.select %eq3A_1176, %sub3A_1179, %broadcast_in_dim3A_1181 : vector<16xi1>, vector<16xi32>
    %add3A_1183 = arith.addi %add3A_1152, %select_n3A_1182 : vector<16xi32>
    %reduce_sum3A_1184 = arith.constant true
    %reduce_sum3A_1185 = vector.broadcast %reduce_sum3A_1184 : i1 to vector<16xi1>
    %reduce_sum3A_1186 = tpu.scan <sum>, %select_n3A_1170 masked %reduce_sum3A_1185 : vector<16xi32>, vector<16xi1> -> vector<16xi32>
    %reduce_sum3A_1187 = vector.extract %reduce_sum3A_1186[15] : i32 from vector<16xi32>
    %eq3A_1188 = arith.constant 4 : i32
    %eq3A_1189 = vector.broadcast %eq3A_1188 : i32 to vector<16xi32>
    %eq3A_1190 = arith.cmpi eq, %iota3A, %eq3A_1189 : vector<16xi32>
    %add3A_1191 = vector.broadcast %reduce_sum3A_1187 : i32 to vector<16xi32>
    %add3A_1192 = arith.addi %select_n3A_1162, %add3A_1191 : vector<16xi32>
    %select_n3A_1193 = arith.select %eq3A_1190, %add3A_1192, %select_n3A_1162 : vector<16xi1>, vector<16xi32>
    %eq3A_1194 = arith.constant 5 : i32
    %eq3A_1195 = vector.broadcast %eq3A_1194 : i32 to vector<16xi32>
    %eq3A_1196 = arith.cmpi eq, %get3A_1033, %eq3A_1195 : vector<16xi32>
    %jit3A_1197 = arith.constant 1 : i32
    %jit3A_1198 = arith.constant 0 : i32
    %broadcast_in_dim3A_1199 = vector.broadcast %jit3A_1197 : i32 to vector<16xi32>
    %broadcast_in_dim3A_1200 = vector.broadcast %jit3A_1198 : i32 to vector<16xi32>
    %select_n3A_1201 = arith.select %eq3A_1196, %broadcast_in_dim3A_1199, %broadcast_in_dim3A_1200 : vector<16xi1>, vector<16xi32>
    %cumsum3A_1202 = arith.constant true
    %cumsum3A_1203 = vector.broadcast %cumsum3A_1202 : i1 to vector<16xi1>
    %cumsum3A_1204 = tpu.scan <sum>, %select_n3A_1201 masked %cumsum3A_1203 : vector<16xi32>, vector<16xi1> -> vector<16xi32>
    %eq3A_1205 = arith.constant 5 : i32
    %eq3A_1206 = vector.broadcast %eq3A_1205 : i32 to vector<16xi32>
    %eq3A_1207 = arith.cmpi eq, %get3A_1033, %eq3A_1206 : vector<16xi32>
    %sub3A_1208 = arith.constant 1 : i32
    %sub3A_1209 = vector.broadcast %sub3A_1208 : i32 to vector<16xi32>
    %sub3A_1210 = arith.subi %cumsum3A_1204, %sub3A_1209 : vector<16xi32>
    %jit3A_1211 = arith.constant 0 : i32
    %broadcast_in_dim3A_1212 = vector.broadcast %jit3A_1211 : i32 to vector<16xi32>
    %select_n3A_1213 = arith.select %eq3A_1207, %sub3A_1210, %broadcast_in_dim3A_1212 : vector<16xi1>, vector<16xi32>
    %add3A_1214 = arith.addi %add3A_1183, %select_n3A_1213 : vector<16xi32>
    %reduce_sum3A_1215 = arith.constant true
    %reduce_sum3A_1216 = vector.broadcast %reduce_sum3A_1215 : i1 to vector<16xi1>
    %reduce_sum3A_1217 = tpu.scan <sum>, %select_n3A_1201 masked %reduce_sum3A_1216 : vector<16xi32>, vector<16xi1> -> vector<16xi32>
    %reduce_sum3A_1218 = vector.extract %reduce_sum3A_1217[15] : i32 from vector<16xi32>
    %eq3A_1219 = arith.constant 5 : i32
    %eq3A_1220 = vector.broadcast %eq3A_1219 : i32 to vector<16xi32>
    %eq3A_1221 = arith.cmpi eq, %iota3A, %eq3A_1220 : vector<16xi32>
    %add3A_1222 = vector.broadcast %reduce_sum3A_1218 : i32 to vector<16xi32>
    %add3A_1223 = arith.addi %select_n3A_1193, %add3A_1222 : vector<16xi32>
    %select_n3A_1224 = arith.select %eq3A_1221, %add3A_1223, %select_n3A_1193 : vector<16xi1>, vector<16xi32>
    %eq3A_1225 = arith.constant 6 : i32
    %eq3A_1226 = vector.broadcast %eq3A_1225 : i32 to vector<16xi32>
    %eq3A_1227 = arith.cmpi eq, %get3A_1033, %eq3A_1226 : vector<16xi32>
    %jit3A_1228 = arith.constant 1 : i32
    %jit3A_1229 = arith.constant 0 : i32
    %broadcast_in_dim3A_1230 = vector.broadcast %jit3A_1228 : i32 to vector<16xi32>
    %broadcast_in_dim3A_1231 = vector.broadcast %jit3A_1229 : i32 to vector<16xi32>
    %select_n3A_1232 = arith.select %eq3A_1227, %broadcast_in_dim3A_1230, %broadcast_in_dim3A_1231 : vector<16xi1>, vector<16xi32>
    %cumsum3A_1233 = arith.constant true
    %cumsum3A_1234 = vector.broadcast %cumsum3A_1233 : i1 to vector<16xi1>
    %cumsum3A_1235 = tpu.scan <sum>, %select_n3A_1232 masked %cumsum3A_1234 : vector<16xi32>, vector<16xi1> -> vector<16xi32>
    %eq3A_1236 = arith.constant 6 : i32
    %eq3A_1237 = vector.broadcast %eq3A_1236 : i32 to vector<16xi32>
    %eq3A_1238 = arith.cmpi eq, %get3A_1033, %eq3A_1237 : vector<16xi32>
    %sub3A_1239 = arith.constant 1 : i32
    %sub3A_1240 = vector.broadcast %sub3A_1239 : i32 to vector<16xi32>
    %sub3A_1241 = arith.subi %cumsum3A_1235, %sub3A_1240 : vector<16xi32>
    %jit3A_1242 = arith.constant 0 : i32
    %broadcast_in_dim3A_1243 = vector.broadcast %jit3A_1242 : i32 to vector<16xi32>
    %select_n3A_1244 = arith.select %eq3A_1238, %sub3A_1241, %broadcast_in_dim3A_1243 : vector<16xi1>, vector<16xi32>
    %add3A_1245 = arith.addi %add3A_1214, %select_n3A_1244 : vector<16xi32>
    %reduce_sum3A_1246 = arith.constant true
    %reduce_sum3A_1247 = vector.broadcast %reduce_sum3A_1246 : i1 to vector<16xi1>
    %reduce_sum3A_1248 = tpu.scan <sum>, %select_n3A_1232 masked %reduce_sum3A_1247 : vector<16xi32>, vector<16xi1> -> vector<16xi32>
    %reduce_sum3A_1249 = vector.extract %reduce_sum3A_1248[15] : i32 from vector<16xi32>
    %eq3A_1250 = arith.constant 6 : i32
    %eq3A_1251 = vector.broadcast %eq3A_1250 : i32 to vector<16xi32>
    %eq3A_1252 = arith.cmpi eq, %iota3A, %eq3A_1251 : vector<16xi32>
    %add3A_1253 = vector.broadcast %reduce_sum3A_1249 : i32 to vector<16xi32>
    %add3A_1254 = arith.addi %select_n3A_1224, %add3A_1253 : vector<16xi32>
    %select_n3A_1255 = arith.select %eq3A_1252, %add3A_1254, %select_n3A_1224 : vector<16xi1>, vector<16xi32>
    %eq3A_1256 = arith.constant 7 : i32
    %eq3A_1257 = vector.broadcast %eq3A_1256 : i32 to vector<16xi32>
    %eq3A_1258 = arith.cmpi eq, %get3A_1033, %eq3A_1257 : vector<16xi32>
    %jit3A_1259 = arith.constant 1 : i32
    %jit3A_1260 = arith.constant 0 : i32
    %broadcast_in_dim3A_1261 = vector.broadcast %jit3A_1259 : i32 to vector<16xi32>
    %broadcast_in_dim3A_1262 = vector.broadcast %jit3A_1260 : i32 to vector<16xi32>
    %select_n3A_1263 = arith.select %eq3A_1258, %broadcast_in_dim3A_1261, %broadcast_in_dim3A_1262 : vector<16xi1>, vector<16xi32>
    %cumsum3A_1264 = arith.constant true
    %cumsum3A_1265 = vector.broadcast %cumsum3A_1264 : i1 to vector<16xi1>
    %cumsum3A_1266 = tpu.scan <sum>, %select_n3A_1263 masked %cumsum3A_1265 : vector<16xi32>, vector<16xi1> -> vector<16xi32>
    %eq3A_1267 = arith.constant 7 : i32
    %eq3A_1268 = vector.broadcast %eq3A_1267 : i32 to vector<16xi32>
    %eq3A_1269 = arith.cmpi eq, %get3A_1033, %eq3A_1268 : vector<16xi32>
    %sub3A_1270 = arith.constant 1 : i32
    %sub3A_1271 = vector.broadcast %sub3A_1270 : i32 to vector<16xi32>
    %sub3A_1272 = arith.subi %cumsum3A_1266, %sub3A_1271 : vector<16xi32>
    %jit3A_1273 = arith.constant 0 : i32
    %broadcast_in_dim3A_1274 = vector.broadcast %jit3A_1273 : i32 to vector<16xi32>
    %select_n3A_1275 = arith.select %eq3A_1269, %sub3A_1272, %broadcast_in_dim3A_1274 : vector<16xi1>, vector<16xi32>
    %add3A_1276 = arith.addi %add3A_1245, %select_n3A_1275 : vector<16xi32>
    %reduce_sum3A_1277 = arith.constant true
    %reduce_sum3A_1278 = vector.broadcast %reduce_sum3A_1277 : i1 to vector<16xi1>
    %reduce_sum3A_1279 = tpu.scan <sum>, %select_n3A_1263 masked %reduce_sum3A_1278 : vector<16xi32>, vector<16xi1> -> vector<16xi32>
    %reduce_sum3A_1280 = vector.extract %reduce_sum3A_1279[15] : i32 from vector<16xi32>
    %eq3A_1281 = arith.constant 7 : i32
    %eq3A_1282 = vector.broadcast %eq3A_1281 : i32 to vector<16xi32>
    %eq3A_1283 = arith.cmpi eq, %iota3A, %eq3A_1282 : vector<16xi32>
    %add3A_1284 = vector.broadcast %reduce_sum3A_1280 : i32 to vector<16xi32>
    %add3A_1285 = arith.addi %select_n3A_1255, %add3A_1284 : vector<16xi32>
    %select_n3A_1286 = arith.select %eq3A_1283, %add3A_1285, %select_n3A_1255 : vector<16xi1>, vector<16xi32>
    %add3A_1287 = arith.addi %gather3A_1036, %add3A_1276 : vector<16xi32>
    %swap3A_1288 = arith.constant 0 : index
    %swap3A_1289 = tpu.vector_load %arg10[%swap3A_1288] {strides = array<i32>} : memref<64xi32, #tpu.memory_space<vmem>>, vector<16xi32>,
    tpu.vector_store %arg10[%swap3A_1288], %add3A_1287 {strides = array<i32>} : memref<64xi32, #tpu.memory_space<vmem>>, vector<16xi32>,
    %get3A_1290 = arith.constant 16 : index
    %get3A_1291 = tpu.vector_load %arg8[%get3A_1290] {strides = array<i32>} : memref<64xi32, #tpu.memory_space<vmem>>, vector<16xi32>,
    %broadcast_in_dim3A_1292 = vector.shape_cast %get3A_1291 : vector<16xi32> to vector<16x1xi32>
    %gather3A_1293 = vector.shape_cast %broadcast_in_dim3A_1292 : vector<16x1xi32> to vector<16xi32>
    %gather3A_1294 = tpu.dynamic_gather %select_n3A_1286[%gather3A_1293] in [0] : vector<16xi32>, vector<16xi32> -> vector<16xi32>
    %broadcast_in_dim3A_1295 = arith.constant 0 : i32
    %broadcast_in_dim3A_1296 = vector.broadcast %broadcast_in_dim3A_1295 : i32 to vector<16xi32>
    %eq3A_1297 = arith.constant 0 : i32
    %eq3A_1298 = vector.broadcast %eq3A_1297 : i32 to vector<16xi32>
    %eq3A_1299 = arith.cmpi eq, %get3A_1291, %eq3A_1298 : vector<16xi32>
    %jit3A_1300 = arith.constant 1 : i32
    %jit3A_1301 = arith.constant 0 : i32
    %broadcast_in_dim3A_1302 = vector.broadcast %jit3A_1300 : i32 to vector<16xi32>
    %broadcast_in_dim3A_1303 = vector.broadcast %jit3A_1301 : i32 to vector<16xi32>
    %select_n3A_1304 = arith.select %eq3A_1299, %broadcast_in_dim3A_1302, %broadcast_in_dim3A_1303 : vector<16xi1>, vector<16xi32>
    %cumsum3A_1305 = arith.constant true
    %cumsum3A_1306 = vector.broadcast %cumsum3A_1305 : i1 to vector<16xi1>
    %cumsum3A_1307 = tpu.scan <sum>, %select_n3A_1304 masked %cumsum3A_1306 : vector<16xi32>, vector<16xi1> -> vector<16xi32>
    %eq3A_1308 = arith.constant 0 : i32
    %eq3A_1309 = vector.broadcast %eq3A_1308 : i32 to vector<16xi32>
    %eq3A_1310 = arith.cmpi eq, %get3A_1291, %eq3A_1309 : vector<16xi32>
    %sub3A_1311 = arith.constant 1 : i32
    %sub3A_1312 = vector.broadcast %sub3A_1311 : i32 to vector<16xi32>
    %sub3A_1313 = arith.subi %cumsum3A_1307, %sub3A_1312 : vector<16xi32>
    %jit3A_1314 = arith.constant 0 : i32
    %broadcast_in_dim3A_1315 = vector.broadcast %jit3A_1314 : i32 to vector<16xi32>
    %select_n3A_1316 = arith.select %eq3A_1310, %sub3A_1313, %broadcast_in_dim3A_1315 : vector<16xi1>, vector<16xi32>
    %add3A_1317 = arith.addi %broadcast_in_dim3A_1296, %select_n3A_1316 : vector<16xi32>
    %reduce_sum3A_1318 = arith.constant true
    %reduce_sum3A_1319 = vector.broadcast %reduce_sum3A_1318 : i1 to vector<16xi1>
    %reduce_sum3A_1320 = tpu.scan <sum>, %select_n3A_1304 masked %reduce_sum3A_1319 : vector<16xi32>, vector<16xi1> -> vector<16xi32>
    %reduce_sum3A_1321 = vector.extract %reduce_sum3A_1320[15] : i32 from vector<16xi32>
    %eq3A_1322 = arith.constant 0 : i32
    %eq3A_1323 = vector.broadcast %eq3A_1322 : i32 to vector<16xi32>
    %eq3A_1324 = arith.cmpi eq, %iota3A, %eq3A_1323 : vector<16xi32>
    %add3A_1325 = vector.broadcast %reduce_sum3A_1321 : i32 to vector<16xi32>
    %add3A_1326 = arith.addi %select_n3A_1286, %add3A_1325 : vector<16xi32>
    %select_n3A_1327 = arith.select %eq3A_1324, %add3A_1326, %select_n3A_1286 : vector<16xi1>, vector<16xi32>
    %eq3A_1328 = arith.constant 1 : i32
    %eq3A_1329 = vector.broadcast %eq3A_1328 : i32 to vector<16xi32>
    %eq3A_1330 = arith.cmpi eq, %get3A_1291, %eq3A_1329 : vector<16xi32>
    %jit3A_1331 = arith.constant 1 : i32
    %jit3A_1332 = arith.constant 0 : i32
    %broadcast_in_dim3A_1333 = vector.broadcast %jit3A_1331 : i32 to vector<16xi32>
    %broadcast_in_dim3A_1334 = vector.broadcast %jit3A_1332 : i32 to vector<16xi32>
    %select_n3A_1335 = arith.select %eq3A_1330, %broadcast_in_dim3A_1333, %broadcast_in_dim3A_1334 : vector<16xi1>, vector<16xi32>
    %cumsum3A_1336 = arith.constant true
    %cumsum3A_1337 = vector.broadcast %cumsum3A_1336 : i1 to vector<16xi1>
    %cumsum3A_1338 = tpu.scan <sum>, %select_n3A_1335 masked %cumsum3A_1337 : vector<16xi32>, vector<16xi1> -> vector<16xi32>
    %eq3A_1339 = arith.constant 1 : i32
    %eq3A_1340 = vector.broadcast %eq3A_1339 : i32 to vector<16xi32>
    %eq3A_1341 = arith.cmpi eq, %get3A_1291, %eq3A_1340 : vector<16xi32>
    %sub3A_1342 = arith.constant 1 : i32
    %sub3A_1343 = vector.broadcast %sub3A_1342 : i32 to vector<16xi32>
    %sub3A_1344 = arith.subi %cumsum3A_1338, %sub3A_1343 : vector<16xi32>
    %jit3A_1345 = arith.constant 0 : i32
    %broadcast_in_dim3A_1346 = vector.broadcast %jit3A_1345 : i32 to vector<16xi32>
    %select_n3A_1347 = arith.select %eq3A_1341, %sub3A_1344, %broadcast_in_dim3A_1346 : vector<16xi1>, vector<16xi32>
    %add3A_1348 = arith.addi %add3A_1317, %select_n3A_1347 : vector<16xi32>
    %reduce_sum3A_1349 = arith.constant true
    %reduce_sum3A_1350 = vector.broadcast %reduce_sum3A_1349 : i1 to vector<16xi1>
    %reduce_sum3A_1351 = tpu.scan <sum>, %select_n3A_1335 masked %reduce_sum3A_1350 : vector<16xi32>, vector<16xi1> -> vector<16xi32>
    %reduce_sum3A_1352 = vector.extract %reduce_sum3A_1351[15] : i32 from vector<16xi32>
    %eq3A_1353 = arith.constant 1 : i32
    %eq3A_1354 = vector.broadcast %eq3A_1353 : i32 to vector<16xi32>
    %eq3A_1355 = arith.cmpi eq, %iota3A, %eq3A_1354 : vector<16xi32>
    %add3A_1356 = vector.broadcast %reduce_sum3A_1352 : i32 to vector<16xi32>
    %add3A_1357 = arith.addi %select_n3A_1327, %add3A_1356 : vector<16xi32>
    %select_n3A_1358 = arith.select %eq3A_1355, %add3A_1357, %select_n3A_1327 : vector<16xi1>, vector<16xi32>
    %eq3A_1359 = arith.constant 2 : i32
    %eq3A_1360 = vector.broadcast %eq3A_1359 : i32 to vector<16xi32>
    %eq3A_1361 = arith.cmpi eq, %get3A_1291, %eq3A_1360 : vector<16xi32>
    %jit3A_1362 = arith.constant 1 : i32
    %jit3A_1363 = arith.constant 0 : i32
    %broadcast_in_dim3A_1364 = vector.broadcast %jit3A_1362 : i32 to vector<16xi32>
    %broadcast_in_dim3A_1365 = vector.broadcast %jit3A_1363 : i32 to vector<16xi32>
    %select_n3A_1366 = arith.select %eq3A_1361, %broadcast_in_dim3A_1364, %broadcast_in_dim3A_1365 : vector<16xi1>, vector<16xi32>
    %cumsum3A_1367 = arith.constant true
    %cumsum3A_1368 = vector.broadcast %cumsum3A_1367 : i1 to vector<16xi1>
    %cumsum3A_1369 = tpu.scan <sum>, %select_n3A_1366 masked %cumsum3A_1368 : vector<16xi32>, vector<16xi1> -> vector<16xi32>
    %eq3A_1370 = arith.constant 2 : i32
    %eq3A_1371 = vector.broadcast %eq3A_1370 : i32 to vector<16xi32>
    %eq3A_1372 = arith.cmpi eq, %get3A_1291, %eq3A_1371 : vector<16xi32>
    %sub3A_1373 = arith.constant 1 : i32
    %sub3A_1374 = vector.broadcast %sub3A_1373 : i32 to vector<16xi32>
    %sub3A_1375 = arith.subi %cumsum3A_1369, %sub3A_1374 : vector<16xi32>
    %jit3A_1376 = arith.constant 0 : i32
    %broadcast_in_dim3A_1377 = vector.broadcast %jit3A_1376 : i32 to vector<16xi32>
    %select_n3A_1378 = arith.select %eq3A_1372, %sub3A_1375, %broadcast_in_dim3A_1377 : vector<16xi1>, vector<16xi32>
    %add3A_1379 = arith.addi %add3A_1348, %select_n3A_1378 : vector<16xi32>
    %reduce_sum3A_1380 = arith.constant true
    %reduce_sum3A_1381 = vector.broadcast %reduce_sum3A_1380 : i1 to vector<16xi1>
    %reduce_sum3A_1382 = tpu.scan <sum>, %select_n3A_1366 masked %reduce_sum3A_1381 : vector<16xi32>, vector<16xi1> -> vector<16xi32>
    %reduce_sum3A_1383 = vector.extract %reduce_sum3A_1382[15] : i32 from vector<16xi32>
    %eq3A_1384 = arith.constant 2 : i32
    %eq3A_1385 = vector.broadcast %eq3A_1384 : i32 to vector<16xi32>
    %eq3A_1386 = arith.cmpi eq, %iota3A, %eq3A_1385 : vector<16xi32>
    %add3A_1387 = vector.broadcast %reduce_sum3A_1383 : i32 to vector<16xi32>
    %add3A_1388 = arith.addi %select_n3A_1358, %add3A_1387 : vector<16xi32>
    %select_n3A_1389 = arith.select %eq3A_1386, %add3A_1388, %select_n3A_1358 : vector<16xi1>, vector<16xi32>
    %eq3A_1390 = arith.constant 3 : i32
    %eq3A_1391 = vector.broadcast %eq3A_1390 : i32 to vector<16xi32>
    %eq3A_1392 = arith.cmpi eq, %get3A_1291, %eq3A_1391 : vector<16xi32>
    %jit3A_1393 = arith.constant 1 : i32
    %jit3A_1394 = arith.constant 0 : i32
    %broadcast_in_dim3A_1395 = vector.broadcast %jit3A_1393 : i32 to vector<16xi32>
    %broadcast_in_dim3A_1396 = vector.broadcast %jit3A_1394 : i32 to vector<16xi32>
    %select_n3A_1397 = arith.select %eq3A_1392, %broadcast_in_dim3A_1395, %broadcast_in_dim3A_1396 : vector<16xi1>, vector<16xi32>
    %cumsum3A_1398 = arith.constant true
    %cumsum3A_1399 = vector.broadcast %cumsum3A_1398 : i1 to vector<16xi1>
    %cumsum3A_1400 = tpu.scan <sum>, %select_n3A_1397 masked %cumsum3A_1399 : vector<16xi32>, vector<16xi1> -> vector<16xi32>
    %eq3A_1401 = arith.constant 3 : i32
    %eq3A_1402 = vector.broadcast %eq3A_1401 : i32 to vector<16xi32>
    %eq3A_1403 = arith.cmpi eq, %get3A_1291, %eq3A_1402 : vector<16xi32>
    %sub3A_1404 = arith.constant 1 : i32
    %sub3A_1405 = vector.broadcast %sub3A_1404 : i32 to vector<16xi32>
    %sub3A_1406 = arith.subi %cumsum3A_1400, %sub3A_1405 : vector<16xi32>
    %jit3A_1407 = arith.constant 0 : i32
    %broadcast_in_dim3A_1408 = vector.broadcast %jit3A_1407 : i32 to vector<16xi32>
    %select_n3A_1409 = arith.select %eq3A_1403, %sub3A_1406, %broadcast_in_dim3A_1408 : vector<16xi1>, vector<16xi32>
    %add3A_1410 = arith.addi %add3A_1379, %select_n3A_1409 : vector<16xi32>
    %reduce_sum3A_1411 = arith.constant true
    %reduce_sum3A_1412 = vector.broadcast %reduce_sum3A_1411 : i1 to vector<16xi1>
    %reduce_sum3A_1413 = tpu.scan <sum>, %select_n3A_1397 masked %reduce_sum3A_1412 : vector<16xi32>, vector<16xi1> -> vector<16xi32>
    %reduce_sum3A_1414 = vector.extract %reduce_sum3A_1413[15] : i32 from vector<16xi32>
    %eq3A_1415 = arith.constant 3 : i32
    %eq3A_1416 = vector.broadcast %eq3A_1415 : i32 to vector<16xi32>
    %eq3A_1417 = arith.cmpi eq, %iota3A, %eq3A_1416 : vector<16xi32>
    %add3A_1418 = vector.broadcast %reduce_sum3A_1414 : i32 to vector<16xi32>
    %add3A_1419 = arith.addi %select_n3A_1389, %add3A_1418 : vector<16xi32>
    %select_n3A_1420 = arith.select %eq3A_1417, %add3A_1419, %select_n3A_1389 : vector<16xi1>, vector<16xi32>
    %eq3A_1421 = arith.constant 4 : i32
    %eq3A_1422 = vector.broadcast %eq3A_1421 : i32 to vector<16xi32>
    %eq3A_1423 = arith.cmpi eq, %get3A_1291, %eq3A_1422 : vector<16xi32>
    %jit3A_1424 = arith.constant 1 : i32
    %jit3A_1425 = arith.constant 0 : i32
    %broadcast_in_dim3A_1426 = vector.broadcast %jit3A_1424 : i32 to vector<16xi32>
    %broadcast_in_dim3A_1427 = vector.broadcast %jit3A_1425 : i32 to vector<16xi32>
    %select_n3A_1428 = arith.select %eq3A_1423, %broadcast_in_dim3A_1426, %broadcast_in_dim3A_1427 : vector<16xi1>, vector<16xi32>
    %cumsum3A_1429 = arith.constant true
    %cumsum3A_1430 = vector.broadcast %cumsum3A_1429 : i1 to vector<16xi1>
    %cumsum3A_1431 = tpu.scan <sum>, %select_n3A_1428 masked %cumsum3A_1430 : vector<16xi32>, vector<16xi1> -> vector<16xi32>
    %eq3A_1432 = arith.constant 4 : i32
    %eq3A_1433 = vector.broadcast %eq3A_1432 : i32 to vector<16xi32>
    %eq3A_1434 = arith.cmpi eq, %get3A_1291, %eq3A_1433 : vector<16xi32>
    %sub3A_1435 = arith.constant 1 : i32
    %sub3A_1436 = vector.broadcast %sub3A_1435 : i32 to vector<16xi32>
    %sub3A_1437 = arith.subi %cumsum3A_1431, %sub3A_1436 : vector<16xi32>
    %jit3A_1438 = arith.constant 0 : i32
    %broadcast_in_dim3A_1439 = vector.broadcast %jit3A_1438 : i32 to vector<16xi32>
    %select_n3A_1440 = arith.select %eq3A_1434, %sub3A_1437, %broadcast_in_dim3A_1439 : vector<16xi1>, vector<16xi32>
    %add3A_1441 = arith.addi %add3A_1410, %select_n3A_1440 : vector<16xi32>
    %reduce_sum3A_1442 = arith.constant true
    %reduce_sum3A_1443 = vector.broadcast %reduce_sum3A_1442 : i1 to vector<16xi1>
    %reduce_sum3A_1444 = tpu.scan <sum>, %select_n3A_1428 masked %reduce_sum3A_1443 : vector<16xi32>, vector<16xi1> -> vector<16xi32>
    %reduce_sum3A_1445 = vector.extract %reduce_sum3A_1444[15] : i32 from vector<16xi32>
    %eq3A_1446 = arith.constant 4 : i32
    %eq3A_1447 = vector.broadcast %eq3A_1446 : i32 to vector<16xi32>
    %eq3A_1448 = arith.cmpi eq, %iota3A, %eq3A_1447 : vector<16xi32>
    %add3A_1449 = vector.broadcast %reduce_sum3A_1445 : i32 to vector<16xi32>
    %add3A_1450 = arith.addi %select_n3A_1420, %add3A_1449 : vector<16xi32>
    %select_n3A_1451 = arith.select %eq3A_1448, %add3A_1450, %select_n3A_1420 : vector<16xi1>, vector<16xi32>
    %eq3A_1452 = arith.constant 5 : i32
    %eq3A_1453 = vector.broadcast %eq3A_1452 : i32 to vector<16xi32>
    %eq3A_1454 = arith.cmpi eq, %get3A_1291, %eq3A_1453 : vector<16xi32>
    %jit3A_1455 = arith.constant 1 : i32
    %jit3A_1456 = arith.constant 0 : i32
    %broadcast_in_dim3A_1457 = vector.broadcast %jit3A_1455 : i32 to vector<16xi32>
    %broadcast_in_dim3A_1458 = vector.broadcast %jit3A_1456 : i32 to vector<16xi32>
    %select_n3A_1459 = arith.select %eq3A_1454, %broadcast_in_dim3A_1457, %broadcast_in_dim3A_1458 : vector<16xi1>, vector<16xi32>
    %cumsum3A_1460 = arith.constant true
    %cumsum3A_1461 = vector.broadcast %cumsum3A_1460 : i1 to vector<16xi1>
    %cumsum3A_1462 = tpu.scan <sum>, %select_n3A_1459 masked %cumsum3A_1461 : vector<16xi32>, vector<16xi1> -> vector<16xi32>
    %eq3A_1463 = arith.constant 5 : i32
    %eq3A_1464 = vector.broadcast %eq3A_1463 : i32 to vector<16xi32>
    %eq3A_1465 = arith.cmpi eq, %get3A_1291, %eq3A_1464 : vector<16xi32>
    %sub3A_1466 = arith.constant 1 : i32
    %sub3A_1467 = vector.broadcast %sub3A_1466 : i32 to vector<16xi32>
    %sub3A_1468 = arith.subi %cumsum3A_1462, %sub3A_1467 : vector<16xi32>
    %jit3A_1469 = arith.constant 0 : i32
    %broadcast_in_dim3A_1470 = vector.broadcast %jit3A_1469 : i32 to vector<16xi32>
    %select_n3A_1471 = arith.select %eq3A_1465, %sub3A_1468, %broadcast_in_dim3A_1470 : vector<16xi1>, vector<16xi32>
    %add3A_1472 = arith.addi %add3A_1441, %select_n3A_1471 : vector<16xi32>
    %reduce_sum3A_1473 = arith.constant true
    %reduce_sum3A_1474 = vector.broadcast %reduce_sum3A_1473 : i1 to vector<16xi1>
    %reduce_sum3A_1475 = tpu.scan <sum>, %select_n3A_1459 masked %reduce_sum3A_1474 : vector<16xi32>, vector<16xi1> -> vector<16xi32>
    %reduce_sum3A_1476 = vector.extract %reduce_sum3A_1475[15] : i32 from vector<16xi32>
    %eq3A_1477 = arith.constant 5 : i32
    %eq3A_1478 = vector.broadcast %eq3A_1477 : i32 to vector<16xi32>
    %eq3A_1479 = arith.cmpi eq, %iota3A, %eq3A_1478 : vector<16xi32>
    %add3A_1480 = vector.broadcast %reduce_sum3A_1476 : i32 to vector<16xi32>
    %add3A_1481 = arith.addi %select_n3A_1451, %add3A_1480 : vector<16xi32>
    %select_n3A_1482 = arith.select %eq3A_1479, %add3A_1481, %select_n3A_1451 : vector<16xi1>, vector<16xi32>
    %eq3A_1483 = arith.constant 6 : i32
    %eq3A_1484 = vector.broadcast %eq3A_1483 : i32 to vector<16xi32>
    %eq3A_1485 = arith.cmpi eq, %get3A_1291, %eq3A_1484 : vector<16xi32>
    %jit3A_1486 = arith.constant 1 : i32
    %jit3A_1487 = arith.constant 0 : i32
    %broadcast_in_dim3A_1488 = vector.broadcast %jit3A_1486 : i32 to vector<16xi32>
    %broadcast_in_dim3A_1489 = vector.broadcast %jit3A_1487 : i32 to vector<16xi32>
    %select_n3A_1490 = arith.select %eq3A_1485, %broadcast_in_dim3A_1488, %broadcast_in_dim3A_1489 : vector<16xi1>, vector<16xi32>
    %cumsum3A_1491 = arith.constant true
    %cumsum3A_1492 = vector.broadcast %cumsum3A_1491 : i1 to vector<16xi1>
    %cumsum3A_1493 = tpu.scan <sum>, %select_n3A_1490 masked %cumsum3A_1492 : vector<16xi32>, vector<16xi1> -> vector<16xi32>
    %eq3A_1494 = arith.constant 6 : i32
    %eq3A_1495 = vector.broadcast %eq3A_1494 : i32 to vector<16xi32>
    %eq3A_1496 = arith.cmpi eq, %get3A_1291, %eq3A_1495 : vector<16xi32>
    %sub3A_1497 = arith.constant 1 : i32
    %sub3A_1498 = vector.broadcast %sub3A_1497 : i32 to vector<16xi32>
    %sub3A_1499 = arith.subi %cumsum3A_1493, %sub3A_1498 : vector<16xi32>
    %jit3A_1500 = arith.constant 0 : i32
    %broadcast_in_dim3A_1501 = vector.broadcast %jit3A_1500 : i32 to vector<16xi32>
    %select_n3A_1502 = arith.select %eq3A_1496, %sub3A_1499, %broadcast_in_dim3A_1501 : vector<16xi1>, vector<16xi32>
    %add3A_1503 = arith.addi %add3A_1472, %select_n3A_1502 : vector<16xi32>
    %reduce_sum3A_1504 = arith.constant true
    %reduce_sum3A_1505 = vector.broadcast %reduce_sum3A_1504 : i1 to vector<16xi1>
    %reduce_sum3A_1506 = tpu.scan <sum>, %select_n3A_1490 masked %reduce_sum3A_1505 : vector<16xi32>, vector<16xi1> -> vector<16xi32>
    %reduce_sum3A_1507 = vector.extract %reduce_sum3A_1506[15] : i32 from vector<16xi32>
    %eq3A_1508 = arith.constant 6 : i32
    %eq3A_1509 = vector.broadcast %eq3A_1508 : i32 to vector<16xi32>
    %eq3A_1510 = arith.cmpi eq, %iota3A, %eq3A_1509 : vector<16xi32>
    %add3A_1511 = vector.broadcast %reduce_sum3A_1507 : i32 to vector<16xi32>
    %add3A_1512 = arith.addi %select_n3A_1482, %add3A_1511 : vector<16xi32>
    %select_n3A_1513 = arith.select %eq3A_1510, %add3A_1512, %select_n3A_1482 : vector<16xi1>, vector<16xi32>
    %eq3A_1514 = arith.constant 7 : i32
    %eq3A_1515 = vector.broadcast %eq3A_1514 : i32 to vector<16xi32>
    %eq3A_1516 = arith.cmpi eq, %get3A_1291, %eq3A_1515 : vector<16xi32>
    %jit3A_1517 = arith.constant 1 : i32
    %jit3A_1518 = arith.constant 0 : i32
    %broadcast_in_dim3A_1519 = vector.broadcast %jit3A_1517 : i32 to vector<16xi32>
    %broadcast_in_dim3A_1520 = vector.broadcast %jit3A_1518 : i32 to vector<16xi32>
    %select_n3A_1521 = arith.select %eq3A_1516, %broadcast_in_dim3A_1519, %broadcast_in_dim3A_1520 : vector<16xi1>, vector<16xi32>
    %cumsum3A_1522 = arith.constant true
    %cumsum3A_1523 = vector.broadcast %cumsum3A_1522 : i1 to vector<16xi1>
    %cumsum3A_1524 = tpu.scan <sum>, %select_n3A_1521 masked %cumsum3A_1523 : vector<16xi32>, vector<16xi1> -> vector<16xi32>
    %eq3A_1525 = arith.constant 7 : i32
    %eq3A_1526 = vector.broadcast %eq3A_1525 : i32 to vector<16xi32>
    %eq3A_1527 = arith.cmpi eq, %get3A_1291, %eq3A_1526 : vector<16xi32>
    %sub3A_1528 = arith.constant 1 : i32
    %sub3A_1529 = vector.broadcast %sub3A_1528 : i32 to vector<16xi32>
    %sub3A_1530 = arith.subi %cumsum3A_1524, %sub3A_1529 : vector<16xi32>
    %jit3A_1531 = arith.constant 0 : i32
    %broadcast_in_dim3A_1532 = vector.broadcast %jit3A_1531 : i32 to vector<16xi32>
    %select_n3A_1533 = arith.select %eq3A_1527, %sub3A_1530, %broadcast_in_dim3A_1532 : vector<16xi1>, vector<16xi32>
    %add3A_1534 = arith.addi %add3A_1503, %select_n3A_1533 : vector<16xi32>
    %reduce_sum3A_1535 = arith.constant true
    %reduce_sum3A_1536 = vector.broadcast %reduce_sum3A_1535 : i1 to vector<16xi1>
    %reduce_sum3A_1537 = tpu.scan <sum>, %select_n3A_1521 masked %reduce_sum3A_1536 : vector<16xi32>, vector<16xi1> -> vector<16xi32>
    %reduce_sum3A_1538 = vector.extract %reduce_sum3A_1537[15] : i32 from vector<16xi32>
    %eq3A_1539 = arith.constant 7 : i32
    %eq3A_1540 = vector.broadcast %eq3A_1539 : i32 to vector<16xi32>
    %eq3A_1541 = arith.cmpi eq, %iota3A, %eq3A_1540 : vector<16xi32>
    %add3A_1542 = vector.broadcast %reduce_sum3A_1538 : i32 to vector<16xi32>
    %add3A_1543 = arith.addi %select_n3A_1513, %add3A_1542 : vector<16xi32>
    %select_n3A_1544 = arith.select %eq3A_1541, %add3A_1543, %select_n3A_1513 : vector<16xi1>, vector<16xi32>
    %add3A_1545 = arith.addi %gather3A_1294, %add3A_1534 : vector<16xi32>
    %swap3A_1546 = arith.constant 16 : index
    %swap3A_1547 = tpu.vector_load %arg10[%swap3A_1546] {strides = array<i32>} : memref<64xi32, #tpu.memory_space<vmem>>, vector<16xi32>,
    tpu.vector_store %arg10[%swap3A_1546], %add3A_1545 {strides = array<i32>} : memref<64xi32, #tpu.memory_space<vmem>>, vector<16xi32>,
    %get3A_1548 = arith.constant 32 : index
    %get3A_1549 = tpu.vector_load %arg8[%get3A_1548] {strides = array<i32>} : memref<64xi32, #tpu.memory_space<vmem>>, vector<16xi32>,
    %broadcast_in_dim3A_1550 = vector.shape_cast %get3A_1549 : vector<16xi32> to vector<16x1xi32>
    %gather3A_1551 = vector.shape_cast %broadcast_in_dim3A_1550 : vector<16x1xi32> to vector<16xi32>
    %gather3A_1552 = tpu.dynamic_gather %select_n3A_1544[%gather3A_1551] in [0] : vector<16xi32>, vector<16xi32> -> vector<16xi32>
    %broadcast_in_dim3A_1553 = arith.constant 0 : i32
    %broadcast_in_dim3A_1554 = vector.broadcast %broadcast_in_dim3A_1553 : i32 to vector<16xi32>
    %eq3A_1555 = arith.constant 0 : i32
    %eq3A_1556 = vector.broadcast %eq3A_1555 : i32 to vector<16xi32>
    %eq3A_1557 = arith.cmpi eq, %get3A_1549, %eq3A_1556 : vector<16xi32>
    %jit3A_1558 = arith.constant 1 : i32
    %jit3A_1559 = arith.constant 0 : i32
    %broadcast_in_dim3A_1560 = vector.broadcast %jit3A_1558 : i32 to vector<16xi32>
    %broadcast_in_dim3A_1561 = vector.broadcast %jit3A_1559 : i32 to vector<16xi32>
    %select_n3A_1562 = arith.select %eq3A_1557, %broadcast_in_dim3A_1560, %broadcast_in_dim3A_1561 : vector<16xi1>, vector<16xi32>
    %cumsum3A_1563 = arith.constant true
    %cumsum3A_1564 = vector.broadcast %cumsum3A_1563 : i1 to vector<16xi1>
    %cumsum3A_1565 = tpu.scan <sum>, %select_n3A_1562 masked %cumsum3A_1564 : vector<16xi32>, vector<16xi1> -> vector<16xi32>
    %eq3A_1566 = arith.constant 0 : i32
    %eq3A_1567 = vector.broadcast %eq3A_1566 : i32 to vector<16xi32>
    %eq3A_1568 = arith.cmpi eq, %get3A_1549, %eq3A_1567 : vector<16xi32>
    %sub3A_1569 = arith.constant 1 : i32
    %sub3A_1570 = vector.broadcast %sub3A_1569 : i32 to vector<16xi32>
    %sub3A_1571 = arith.subi %cumsum3A_1565, %sub3A_1570 : vector<16xi32>
    %jit3A_1572 = arith.constant 0 : i32
    %broadcast_in_dim3A_1573 = vector.broadcast %jit3A_1572 : i32 to vector<16xi32>
    %select_n3A_1574 = arith.select %eq3A_1568, %sub3A_1571, %broadcast_in_dim3A_1573 : vector<16xi1>, vector<16xi32>
    %add3A_1575 = arith.addi %broadcast_in_dim3A_1554, %select_n3A_1574 : vector<16xi32>
    %reduce_sum3A_1576 = arith.constant true
    %reduce_sum3A_1577 = vector.broadcast %reduce_sum3A_1576 : i1 to vector<16xi1>
    %reduce_sum3A_1578 = tpu.scan <sum>, %select_n3A_1562 masked %reduce_sum3A_1577 : vector<16xi32>, vector<16xi1> -> vector<16xi32>
    %reduce_sum3A_1579 = vector.extract %reduce_sum3A_1578[15] : i32 from vector<16xi32>
    %eq3A_1580 = arith.constant 0 : i32
    %eq3A_1581 = vector.broadcast %eq3A_1580 : i32 to vector<16xi32>
    %eq3A_1582 = arith.cmpi eq, %iota3A, %eq3A_1581 : vector<16xi32>
    %add3A_1583 = vector.broadcast %reduce_sum3A_1579 : i32 to vector<16xi32>
    %add3A_1584 = arith.addi %select_n3A_1544, %add3A_1583 : vector<16xi32>
    %select_n3A_1585 = arith.select %eq3A_1582, %add3A_1584, %select_n3A_1544 : vector<16xi1>, vector<16xi32>
    %eq3A_1586 = arith.constant 1 : i32
    %eq3A_1587 = vector.broadcast %eq3A_1586 : i32 to vector<16xi32>
    %eq3A_1588 = arith.cmpi eq, %get3A_1549, %eq3A_1587 : vector<16xi32>
    %jit3A_1589 = arith.constant 1 : i32
    %jit3A_1590 = arith.constant 0 : i32
    %broadcast_in_dim3A_1591 = vector.broadcast %jit3A_1589 : i32 to vector<16xi32>
    %broadcast_in_dim3A_1592 = vector.broadcast %jit3A_1590 : i32 to vector<16xi32>
    %select_n3A_1593 = arith.select %eq3A_1588, %broadcast_in_dim3A_1591, %broadcast_in_dim3A_1592 : vector<16xi1>, vector<16xi32>
    %cumsum3A_1594 = arith.constant true
    %cumsum3A_1595 = vector.broadcast %cumsum3A_1594 : i1 to vector<16xi1>
    %cumsum3A_1596 = tpu.scan <sum>, %select_n3A_1593 masked %cumsum3A_1595 : vector<16xi32>, vector<16xi1> -> vector<16xi32>
    %eq3A_1597 = arith.constant 1 : i32
    %eq3A_1598 = vector.broadcast %eq3A_1597 : i32 to vector<16xi32>
    %eq3A_1599 = arith.cmpi eq, %get3A_1549, %eq3A_1598 : vector<16xi32>
    %sub3A_1600 = arith.constant 1 : i32
    %sub3A_1601 = vector.broadcast %sub3A_1600 : i32 to vector<16xi32>
    %sub3A_1602 = arith.subi %cumsum3A_1596, %sub3A_1601 : vector<16xi32>
    %jit3A_1603 = arith.constant 0 : i32
    %broadcast_in_dim3A_1604 = vector.broadcast %jit3A_1603 : i32 to vector<16xi32>
    %select_n3A_1605 = arith.select %eq3A_1599, %sub3A_1602, %broadcast_in_dim3A_1604 : vector<16xi1>, vector<16xi32>
    %add3A_1606 = arith.addi %add3A_1575, %select_n3A_1605 : vector<16xi32>
    %reduce_sum3A_1607 = arith.constant true
    %reduce_sum3A_1608 = vector.broadcast %reduce_sum3A_1607 : i1 to vector<16xi1>
    %reduce_sum3A_1609 = tpu.scan <sum>, %select_n3A_1593 masked %reduce_sum3A_1608 : vector<16xi32>, vector<16xi1> -> vector<16xi32>
    %reduce_sum3A_1610 = vector.extract %reduce_sum3A_1609[15] : i32 from vector<16xi32>
    %eq3A_1611 = arith.constant 1 : i32
    %eq3A_1612 = vector.broadcast %eq3A_1611 : i32 to vector<16xi32>
    %eq3A_1613 = arith.cmpi eq, %iota3A, %eq3A_1612 : vector<16xi32>
    %add3A_1614 = vector.broadcast %reduce_sum3A_1610 : i32 to vector<16xi32>
    %add3A_1615 = arith.addi %select_n3A_1585, %add3A_1614 : vector<16xi32>
    %select_n3A_1616 = arith.select %eq3A_1613, %add3A_1615, %select_n3A_1585 : vector<16xi1>, vector<16xi32>
    %eq3A_1617 = arith.constant 2 : i32
    %eq3A_1618 = vector.broadcast %eq3A_1617 : i32 to vector<16xi32>
    %eq3A_1619 = arith.cmpi eq, %get3A_1549, %eq3A_1618 : vector<16xi32>
    %jit3A_1620 = arith.constant 1 : i32
    %jit3A_1621 = arith.constant 0 : i32
    %broadcast_in_dim3A_1622 = vector.broadcast %jit3A_1620 : i32 to vector<16xi32>
    %broadcast_in_dim3A_1623 = vector.broadcast %jit3A_1621 : i32 to vector<16xi32>
    %select_n3A_1624 = arith.select %eq3A_1619, %broadcast_in_dim3A_1622, %broadcast_in_dim3A_1623 : vector<16xi1>, vector<16xi32>
    %cumsum3A_1625 = arith.constant true
    %cumsum3A_1626 = vector.broadcast %cumsum3A_1625 : i1 to vector<16xi1>
    %cumsum3A_1627 = tpu.scan <sum>, %select_n3A_1624 masked %cumsum3A_1626 : vector<16xi32>, vector<16xi1> -> vector<16xi32>
    %eq3A_1628 = arith.constant 2 : i32
    %eq3A_1629 = vector.broadcast %eq3A_1628 : i32 to vector<16xi32>
    %eq3A_1630 = arith.cmpi eq, %get3A_1549, %eq3A_1629 : vector<16xi32>
    %sub3A_1631 = arith.constant 1 : i32
    %sub3A_1632 = vector.broadcast %sub3A_1631 : i32 to vector<16xi32>
    %sub3A_1633 = arith.subi %cumsum3A_1627, %sub3A_1632 : vector<16xi32>
    %jit3A_1634 = arith.constant 0 : i32
    %broadcast_in_dim3A_1635 = vector.broadcast %jit3A_1634 : i32 to vector<16xi32>
    %select_n3A_1636 = arith.select %eq3A_1630, %sub3A_1633, %broadcast_in_dim3A_1635 : vector<16xi1>, vector<16xi32>
    %add3A_1637 = arith.addi %add3A_1606, %select_n3A_1636 : vector<16xi32>
    %reduce_sum3A_1638 = arith.constant true
    %reduce_sum3A_1639 = vector.broadcast %reduce_sum3A_1638 : i1 to vector<16xi1>
    %reduce_sum3A_1640 = tpu.scan <sum>, %select_n3A_1624 masked %reduce_sum3A_1639 : vector<16xi32>, vector<16xi1> -> vector<16xi32>
    %reduce_sum3A_1641 = vector.extract %reduce_sum3A_1640[15] : i32 from vector<16xi32>
    %eq3A_1642 = arith.constant 2 : i32
    %eq3A_1643 = vector.broadcast %eq3A_1642 : i32 to vector<16xi32>
    %eq3A_1644 = arith.cmpi eq, %iota3A, %eq3A_1643 : vector<16xi32>
    %add3A_1645 = vector.broadcast %reduce_sum3A_1641 : i32 to vector<16xi32>
    %add3A_1646 = arith.addi %select_n3A_1616, %add3A_1645 : vector<16xi32>
    %select_n3A_1647 = arith.select %eq3A_1644, %add3A_1646, %select_n3A_1616 : vector<16xi1>, vector<16xi32>
    %eq3A_1648 = arith.constant 3 : i32
    %eq3A_1649 = vector.broadcast %eq3A_1648 : i32 to vector<16xi32>
    %eq3A_1650 = arith.cmpi eq, %get3A_1549, %eq3A_1649 : vector<16xi32>
    %jit3A_1651 = arith.constant 1 : i32
    %jit3A_1652 = arith.constant 0 : i32
    %broadcast_in_dim3A_1653 = vector.broadcast %jit3A_1651 : i32 to vector<16xi32>
    %broadcast_in_dim3A_1654 = vector.broadcast %jit3A_1652 : i32 to vector<16xi32>
    %select_n3A_1655 = arith.select %eq3A_1650, %broadcast_in_dim3A_1653, %broadcast_in_dim3A_1654 : vector<16xi1>, vector<16xi32>
    %cumsum3A_1656 = arith.constant true
    %cumsum3A_1657 = vector.broadcast %cumsum3A_1656 : i1 to vector<16xi1>
    %cumsum3A_1658 = tpu.scan <sum>, %select_n3A_1655 masked %cumsum3A_1657 : vector<16xi32>, vector<16xi1> -> vector<16xi32>
    %eq3A_1659 = arith.constant 3 : i32
    %eq3A_1660 = vector.broadcast %eq3A_1659 : i32 to vector<16xi32>
    %eq3A_1661 = arith.cmpi eq, %get3A_1549, %eq3A_1660 : vector<16xi32>
    %sub3A_1662 = arith.constant 1 : i32
    %sub3A_1663 = vector.broadcast %sub3A_1662 : i32 to vector<16xi32>
    %sub3A_1664 = arith.subi %cumsum3A_1658, %sub3A_1663 : vector<16xi32>
    %jit3A_1665 = arith.constant 0 : i32
    %broadcast_in_dim3A_1666 = vector.broadcast %jit3A_1665 : i32 to vector<16xi32>
    %select_n3A_1667 = arith.select %eq3A_1661, %sub3A_1664, %broadcast_in_dim3A_1666 : vector<16xi1>, vector<16xi32>
    %add3A_1668 = arith.addi %add3A_1637, %select_n3A_1667 : vector<16xi32>
    %reduce_sum3A_1669 = arith.constant true
    %reduce_sum3A_1670 = vector.broadcast %reduce_sum3A_1669 : i1 to vector<16xi1>
    %reduce_sum3A_1671 = tpu.scan <sum>, %select_n3A_1655 masked %reduce_sum3A_1670 : vector<16xi32>, vector<16xi1> -> vector<16xi32>
    %reduce_sum3A_1672 = vector.extract %reduce_sum3A_1671[15] : i32 from vector<16xi32>
    %eq3A_1673 = arith.constant 3 : i32
    %eq3A_1674 = vector.broadcast %eq3A_1673 : i32 to vector<16xi32>
    %eq3A_1675 = arith.cmpi eq, %iota3A, %eq3A_1674 : vector<16xi32>
    %add3A_1676 = vector.broadcast %reduce_sum3A_1672 : i32 to vector<16xi32>
    %add3A_1677 = arith.addi %select_n3A_1647, %add3A_1676 : vector<16xi32>
    %select_n3A_1678 = arith.select %eq3A_1675, %add3A_1677, %select_n3A_1647 : vector<16xi1>, vector<16xi32>
    %eq3A_1679 = arith.constant 4 : i32
    %eq3A_1680 = vector.broadcast %eq3A_1679 : i32 to vector<16xi32>
    %eq3A_1681 = arith.cmpi eq, %get3A_1549, %eq3A_1680 : vector<16xi32>
    %jit3A_1682 = arith.constant 1 : i32
    %jit3A_1683 = arith.constant 0 : i32
    %broadcast_in_dim3A_1684 = vector.broadcast %jit3A_1682 : i32 to vector<16xi32>
    %broadcast_in_dim3A_1685 = vector.broadcast %jit3A_1683 : i32 to vector<16xi32>
    %select_n3A_1686 = arith.select %eq3A_1681, %broadcast_in_dim3A_1684, %broadcast_in_dim3A_1685 : vector<16xi1>, vector<16xi32>
    %cumsum3A_1687 = arith.constant true
    %cumsum3A_1688 = vector.broadcast %cumsum3A_1687 : i1 to vector<16xi1>
    %cumsum3A_1689 = tpu.scan <sum>, %select_n3A_1686 masked %cumsum3A_1688 : vector<16xi32>, vector<16xi1> -> vector<16xi32>
    %eq3A_1690 = arith.constant 4 : i32
    %eq3A_1691 = vector.broadcast %eq3A_1690 : i32 to vector<16xi32>
    %eq3A_1692 = arith.cmpi eq, %get3A_1549, %eq3A_1691 : vector<16xi32>
    %sub3A_1693 = arith.constant 1 : i32
    %sub3A_1694 = vector.broadcast %sub3A_1693 : i32 to vector<16xi32>
    %sub3A_1695 = arith.subi %cumsum3A_1689, %sub3A_1694 : vector<16xi32>
    %jit3A_1696 = arith.constant 0 : i32
    %broadcast_in_dim3A_1697 = vector.broadcast %jit3A_1696 : i32 to vector<16xi32>
    %select_n3A_1698 = arith.select %eq3A_1692, %sub3A_1695, %broadcast_in_dim3A_1697 : vector<16xi1>, vector<16xi32>
    %add3A_1699 = arith.addi %add3A_1668, %select_n3A_1698 : vector<16xi32>
    %reduce_sum3A_1700 = arith.constant true
    %reduce_sum3A_1701 = vector.broadcast %reduce_sum3A_1700 : i1 to vector<16xi1>
    %reduce_sum3A_1702 = tpu.scan <sum>, %select_n3A_1686 masked %reduce_sum3A_1701 : vector<16xi32>, vector<16xi1> -> vector<16xi32>
    %reduce_sum3A_1703 = vector.extract %reduce_sum3A_1702[15] : i32 from vector<16xi32>
    %eq3A_1704 = arith.constant 4 : i32
    %eq3A_1705 = vector.broadcast %eq3A_1704 : i32 to vector<16xi32>
    %eq3A_1706 = arith.cmpi eq, %iota3A, %eq3A_1705 : vector<16xi32>
    %add3A_1707 = vector.broadcast %reduce_sum3A_1703 : i32 to vector<16xi32>
    %add3A_1708 = arith.addi %select_n3A_1678, %add3A_1707 : vector<16xi32>
    %select_n3A_1709 = arith.select %eq3A_1706, %add3A_1708, %select_n3A_1678 : vector<16xi1>, vector<16xi32>
    %eq3A_1710 = arith.constant 5 : i32
    %eq3A_1711 = vector.broadcast %eq3A_1710 : i32 to vector<16xi32>
    %eq3A_1712 = arith.cmpi eq, %get3A_1549, %eq3A_1711 : vector<16xi32>
    %jit3A_1713 = arith.constant 1 : i32
    %jit3A_1714 = arith.constant 0 : i32
    %broadcast_in_dim3A_1715 = vector.broadcast %jit3A_1713 : i32 to vector<16xi32>
    %broadcast_in_dim3A_1716 = vector.broadcast %jit3A_1714 : i32 to vector<16xi32>
    %select_n3A_1717 = arith.select %eq3A_1712, %broadcast_in_dim3A_1715, %broadcast_in_dim3A_1716 : vector<16xi1>, vector<16xi32>
    %cumsum3A_1718 = arith.constant true
    %cumsum3A_1719 = vector.broadcast %cumsum3A_1718 : i1 to vector<16xi1>
    %cumsum3A_1720 = tpu.scan <sum>, %select_n3A_1717 masked %cumsum3A_1719 : vector<16xi32>, vector<16xi1> -> vector<16xi32>
    %eq3A_1721 = arith.constant 5 : i32
    %eq3A_1722 = vector.broadcast %eq3A_1721 : i32 to vector<16xi32>
    %eq3A_1723 = arith.cmpi eq, %get3A_1549, %eq3A_1722 : vector<16xi32>
    %sub3A_1724 = arith.constant 1 : i32
    %sub3A_1725 = vector.broadcast %sub3A_1724 : i32 to vector<16xi32>
    %sub3A_1726 = arith.subi %cumsum3A_1720, %sub3A_1725 : vector<16xi32>
    %jit3A_1727 = arith.constant 0 : i32
    %broadcast_in_dim3A_1728 = vector.broadcast %jit3A_1727 : i32 to vector<16xi32>
    %select_n3A_1729 = arith.select %eq3A_1723, %sub3A_1726, %broadcast_in_dim3A_1728 : vector<16xi1>, vector<16xi32>
    %add3A_1730 = arith.addi %add3A_1699, %select_n3A_1729 : vector<16xi32>
    %reduce_sum3A_1731 = arith.constant true
    %reduce_sum3A_1732 = vector.broadcast %reduce_sum3A_1731 : i1 to vector<16xi1>
    %reduce_sum3A_1733 = tpu.scan <sum>, %select_n3A_1717 masked %reduce_sum3A_1732 : vector<16xi32>, vector<16xi1> -> vector<16xi32>
    %reduce_sum3A_1734 = vector.extract %reduce_sum3A_1733[15] : i32 from vector<16xi32>
    %eq3A_1735 = arith.constant 5 : i32
    %eq3A_1736 = vector.broadcast %eq3A_1735 : i32 to vector<16xi32>
    %eq3A_1737 = arith.cmpi eq, %iota3A, %eq3A_1736 : vector<16xi32>
    %add3A_1738 = vector.broadcast %reduce_sum3A_1734 : i32 to vector<16xi32>
    %add3A_1739 = arith.addi %select_n3A_1709, %add3A_1738 : vector<16xi32>
    %select_n3A_1740 = arith.select %eq3A_1737, %add3A_1739, %select_n3A_1709 : vector<16xi1>, vector<16xi32>
    %eq3A_1741 = arith.constant 6 : i32
    %eq3A_1742 = vector.broadcast %eq3A_1741 : i32 to vector<16xi32>
    %eq3A_1743 = arith.cmpi eq, %get3A_1549, %eq3A_1742 : vector<16xi32>
    %jit3A_1744 = arith.constant 1 : i32
    %jit3A_1745 = arith.constant 0 : i32
    %broadcast_in_dim3A_1746 = vector.broadcast %jit3A_1744 : i32 to vector<16xi32>
    %broadcast_in_dim3A_1747 = vector.broadcast %jit3A_1745 : i32 to vector<16xi32>
    %select_n3A_1748 = arith.select %eq3A_1743, %broadcast_in_dim3A_1746, %broadcast_in_dim3A_1747 : vector<16xi1>, vector<16xi32>
    %cumsum3A_1749 = arith.constant true
    %cumsum3A_1750 = vector.broadcast %cumsum3A_1749 : i1 to vector<16xi1>
    %cumsum3A_1751 = tpu.scan <sum>, %select_n3A_1748 masked %cumsum3A_1750 : vector<16xi32>, vector<16xi1> -> vector<16xi32>
    %eq3A_1752 = arith.constant 6 : i32
    %eq3A_1753 = vector.broadcast %eq3A_1752 : i32 to vector<16xi32>
    %eq3A_1754 = arith.cmpi eq, %get3A_1549, %eq3A_1753 : vector<16xi32>
    %sub3A_1755 = arith.constant 1 : i32
    %sub3A_1756 = vector.broadcast %sub3A_1755 : i32 to vector<16xi32>
    %sub3A_1757 = arith.subi %cumsum3A_1751, %sub3A_1756 : vector<16xi32>
    %jit3A_1758 = arith.constant 0 : i32
    %broadcast_in_dim3A_1759 = vector.broadcast %jit3A_1758 : i32 to vector<16xi32>
    %select_n3A_1760 = arith.select %eq3A_1754, %sub3A_1757, %broadcast_in_dim3A_1759 : vector<16xi1>, vector<16xi32>
    %add3A_1761 = arith.addi %add3A_1730, %select_n3A_1760 : vector<16xi32>
    %reduce_sum3A_1762 = arith.constant true
    %reduce_sum3A_1763 = vector.broadcast %reduce_sum3A_1762 : i1 to vector<16xi1>
    %reduce_sum3A_1764 = tpu.scan <sum>, %select_n3A_1748 masked %reduce_sum3A_1763 : vector<16xi32>, vector<16xi1> -> vector<16xi32>
    %reduce_sum3A_1765 = vector.extract %reduce_sum3A_1764[15] : i32 from vector<16xi32>
    %eq3A_1766 = arith.constant 6 : i32
    %eq3A_1767 = vector.broadcast %eq3A_1766 : i32 to vector<16xi32>
    %eq3A_1768 = arith.cmpi eq, %iota3A, %eq3A_1767 : vector<16xi32>
    %add3A_1769 = vector.broadcast %reduce_sum3A_1765 : i32 to vector<16xi32>
    %add3A_1770 = arith.addi %select_n3A_1740, %add3A_1769 : vector<16xi32>
    %select_n3A_1771 = arith.select %eq3A_1768, %add3A_1770, %select_n3A_1740 : vector<16xi1>, vector<16xi32>
    %eq3A_1772 = arith.constant 7 : i32
    %eq3A_1773 = vector.broadcast %eq3A_1772 : i32 to vector<16xi32>
    %eq3A_1774 = arith.cmpi eq, %get3A_1549, %eq3A_1773 : vector<16xi32>
    %jit3A_1775 = arith.constant 1 : i32
    %jit3A_1776 = arith.constant 0 : i32
    %broadcast_in_dim3A_1777 = vector.broadcast %jit3A_1775 : i32 to vector<16xi32>
    %broadcast_in_dim3A_1778 = vector.broadcast %jit3A_1776 : i32 to vector<16xi32>
    %select_n3A_1779 = arith.select %eq3A_1774, %broadcast_in_dim3A_1777, %broadcast_in_dim3A_1778 : vector<16xi1>, vector<16xi32>
    %cumsum3A_1780 = arith.constant true
    %cumsum3A_1781 = vector.broadcast %cumsum3A_1780 : i1 to vector<16xi1>
    %cumsum3A_1782 = tpu.scan <sum>, %select_n3A_1779 masked %cumsum3A_1781 : vector<16xi32>, vector<16xi1> -> vector<16xi32>
    %eq3A_1783 = arith.constant 7 : i32
    %eq3A_1784 = vector.broadcast %eq3A_1783 : i32 to vector<16xi32>
    %eq3A_1785 = arith.cmpi eq, %get3A_1549, %eq3A_1784 : vector<16xi32>
    %sub3A_1786 = arith.constant 1 : i32
    %sub3A_1787 = vector.broadcast %sub3A_1786 : i32 to vector<16xi32>
    %sub3A_1788 = arith.subi %cumsum3A_1782, %sub3A_1787 : vector<16xi32>
    %jit3A_1789 = arith.constant 0 : i32
    %broadcast_in_dim3A_1790 = vector.broadcast %jit3A_1789 : i32 to vector<16xi32>
    %select_n3A_1791 = arith.select %eq3A_1785, %sub3A_1788, %broadcast_in_dim3A_1790 : vector<16xi1>, vector<16xi32>
    %add3A_1792 = arith.addi %add3A_1761, %select_n3A_1791 : vector<16xi32>
    %reduce_sum3A_1793 = arith.constant true
    %reduce_sum3A_1794 = vector.broadcast %reduce_sum3A_1793 : i1 to vector<16xi1>
    %reduce_sum3A_1795 = tpu.scan <sum>, %select_n3A_1779 masked %reduce_sum3A_1794 : vector<16xi32>, vector<16xi1> -> vector<16xi32>
    %reduce_sum3A_1796 = vector.extract %reduce_sum3A_1795[15] : i32 from vector<16xi32>
    %eq3A_1797 = arith.constant 7 : i32
    %eq3A_1798 = vector.broadcast %eq3A_1797 : i32 to vector<16xi32>
    %eq3A_1799 = arith.cmpi eq, %iota3A, %eq3A_1798 : vector<16xi32>
    %add3A_1800 = vector.broadcast %reduce_sum3A_1796 : i32 to vector<16xi32>
    %add3A_1801 = arith.addi %select_n3A_1771, %add3A_1800 : vector<16xi32>
    %select_n3A_1802 = arith.select %eq3A_1799, %add3A_1801, %select_n3A_1771 : vector<16xi1>, vector<16xi32>
    %add3A_1803 = arith.addi %gather3A_1552, %add3A_1792 : vector<16xi32>
    %swap3A_1804 = arith.constant 32 : index
    %swap3A_1805 = tpu.vector_load %arg10[%swap3A_1804] {strides = array<i32>} : memref<64xi32, #tpu.memory_space<vmem>>, vector<16xi32>,
    tpu.vector_store %arg10[%swap3A_1804], %add3A_1803 {strides = array<i32>} : memref<64xi32, #tpu.memory_space<vmem>>, vector<16xi32>,
    %get3A_1806 = arith.constant 48 : index
    %get3A_1807 = tpu.vector_load %arg8[%get3A_1806] {strides = array<i32>} : memref<64xi32, #tpu.memory_space<vmem>>, vector<16xi32>,
    %broadcast_in_dim3A_1808 = vector.shape_cast %get3A_1807 : vector<16xi32> to vector<16x1xi32>
    %gather3A_1809 = vector.shape_cast %broadcast_in_dim3A_1808 : vector<16x1xi32> to vector<16xi32>
    %gather3A_1810 = tpu.dynamic_gather %select_n3A_1802[%gather3A_1809] in [0] : vector<16xi32>, vector<16xi32> -> vector<16xi32>
    %broadcast_in_dim3A_1811 = arith.constant 0 : i32
    %broadcast_in_dim3A_1812 = vector.broadcast %broadcast_in_dim3A_1811 : i32 to vector<16xi32>
    %eq3A_1813 = arith.constant 0 : i32
    %eq3A_1814 = vector.broadcast %eq3A_1813 : i32 to vector<16xi32>
    %eq3A_1815 = arith.cmpi eq, %get3A_1807, %eq3A_1814 : vector<16xi32>
    %jit3A_1816 = arith.constant 1 : i32
    %jit3A_1817 = arith.constant 0 : i32
    %broadcast_in_dim3A_1818 = vector.broadcast %jit3A_1816 : i32 to vector<16xi32>
    %broadcast_in_dim3A_1819 = vector.broadcast %jit3A_1817 : i32 to vector<16xi32>
    %select_n3A_1820 = arith.select %eq3A_1815, %broadcast_in_dim3A_1818, %broadcast_in_dim3A_1819 : vector<16xi1>, vector<16xi32>
    %cumsum3A_1821 = arith.constant true
    %cumsum3A_1822 = vector.broadcast %cumsum3A_1821 : i1 to vector<16xi1>
    %cumsum3A_1823 = tpu.scan <sum>, %select_n3A_1820 masked %cumsum3A_1822 : vector<16xi32>, vector<16xi1> -> vector<16xi32>
    %eq3A_1824 = arith.constant 0 : i32
    %eq3A_1825 = vector.broadcast %eq3A_1824 : i32 to vector<16xi32>
    %eq3A_1826 = arith.cmpi eq, %get3A_1807, %eq3A_1825 : vector<16xi32>
    %sub3A_1827 = arith.constant 1 : i32
    %sub3A_1828 = vector.broadcast %sub3A_1827 : i32 to vector<16xi32>
    %sub3A_1829 = arith.subi %cumsum3A_1823, %sub3A_1828 : vector<16xi32>
    %jit3A_1830 = arith.constant 0 : i32
    %broadcast_in_dim3A_1831 = vector.broadcast %jit3A_1830 : i32 to vector<16xi32>
    %select_n3A_1832 = arith.select %eq3A_1826, %sub3A_1829, %broadcast_in_dim3A_1831 : vector<16xi1>, vector<16xi32>
    %add3A_1833 = arith.addi %broadcast_in_dim3A_1812, %select_n3A_1832 : vector<16xi32>
    %reduce_sum3A_1834 = arith.constant true
    %reduce_sum3A_1835 = vector.broadcast %reduce_sum3A_1834 : i1 to vector<16xi1>
    %reduce_sum3A_1836 = tpu.scan <sum>, %select_n3A_1820 masked %reduce_sum3A_1835 : vector<16xi32>, vector<16xi1> -> vector<16xi32>
    %reduce_sum3A_1837 = vector.extract %reduce_sum3A_1836[15] : i32 from vector<16xi32>
    %eq3A_1838 = arith.constant 0 : i32
    %eq3A_1839 = vector.broadcast %eq3A_1838 : i32 to vector<16xi32>
    %eq3A_1840 = arith.cmpi eq, %iota3A, %eq3A_1839 : vector<16xi32>
    %add3A_1841 = vector.broadcast %reduce_sum3A_1837 : i32 to vector<16xi32>
    %add3A_1842 = arith.addi %select_n3A_1802, %add3A_1841 : vector<16xi32>
    %select_n3A_1843 = arith.select %eq3A_1840, %add3A_1842, %select_n3A_1802 : vector<16xi1>, vector<16xi32>
    %eq3A_1844 = arith.constant 1 : i32
    %eq3A_1845 = vector.broadcast %eq3A_1844 : i32 to vector<16xi32>
    %eq3A_1846 = arith.cmpi eq, %get3A_1807, %eq3A_1845 : vector<16xi32>
    %jit3A_1847 = arith.constant 1 : i32
    %jit3A_1848 = arith.constant 0 : i32
    %broadcast_in_dim3A_1849 = vector.broadcast %jit3A_1847 : i32 to vector<16xi32>
    %broadcast_in_dim3A_1850 = vector.broadcast %jit3A_1848 : i32 to vector<16xi32>
    %select_n3A_1851 = arith.select %eq3A_1846, %broadcast_in_dim3A_1849, %broadcast_in_dim3A_1850 : vector<16xi1>, vector<16xi32>
    %cumsum3A_1852 = arith.constant true
    %cumsum3A_1853 = vector.broadcast %cumsum3A_1852 : i1 to vector<16xi1>
    %cumsum3A_1854 = tpu.scan <sum>, %select_n3A_1851 masked %cumsum3A_1853 : vector<16xi32>, vector<16xi1> -> vector<16xi32>
    %eq3A_1855 = arith.constant 1 : i32
    %eq3A_1856 = vector.broadcast %eq3A_1855 : i32 to vector<16xi32>
    %eq3A_1857 = arith.cmpi eq, %get3A_1807, %eq3A_1856 : vector<16xi32>
    %sub3A_1858 = arith.constant 1 : i32
    %sub3A_1859 = vector.broadcast %sub3A_1858 : i32 to vector<16xi32>
    %sub3A_1860 = arith.subi %cumsum3A_1854, %sub3A_1859 : vector<16xi32>
    %jit3A_1861 = arith.constant 0 : i32
    %broadcast_in_dim3A_1862 = vector.broadcast %jit3A_1861 : i32 to vector<16xi32>
    %select_n3A_1863 = arith.select %eq3A_1857, %sub3A_1860, %broadcast_in_dim3A_1862 : vector<16xi1>, vector<16xi32>
    %add3A_1864 = arith.addi %add3A_1833, %select_n3A_1863 : vector<16xi32>
    %reduce_sum3A_1865 = arith.constant true
    %reduce_sum3A_1866 = vector.broadcast %reduce_sum3A_1865 : i1 to vector<16xi1>
    %reduce_sum3A_1867 = tpu.scan <sum>, %select_n3A_1851 masked %reduce_sum3A_1866 : vector<16xi32>, vector<16xi1> -> vector<16xi32>
    %reduce_sum3A_1868 = vector.extract %reduce_sum3A_1867[15] : i32 from vector<16xi32>
    %eq3A_1869 = arith.constant 1 : i32
    %eq3A_1870 = vector.broadcast %eq3A_1869 : i32 to vector<16xi32>
    %eq3A_1871 = arith.cmpi eq, %iota3A, %eq3A_1870 : vector<16xi32>
    %add3A_1872 = vector.broadcast %reduce_sum3A_1868 : i32 to vector<16xi32>
    %add3A_1873 = arith.addi %select_n3A_1843, %add3A_1872 : vector<16xi32>
    %select_n3A_1874 = arith.select %eq3A_1871, %add3A_1873, %select_n3A_1843 : vector<16xi1>, vector<16xi32>
    %eq3A_1875 = arith.constant 2 : i32
    %eq3A_1876 = vector.broadcast %eq3A_1875 : i32 to vector<16xi32>
    %eq3A_1877 = arith.cmpi eq, %get3A_1807, %eq3A_1876 : vector<16xi32>
    %jit3A_1878 = arith.constant 1 : i32
    %jit3A_1879 = arith.constant 0 : i32
    %broadcast_in_dim3A_1880 = vector.broadcast %jit3A_1878 : i32 to vector<16xi32>
    %broadcast_in_dim3A_1881 = vector.broadcast %jit3A_1879 : i32 to vector<16xi32>
    %select_n3A_1882 = arith.select %eq3A_1877, %broadcast_in_dim3A_1880, %broadcast_in_dim3A_1881 : vector<16xi1>, vector<16xi32>
    %cumsum3A_1883 = arith.constant true
    %cumsum3A_1884 = vector.broadcast %cumsum3A_1883 : i1 to vector<16xi1>
    %cumsum3A_1885 = tpu.scan <sum>, %select_n3A_1882 masked %cumsum3A_1884 : vector<16xi32>, vector<16xi1> -> vector<16xi32>
    %eq3A_1886 = arith.constant 2 : i32
    %eq3A_1887 = vector.broadcast %eq3A_1886 : i32 to vector<16xi32>
    %eq3A_1888 = arith.cmpi eq, %get3A_1807, %eq3A_1887 : vector<16xi32>
    %sub3A_1889 = arith.constant 1 : i32
    %sub3A_1890 = vector.broadcast %sub3A_1889 : i32 to vector<16xi32>
    %sub3A_1891 = arith.subi %cumsum3A_1885, %sub3A_1890 : vector<16xi32>
    %jit3A_1892 = arith.constant 0 : i32
    %broadcast_in_dim3A_1893 = vector.broadcast %jit3A_1892 : i32 to vector<16xi32>
    %select_n3A_1894 = arith.select %eq3A_1888, %sub3A_1891, %broadcast_in_dim3A_1893 : vector<16xi1>, vector<16xi32>
    %add3A_1895 = arith.addi %add3A_1864, %select_n3A_1894 : vector<16xi32>
    %reduce_sum3A_1896 = arith.constant true
    %reduce_sum3A_1897 = vector.broadcast %reduce_sum3A_1896 : i1 to vector<16xi1>
    %reduce_sum3A_1898 = tpu.scan <sum>, %select_n3A_1882 masked %reduce_sum3A_1897 : vector<16xi32>, vector<16xi1> -> vector<16xi32>
    %reduce_sum3A_1899 = vector.extract %reduce_sum3A_1898[15] : i32 from vector<16xi32>
    %eq3A_1900 = arith.constant 2 : i32
    %eq3A_1901 = vector.broadcast %eq3A_1900 : i32 to vector<16xi32>
    %eq3A_1902 = arith.cmpi eq, %iota3A, %eq3A_1901 : vector<16xi32>
    %add3A_1903 = vector.broadcast %reduce_sum3A_1899 : i32 to vector<16xi32>
    %add3A_1904 = arith.addi %select_n3A_1874, %add3A_1903 : vector<16xi32>
    %select_n3A_1905 = arith.select %eq3A_1902, %add3A_1904, %select_n3A_1874 : vector<16xi1>, vector<16xi32>
    %eq3A_1906 = arith.constant 3 : i32
    %eq3A_1907 = vector.broadcast %eq3A_1906 : i32 to vector<16xi32>
    %eq3A_1908 = arith.cmpi eq, %get3A_1807, %eq3A_1907 : vector<16xi32>
    %jit3A_1909 = arith.constant 1 : i32
    %jit3A_1910 = arith.constant 0 : i32
    %broadcast_in_dim3A_1911 = vector.broadcast %jit3A_1909 : i32 to vector<16xi32>
    %broadcast_in_dim3A_1912 = vector.broadcast %jit3A_1910 : i32 to vector<16xi32>
    %select_n3A_1913 = arith.select %eq3A_1908, %broadcast_in_dim3A_1911, %broadcast_in_dim3A_1912 : vector<16xi1>, vector<16xi32>
    %cumsum3A_1914 = arith.constant true
    %cumsum3A_1915 = vector.broadcast %cumsum3A_1914 : i1 to vector<16xi1>
    %cumsum3A_1916 = tpu.scan <sum>, %select_n3A_1913 masked %cumsum3A_1915 : vector<16xi32>, vector<16xi1> -> vector<16xi32>
    %eq3A_1917 = arith.constant 3 : i32
    %eq3A_1918 = vector.broadcast %eq3A_1917 : i32 to vector<16xi32>
    %eq3A_1919 = arith.cmpi eq, %get3A_1807, %eq3A_1918 : vector<16xi32>
    %sub3A_1920 = arith.constant 1 : i32
    %sub3A_1921 = vector.broadcast %sub3A_1920 : i32 to vector<16xi32>
    %sub3A_1922 = arith.subi %cumsum3A_1916, %sub3A_1921 : vector<16xi32>
    %jit3A_1923 = arith.constant 0 : i32
    %broadcast_in_dim3A_1924 = vector.broadcast %jit3A_1923 : i32 to vector<16xi32>
    %select_n3A_1925 = arith.select %eq3A_1919, %sub3A_1922, %broadcast_in_dim3A_1924 : vector<16xi1>, vector<16xi32>
    %add3A_1926 = arith.addi %add3A_1895, %select_n3A_1925 : vector<16xi32>
    %reduce_sum3A_1927 = arith.constant true
    %reduce_sum3A_1928 = vector.broadcast %reduce_sum3A_1927 : i1 to vector<16xi1>
    %reduce_sum3A_1929 = tpu.scan <sum>, %select_n3A_1913 masked %reduce_sum3A_1928 : vector<16xi32>, vector<16xi1> -> vector<16xi32>
    %reduce_sum3A_1930 = vector.extract %reduce_sum3A_1929[15] : i32 from vector<16xi32>
    %eq3A_1931 = arith.constant 3 : i32
    %eq3A_1932 = vector.broadcast %eq3A_1931 : i32 to vector<16xi32>
    %eq3A_1933 = arith.cmpi eq, %iota3A, %eq3A_1932 : vector<16xi32>
    %add3A_1934 = vector.broadcast %reduce_sum3A_1930 : i32 to vector<16xi32>
    %add3A_1935 = arith.addi %select_n3A_1905, %add3A_1934 : vector<16xi32>
    %select_n3A_1936 = arith.select %eq3A_1933, %add3A_1935, %select_n3A_1905 : vector<16xi1>, vector<16xi32>
    %eq3A_1937 = arith.constant 4 : i32
    %eq3A_1938 = vector.broadcast %eq3A_1937 : i32 to vector<16xi32>
    %eq3A_1939 = arith.cmpi eq, %get3A_1807, %eq3A_1938 : vector<16xi32>
    %jit3A_1940 = arith.constant 1 : i32
    %jit3A_1941 = arith.constant 0 : i32
    %broadcast_in_dim3A_1942 = vector.broadcast %jit3A_1940 : i32 to vector<16xi32>
    %broadcast_in_dim3A_1943 = vector.broadcast %jit3A_1941 : i32 to vector<16xi32>
    %select_n3A_1944 = arith.select %eq3A_1939, %broadcast_in_dim3A_1942, %broadcast_in_dim3A_1943 : vector<16xi1>, vector<16xi32>
    %cumsum3A_1945 = arith.constant true
    %cumsum3A_1946 = vector.broadcast %cumsum3A_1945 : i1 to vector<16xi1>
    %cumsum3A_1947 = tpu.scan <sum>, %select_n3A_1944 masked %cumsum3A_1946 : vector<16xi32>, vector<16xi1> -> vector<16xi32>
    %eq3A_1948 = arith.constant 4 : i32
    %eq3A_1949 = vector.broadcast %eq3A_1948 : i32 to vector<16xi32>
    %eq3A_1950 = arith.cmpi eq, %get3A_1807, %eq3A_1949 : vector<16xi32>
    %sub3A_1951 = arith.constant 1 : i32
    %sub3A_1952 = vector.broadcast %sub3A_1951 : i32 to vector<16xi32>
    %sub3A_1953 = arith.subi %cumsum3A_1947, %sub3A_1952 : vector<16xi32>
    %jit3A_1954 = arith.constant 0 : i32
    %broadcast_in_dim3A_1955 = vector.broadcast %jit3A_1954 : i32 to vector<16xi32>
    %select_n3A_1956 = arith.select %eq3A_1950, %sub3A_1953, %broadcast_in_dim3A_1955 : vector<16xi1>, vector<16xi32>
    %add3A_1957 = arith.addi %add3A_1926, %select_n3A_1956 : vector<16xi32>
    %reduce_sum3A_1958 = arith.constant true
    %reduce_sum3A_1959 = vector.broadcast %reduce_sum3A_1958 : i1 to vector<16xi1>
    %reduce_sum3A_1960 = tpu.scan <sum>, %select_n3A_1944 masked %reduce_sum3A_1959 : vector<16xi32>, vector<16xi1> -> vector<16xi32>
    %reduce_sum3A_1961 = vector.extract %reduce_sum3A_1960[15] : i32 from vector<16xi32>
    %eq3A_1962 = arith.constant 4 : i32
    %eq3A_1963 = vector.broadcast %eq3A_1962 : i32 to vector<16xi32>
    %eq3A_1964 = arith.cmpi eq, %iota3A, %eq3A_1963 : vector<16xi32>
    %add3A_1965 = vector.broadcast %reduce_sum3A_1961 : i32 to vector<16xi32>
    %add3A_1966 = arith.addi %select_n3A_1936, %add3A_1965 : vector<16xi32>
    %select_n3A_1967 = arith.select %eq3A_1964, %add3A_1966, %select_n3A_1936 : vector<16xi1>, vector<16xi32>
    %eq3A_1968 = arith.constant 5 : i32
    %eq3A_1969 = vector.broadcast %eq3A_1968 : i32 to vector<16xi32>
    %eq3A_1970 = arith.cmpi eq, %get3A_1807, %eq3A_1969 : vector<16xi32>
    %jit3A_1971 = arith.constant 1 : i32
    %jit3A_1972 = arith.constant 0 : i32
    %broadcast_in_dim3A_1973 = vector.broadcast %jit3A_1971 : i32 to vector<16xi32>
    %broadcast_in_dim3A_1974 = vector.broadcast %jit3A_1972 : i32 to vector<16xi32>
    %select_n3A_1975 = arith.select %eq3A_1970, %broadcast_in_dim3A_1973, %broadcast_in_dim3A_1974 : vector<16xi1>, vector<16xi32>
    %cumsum3A_1976 = arith.constant true
    %cumsum3A_1977 = vector.broadcast %cumsum3A_1976 : i1 to vector<16xi1>
    %cumsum3A_1978 = tpu.scan <sum>, %select_n3A_1975 masked %cumsum3A_1977 : vector<16xi32>, vector<16xi1> -> vector<16xi32>
    %eq3A_1979 = arith.constant 5 : i32
    %eq3A_1980 = vector.broadcast %eq3A_1979 : i32 to vector<16xi32>
    %eq3A_1981 = arith.cmpi eq, %get3A_1807, %eq3A_1980 : vector<16xi32>
    %sub3A_1982 = arith.constant 1 : i32
    %sub3A_1983 = vector.broadcast %sub3A_1982 : i32 to vector<16xi32>
    %sub3A_1984 = arith.subi %cumsum3A_1978, %sub3A_1983 : vector<16xi32>
    %jit3A_1985 = arith.constant 0 : i32
    %broadcast_in_dim3A_1986 = vector.broadcast %jit3A_1985 : i32 to vector<16xi32>
    %select_n3A_1987 = arith.select %eq3A_1981, %sub3A_1984, %broadcast_in_dim3A_1986 : vector<16xi1>, vector<16xi32>
    %add3A_1988 = arith.addi %add3A_1957, %select_n3A_1987 : vector<16xi32>
    %reduce_sum3A_1989 = arith.constant true
    %reduce_sum3A_1990 = vector.broadcast %reduce_sum3A_1989 : i1 to vector<16xi1>
    %reduce_sum3A_1991 = tpu.scan <sum>, %select_n3A_1975 masked %reduce_sum3A_1990 : vector<16xi32>, vector<16xi1> -> vector<16xi32>
    %reduce_sum3A_1992 = vector.extract %reduce_sum3A_1991[15] : i32 from vector<16xi32>
    %eq3A_1993 = arith.constant 5 : i32
    %eq3A_1994 = vector.broadcast %eq3A_1993 : i32 to vector<16xi32>
    %eq3A_1995 = arith.cmpi eq, %iota3A, %eq3A_1994 : vector<16xi32>
    %add3A_1996 = vector.broadcast %reduce_sum3A_1992 : i32 to vector<16xi32>
    %add3A_1997 = arith.addi %select_n3A_1967, %add3A_1996 : vector<16xi32>
    %select_n3A_1998 = arith.select %eq3A_1995, %add3A_1997, %select_n3A_1967 : vector<16xi1>, vector<16xi32>
    %eq3A_1999 = arith.constant 6 : i32
    %eq3A_2000 = vector.broadcast %eq3A_1999 : i32 to vector<16xi32>
    %eq3A_2001 = arith.cmpi eq, %get3A_1807, %eq3A_2000 : vector<16xi32>
    %jit3A_2002 = arith.constant 1 : i32
    %jit3A_2003 = arith.constant 0 : i32
    %broadcast_in_dim3A_2004 = vector.broadcast %jit3A_2002 : i32 to vector<16xi32>
    %broadcast_in_dim3A_2005 = vector.broadcast %jit3A_2003 : i32 to vector<16xi32>
    %select_n3A_2006 = arith.select %eq3A_2001, %broadcast_in_dim3A_2004, %broadcast_in_dim3A_2005 : vector<16xi1>, vector<16xi32>
    %cumsum3A_2007 = arith.constant true
    %cumsum3A_2008 = vector.broadcast %cumsum3A_2007 : i1 to vector<16xi1>
    %cumsum3A_2009 = tpu.scan <sum>, %select_n3A_2006 masked %cumsum3A_2008 : vector<16xi32>, vector<16xi1> -> vector<16xi32>
    %eq3A_2010 = arith.constant 6 : i32
    %eq3A_2011 = vector.broadcast %eq3A_2010 : i32 to vector<16xi32>
    %eq3A_2012 = arith.cmpi eq, %get3A_1807, %eq3A_2011 : vector<16xi32>
    %sub3A_2013 = arith.constant 1 : i32
    %sub3A_2014 = vector.broadcast %sub3A_2013 : i32 to vector<16xi32>
    %sub3A_2015 = arith.subi %cumsum3A_2009, %sub3A_2014 : vector<16xi32>
    %jit3A_2016 = arith.constant 0 : i32
    %broadcast_in_dim3A_2017 = vector.broadcast %jit3A_2016 : i32 to vector<16xi32>
    %select_n3A_2018 = arith.select %eq3A_2012, %sub3A_2015, %broadcast_in_dim3A_2017 : vector<16xi1>, vector<16xi32>
    %add3A_2019 = arith.addi %add3A_1988, %select_n3A_2018 : vector<16xi32>
    %reduce_sum3A_2020 = arith.constant true
    %reduce_sum3A_2021 = vector.broadcast %reduce_sum3A_2020 : i1 to vector<16xi1>
    %reduce_sum3A_2022 = tpu.scan <sum>, %select_n3A_2006 masked %reduce_sum3A_2021 : vector<16xi32>, vector<16xi1> -> vector<16xi32>
    %reduce_sum3A_2023 = vector.extract %reduce_sum3A_2022[15] : i32 from vector<16xi32>
    %eq3A_2024 = arith.constant 6 : i32
    %eq3A_2025 = vector.broadcast %eq3A_2024 : i32 to vector<16xi32>
    %eq3A_2026 = arith.cmpi eq, %iota3A, %eq3A_2025 : vector<16xi32>
    %add3A_2027 = vector.broadcast %reduce_sum3A_2023 : i32 to vector<16xi32>
    %add3A_2028 = arith.addi %select_n3A_1998, %add3A_2027 : vector<16xi32>
    %select_n3A_2029 = arith.select %eq3A_2026, %add3A_2028, %select_n3A_1998 : vector<16xi1>, vector<16xi32>
    %eq3A_2030 = arith.constant 7 : i32
    %eq3A_2031 = vector.broadcast %eq3A_2030 : i32 to vector<16xi32>
    %eq3A_2032 = arith.cmpi eq, %get3A_1807, %eq3A_2031 : vector<16xi32>
    %jit3A_2033 = arith.constant 1 : i32
    %jit3A_2034 = arith.constant 0 : i32
    %broadcast_in_dim3A_2035 = vector.broadcast %jit3A_2033 : i32 to vector<16xi32>
    %broadcast_in_dim3A_2036 = vector.broadcast %jit3A_2034 : i32 to vector<16xi32>
    %select_n3A_2037 = arith.select %eq3A_2032, %broadcast_in_dim3A_2035, %broadcast_in_dim3A_2036 : vector<16xi1>, vector<16xi32>
    %cumsum3A_2038 = arith.constant true
    %cumsum3A_2039 = vector.broadcast %cumsum3A_2038 : i1 to vector<16xi1>
    %cumsum3A_2040 = tpu.scan <sum>, %select_n3A_2037 masked %cumsum3A_2039 : vector<16xi32>, vector<16xi1> -> vector<16xi32>
    %eq3A_2041 = arith.constant 7 : i32
    %eq3A_2042 = vector.broadcast %eq3A_2041 : i32 to vector<16xi32>
    %eq3A_2043 = arith.cmpi eq, %get3A_1807, %eq3A_2042 : vector<16xi32>
    %sub3A_2044 = arith.constant 1 : i32
    %sub3A_2045 = vector.broadcast %sub3A_2044 : i32 to vector<16xi32>
    %sub3A_2046 = arith.subi %cumsum3A_2040, %sub3A_2045 : vector<16xi32>
    %jit3A_2047 = arith.constant 0 : i32
    %broadcast_in_dim3A_2048 = vector.broadcast %jit3A_2047 : i32 to vector<16xi32>
    %select_n3A_2049 = arith.select %eq3A_2043, %sub3A_2046, %broadcast_in_dim3A_2048 : vector<16xi1>, vector<16xi32>
    %add3A_2050 = arith.addi %add3A_2019, %select_n3A_2049 : vector<16xi32>
    %reduce_sum3A_2051 = arith.constant true
    %reduce_sum3A_2052 = vector.broadcast %reduce_sum3A_2051 : i1 to vector<16xi1>
    %reduce_sum3A_2053 = tpu.scan <sum>, %select_n3A_2037 masked %reduce_sum3A_2052 : vector<16xi32>, vector<16xi1> -> vector<16xi32>
    %reduce_sum3A_2054 = vector.extract %reduce_sum3A_2053[15] : i32 from vector<16xi32>
    %eq3A_2055 = arith.constant 7 : i32
    %eq3A_2056 = vector.broadcast %eq3A_2055 : i32 to vector<16xi32>
    %eq3A_2057 = arith.cmpi eq, %iota3A, %eq3A_2056 : vector<16xi32>
    %add3A_2058 = vector.broadcast %reduce_sum3A_2054 : i32 to vector<16xi32>
    %add3A_2059 = arith.addi %select_n3A_2029, %add3A_2058 : vector<16xi32>
    %select_n3A_2060 = arith.select %eq3A_2057, %add3A_2059, %select_n3A_2029 : vector<16xi1>, vector<16xi32>
    %add3A_2061 = arith.addi %gather3A_1810, %add3A_2050 : vector<16xi32>
    %swap3A_2062 = arith.constant 48 : index
    %swap3A_2063 = tpu.vector_load %arg10[%swap3A_2062] {strides = array<i32>} : memref<64xi32, #tpu.memory_space<vmem>>, vector<16xi32>,
    tpu.vector_store %arg10[%swap3A_2062], %add3A_2061 {strides = array<i32>} : memref<64xi32, #tpu.memory_space<vmem>>, vector<16xi32>,
    "tpu.region"() ({
      %run_scoped3A = tpu.sem_alloc : memref<!tpu.dma_semaphore, #tpu.memory_space<semaphore_mem>>
      %dma_start3A_2081 = tpu.memref_slice %arg6[%mul3A_2] : memref<4096xi32, #tpu.memory_space<hbm>> -> memref<64xi32, #tpu.memory_space<hbm>>
      %dma_start3A_2082 = tpu.memref_slice %arg6[%mul3A_2] : memref<4096xi32, #tpu.memory_space<hbm>> -> memref<64xi32, #tpu.memory_space<hbm>>
      tpu.enqueue_dma source(%arg9 : memref<64xi32, #tpu.memory_space<vmem>>) target(%dma_start3A_2082 : memref<64xi32, #tpu.memory_space<hbm>>) target_semaphore(%run_scoped3A : memref<!tpu.dma_semaphore, #tpu.memory_space<semaphore_mem>>)
      %dma_wait3A_2083 = tpu.memref_slice %arg6[%mul3A_2] : memref<4096xi32, #tpu.memory_space<hbm>> -> memref<64xi32, #tpu.memory_space<hbm>>
      %dma_wait3A_2084 = tpu.memref_slice %arg6[%mul3A_2] : memref<4096xi32, #tpu.memory_space<hbm>> -> memref<64xi32, #tpu.memory_space<hbm>>
      tpu.wait_dma2 semaphore(%run_scoped3A : memref<!tpu.dma_semaphore, #tpu.memory_space<semaphore_mem>>) src(%arg9 : memref<64xi32, #tpu.memory_space<vmem>>) dst(%dma_wait3A_2084 : memref<64xi32, #tpu.memory_space<hbm>>)
      tpu.yield
    }) : () -> ()
    %add3A_2064 = arith.constant 2048 : i32
    %add3A_2065 = arith.addi %add3A_2064, %mul3A_2 : i32
    "tpu.region"() ({
      %run_scoped3A = tpu.sem_alloc : memref<!tpu.dma_semaphore, #tpu.memory_space<semaphore_mem>>
      %dma_start3A_2081 = tpu.memref_slice %arg6[%add3A_2065] : memref<4096xi32, #tpu.memory_space<hbm>> -> memref<64xi32, #tpu.memory_space<hbm>>
      %dma_start3A_2082 = tpu.memref_slice %arg6[%add3A_2065] : memref<4096xi32, #tpu.memory_space<hbm>> -> memref<64xi32, #tpu.memory_space<hbm>>
      tpu.enqueue_dma source(%arg10 : memref<64xi32, #tpu.memory_space<vmem>>) target(%dma_start3A_2082 : memref<64xi32, #tpu.memory_space<hbm>>) target_semaphore(%run_scoped3A : memref<!tpu.dma_semaphore, #tpu.memory_space<semaphore_mem>>)
      %dma_wait3A_2083 = tpu.memref_slice %arg6[%add3A_2065] : memref<4096xi32, #tpu.memory_space<hbm>> -> memref<64xi32, #tpu.memory_space<hbm>>
      %dma_wait3A_2084 = tpu.memref_slice %arg6[%add3A_2065] : memref<4096xi32, #tpu.memory_space<hbm>> -> memref<64xi32, #tpu.memory_space<hbm>>
      tpu.wait_dma2 semaphore(%run_scoped3A : memref<!tpu.dma_semaphore, #tpu.memory_space<semaphore_mem>>) src(%arg10 : memref<64xi32, #tpu.memory_space<vmem>>) dst(%dma_wait3A_2084 : memref<64xi32, #tpu.memory_space<hbm>>)
      tpu.yield
    }) : () -> ()
    %dma_wait3A = arith.constant 0 : i32
    %dma_wait3A_2066 = tpu.memref_slice %arg4[%mul3A_2, %dma_wait3A] : memref<2048x768xf32, #tpu.memory_space<hbm>> -> memref<64x768xf32, #tpu.memory_space<hbm>>
    %dma_wait3A_2067 = arith.constant 0 : i32
    %dma_wait3A_2068 = tpu.memref_slice %arg4[%mul3A_2, %dma_wait3A_2067] : memref<2048x768xf32, #tpu.memory_space<hbm>> -> memref<64x768xf32, #tpu.memory_space<hbm>>
    tpu.wait_dma2 semaphore(%arg14 : memref<!tpu.dma_semaphore, #tpu.memory_space<semaphore_mem>>) src(%dma_wait3A_2068 : memref<64x768xf32, #tpu.memory_space<hbm>>) dst(%arg12 : memref<64x768xf32, #tpu.memory_space<vmem>>)
    %dma_start3A_2069 = arith.constant 0 : i32
    %dma_start3A_2070 = arith.constant 0 : i32
    %dma_start3A_2071 = tpu.memref_slice %arg5[%dma_start3A_2069, %dma_start3A_2070] : memref<6144x768xf32, #tpu.memory_space<hbm>> -> memref<6144x768xf32, #tpu.memory_space<hbm>>
    tpu.enqueue_indirect_dma source(%arg12 : memref<64x768xf32, #tpu.memory_space<vmem>>) target(%dma_start3A_2071 : memref<6144x768xf32, #tpu.memory_space<hbm>>) offsets(%arg9 : memref<64xi32, #tpu.memory_space<vmem>>) semaphore(%arg13 : memref<!tpu.dma_semaphore, #tpu.memory_space<semaphore_mem>>)
    %dma_start3A_2072 = arith.constant 0 : i32
    %dma_start3A_2073 = arith.constant 0 : i32
    %dma_start3A_2074 = tpu.memref_slice %arg5[%dma_start3A_2072, %dma_start3A_2073] : memref<6144x768xf32, #tpu.memory_space<hbm>> -> memref<6144x768xf32, #tpu.memory_space<hbm>>
    tpu.enqueue_indirect_dma source(%arg12 : memref<64x768xf32, #tpu.memory_space<vmem>>) target(%dma_start3A_2074 : memref<6144x768xf32, #tpu.memory_space<hbm>>) offsets(%arg10 : memref<64xi32, #tpu.memory_space<vmem>>) semaphore(%arg14 : memref<!tpu.dma_semaphore, #tpu.memory_space<semaphore_mem>>)
    %dma_wait3A_2075 = arith.constant 0 : i32
    %dma_wait3A_2076 = arith.constant 0 : i32
    %dma_wait3A_2077 = tpu.memref_slice %arg5[%dma_wait3A_2075, %dma_wait3A_2076] : memref<6144x768xf32, #tpu.memory_space<hbm>> -> memref<6144x768xf32, #tpu.memory_space<hbm>>
    tpu.wait_indirect_dma semaphore(%arg13 : memref<!tpu.dma_semaphore, #tpu.memory_space<semaphore_mem>>) src(%arg12 : memref<64x768xf32, #tpu.memory_space<vmem>>) dst(%dma_wait3A_2077 : memref<6144x768xf32, #tpu.memory_space<hbm>>)
    %dma_wait3A_2078 = arith.constant 0 : i32
    %dma_wait3A_2079 = arith.constant 0 : i32
    %dma_wait3A_2080 = tpu.memref_slice %arg5[%dma_wait3A_2078, %dma_wait3A_2079] : memref<6144x768xf32, #tpu.memory_space<hbm>> -> memref<6144x768xf32, #tpu.memory_space<hbm>>
    tpu.wait_indirect_dma semaphore(%arg14 : memref<!tpu.dma_semaphore, #tpu.memory_space<semaphore_mem>>) src(%arg12 : memref<64x768xf32, #tpu.memory_space<vmem>>) dst(%dma_wait3A_2080 : memref<6144x768xf32, #tpu.memory_space<hbm>>)
    return
  }
}

module attributes {stable_mosaic.version = 14 : i64} {
  func.func @_router_body(%arg0: i32, %arg1: memref<512x768xf32, #tpu.memory_space<vmem>>, %arg2: memref<768x768xf32, #tpu.memory_space<vmem>>, %arg3: memref<1x768xf32, #tpu.memory_space<vmem>>, %arg4: memref<768x8xf32, #tpu.memory_space<vmem>>, %arg5: memref<512x768xf32, #tpu.memory_space<vmem>>, %arg6: memref<512x8xf32, #tpu.memory_space<vmem>>, %arg7: memref<2x512xi32, #tpu.memory_space<vmem>>, %arg8: memref<2x512xf32, #tpu.memory_space<vmem>>, %arg9: memref<1x1xf32, #tpu.memory_space<vmem>>, %arg10: memref<1x1xf32, #tpu.memory_space<vmem>>, %arg11: memref<1x8xf32, #tpu.memory_space<vmem>>, %arg12: memref<1x8xf32, #tpu.memory_space<vmem>>, %arg13: memref<32x16xi32, #tpu.memory_space<vmem>>, %arg14: memref<5x24xi32, #tpu.memory_space<vmem>>, %arg15: memref<32x8xf32, #tpu.memory_space<vmem>>, %arg16: memref<1x1xf32, #tpu.memory_space<vmem>>, %arg17: memref<1x8xf32, #tpu.memory_space<vmem>>) attributes {dimension_semantics = [#tpu.dimension_semantics<arbitrary>], iteration_bounds = array<i64: 4>, scalar_prefetch = 0 : i64, scratch_operands = 3 : i64, tpu.core_type = #tpu.core_type<tc>, window_params = [{transform_indices = @transform_0, window_bounds = array<i64: 512, 768>}, {pipeline_mode = #tpu.pipeline_mode<synchronous>, transform_indices = @transform_1, window_bounds = array<i64: 768, 768>}, {pipeline_mode = #tpu.pipeline_mode<synchronous>, transform_indices = @transform_2, window_bounds = array<i64: 1, 768>}, {pipeline_mode = #tpu.pipeline_mode<synchronous>, transform_indices = @transform_3, window_bounds = array<i64: 768, 8>}, {transform_indices = @transform_4, window_bounds = array<i64: 512, 768>}, {transform_indices = @transform_5, window_bounds = array<i64: 512, 8>}, {transform_indices = @transform_6, window_bounds = array<i64: 2, 512>}, {transform_indices = @transform_7, window_bounds = array<i64: 2, 512>}, {pipeline_mode = #tpu.pipeline_mode<synchronous>, transform_indices = @transform_8, window_bounds = array<i64: 1, 1>}, {pipeline_mode = #tpu.pipeline_mode<synchronous>, transform_indices = @transform_9, window_bounds = array<i64: 1, 1>}, {pipeline_mode = #tpu.pipeline_mode<synchronous>, transform_indices = @transform_10, window_bounds = array<i64: 1, 8>}, {pipeline_mode = #tpu.pipeline_mode<synchronous>, transform_indices = @transform_11, window_bounds = array<i64: 1, 8>}, {pipeline_mode = #tpu.pipeline_mode<synchronous>, transform_indices = @transform_12, window_bounds = array<i64: 32, 16>}, {pipeline_mode = #tpu.pipeline_mode<synchronous>, transform_indices = @transform_13, window_bounds = array<i64: 5, 24>}]} {
    %get3A = arith.constant 0 : index
    %get3A_0 = arith.constant 0 : index
    %get3A_1 = vector.load %arg1[%get3A, %get3A_0] : memref<512x768xf32, #tpu.memory_space<vmem>>, vector<512x768xf32>
    %reduce_sum3A = arith.constant dense<0.000000e+00> : vector<512xf32>
    %reduce_sum3A_2 = vector.multi_reduction <add>, %get3A_1, %reduce_sum3A [1] : vector<512x768xf32> to vector<512xf32>
    %broadcast_in_dim3A = vector.shape_cast %reduce_sum3A_2 : vector<512xf32> to vector<512x1xf32>
    %div3A = arith.constant 7.680000e+02 : f32
    %div3A_3 = vector.broadcast %div3A : f32 to vector<512x1xf32>
    %div3A_4 = arith.divf %broadcast_in_dim3A, %div3A_3 : vector<512x1xf32>
    %sub3A = vector.broadcast %div3A_4 : vector<512x1xf32> to vector<512x768xf32>
    %sub3A_5 = arith.subf %get3A_1, %sub3A : vector<512x768xf32>
    %integer_pow3A = arith.mulf %sub3A_5, %sub3A_5 : vector<512x768xf32>
    %reduce_sum3A_6 = arith.constant dense<0.000000e+00> : vector<512xf32>
    %reduce_sum3A_7 = vector.multi_reduction <add>, %integer_pow3A, %reduce_sum3A_6 [1] : vector<512x768xf32> to vector<512xf32>
    %broadcast_in_dim3A_8 = vector.shape_cast %reduce_sum3A_7 : vector<512xf32> to vector<512x1xf32>
    %div3A_9 = arith.constant 7.680000e+02 : f32
    %div3A_10 = vector.broadcast %div3A_9 : f32 to vector<512x1xf32>
    %div3A_11 = arith.divf %broadcast_in_dim3A_8, %div3A_10 : vector<512x1xf32>
    %sub3A_12 = vector.broadcast %div3A_4 : vector<512x1xf32> to vector<512x768xf32>
    %sub3A_13 = arith.subf %get3A_1, %sub3A_12 : vector<512x768xf32>
    %add3A = arith.constant 9.99999974E-6 : f32
    %add3A_14 = vector.broadcast %add3A : f32 to vector<512x1xf32>
    %add3A_15 = arith.addf %div3A_11, %add3A_14 : vector<512x1xf32>
    %sqrt3A = math.sqrt %add3A_15 : vector<512x1xf32>
    %div3A_16 = vector.broadcast %sqrt3A : vector<512x1xf32> to vector<512x768xf32>
    %div3A_17 = arith.divf %sub3A_13, %div3A_16 : vector<512x768xf32>
    %get3A_18 = arith.constant 0 : index
    %get3A_19 = arith.constant 0 : index
    %get3A_20 = vector.load %arg2[%get3A_18, %get3A_19] : memref<768x768xf32, #tpu.memory_space<vmem>>, vector<768x768xf32>
    %dot_general3A = arith.constant dense<0.000000e+00> : vector<512x768xf32>
    %dot_general3A_21 = tpu.matmul %div3A_17, %get3A_20, %dot_general3A {dimension_numbers = #tpu.dot_dimension_numbers<[1], [0], [0], [1], [0, 0, 1, 1], [], []>, transpose_lhs_hint = false} : vector<512x768xf32>, vector<768x768xf32>, vector<512x768xf32> -> vector<512x768xf32>
    %add3A_22 = arith.addf %get3A_1, %dot_general3A_21 : vector<512x768xf32>
    %get3A_23 = arith.constant 0 : index
    %get3A_24 = arith.constant 0 : index
    %get3A_25 = vector.load %arg3[%get3A_23, %get3A_24] : memref<1x768xf32, #tpu.memory_space<vmem>>, vector<1x768xf32>
    %add3A_26 = vector.broadcast %get3A_25 : vector<1x768xf32> to vector<512x768xf32>
    %add3A_27 = arith.addf %add3A_22, %add3A_26 : vector<512x768xf32>
    %swap3A = arith.constant 0 : index
    %swap3A_28 = arith.constant 0 : index
    %swap3A_29 = vector.load %arg5[%swap3A, %swap3A_28] : memref<512x768xf32, #tpu.memory_space<vmem>>, vector<512x768xf32>
    tpu.vector_store %arg5[%swap3A, %swap3A_28], %add3A_27 {strides = array<i32>} : memref<512x768xf32, #tpu.memory_space<vmem>>, vector<512x768xf32>,
    %get3A_30 = arith.constant 0 : index
    %get3A_31 = arith.constant 0 : index
    %get3A_32 = vector.load %arg4[%get3A_30, %get3A_31] : memref<768x8xf32, #tpu.memory_space<vmem>>, vector<768x8xf32>
    %dot_general3A_33 = arith.constant dense<0.000000e+00> : vector<512x8xf32>
    %dot_general3A_34 = tpu.matmul %add3A_27, %get3A_32, %dot_general3A_33 {dimension_numbers = #tpu.dot_dimension_numbers<[1], [0], [0], [1], [0, 0, 1, 1], [], []>, transpose_lhs_hint = false} : vector<512x768xf32>, vector<768x8xf32>, vector<512x8xf32> -> vector<512x8xf32>
    %reduce_max3A = arith.constant dense<0xFF800000> : vector<512xf32>
    %reduce_max3A_35 = vector.multi_reduction <maximumf>, %dot_general3A_34, %reduce_max3A [1] : vector<512x8xf32> to vector<512xf32>
    %broadcast_in_dim3A_36 = vector.shape_cast %reduce_max3A_35 : vector<512xf32> to vector<512x1xf32>
    %sub3A_37 = vector.broadcast %broadcast_in_dim3A_36 : vector<512x1xf32> to vector<512x8xf32>
    %sub3A_38 = arith.subf %dot_general3A_34, %sub3A_37 : vector<512x8xf32>
    %exp3A = math.exp %sub3A_38 : vector<512x8xf32>
    %reduce_sum3A_39 = arith.constant dense<0.000000e+00> : vector<512xf32>
    %reduce_sum3A_40 = vector.multi_reduction <add>, %exp3A, %reduce_sum3A_39 [1] : vector<512x8xf32> to vector<512xf32>
    %broadcast_in_dim3A_41 = vector.shape_cast %reduce_sum3A_40 : vector<512xf32> to vector<512x1xf32>
    %div3A_42 = vector.broadcast %broadcast_in_dim3A_41 : vector<512x1xf32> to vector<512x8xf32>
    %div3A_43 = arith.divf %exp3A, %div3A_42 : vector<512x8xf32>
    %swap3A_44 = arith.constant 0 : index
    %swap3A_45 = arith.constant 0 : index
    %swap3A_46 = vector.load %arg6[%swap3A_44, %swap3A_45] : memref<512x8xf32, #tpu.memory_space<vmem>>, vector<512x8xf32>
    tpu.vector_store %arg6[%swap3A_44, %swap3A_45], %div3A_43 {strides = array<i32>} : memref<512x8xf32, #tpu.memory_space<vmem>>, vector<512x8xf32>,
    %iota3A = tpu.iota {dimensions = array<i32: 1>} : vector<512x8xi32>
    %reduce_max3A_47 = arith.constant dense<0xFF800000> : vector<512xf32>
    %reduce_max3A_48 = vector.multi_reduction <maximumf>, %div3A_43, %reduce_max3A_47 [1] : vector<512x8xf32> to vector<512xf32>
    %broadcast_in_dim3A_49 = vector.shape_cast %reduce_max3A_48 : vector<512xf32> to vector<512x1xf32>
    %eq3A = vector.broadcast %broadcast_in_dim3A_49 : vector<512x1xf32> to vector<512x8xf32>
    %eq3A_50 = arith.cmpf oeq, %div3A_43, %eq3A : vector<512x8xf32>
    %jit3A = arith.constant 8 : i32
    %broadcast_in_dim3A_51 = vector.broadcast %jit3A : i32 to vector<512x8xi32>
    %select_n3A = arith.select %eq3A_50, %iota3A, %broadcast_in_dim3A_51 : vector<512x8xi1>, vector<512x8xi32>
    %reduce_min3A = arith.constant dense<2147483647> : vector<512xi32>
    %reduce_min3A_52 = vector.multi_reduction <minsi>, %select_n3A, %reduce_min3A [1] : vector<512x8xi32> to vector<512xi32>
    %broadcast_in_dim3A_53 = vector.shape_cast %reduce_min3A_52 : vector<512xi32> to vector<512x1xi32>
    %eq3A_54 = vector.broadcast %broadcast_in_dim3A_53 : vector<512x1xi32> to vector<512x8xi32>
    %eq3A_55 = arith.cmpi eq, %iota3A, %eq3A_54 : vector<512x8xi32>
    %jit3A_56 = arith.constant -1.000000e+30 : f32
    %broadcast_in_dim3A_57 = vector.broadcast %jit3A_56 : f32 to vector<512x8xf32>
    %select_n3A_58 = arith.select %eq3A_55, %broadcast_in_dim3A_57, %div3A_43 : vector<512x8xi1>, vector<512x8xf32>
    %reduce_max3A_59 = arith.constant dense<0xFF800000> : vector<512xf32>
    %reduce_max3A_60 = vector.multi_reduction <maximumf>, %select_n3A_58, %reduce_max3A_59 [1] : vector<512x8xf32> to vector<512xf32>
    %broadcast_in_dim3A_61 = vector.shape_cast %reduce_max3A_60 : vector<512xf32> to vector<512x1xf32>
    %eq3A_62 = vector.broadcast %broadcast_in_dim3A_61 : vector<512x1xf32> to vector<512x8xf32>
    %eq3A_63 = arith.cmpf oeq, %select_n3A_58, %eq3A_62 : vector<512x8xf32>
    %jit3A_64 = arith.constant 8 : i32
    %broadcast_in_dim3A_65 = vector.broadcast %jit3A_64 : i32 to vector<512x8xi32>
    %select_n3A_66 = arith.select %eq3A_63, %iota3A, %broadcast_in_dim3A_65 : vector<512x8xi1>, vector<512x8xi32>
    %reduce_min3A_67 = arith.constant dense<2147483647> : vector<512xi32>
    %reduce_min3A_68 = vector.multi_reduction <minsi>, %select_n3A_66, %reduce_min3A_67 [1] : vector<512x8xi32> to vector<512xi32>
    %broadcast_in_dim3A_69 = vector.shape_cast %reduce_min3A_68 : vector<512xi32> to vector<512x1xi32>
    %eq3A_70 = vector.broadcast %broadcast_in_dim3A_69 : vector<512x1xi32> to vector<512x8xi32>
    %eq3A_71 = arith.cmpi eq, %iota3A, %eq3A_70 : vector<512x8xi32>
    %add3A_72 = arith.addf %broadcast_in_dim3A_49, %broadcast_in_dim3A_61 : vector<512x1xf32>
    %reshape3A = vector.shape_cast %broadcast_in_dim3A_53 : vector<512x1xi32> to vector<1x512xi32>
    %reshape3A_73 = vector.shape_cast %broadcast_in_dim3A_69 : vector<512x1xi32> to vector<1x512xi32>
    %concatenate3A = tpu.concatenate %reshape3A, %reshape3A_73 in 0 : vector<1x512xi32>, vector<1x512xi32> -> vector<2x512xi32>
    %swap3A_74 = arith.constant 0 : index
    %swap3A_75 = arith.constant 0 : index
    %swap3A_76 = vector.load %arg7[%swap3A_74, %swap3A_75] : memref<2x512xi32, #tpu.memory_space<vmem>>, vector<2x512xi32>
    tpu.vector_store %arg7[%swap3A_74, %swap3A_75], %concatenate3A {strides = array<i32>} : memref<2x512xi32, #tpu.memory_space<vmem>>, vector<2x512xi32>,
    %div3A_77 = arith.divf %broadcast_in_dim3A_49, %add3A_72 : vector<512x1xf32>
    %reshape3A_78 = vector.shape_cast %div3A_77 : vector<512x1xf32> to vector<1x512xf32>
    %div3A_79 = arith.divf %broadcast_in_dim3A_61, %add3A_72 : vector<512x1xf32>
    %reshape3A_80 = vector.shape_cast %div3A_79 : vector<512x1xf32> to vector<1x512xf32>
    %concatenate3A_81 = tpu.concatenate %reshape3A_78, %reshape3A_80 in 0 : vector<1x512xf32>, vector<1x512xf32> -> vector<2x512xf32>
    %swap3A_82 = arith.constant 0 : index
    %swap3A_83 = arith.constant 0 : index
    %swap3A_84 = vector.load %arg8[%swap3A_82, %swap3A_83] : memref<2x512xf32, #tpu.memory_space<vmem>>, vector<2x512xf32>
    tpu.vector_store %arg8[%swap3A_82, %swap3A_83], %concatenate3A_81 {strides = array<i32>} : memref<2x512xf32, #tpu.memory_space<vmem>>, vector<2x512xf32>,
    %log3A = math.log %broadcast_in_dim3A_41 : vector<512x1xf32>
    %add3A_85 = arith.addf %log3A, %broadcast_in_dim3A_36 : vector<512x1xf32>
    %mul3A = arith.mulf %add3A_85, %add3A_85 : vector<512x1xf32>
    %reduce_sum3A_86 = vector.shape_cast %mul3A : vector<512x1xf32> to vector<1x512x1xf32>
    %reduce_sum3A_87 = arith.constant dense<0.000000e+00> : vector<1xf32>
    %reduce_sum3A_88 = vector.multi_reduction <add>, %reduce_sum3A_86, %reduce_sum3A_87 [1, 2] : vector<1x512x1xf32> to vector<1xf32>
    %reduce_sum3A_89 = vector.shape_cast %reduce_sum3A_88 : vector<1xf32> to vector<1x1x1xf32>
    %reduce_sum3A_90 = vector.extract %reduce_sum3A_89[0, 0, 0] : f32 from vector<1x1x1xf32>
    %broadcast_in_dim3A_91 = vector.broadcast %reduce_sum3A_90 : f32 to vector<1x1xf32>
    %reduce_sum3A_92 = arith.constant dense<0.000000e+00> : vector<8xf32>
    %reduce_sum3A_93 = vector.multi_reduction <add>, %div3A_43, %reduce_sum3A_92 [0] : vector<512x8xf32> to vector<8xf32>
    %broadcast_in_dim3A_94 = vector.shape_cast %reduce_sum3A_93 : vector<8xf32> to vector<1x8xf32>
    %convert_element_type3A = arith.extui %eq3A_55 : vector<512x8xi1> to vector<512x8xi32>
    %convert_element_type3A_95 = arith.sitofp %convert_element_type3A : vector<512x8xi32> to vector<512x8xf32>
    %convert_element_type3A_96 = arith.extui %eq3A_71 : vector<512x8xi1> to vector<512x8xi32>
    %convert_element_type3A_97 = arith.sitofp %convert_element_type3A_96 : vector<512x8xi32> to vector<512x8xf32>
    %add3A_98 = arith.addf %convert_element_type3A_95, %convert_element_type3A_97 : vector<512x8xf32>
    %reshape3A_99 = vector.shape_cast %add3A_98 : vector<512x8xf32> to vector<8x64x8xf32>
    %reduce_sum3A_100 = arith.constant dense<0.000000e+00> : vector<8x8xf32>
    %reduce_sum3A_101 = vector.multi_reduction <add>, %reshape3A_99, %reduce_sum3A_100 [1] : vector<8x64x8xf32> to vector<8x8xf32>
    %mul3A_102 = arith.constant 8 : i32
    %mul3A_103 = arith.muli %arg0, %mul3A_102 : i32
    %swap3A_104 = arith.index_cast %mul3A_103 : i32 to index
    %swap3A_105 = arith.constant 0 : index
    %swap3A_106 = vector.load %arg15[%swap3A_104, %swap3A_105] : memref<32x8xf32, #tpu.memory_space<vmem>>, vector<8x8xf32>
    tpu.vector_store %arg15[%swap3A_104, %swap3A_105], %reduce_sum3A_101 {strides = array<i32>} : memref<32x8xf32, #tpu.memory_space<vmem>>, vector<8x8xf32>,
    %eq3A_107 = arith.constant 0 : i32
    %eq3A_108 = arith.cmpi eq, %arg0, %eq3A_107 : i32
    %convert_element_type3A_109 = arith.extui %eq3A_108 : i1 to i32
    %cond3A = arith.constant 0 : i32
    %cond3A_110 = arith.cmpi ne, %convert_element_type3A_109, %cond3A : i32
    scf.if %cond3A_110 {
      %swap3A_120 = arith.constant 0 : index
      %swap3A_121 = arith.constant 0 : index
      %swap3A_122 = vector.load %arg16[%swap3A_120, %swap3A_121] : memref<1x1xf32, #tpu.memory_space<vmem>>, vector<1x1xf32>
      tpu.vector_store %arg16[%swap3A_120, %swap3A_121], %broadcast_in_dim3A_91 {strides = array<i32>} : memref<1x1xf32, #tpu.memory_space<vmem>>, vector<1x1xf32>,
      %swap3A_123 = arith.constant 0 : index
      %swap3A_124 = arith.constant 0 : index
      %swap3A_125 = vector.load %arg17[%swap3A_123, %swap3A_124] : memref<1x8xf32, #tpu.memory_space<vmem>>, vector<1x8xf32>
      tpu.vector_store %arg17[%swap3A_123, %swap3A_124], %broadcast_in_dim3A_94 {strides = array<i32>} : memref<1x8xf32, #tpu.memory_space<vmem>>, vector<1x8xf32>,
    } else {
    }
    %gt3A = arith.constant 0 : i32
    %gt3A_111 = arith.cmpi sgt, %arg0, %gt3A : i32
    %convert_element_type3A_112 = arith.extui %gt3A_111 : i1 to i32
    %cond3A_113 = arith.constant 0 : i32
    %cond3A_114 = arith.cmpi ne, %convert_element_type3A_112, %cond3A_113 : i32
    scf.if %cond3A_114 {
      %get3A_120 = arith.constant 0 : index
      %get3A_121 = arith.constant 0 : index
      %get3A_122 = vector.load %arg16[%get3A_120, %get3A_121] : memref<1x1xf32, #tpu.memory_space<vmem>>, vector<1x1xf32>
      %add3A_123 = arith.addf %get3A_122, %broadcast_in_dim3A_91 : vector<1x1xf32>
      %swap3A_124 = arith.constant 0 : index
      %swap3A_125 = arith.constant 0 : index
      %swap3A_126 = vector.load %arg16[%swap3A_124, %swap3A_125] : memref<1x1xf32, #tpu.memory_space<vmem>>, vector<1x1xf32>
      tpu.vector_store %arg16[%swap3A_124, %swap3A_125], %add3A_123 {strides = array<i32>} : memref<1x1xf32, #tpu.memory_space<vmem>>, vector<1x1xf32>,
      %get3A_127 = arith.constant 0 : index
      %get3A_128 = arith.constant 0 : index
      %get3A_129 = vector.load %arg17[%get3A_127, %get3A_128] : memref<1x8xf32, #tpu.memory_space<vmem>>, vector<1x8xf32>
      %add3A_130 = arith.addf %get3A_129, %broadcast_in_dim3A_94 : vector<1x8xf32>
      %swap3A_131 = arith.constant 0 : index
      %swap3A_132 = arith.constant 0 : index
      %swap3A_133 = vector.load %arg17[%swap3A_131, %swap3A_132] : memref<1x8xf32, #tpu.memory_space<vmem>>, vector<1x8xf32>
      tpu.vector_store %arg17[%swap3A_131, %swap3A_132], %add3A_130 {strides = array<i32>} : memref<1x8xf32, #tpu.memory_space<vmem>>, vector<1x8xf32>,
    } else {
    }
    %eq3A_115 = arith.constant 3 : i32
    %eq3A_116 = arith.cmpi eq, %arg0, %eq3A_115 : i32
    %convert_element_type3A_117 = arith.extui %eq3A_116 : i1 to i32
    %cond3A_118 = arith.constant 0 : i32
    %cond3A_119 = arith.cmpi ne, %convert_element_type3A_117, %cond3A_118 : i32
    scf.if %cond3A_119 {
      %get3A_120 = arith.constant 0 : index
      %get3A_121 = arith.constant 0 : index
      %get3A_122 = vector.load %arg15[%get3A_120, %get3A_121] : memref<32x8xf32, #tpu.memory_space<vmem>>, vector<32x8xf32>
      %reduce_sum3A_123 = arith.constant dense<0.000000e+00> : vector<8xf32>
      %reduce_sum3A_124 = vector.multi_reduction <add>, %get3A_122, %reduce_sum3A_123 [0] : vector<32x8xf32> to vector<8xf32>
      %broadcast_in_dim3A_125 = vector.shape_cast %reduce_sum3A_124 : vector<8xf32> to vector<1x8xf32>
      %swap3A_126 = arith.constant 0 : index
      %swap3A_127 = arith.constant 0 : index
      %swap3A_128 = vector.load %arg12[%swap3A_126, %swap3A_127] : memref<1x8xf32, #tpu.memory_space<vmem>>, vector<1x8xf32>
      tpu.vector_store %arg12[%swap3A_126, %swap3A_127], %broadcast_in_dim3A_125 {strides = array<i32>} : memref<1x8xf32, #tpu.memory_space<vmem>>, vector<1x8xf32>,
      %div3A_129 = arith.constant 4.096000e+03 : f32
      %div3A_130 = vector.broadcast %div3A_129 : f32 to vector<1x8xf32>
      %div3A_131 = arith.divf %broadcast_in_dim3A_125, %div3A_130 : vector<1x8xf32>
      %swap3A_132 = arith.constant 0 : index
      %swap3A_133 = arith.constant 0 : index
      %swap3A_134 = vector.load %arg11[%swap3A_132, %swap3A_133] : memref<1x8xf32, #tpu.memory_space<vmem>>, vector<1x8xf32>
      tpu.vector_store %arg11[%swap3A_132, %swap3A_133], %div3A_131 {strides = array<i32>} : memref<1x8xf32, #tpu.memory_space<vmem>>, vector<1x8xf32>,
      %get3A_135 = arith.constant 0 : index
      %get3A_136 = arith.constant 0 : index
      %get3A_137 = vector.load %arg17[%get3A_135, %get3A_136] : memref<1x8xf32, #tpu.memory_space<vmem>>, vector<1x8xf32>
      %div3A_138 = arith.constant 2.048000e+03 : f32
      %div3A_139 = vector.broadcast %div3A_138 : f32 to vector<1x8xf32>
      %div3A_140 = arith.divf %get3A_137, %div3A_139 : vector<1x8xf32>
      %mul3A_141 = arith.mulf %div3A_131, %div3A_140 : vector<1x8xf32>
      %reduce_sum3A_142 = vector.shape_cast %mul3A_141 : vector<1x8xf32> to vector<1x1x8xf32>
      %reduce_sum3A_143 = arith.constant dense<0.000000e+00> : vector<1xf32>
      %reduce_sum3A_144 = vector.multi_reduction <add>, %reduce_sum3A_142, %reduce_sum3A_143 [1, 2] : vector<1x1x8xf32> to vector<1xf32>
      %reduce_sum3A_145 = vector.shape_cast %reduce_sum3A_144 : vector<1xf32> to vector<1x1x1xf32>
      %reduce_sum3A_146 = vector.extract %reduce_sum3A_145[0, 0, 0] : f32 from vector<1x1x1xf32>
      %broadcast_in_dim3A_147 = vector.broadcast %reduce_sum3A_146 : f32 to vector<1x1xf32>
      %mul3A_148 = arith.constant 8.000000e+00 : f32
      %mul3A_149 = vector.broadcast %mul3A_148 : f32 to vector<1x1xf32>
      %mul3A_150 = arith.mulf %mul3A_149, %broadcast_in_dim3A_147 : vector<1x1xf32>
      %swap3A_151 = arith.constant 0 : index
      %swap3A_152 = arith.constant 0 : index
      %swap3A_153 = vector.load %arg10[%swap3A_151, %swap3A_152] : memref<1x1xf32, #tpu.memory_space<vmem>>, vector<1x1xf32>
      tpu.vector_store %arg10[%swap3A_151, %swap3A_152], %mul3A_150 {strides = array<i32>} : memref<1x1xf32, #tpu.memory_space<vmem>>, vector<1x1xf32>,
      %get3A_154 = arith.constant 0 : index
      %get3A_155 = arith.constant 0 : index
      %get3A_156 = vector.load %arg16[%get3A_154, %get3A_155] : memref<1x1xf32, #tpu.memory_space<vmem>>, vector<1x1xf32>
      %div3A_157 = arith.constant 2.048000e+03 : f32
      %div3A_158 = vector.broadcast %div3A_157 : f32 to vector<1x1xf32>
      %div3A_159 = arith.divf %get3A_156, %div3A_158 : vector<1x1xf32>
      %swap3A_160 = arith.constant 0 : index
      %swap3A_161 = arith.constant 0 : index
      %swap3A_162 = vector.load %arg9[%swap3A_160, %swap3A_161] : memref<1x1xf32, #tpu.memory_space<vmem>>, vector<1x1xf32>
      tpu.vector_store %arg9[%swap3A_160, %swap3A_161], %div3A_159 {strides = array<i32>} : memref<1x1xf32, #tpu.memory_space<vmem>>, vector<1x1xf32>,
      %iota3A_163 = tpu.iota {dimensions = array<i32: 0>} : vector<32x32xi32>
      %iota3A_164 = tpu.iota {dimensions = array<i32: 1>} : vector<32x32xi32>
      %lt3A = arith.cmpi slt, %iota3A_164, %iota3A_163 : vector<32x32xi32>
      %convert_element_type3A_165 = arith.extui %lt3A : vector<32x32xi1> to vector<32x32xi32>
      %convert_element_type3A_166 = arith.sitofp %convert_element_type3A_165 : vector<32x32xi32> to vector<32x32xf32>
      %dot_general3A_167 = arith.constant dense<0.000000e+00> : vector<32x8xf32>
      %dot_general3A_168 = tpu.matmul %convert_element_type3A_166, %get3A_122, %dot_general3A_167 {dimension_numbers = #tpu.dot_dimension_numbers<[1], [0], [0], [1], [0, 0, 1, 1], [], []>, transpose_lhs_hint = false} : vector<32x32xf32>, vector<32x8xf32>, vector<32x8xf32> -> vector<32x8xf32>
      %add3A_169 = arith.constant 2.550000e+02 : f32
      %add3A_170 = vector.broadcast %add3A_169 : f32 to vector<1x8xf32>
      %add3A_171 = arith.addf %broadcast_in_dim3A_125, %add3A_170 : vector<1x8xf32>
      %mul3A_172 = arith.constant 3.906250e-03 : f32
      %mul3A_173 = vector.broadcast %mul3A_172 : f32 to vector<1x8xf32>
      %mul3A_174 = arith.mulf %add3A_171, %mul3A_173 : vector<1x8xf32>
      %floor3A = math.floor %mul3A_174 : vector<1x8xf32>
      %mul3A_175 = arith.constant 2.560000e+02 : f32
      %mul3A_176 = vector.broadcast %mul3A_175 : f32 to vector<1x8xf32>
      %mul3A_177 = arith.mulf %floor3A, %mul3A_176 : vector<1x8xf32>
      %iota3A_178 = tpu.iota {dimensions = array<i32: 0>} : vector<8x8xi32>
      %iota3A_179 = tpu.iota {dimensions = array<i32: 1>} : vector<8x8xi32>
      %lt3A_180 = arith.cmpi slt, %iota3A_178, %iota3A_179 : vector<8x8xi32>
      %convert_element_type3A_181 = arith.extui %lt3A_180 : vector<8x8xi1> to vector<8x8xi32>
      %convert_element_type3A_182 = arith.sitofp %convert_element_type3A_181 : vector<8x8xi32> to vector<8x8xf32>
      %dot_general3A_183 = arith.constant dense<0.000000e+00> : vector<1x8xf32>
      %dot_general3A_184 = tpu.matmul %mul3A_177, %convert_element_type3A_182, %dot_general3A_183 {dimension_numbers = #tpu.dot_dimension_numbers<[1], [0], [0], [1], [0, 0, 1, 1], [], []>, transpose_lhs_hint = false} : vector<1x8xf32>, vector<8x8xf32>, vector<1x8xf32> -> vector<1x8xf32>
      %add3A_185 = vector.broadcast %dot_general3A_184 : vector<1x8xf32> to vector<32x8xf32>
      %add3A_186 = arith.addf %add3A_185, %dot_general3A_168 : vector<32x8xf32>
      %broadcast_in_dim3A_187 = arith.constant 0.000000e+00 : f32
      %broadcast_in_dim3A_188 = vector.broadcast %broadcast_in_dim3A_187 : f32 to vector<32x8xf32>
      %concatenate3A_189 = tpu.concatenate %add3A_186, %broadcast_in_dim3A_188 in 1 : vector<32x8xf32>, vector<32x8xf32> -> vector<32x16xf32>
      %convert_element_type3A_190 = arith.fptosi %concatenate3A_189 : vector<32x16xf32> to vector<32x16xi32>
      %swap3A_191 = arith.constant 0 : index
      %swap3A_192 = arith.constant 0 : index
      %swap3A_193 = vector.load %arg13[%swap3A_191, %swap3A_192] : memref<32x16xi32, #tpu.memory_space<vmem>>, vector<32x16xi32>
      tpu.vector_store %arg13[%swap3A_191, %swap3A_192], %convert_element_type3A_190 {strides = array<i32>} : memref<32x16xi32, #tpu.memory_space<vmem>>, vector<32x16xi32>,
      %add3A_194 = arith.addf %dot_general3A_184, %mul3A_177 : vector<1x8xf32>
      %iota3A_195 = tpu.iota {dimensions = array<i32: 1>} : vector<1x24xi32>
      %convert_element_type3A_196 = arith.sitofp %iota3A_195 : vector<1x24xi32> to vector<1x24xf32>
      %mul3A_197 = arith.constant 2.560000e+02 : f32
      %mul3A_198 = vector.broadcast %mul3A_197 : f32 to vector<1x24xf32>
      %mul3A_199 = arith.mulf %convert_element_type3A_196, %mul3A_198 : vector<1x24xf32>
      %broadcast_in_dim3A_200 = arith.constant 0.000000e+00 : f32
      %broadcast_in_dim3A_201 = vector.broadcast %broadcast_in_dim3A_200 : f32 to vector<1x24xf32>
      %broadcast_in_dim3A_202 = arith.constant 0.000000e+00 : f32
      %broadcast_in_dim3A_203 = vector.broadcast %broadcast_in_dim3A_202 : f32 to vector<1x24xf32>
      %slice3A = vector.extract_strided_slice %add3A_194 {offsets = [0, 0], sizes = [1, 1], strides = [1, 1]} : vector<1x8xf32> to vector<1x1xf32>
      %squeeze3A = vector.extract %slice3A[0, 0] : f32 from vector<1x1xf32>
      %ge3A = vector.broadcast %squeeze3A : f32 to vector<1x24xf32>
      %ge3A_204 = arith.cmpf oge, %mul3A_199, %ge3A : vector<1x24xf32>
      %convert_element_type3A_205 = arith.extui %ge3A_204 : vector<1x24xi1> to vector<1x24xi32>
      %convert_element_type3A_206 = arith.sitofp %convert_element_type3A_205 : vector<1x24xi32> to vector<1x24xf32>
      %add3A_207 = arith.addf %broadcast_in_dim3A_201, %convert_element_type3A_206 : vector<1x24xf32>
      %slice3A_208 = vector.extract_strided_slice %dot_general3A_184 {offsets = [0, 0], sizes = [1, 1], strides = [1, 1]} : vector<1x8xf32> to vector<1x1xf32>
      %squeeze3A_209 = vector.extract %slice3A_208[0, 0] : f32 from vector<1x1xf32>
      %eq3A_210 = vector.broadcast %squeeze3A_209 : f32 to vector<1x24xf32>
      %eq3A_211 = arith.cmpf oeq, %mul3A_199, %eq3A_210 : vector<1x24xf32>
      %convert_element_type3A_212 = arith.extui %eq3A_211 : vector<1x24xi1> to vector<1x24xi32>
      %convert_element_type3A_213 = arith.sitofp %convert_element_type3A_212 : vector<1x24xi32> to vector<1x24xf32>
      %slice3A_214 = vector.extract_strided_slice %mul3A_177 {offsets = [0, 0], sizes = [1, 1], strides = [1, 1]} : vector<1x8xf32> to vector<1x1xf32>
      %squeeze3A_215 = vector.extract %slice3A_214[0, 0] : f32 from vector<1x1xf32>
      %gt3A_216 = arith.constant 0.000000e+00 : f32
      %gt3A_217 = arith.cmpf ogt, %squeeze3A_215, %gt3A_216 : f32
      %convert_element_type3A_218 = arith.extui %gt3A_217 : i1 to i32
      %convert_element_type3A_219 = arith.sitofp %convert_element_type3A_218 : i32 to f32
      %mul3A_220 = vector.broadcast %convert_element_type3A_219 : f32 to vector<1x24xf32>
      %mul3A_221 = arith.mulf %convert_element_type3A_213, %mul3A_220 : vector<1x24xf32>
      %add3A_222 = arith.addf %broadcast_in_dim3A_203, %mul3A_221 : vector<1x24xf32>
      %slice3A_223 = vector.extract_strided_slice %add3A_194 {offsets = [0, 1], sizes = [1, 1], strides = [1, 1]} : vector<1x8xf32> to vector<1x1xf32>
      %squeeze3A_224 = vector.extract %slice3A_223[0, 0] : f32 from vector<1x1xf32>
      %ge3A_225 = vector.broadcast %squeeze3A_224 : f32 to vector<1x24xf32>
      %ge3A_226 = arith.cmpf oge, %mul3A_199, %ge3A_225 : vector<1x24xf32>
      %convert_element_type3A_227 = arith.extui %ge3A_226 : vector<1x24xi1> to vector<1x24xi32>
      %convert_element_type3A_228 = arith.sitofp %convert_element_type3A_227 : vector<1x24xi32> to vector<1x24xf32>
      %add3A_229 = arith.addf %add3A_207, %convert_element_type3A_228 : vector<1x24xf32>
      %slice3A_230 = vector.extract_strided_slice %dot_general3A_184 {offsets = [0, 1], sizes = [1, 1], strides = [1, 1]} : vector<1x8xf32> to vector<1x1xf32>
      %squeeze3A_231 = vector.extract %slice3A_230[0, 0] : f32 from vector<1x1xf32>
      %eq3A_232 = vector.broadcast %squeeze3A_231 : f32 to vector<1x24xf32>
      %eq3A_233 = arith.cmpf oeq, %mul3A_199, %eq3A_232 : vector<1x24xf32>
      %convert_element_type3A_234 = arith.extui %eq3A_233 : vector<1x24xi1> to vector<1x24xi32>
      %convert_element_type3A_235 = arith.sitofp %convert_element_type3A_234 : vector<1x24xi32> to vector<1x24xf32>
      %slice3A_236 = vector.extract_strided_slice %mul3A_177 {offsets = [0, 1], sizes = [1, 1], strides = [1, 1]} : vector<1x8xf32> to vector<1x1xf32>
      %squeeze3A_237 = vector.extract %slice3A_236[0, 0] : f32 from vector<1x1xf32>
      %gt3A_238 = arith.constant 0.000000e+00 : f32
      %gt3A_239 = arith.cmpf ogt, %squeeze3A_237, %gt3A_238 : f32
      %convert_element_type3A_240 = arith.extui %gt3A_239 : i1 to i32
      %convert_element_type3A_241 = arith.sitofp %convert_element_type3A_240 : i32 to f32
      %mul3A_242 = vector.broadcast %convert_element_type3A_241 : f32 to vector<1x24xf32>
      %mul3A_243 = arith.mulf %convert_element_type3A_235, %mul3A_242 : vector<1x24xf32>
      %add3A_244 = arith.addf %add3A_222, %mul3A_243 : vector<1x24xf32>
      %slice3A_245 = vector.extract_strided_slice %add3A_194 {offsets = [0, 2], sizes = [1, 1], strides = [1, 1]} : vector<1x8xf32> to vector<1x1xf32>
      %squeeze3A_246 = vector.extract %slice3A_245[0, 0] : f32 from vector<1x1xf32>
      %ge3A_247 = vector.broadcast %squeeze3A_246 : f32 to vector<1x24xf32>
      %ge3A_248 = arith.cmpf oge, %mul3A_199, %ge3A_247 : vector<1x24xf32>
      %convert_element_type3A_249 = arith.extui %ge3A_248 : vector<1x24xi1> to vector<1x24xi32>
      %convert_element_type3A_250 = arith.sitofp %convert_element_type3A_249 : vector<1x24xi32> to vector<1x24xf32>
      %add3A_251 = arith.addf %add3A_229, %convert_element_type3A_250 : vector<1x24xf32>
      %slice3A_252 = vector.extract_strided_slice %dot_general3A_184 {offsets = [0, 2], sizes = [1, 1], strides = [1, 1]} : vector<1x8xf32> to vector<1x1xf32>
      %squeeze3A_253 = vector.extract %slice3A_252[0, 0] : f32 from vector<1x1xf32>
      %eq3A_254 = vector.broadcast %squeeze3A_253 : f32 to vector<1x24xf32>
      %eq3A_255 = arith.cmpf oeq, %mul3A_199, %eq3A_254 : vector<1x24xf32>
      %convert_element_type3A_256 = arith.extui %eq3A_255 : vector<1x24xi1> to vector<1x24xi32>
      %convert_element_type3A_257 = arith.sitofp %convert_element_type3A_256 : vector<1x24xi32> to vector<1x24xf32>
      %slice3A_258 = vector.extract_strided_slice %mul3A_177 {offsets = [0, 2], sizes = [1, 1], strides = [1, 1]} : vector<1x8xf32> to vector<1x1xf32>
      %squeeze3A_259 = vector.extract %slice3A_258[0, 0] : f32 from vector<1x1xf32>
      %gt3A_260 = arith.constant 0.000000e+00 : f32
      %gt3A_261 = arith.cmpf ogt, %squeeze3A_259, %gt3A_260 : f32
      %convert_element_type3A_262 = arith.extui %gt3A_261 : i1 to i32
      %convert_element_type3A_263 = arith.sitofp %convert_element_type3A_262 : i32 to f32
      %mul3A_264 = vector.broadcast %convert_element_type3A_263 : f32 to vector<1x24xf32>
      %mul3A_265 = arith.mulf %convert_element_type3A_257, %mul3A_264 : vector<1x24xf32>
      %add3A_266 = arith.addf %add3A_244, %mul3A_265 : vector<1x24xf32>
      %slice3A_267 = vector.extract_strided_slice %add3A_194 {offsets = [0, 3], sizes = [1, 1], strides = [1, 1]} : vector<1x8xf32> to vector<1x1xf32>
      %squeeze3A_268 = vector.extract %slice3A_267[0, 0] : f32 from vector<1x1xf32>
      %ge3A_269 = vector.broadcast %squeeze3A_268 : f32 to vector<1x24xf32>
      %ge3A_270 = arith.cmpf oge, %mul3A_199, %ge3A_269 : vector<1x24xf32>
      %convert_element_type3A_271 = arith.extui %ge3A_270 : vector<1x24xi1> to vector<1x24xi32>
      %convert_element_type3A_272 = arith.sitofp %convert_element_type3A_271 : vector<1x24xi32> to vector<1x24xf32>
      %add3A_273 = arith.addf %add3A_251, %convert_element_type3A_272 : vector<1x24xf32>
      %slice3A_274 = vector.extract_strided_slice %dot_general3A_184 {offsets = [0, 3], sizes = [1, 1], strides = [1, 1]} : vector<1x8xf32> to vector<1x1xf32>
      %squeeze3A_275 = vector.extract %slice3A_274[0, 0] : f32 from vector<1x1xf32>
      %eq3A_276 = vector.broadcast %squeeze3A_275 : f32 to vector<1x24xf32>
      %eq3A_277 = arith.cmpf oeq, %mul3A_199, %eq3A_276 : vector<1x24xf32>
      %convert_element_type3A_278 = arith.extui %eq3A_277 : vector<1x24xi1> to vector<1x24xi32>
      %convert_element_type3A_279 = arith.sitofp %convert_element_type3A_278 : vector<1x24xi32> to vector<1x24xf32>
      %slice3A_280 = vector.extract_strided_slice %mul3A_177 {offsets = [0, 3], sizes = [1, 1], strides = [1, 1]} : vector<1x8xf32> to vector<1x1xf32>
      %squeeze3A_281 = vector.extract %slice3A_280[0, 0] : f32 from vector<1x1xf32>
      %gt3A_282 = arith.constant 0.000000e+00 : f32
      %gt3A_283 = arith.cmpf ogt, %squeeze3A_281, %gt3A_282 : f32
      %convert_element_type3A_284 = arith.extui %gt3A_283 : i1 to i32
      %convert_element_type3A_285 = arith.sitofp %convert_element_type3A_284 : i32 to f32
      %mul3A_286 = vector.broadcast %convert_element_type3A_285 : f32 to vector<1x24xf32>
      %mul3A_287 = arith.mulf %convert_element_type3A_279, %mul3A_286 : vector<1x24xf32>
      %add3A_288 = arith.addf %add3A_266, %mul3A_287 : vector<1x24xf32>
      %slice3A_289 = vector.extract_strided_slice %add3A_194 {offsets = [0, 4], sizes = [1, 1], strides = [1, 1]} : vector<1x8xf32> to vector<1x1xf32>
      %squeeze3A_290 = vector.extract %slice3A_289[0, 0] : f32 from vector<1x1xf32>
      %ge3A_291 = vector.broadcast %squeeze3A_290 : f32 to vector<1x24xf32>
      %ge3A_292 = arith.cmpf oge, %mul3A_199, %ge3A_291 : vector<1x24xf32>
      %convert_element_type3A_293 = arith.extui %ge3A_292 : vector<1x24xi1> to vector<1x24xi32>
      %convert_element_type3A_294 = arith.sitofp %convert_element_type3A_293 : vector<1x24xi32> to vector<1x24xf32>
      %add3A_295 = arith.addf %add3A_273, %convert_element_type3A_294 : vector<1x24xf32>
      %slice3A_296 = vector.extract_strided_slice %dot_general3A_184 {offsets = [0, 4], sizes = [1, 1], strides = [1, 1]} : vector<1x8xf32> to vector<1x1xf32>
      %squeeze3A_297 = vector.extract %slice3A_296[0, 0] : f32 from vector<1x1xf32>
      %eq3A_298 = vector.broadcast %squeeze3A_297 : f32 to vector<1x24xf32>
      %eq3A_299 = arith.cmpf oeq, %mul3A_199, %eq3A_298 : vector<1x24xf32>
      %convert_element_type3A_300 = arith.extui %eq3A_299 : vector<1x24xi1> to vector<1x24xi32>
      %convert_element_type3A_301 = arith.sitofp %convert_element_type3A_300 : vector<1x24xi32> to vector<1x24xf32>
      %slice3A_302 = vector.extract_strided_slice %mul3A_177 {offsets = [0, 4], sizes = [1, 1], strides = [1, 1]} : vector<1x8xf32> to vector<1x1xf32>
      %squeeze3A_303 = vector.extract %slice3A_302[0, 0] : f32 from vector<1x1xf32>
      %gt3A_304 = arith.constant 0.000000e+00 : f32
      %gt3A_305 = arith.cmpf ogt, %squeeze3A_303, %gt3A_304 : f32
      %convert_element_type3A_306 = arith.extui %gt3A_305 : i1 to i32
      %convert_element_type3A_307 = arith.sitofp %convert_element_type3A_306 : i32 to f32
      %mul3A_308 = vector.broadcast %convert_element_type3A_307 : f32 to vector<1x24xf32>
      %mul3A_309 = arith.mulf %convert_element_type3A_301, %mul3A_308 : vector<1x24xf32>
      %add3A_310 = arith.addf %add3A_288, %mul3A_309 : vector<1x24xf32>
      %slice3A_311 = vector.extract_strided_slice %add3A_194 {offsets = [0, 5], sizes = [1, 1], strides = [1, 1]} : vector<1x8xf32> to vector<1x1xf32>
      %squeeze3A_312 = vector.extract %slice3A_311[0, 0] : f32 from vector<1x1xf32>
      %ge3A_313 = vector.broadcast %squeeze3A_312 : f32 to vector<1x24xf32>
      %ge3A_314 = arith.cmpf oge, %mul3A_199, %ge3A_313 : vector<1x24xf32>
      %convert_element_type3A_315 = arith.extui %ge3A_314 : vector<1x24xi1> to vector<1x24xi32>
      %convert_element_type3A_316 = arith.sitofp %convert_element_type3A_315 : vector<1x24xi32> to vector<1x24xf32>
      %add3A_317 = arith.addf %add3A_295, %convert_element_type3A_316 : vector<1x24xf32>
      %slice3A_318 = vector.extract_strided_slice %dot_general3A_184 {offsets = [0, 5], sizes = [1, 1], strides = [1, 1]} : vector<1x8xf32> to vector<1x1xf32>
      %squeeze3A_319 = vector.extract %slice3A_318[0, 0] : f32 from vector<1x1xf32>
      %eq3A_320 = vector.broadcast %squeeze3A_319 : f32 to vector<1x24xf32>
      %eq3A_321 = arith.cmpf oeq, %mul3A_199, %eq3A_320 : vector<1x24xf32>
      %convert_element_type3A_322 = arith.extui %eq3A_321 : vector<1x24xi1> to vector<1x24xi32>
      %convert_element_type3A_323 = arith.sitofp %convert_element_type3A_322 : vector<1x24xi32> to vector<1x24xf32>
      %slice3A_324 = vector.extract_strided_slice %mul3A_177 {offsets = [0, 5], sizes = [1, 1], strides = [1, 1]} : vector<1x8xf32> to vector<1x1xf32>
      %squeeze3A_325 = vector.extract %slice3A_324[0, 0] : f32 from vector<1x1xf32>
      %gt3A_326 = arith.constant 0.000000e+00 : f32
      %gt3A_327 = arith.cmpf ogt, %squeeze3A_325, %gt3A_326 : f32
      %convert_element_type3A_328 = arith.extui %gt3A_327 : i1 to i32
      %convert_element_type3A_329 = arith.sitofp %convert_element_type3A_328 : i32 to f32
      %mul3A_330 = vector.broadcast %convert_element_type3A_329 : f32 to vector<1x24xf32>
      %mul3A_331 = arith.mulf %convert_element_type3A_323, %mul3A_330 : vector<1x24xf32>
      %add3A_332 = arith.addf %add3A_310, %mul3A_331 : vector<1x24xf32>
      %slice3A_333 = vector.extract_strided_slice %add3A_194 {offsets = [0, 6], sizes = [1, 1], strides = [1, 1]} : vector<1x8xf32> to vector<1x1xf32>
      %squeeze3A_334 = vector.extract %slice3A_333[0, 0] : f32 from vector<1x1xf32>
      %ge3A_335 = vector.broadcast %squeeze3A_334 : f32 to vector<1x24xf32>
      %ge3A_336 = arith.cmpf oge, %mul3A_199, %ge3A_335 : vector<1x24xf32>
      %convert_element_type3A_337 = arith.extui %ge3A_336 : vector<1x24xi1> to vector<1x24xi32>
      %convert_element_type3A_338 = arith.sitofp %convert_element_type3A_337 : vector<1x24xi32> to vector<1x24xf32>
      %add3A_339 = arith.addf %add3A_317, %convert_element_type3A_338 : vector<1x24xf32>
      %slice3A_340 = vector.extract_strided_slice %dot_general3A_184 {offsets = [0, 6], sizes = [1, 1], strides = [1, 1]} : vector<1x8xf32> to vector<1x1xf32>
      %squeeze3A_341 = vector.extract %slice3A_340[0, 0] : f32 from vector<1x1xf32>
      %eq3A_342 = vector.broadcast %squeeze3A_341 : f32 to vector<1x24xf32>
      %eq3A_343 = arith.cmpf oeq, %mul3A_199, %eq3A_342 : vector<1x24xf32>
      %convert_element_type3A_344 = arith.extui %eq3A_343 : vector<1x24xi1> to vector<1x24xi32>
      %convert_element_type3A_345 = arith.sitofp %convert_element_type3A_344 : vector<1x24xi32> to vector<1x24xf32>
      %slice3A_346 = vector.extract_strided_slice %mul3A_177 {offsets = [0, 6], sizes = [1, 1], strides = [1, 1]} : vector<1x8xf32> to vector<1x1xf32>
      %squeeze3A_347 = vector.extract %slice3A_346[0, 0] : f32 from vector<1x1xf32>
      %gt3A_348 = arith.constant 0.000000e+00 : f32
      %gt3A_349 = arith.cmpf ogt, %squeeze3A_347, %gt3A_348 : f32
      %convert_element_type3A_350 = arith.extui %gt3A_349 : i1 to i32
      %convert_element_type3A_351 = arith.sitofp %convert_element_type3A_350 : i32 to f32
      %mul3A_352 = vector.broadcast %convert_element_type3A_351 : f32 to vector<1x24xf32>
      %mul3A_353 = arith.mulf %convert_element_type3A_345, %mul3A_352 : vector<1x24xf32>
      %add3A_354 = arith.addf %add3A_332, %mul3A_353 : vector<1x24xf32>
      %slice3A_355 = vector.extract_strided_slice %add3A_194 {offsets = [0, 7], sizes = [1, 1], strides = [1, 1]} : vector<1x8xf32> to vector<1x1xf32>
      %squeeze3A_356 = vector.extract %slice3A_355[0, 0] : f32 from vector<1x1xf32>
      %ge3A_357 = vector.broadcast %squeeze3A_356 : f32 to vector<1x24xf32>
      %ge3A_358 = arith.cmpf oge, %mul3A_199, %ge3A_357 : vector<1x24xf32>
      %convert_element_type3A_359 = arith.extui %ge3A_358 : vector<1x24xi1> to vector<1x24xi32>
      %convert_element_type3A_360 = arith.sitofp %convert_element_type3A_359 : vector<1x24xi32> to vector<1x24xf32>
      %add3A_361 = arith.addf %add3A_339, %convert_element_type3A_360 : vector<1x24xf32>
      %slice3A_362 = vector.extract_strided_slice %dot_general3A_184 {offsets = [0, 7], sizes = [1, 1], strides = [1, 1]} : vector<1x8xf32> to vector<1x1xf32>
      %squeeze3A_363 = vector.extract %slice3A_362[0, 0] : f32 from vector<1x1xf32>
      %eq3A_364 = vector.broadcast %squeeze3A_363 : f32 to vector<1x24xf32>
      %eq3A_365 = arith.cmpf oeq, %mul3A_199, %eq3A_364 : vector<1x24xf32>
      %convert_element_type3A_366 = arith.extui %eq3A_365 : vector<1x24xi1> to vector<1x24xi32>
      %convert_element_type3A_367 = arith.sitofp %convert_element_type3A_366 : vector<1x24xi32> to vector<1x24xf32>
      %slice3A_368 = vector.extract_strided_slice %mul3A_177 {offsets = [0, 7], sizes = [1, 1], strides = [1, 1]} : vector<1x8xf32> to vector<1x1xf32>
      %squeeze3A_369 = vector.extract %slice3A_368[0, 0] : f32 from vector<1x1xf32>
      %gt3A_370 = arith.constant 0.000000e+00 : f32
      %gt3A_371 = arith.cmpf ogt, %squeeze3A_369, %gt3A_370 : f32
      %convert_element_type3A_372 = arith.extui %gt3A_371 : i1 to i32
      %convert_element_type3A_373 = arith.sitofp %convert_element_type3A_372 : i32 to f32
      %mul3A_374 = vector.broadcast %convert_element_type3A_373 : f32 to vector<1x24xf32>
      %mul3A_375 = arith.mulf %convert_element_type3A_367, %mul3A_374 : vector<1x24xf32>
      %add3A_376 = arith.addf %add3A_354, %mul3A_375 : vector<1x24xf32>
      %min3A = arith.constant 1.000000e+00 : f32
      %min3A_377 = vector.broadcast %min3A : f32 to vector<1x24xf32>
      %min3A_378 = arith.minimumf %add3A_376, %min3A_377 : vector<1x24xf32>
      %min3A_379 = arith.constant 7.000000e+00 : f32
      %min3A_380 = vector.broadcast %min3A_379 : f32 to vector<1x24xf32>
      %min3A_381 = arith.minimumf %add3A_361, %min3A_380 : vector<1x24xf32>
      %iota3A_382 = tpu.iota {dimensions = array<i32: 0>} : vector<24x24xi32>
      %iota3A_383 = tpu.iota {dimensions = array<i32: 1>} : vector<24x24xi32>
      %le3A = arith.cmpi sle, %iota3A_382, %iota3A_383 : vector<24x24xi32>
      %convert_element_type3A_384 = arith.extui %le3A : vector<24x24xi1> to vector<24x24xi32>
      %convert_element_type3A_385 = arith.sitofp %convert_element_type3A_384 : vector<24x24xi32> to vector<24x24xf32>
      %dot_general3A_386 = arith.constant dense<0.000000e+00> : vector<1x24xf32>
      %dot_general3A_387 = tpu.matmul %min3A_378, %convert_element_type3A_385, %dot_general3A_386 {dimension_numbers = #tpu.dot_dimension_numbers<[1], [0], [0], [1], [0, 0, 1, 1], [], []>, transpose_lhs_hint = false} : vector<1x24xf32>, vector<24x24xf32>, vector<1x24xf32> -> vector<1x24xf32>
      %sub3A_388 = arith.constant 1.000000e+00 : f32
      %sub3A_389 = vector.broadcast %sub3A_388 : f32 to vector<1x24xf32>
      %sub3A_390 = arith.subf %dot_general3A_387, %sub3A_389 : vector<1x24xf32>
      %mul3A_391 = arith.constant 5.000000e-01 : f32
      %mul3A_392 = vector.broadcast %mul3A_391 : f32 to vector<1x24xf32>
      %mul3A_393 = arith.mulf %sub3A_390, %mul3A_392 : vector<1x24xf32>
      %floor3A_394 = math.floor %mul3A_393 : vector<1x24xf32>
      %mul3A_395 = arith.constant 2.000000e+00 : f32
      %mul3A_396 = vector.broadcast %mul3A_395 : f32 to vector<1x24xf32>
      %mul3A_397 = arith.mulf %mul3A_396, %floor3A_394 : vector<1x24xf32>
      %sub3A_398 = arith.subf %sub3A_390, %mul3A_397 : vector<1x24xf32>
      %broadcast_in_dim3A_399 = arith.constant -1.000000e+00 : f32
      %broadcast_in_dim3A_400 = vector.broadcast %broadcast_in_dim3A_399 : f32 to vector<1x24xf32>
      %slice3A_401 = vector.extract_strided_slice %mul3A_177 {offsets = [0, 7], sizes = [1, 1], strides = [1, 1]} : vector<1x8xf32> to vector<1x1xf32>
      %squeeze3A_402 = vector.extract %slice3A_401[0, 0] : f32 from vector<1x1xf32>
      %gt3A_403 = arith.constant 0.000000e+00 : f32
      %gt3A_404 = arith.cmpf ogt, %squeeze3A_402, %gt3A_403 : f32
      %lt3A_405 = arith.constant 7.000000e+00 : f32
      %lt3A_406 = vector.broadcast %lt3A_405 : f32 to vector<1x24xf32>
      %lt3A_407 = arith.cmpf olt, %min3A_381, %lt3A_406 : vector<1x24xf32>
      %and3A = vector.broadcast %gt3A_404 : i1 to vector<1x24xi1>
      %and3A_408 = arith.andi %and3A, %lt3A_407 : vector<1x24xi1>
      %jit3A_409 = arith.constant 7.000000e+00 : f32
      %broadcast_in_dim3A_410 = vector.broadcast %jit3A_409 : f32 to vector<1x24xf32>
      %select_n3A_411 = arith.select %and3A_408, %broadcast_in_dim3A_410, %broadcast_in_dim3A_400 : vector<1x24xi1>, vector<1x24xf32>
      %slice3A_412 = vector.extract_strided_slice %mul3A_177 {offsets = [0, 6], sizes = [1, 1], strides = [1, 1]} : vector<1x8xf32> to vector<1x1xf32>
      %squeeze3A_413 = vector.extract %slice3A_412[0, 0] : f32 from vector<1x1xf32>
      %gt3A_414 = arith.constant 0.000000e+00 : f32
      %gt3A_415 = arith.cmpf ogt, %squeeze3A_413, %gt3A_414 : f32
      %lt3A_416 = arith.constant 6.000000e+00 : f32
      %lt3A_417 = vector.broadcast %lt3A_416 : f32 to vector<1x24xf32>
      %lt3A_418 = arith.cmpf olt, %min3A_381, %lt3A_417 : vector<1x24xf32>
      %and3A_419 = vector.broadcast %gt3A_415 : i1 to vector<1x24xi1>
      %and3A_420 = arith.andi %and3A_419, %lt3A_418 : vector<1x24xi1>
      %jit3A_421 = arith.constant 6.000000e+00 : f32
      %broadcast_in_dim3A_422 = vector.broadcast %jit3A_421 : f32 to vector<1x24xf32>
      %select_n3A_423 = arith.select %and3A_420, %broadcast_in_dim3A_422, %select_n3A_411 : vector<1x24xi1>, vector<1x24xf32>
      %slice3A_424 = vector.extract_strided_slice %mul3A_177 {offsets = [0, 5], sizes = [1, 1], strides = [1, 1]} : vector<1x8xf32> to vector<1x1xf32>
      %squeeze3A_425 = vector.extract %slice3A_424[0, 0] : f32 from vector<1x1xf32>
      %gt3A_426 = arith.constant 0.000000e+00 : f32
      %gt3A_427 = arith.cmpf ogt, %squeeze3A_425, %gt3A_426 : f32
      %lt3A_428 = arith.constant 5.000000e+00 : f32
      %lt3A_429 = vector.broadcast %lt3A_428 : f32 to vector<1x24xf32>
      %lt3A_430 = arith.cmpf olt, %min3A_381, %lt3A_429 : vector<1x24xf32>
      %and3A_431 = vector.broadcast %gt3A_427 : i1 to vector<1x24xi1>
      %and3A_432 = arith.andi %and3A_431, %lt3A_430 : vector<1x24xi1>
      %jit3A_433 = arith.constant 5.000000e+00 : f32
      %broadcast_in_dim3A_434 = vector.broadcast %jit3A_433 : f32 to vector<1x24xf32>
      %select_n3A_435 = arith.select %and3A_432, %broadcast_in_dim3A_434, %select_n3A_423 : vector<1x24xi1>, vector<1x24xf32>
      %slice3A_436 = vector.extract_strided_slice %mul3A_177 {offsets = [0, 4], sizes = [1, 1], strides = [1, 1]} : vector<1x8xf32> to vector<1x1xf32>
      %squeeze3A_437 = vector.extract %slice3A_436[0, 0] : f32 from vector<1x1xf32>
      %gt3A_438 = arith.constant 0.000000e+00 : f32
      %gt3A_439 = arith.cmpf ogt, %squeeze3A_437, %gt3A_438 : f32
      %lt3A_440 = arith.constant 4.000000e+00 : f32
      %lt3A_441 = vector.broadcast %lt3A_440 : f32 to vector<1x24xf32>
      %lt3A_442 = arith.cmpf olt, %min3A_381, %lt3A_441 : vector<1x24xf32>
      %and3A_443 = vector.broadcast %gt3A_439 : i1 to vector<1x24xi1>
      %and3A_444 = arith.andi %and3A_443, %lt3A_442 : vector<1x24xi1>
      %jit3A_445 = arith.constant 4.000000e+00 : f32
      %broadcast_in_dim3A_446 = vector.broadcast %jit3A_445 : f32 to vector<1x24xf32>
      %select_n3A_447 = arith.select %and3A_444, %broadcast_in_dim3A_446, %select_n3A_435 : vector<1x24xi1>, vector<1x24xf32>
      %slice3A_448 = vector.extract_strided_slice %mul3A_177 {offsets = [0, 3], sizes = [1, 1], strides = [1, 1]} : vector<1x8xf32> to vector<1x1xf32>
      %squeeze3A_449 = vector.extract %slice3A_448[0, 0] : f32 from vector<1x1xf32>
      %gt3A_450 = arith.constant 0.000000e+00 : f32
      %gt3A_451 = arith.cmpf ogt, %squeeze3A_449, %gt3A_450 : f32
      %lt3A_452 = arith.constant 3.000000e+00 : f32
      %lt3A_453 = vector.broadcast %lt3A_452 : f32 to vector<1x24xf32>
      %lt3A_454 = arith.cmpf olt, %min3A_381, %lt3A_453 : vector<1x24xf32>
      %and3A_455 = vector.broadcast %gt3A_451 : i1 to vector<1x24xi1>
      %and3A_456 = arith.andi %and3A_455, %lt3A_454 : vector<1x24xi1>
      %jit3A_457 = arith.constant 3.000000e+00 : f32
      %broadcast_in_dim3A_458 = vector.broadcast %jit3A_457 : f32 to vector<1x24xf32>
      %select_n3A_459 = arith.select %and3A_456, %broadcast_in_dim3A_458, %select_n3A_447 : vector<1x24xi1>, vector<1x24xf32>
      %slice3A_460 = vector.extract_strided_slice %mul3A_177 {offsets = [0, 2], sizes = [1, 1], strides = [1, 1]} : vector<1x8xf32> to vector<1x1xf32>
      %squeeze3A_461 = vector.extract %slice3A_460[0, 0] : f32 from vector<1x1xf32>
      %gt3A_462 = arith.constant 0.000000e+00 : f32
      %gt3A_463 = arith.cmpf ogt, %squeeze3A_461, %gt3A_462 : f32
      %lt3A_464 = arith.constant 2.000000e+00 : f32
      %lt3A_465 = vector.broadcast %lt3A_464 : f32 to vector<1x24xf32>
      %lt3A_466 = arith.cmpf olt, %min3A_381, %lt3A_465 : vector<1x24xf32>
      %and3A_467 = vector.broadcast %gt3A_463 : i1 to vector<1x24xi1>
      %and3A_468 = arith.andi %and3A_467, %lt3A_466 : vector<1x24xi1>
      %jit3A_469 = arith.constant 2.000000e+00 : f32
      %broadcast_in_dim3A_470 = vector.broadcast %jit3A_469 : f32 to vector<1x24xf32>
      %select_n3A_471 = arith.select %and3A_468, %broadcast_in_dim3A_470, %select_n3A_459 : vector<1x24xi1>, vector<1x24xf32>
      %slice3A_472 = vector.extract_strided_slice %mul3A_177 {offsets = [0, 1], sizes = [1, 1], strides = [1, 1]} : vector<1x8xf32> to vector<1x1xf32>
      %squeeze3A_473 = vector.extract %slice3A_472[0, 0] : f32 from vector<1x1xf32>
      %gt3A_474 = arith.constant 0.000000e+00 : f32
      %gt3A_475 = arith.cmpf ogt, %squeeze3A_473, %gt3A_474 : f32
      %lt3A_476 = arith.constant 1.000000e+00 : f32
      %lt3A_477 = vector.broadcast %lt3A_476 : f32 to vector<1x24xf32>
      %lt3A_478 = arith.cmpf olt, %min3A_381, %lt3A_477 : vector<1x24xf32>
      %and3A_479 = vector.broadcast %gt3A_475 : i1 to vector<1x24xi1>
      %and3A_480 = arith.andi %and3A_479, %lt3A_478 : vector<1x24xi1>
      %jit3A_481 = arith.constant 1.000000e+00 : f32
      %broadcast_in_dim3A_482 = vector.broadcast %jit3A_481 : f32 to vector<1x24xf32>
      %select_n3A_483 = arith.select %and3A_480, %broadcast_in_dim3A_482, %select_n3A_471 : vector<1x24xi1>, vector<1x24xf32>
      %slice3A_484 = vector.extract_strided_slice %mul3A_177 {offsets = [0, 0], sizes = [1, 1], strides = [1, 1]} : vector<1x8xf32> to vector<1x1xf32>
      %squeeze3A_485 = vector.extract %slice3A_484[0, 0] : f32 from vector<1x1xf32>
      %gt3A_486 = arith.constant 0.000000e+00 : f32
      %gt3A_487 = arith.cmpf ogt, %squeeze3A_485, %gt3A_486 : f32
      %lt3A_488 = arith.constant 0.000000e+00 : f32
      %lt3A_489 = vector.broadcast %lt3A_488 : f32 to vector<1x24xf32>
      %lt3A_490 = arith.cmpf olt, %min3A_381, %lt3A_489 : vector<1x24xf32>
      %and3A_491 = vector.broadcast %gt3A_487 : i1 to vector<1x24xi1>
      %and3A_492 = arith.andi %and3A_491, %lt3A_490 : vector<1x24xi1>
      %jit3A_493 = arith.constant 0.000000e+00 : f32
      %broadcast_in_dim3A_494 = vector.broadcast %jit3A_493 : f32 to vector<1x24xf32>
      %select_n3A_495 = arith.select %and3A_492, %broadcast_in_dim3A_494, %select_n3A_483 : vector<1x24xi1>, vector<1x24xf32>
      %reduce_max3A_496 = vector.shape_cast %add3A_194 : vector<1x8xf32> to vector<1x1x8xf32>
      %reduce_max3A_497 = arith.constant dense<0xFF800000> : vector<1xf32>
      %reduce_max3A_498 = vector.multi_reduction <maximumf>, %reduce_max3A_496, %reduce_max3A_497 [1, 2] : vector<1x1x8xf32> to vector<1xf32>
      %reduce_max3A_499 = vector.shape_cast %reduce_max3A_498 : vector<1xf32> to vector<1x1x1xf32>
      %reduce_max3A_500 = vector.extract %reduce_max3A_499[0, 0, 0] : f32 from vector<1x1x1xf32>
      %lt3A_501 = vector.broadcast %reduce_max3A_500 : f32 to vector<1x24xf32>
      %lt3A_502 = arith.cmpf olt, %mul3A_199, %lt3A_501 : vector<1x24xf32>
      %convert_element_type3A_503 = arith.extui %lt3A_502 : vector<1x24xi1> to vector<1x24xi32>
      %convert_element_type3A_504 = arith.sitofp %convert_element_type3A_503 : vector<1x24xi32> to vector<1x24xf32>
      %concatenate3A_505 = tpu.concatenate %min3A_381, %sub3A_398, %min3A_378, %select_n3A_495, %convert_element_type3A_504 in 0 : vector<1x24xf32>, vector<1x24xf32>, vector<1x24xf32>, vector<1x24xf32>, vector<1x24xf32> -> vector<5x24xf32>
      %convert_element_type3A_506 = arith.fptosi %concatenate3A_505 : vector<5x24xf32> to vector<5x24xi32>
      %swap3A_507 = arith.constant 0 : index
      %swap3A_508 = arith.constant 0 : index
      %swap3A_509 = vector.load %arg14[%swap3A_507, %swap3A_508] : memref<5x24xi32, #tpu.memory_space<vmem>>, vector<5x24xi32>
      tpu.vector_store %arg14[%swap3A_507, %swap3A_508], %convert_element_type3A_506 {strides = array<i32>} : memref<5x24xi32, #tpu.memory_space<vmem>>, vector<5x24xi32>,
    } else {
    }
    return
  }
  func.func @transform_0(%arg0: i32) -> (i32, i32) {
    %c0_i32 = arith.constant 0 : i32
    %c0_i32_0 = arith.constant 0 : i32
    return %arg0, %c0_i32 : i32, i32
  }
  func.func @transform_1(%arg0: i32) -> (i32, i32) {
    %c0_i32 = arith.constant 0 : i32
    %c0_i32_0 = arith.constant 0 : i32
    %c0_i32_1 = arith.constant 0 : i32
    return %c0_i32, %c0_i32_0 : i32, i32
  }
  func.func @transform_2(%arg0: i32) -> (i32, i32) {
    %c0_i32 = arith.constant 0 : i32
    %c0_i32_0 = arith.constant 0 : i32
    %c0_i32_1 = arith.constant 0 : i32
    return %c0_i32, %c0_i32_0 : i32, i32
  }
  func.func @transform_3(%arg0: i32) -> (i32, i32) {
    %c0_i32 = arith.constant 0 : i32
    %c0_i32_0 = arith.constant 0 : i32
    %c0_i32_1 = arith.constant 0 : i32
    return %c0_i32, %c0_i32_0 : i32, i32
  }
  func.func @transform_4(%arg0: i32) -> (i32, i32) {
    %c0_i32 = arith.constant 0 : i32
    %c0_i32_0 = arith.constant 0 : i32
    return %arg0, %c0_i32 : i32, i32
  }
  func.func @transform_5(%arg0: i32) -> (i32, i32) {
    %c0_i32 = arith.constant 0 : i32
    %c0_i32_0 = arith.constant 0 : i32
    return %arg0, %c0_i32 : i32, i32
  }
  func.func @transform_6(%arg0: i32) -> (i32, i32) {
    %c0_i32 = arith.constant 0 : i32
    %c0_i32_0 = arith.constant 0 : i32
    return %c0_i32, %arg0 : i32, i32
  }
  func.func @transform_7(%arg0: i32) -> (i32, i32) {
    %c0_i32 = arith.constant 0 : i32
    %c0_i32_0 = arith.constant 0 : i32
    return %c0_i32, %arg0 : i32, i32
  }
  func.func @transform_8(%arg0: i32) -> (i32, i32) {
    %c0_i32 = arith.constant 0 : i32
    %c0_i32_0 = arith.constant 0 : i32
    %c0_i32_1 = arith.constant 0 : i32
    return %c0_i32, %c0_i32_0 : i32, i32
  }
  func.func @transform_9(%arg0: i32) -> (i32, i32) {
    %c0_i32 = arith.constant 0 : i32
    %c0_i32_0 = arith.constant 0 : i32
    %c0_i32_1 = arith.constant 0 : i32
    return %c0_i32, %c0_i32_0 : i32, i32
  }
  func.func @transform_10(%arg0: i32) -> (i32, i32) {
    %c0_i32 = arith.constant 0 : i32
    %c0_i32_0 = arith.constant 0 : i32
    %c0_i32_1 = arith.constant 0 : i32
    return %c0_i32, %c0_i32_0 : i32, i32
  }
  func.func @transform_11(%arg0: i32) -> (i32, i32) {
    %c0_i32 = arith.constant 0 : i32
    %c0_i32_0 = arith.constant 0 : i32
    %c0_i32_1 = arith.constant 0 : i32
    return %c0_i32, %c0_i32_0 : i32, i32
  }
  func.func @transform_12(%arg0: i32) -> (i32, i32) {
    %c0_i32 = arith.constant 0 : i32
    %c0_i32_0 = arith.constant 0 : i32
    %c0_i32_1 = arith.constant 0 : i32
    return %c0_i32, %c0_i32_0 : i32, i32
  }
  func.func @transform_13(%arg0: i32) -> (i32, i32) {
    %c0_i32 = arith.constant 0 : i32
    %c0_i32_0 = arith.constant 0 : i32
    %c0_i32_1 = arith.constant 0 : i32
    return %c0_i32, %c0_i32_0 : i32, i32
  }
}

module attributes {stable_mosaic.version = 14 : i64} {
  func.func @_experts_body(%arg0: i32, %arg1: memref<5x24xi32, #tpu.memory_space<smem>>, %arg2: memref<256x768xf32, #tpu.memory_space<vmem>>, %arg3: memref<1x1x1536xf32, #tpu.memory_space<vmem>>, %arg4: memref<1x1x768xf32, #tpu.memory_space<vmem>>, %arg5: memref<8x768x1536xf32, #tpu.memory_space<any>>, %arg6: memref<8x1536x768xf32, #tpu.memory_space<any>>, %arg7: memref<256x768xf32, #tpu.memory_space<vmem>>, %arg8: memref<2x768x1536xf32, #tpu.memory_space<vmem>>, %arg9: memref<2x1536x768xf32, #tpu.memory_space<vmem>>, %arg10: memref<2x2x!tpu.dma_semaphore, #tpu.memory_space<semaphore_mem>>) attributes {dimension_semantics = [#tpu.dimension_semantics<arbitrary>], iteration_bounds = array<i64: 24>, scalar_prefetch = 1 : i64, scratch_operands = 3 : i64, tpu.core_type = #tpu.core_type<tc>, window_params = [{transform_indices = @transform_0, window_bounds = array<i64: 256, 768>}, {transform_indices = @transform_1, window_bounds = array<i64: 1, 1, 1536>}, {transform_indices = @transform_2, window_bounds = array<i64: 1, 1, 768>}, {}, {}, {transform_indices = @transform_5, window_bounds = array<i64: 256, 768>}]} {
    %get3A = arith.constant 0 : index
    %get3A_0 = arith.index_cast %arg0 : i32 to index
    %get3A_1 = memref.load %arg1[%get3A, %get3A_0] : memref<5x24xi32, #tpu.memory_space<smem>>
    %get3A_2 = arith.constant 1 : index
    %get3A_3 = arith.index_cast %arg0 : i32 to index
    %get3A_4 = memref.load %arg1[%get3A_2, %get3A_3] : memref<5x24xi32, #tpu.memory_space<smem>>
    %get3A_5 = arith.constant 2 : index
    %get3A_6 = arith.index_cast %arg0 : i32 to index
    %get3A_7 = memref.load %arg1[%get3A_5, %get3A_6] : memref<5x24xi32, #tpu.memory_space<smem>>
    %get3A_8 = arith.constant 3 : index
    %get3A_9 = arith.index_cast %arg0 : i32 to index
    %get3A_10 = memref.load %arg1[%get3A_8, %get3A_9] : memref<5x24xi32, #tpu.memory_space<smem>>
    %eq3A = arith.constant 0 : i32
    %eq3A_11 = arith.cmpi eq, %arg0, %eq3A : i32
    %convert_element_type3A = arith.extui %eq3A_11 : i1 to i32
    %cond3A = arith.constant 0 : i32
    %cond3A_12 = arith.cmpi ne, %convert_element_type3A, %cond3A : i32
    scf.if %cond3A_12 {
      %dma_start3A = arith.constant 0 : i32
      %dma_start3A_32 = tpu.memref_slice %arg10[%get3A_4, %dma_start3A] : memref<2x2x!tpu.dma_semaphore, #tpu.memory_space<semaphore_mem>> -> memref<1x1x!tpu.dma_semaphore, #tpu.memory_space<semaphore_mem>>
      %dma_start3A_33 = tpu.memref_squeeze %dma_start3A_32 : memref<1x1x!tpu.dma_semaphore, #tpu.memory_space<semaphore_mem>> -> memref<!tpu.dma_semaphore, #tpu.memory_space<semaphore_mem>>
      %dma_start3A_34 = arith.constant 0 : i32
      %dma_start3A_35 = arith.constant 0 : i32
      %dma_start3A_36 = tpu.memref_slice %arg8[%get3A_4, %dma_start3A_34, %dma_start3A_35] : memref<2x768x1536xf32, #tpu.memory_space<vmem>> -> memref<1x768x1536xf32, #tpu.memory_space<vmem>>
      %dma_start3A_37 = tpu.memref_squeeze %dma_start3A_36 : memref<1x768x1536xf32, #tpu.memory_space<vmem>> -> memref<768x1536xf32, #tpu.memory_space<vmem>>
      %dma_start3A_38 = arith.constant 0 : i32
      %dma_start3A_39 = arith.constant 0 : i32
      %dma_start3A_40 = tpu.memref_slice %arg5[%get3A_1, %dma_start3A_38, %dma_start3A_39] : memref<8x768x1536xf32, #tpu.memory_space<any>> -> memref<1x768x1536xf32, #tpu.memory_space<any>>
      %dma_start3A_41 = tpu.memref_squeeze %dma_start3A_40 : memref<1x768x1536xf32, #tpu.memory_space<any>> -> memref<768x1536xf32, #tpu.memory_space<any>>
      tpu.enqueue_dma source(%dma_start3A_41 : memref<768x1536xf32, #tpu.memory_space<any>>) target(%dma_start3A_37 : memref<768x1536xf32, #tpu.memory_space<vmem>>) target_semaphore(%dma_start3A_33 : memref<!tpu.dma_semaphore, #tpu.memory_space<semaphore_mem>>)
      %dma_start3A_42 = arith.constant 1 : i32
      %dma_start3A_43 = tpu.memref_slice %arg10[%get3A_4, %dma_start3A_42] : memref<2x2x!tpu.dma_semaphore, #tpu.memory_space<semaphore_mem>> -> memref<1x1x!tpu.dma_semaphore, #tpu.memory_space<semaphore_mem>>
      %dma_start3A_44 = tpu.memref_squeeze %dma_start3A_43 : memref<1x1x!tpu.dma_semaphore, #tpu.memory_space<semaphore_mem>> -> memref<!tpu.dma_semaphore, #tpu.memory_space<semaphore_mem>>
      %dma_start3A_45 = arith.constant 0 : i32
      %dma_start3A_46 = arith.constant 0 : i32
      %dma_start3A_47 = tpu.memref_slice %arg9[%get3A_4, %dma_start3A_45, %dma_start3A_46] : memref<2x1536x768xf32, #tpu.memory_space<vmem>> -> memref<1x1536x768xf32, #tpu.memory_space<vmem>>
      %dma_start3A_48 = tpu.memref_squeeze %dma_start3A_47 : memref<1x1536x768xf32, #tpu.memory_space<vmem>> -> memref<1536x768xf32, #tpu.memory_space<vmem>>
      %dma_start3A_49 = arith.constant 0 : i32
      %dma_start3A_50 = arith.constant 0 : i32
      %dma_start3A_51 = tpu.memref_slice %arg6[%get3A_1, %dma_start3A_49, %dma_start3A_50] : memref<8x1536x768xf32, #tpu.memory_space<any>> -> memref<1x1536x768xf32, #tpu.memory_space<any>>
      %dma_start3A_52 = tpu.memref_squeeze %dma_start3A_51 : memref<1x1536x768xf32, #tpu.memory_space<any>> -> memref<1536x768xf32, #tpu.memory_space<any>>
      tpu.enqueue_dma source(%dma_start3A_52 : memref<1536x768xf32, #tpu.memory_space<any>>) target(%dma_start3A_48 : memref<1536x768xf32, #tpu.memory_space<vmem>>) target_semaphore(%dma_start3A_44 : memref<!tpu.dma_semaphore, #tpu.memory_space<semaphore_mem>>)
    } else {
    }
    %eq3A_13 = arith.constant 1 : i32
    %eq3A_14 = arith.cmpi eq, %get3A_7, %eq3A_13 : i32
    %ge3A = arith.constant 0 : i32
    %ge3A_15 = arith.cmpi sge, %get3A_10, %ge3A : i32
    %and3A = arith.andi %eq3A_14, %ge3A_15 : i1
    %convert_element_type3A_16 = arith.extui %and3A : i1 to i32
    %cond3A_17 = arith.constant 0 : i32
    %cond3A_18 = arith.cmpi ne, %convert_element_type3A_16, %cond3A_17 : i32
    scf.if %cond3A_18 {
      %sub3A = arith.constant 1 : i32
      %sub3A_32 = arith.subi %sub3A, %get3A_4 : i32
      %dma_start3A = arith.constant 0 : i32
      %dma_start3A_33 = tpu.memref_slice %arg10[%sub3A_32, %dma_start3A] : memref<2x2x!tpu.dma_semaphore, #tpu.memory_space<semaphore_mem>> -> memref<1x1x!tpu.dma_semaphore, #tpu.memory_space<semaphore_mem>>
      %dma_start3A_34 = tpu.memref_squeeze %dma_start3A_33 : memref<1x1x!tpu.dma_semaphore, #tpu.memory_space<semaphore_mem>> -> memref<!tpu.dma_semaphore, #tpu.memory_space<semaphore_mem>>
      %dma_start3A_35 = arith.constant 0 : i32
      %dma_start3A_36 = arith.constant 0 : i32
      %dma_start3A_37 = tpu.memref_slice %arg8[%sub3A_32, %dma_start3A_35, %dma_start3A_36] : memref<2x768x1536xf32, #tpu.memory_space<vmem>> -> memref<1x768x1536xf32, #tpu.memory_space<vmem>>
      %dma_start3A_38 = tpu.memref_squeeze %dma_start3A_37 : memref<1x768x1536xf32, #tpu.memory_space<vmem>> -> memref<768x1536xf32, #tpu.memory_space<vmem>>
      %dma_start3A_39 = arith.constant 0 : i32
      %dma_start3A_40 = arith.constant 0 : i32
      %dma_start3A_41 = tpu.memref_slice %arg5[%get3A_10, %dma_start3A_39, %dma_start3A_40] : memref<8x768x1536xf32, #tpu.memory_space<any>> -> memref<1x768x1536xf32, #tpu.memory_space<any>>
      %dma_start3A_42 = tpu.memref_squeeze %dma_start3A_41 : memref<1x768x1536xf32, #tpu.memory_space<any>> -> memref<768x1536xf32, #tpu.memory_space<any>>
      tpu.enqueue_dma source(%dma_start3A_42 : memref<768x1536xf32, #tpu.memory_space<any>>) target(%dma_start3A_38 : memref<768x1536xf32, #tpu.memory_space<vmem>>) target_semaphore(%dma_start3A_34 : memref<!tpu.dma_semaphore, #tpu.memory_space<semaphore_mem>>)
      %dma_start3A_43 = arith.constant 1 : i32
      %dma_start3A_44 = tpu.memref_slice %arg10[%sub3A_32, %dma_start3A_43] : memref<2x2x!tpu.dma_semaphore, #tpu.memory_space<semaphore_mem>> -> memref<1x1x!tpu.dma_semaphore, #tpu.memory_space<semaphore_mem>>
      %dma_start3A_45 = tpu.memref_squeeze %dma_start3A_44 : memref<1x1x!tpu.dma_semaphore, #tpu.memory_space<semaphore_mem>> -> memref<!tpu.dma_semaphore, #tpu.memory_space<semaphore_mem>>
      %dma_start3A_46 = arith.constant 0 : i32
      %dma_start3A_47 = arith.constant 0 : i32
      %dma_start3A_48 = tpu.memref_slice %arg9[%sub3A_32, %dma_start3A_46, %dma_start3A_47] : memref<2x1536x768xf32, #tpu.memory_space<vmem>> -> memref<1x1536x768xf32, #tpu.memory_space<vmem>>
      %dma_start3A_49 = tpu.memref_squeeze %dma_start3A_48 : memref<1x1536x768xf32, #tpu.memory_space<vmem>> -> memref<1536x768xf32, #tpu.memory_space<vmem>>
      %dma_start3A_50 = arith.constant 0 : i32
      %dma_start3A_51 = arith.constant 0 : i32
      %dma_start3A_52 = tpu.memref_slice %arg6[%get3A_10, %dma_start3A_50, %dma_start3A_51] : memref<8x1536x768xf32, #tpu.memory_space<any>> -> memref<1x1536x768xf32, #tpu.memory_space<any>>
      %dma_start3A_53 = tpu.memref_squeeze %dma_start3A_52 : memref<1x1536x768xf32, #tpu.memory_space<any>> -> memref<1536x768xf32, #tpu.memory_space<any>>
      tpu.enqueue_dma source(%dma_start3A_53 : memref<1536x768xf32, #tpu.memory_space<any>>) target(%dma_start3A_49 : memref<1536x768xf32, #tpu.memory_space<vmem>>) target_semaphore(%dma_start3A_45 : memref<!tpu.dma_semaphore, #tpu.memory_space<semaphore_mem>>)
    } else {
    }
    %eq3A_19 = arith.constant 1 : i32
    %eq3A_20 = arith.cmpi eq, %get3A_7, %eq3A_19 : i32
    %convert_element_type3A_21 = arith.extui %eq3A_20 : i1 to i32
    %cond3A_22 = arith.constant 0 : i32
    %cond3A_23 = arith.cmpi ne, %convert_element_type3A_21, %cond3A_22 : i32
    scf.if %cond3A_23 {
      %dma_wait3A = arith.constant 0 : i32
      %dma_wait3A_32 = tpu.memref_slice %arg10[%get3A_4, %dma_wait3A] : memref<2x2x!tpu.dma_semaphore, #tpu.memory_space<semaphore_mem>> -> memref<1x1x!tpu.dma_semaphore, #tpu.memory_space<semaphore_mem>>
      %dma_wait3A_33 = tpu.memref_squeeze %dma_wait3A_32 : memref<1x1x!tpu.dma_semaphore, #tpu.memory_space<semaphore_mem>> -> memref<!tpu.dma_semaphore, #tpu.memory_space<semaphore_mem>>
      %dma_wait3A_34 = arith.constant 0 : i32
      %dma_wait3A_35 = arith.constant 0 : i32
      %dma_wait3A_36 = tpu.memref_slice %arg8[%get3A_4, %dma_wait3A_34, %dma_wait3A_35] : memref<2x768x1536xf32, #tpu.memory_space<vmem>> -> memref<1x768x1536xf32, #tpu.memory_space<vmem>>
      %dma_wait3A_37 = tpu.memref_squeeze %dma_wait3A_36 : memref<1x768x1536xf32, #tpu.memory_space<vmem>> -> memref<768x1536xf32, #tpu.memory_space<vmem>>
      %dma_wait3A_38 = arith.constant 0 : i32
      %dma_wait3A_39 = arith.constant 0 : i32
      %dma_wait3A_40 = tpu.memref_slice %arg5[%get3A_1, %dma_wait3A_38, %dma_wait3A_39] : memref<8x768x1536xf32, #tpu.memory_space<any>> -> memref<1x768x1536xf32, #tpu.memory_space<any>>
      %dma_wait3A_41 = tpu.memref_squeeze %dma_wait3A_40 : memref<1x768x1536xf32, #tpu.memory_space<any>> -> memref<768x1536xf32, #tpu.memory_space<any>>
      tpu.wait_dma2 semaphore(%dma_wait3A_33 : memref<!tpu.dma_semaphore, #tpu.memory_space<semaphore_mem>>) src(%dma_wait3A_41 : memref<768x1536xf32, #tpu.memory_space<any>>) dst(%dma_wait3A_37 : memref<768x1536xf32, #tpu.memory_space<vmem>>)
      %dma_wait3A_42 = arith.constant 1 : i32
      %dma_wait3A_43 = tpu.memref_slice %arg10[%get3A_4, %dma_wait3A_42] : memref<2x2x!tpu.dma_semaphore, #tpu.memory_space<semaphore_mem>> -> memref<1x1x!tpu.dma_semaphore, #tpu.memory_space<semaphore_mem>>
      %dma_wait3A_44 = tpu.memref_squeeze %dma_wait3A_43 : memref<1x1x!tpu.dma_semaphore, #tpu.memory_space<semaphore_mem>> -> memref<!tpu.dma_semaphore, #tpu.memory_space<semaphore_mem>>
      %dma_wait3A_45 = arith.constant 0 : i32
      %dma_wait3A_46 = arith.constant 0 : i32
      %dma_wait3A_47 = tpu.memref_slice %arg9[%get3A_4, %dma_wait3A_45, %dma_wait3A_46] : memref<2x1536x768xf32, #tpu.memory_space<vmem>> -> memref<1x1536x768xf32, #tpu.memory_space<vmem>>
      %dma_wait3A_48 = tpu.memref_squeeze %dma_wait3A_47 : memref<1x1536x768xf32, #tpu.memory_space<vmem>> -> memref<1536x768xf32, #tpu.memory_space<vmem>>
      %dma_wait3A_49 = arith.constant 0 : i32
      %dma_wait3A_50 = arith.constant 0 : i32
      %dma_wait3A_51 = tpu.memref_slice %arg6[%get3A_1, %dma_wait3A_49, %dma_wait3A_50] : memref<8x1536x768xf32, #tpu.memory_space<any>> -> memref<1x1536x768xf32, #tpu.memory_space<any>>
      %dma_wait3A_52 = tpu.memref_squeeze %dma_wait3A_51 : memref<1x1536x768xf32, #tpu.memory_space<any>> -> memref<1536x768xf32, #tpu.memory_space<any>>
      tpu.wait_dma2 semaphore(%dma_wait3A_44 : memref<!tpu.dma_semaphore, #tpu.memory_space<semaphore_mem>>) src(%dma_wait3A_52 : memref<1536x768xf32, #tpu.memory_space<any>>) dst(%dma_wait3A_48 : memref<1536x768xf32, #tpu.memory_space<vmem>>)
    } else {
    }
    %get3A_24 = arith.constant 4 : index
    %get3A_25 = arith.index_cast %arg0 : i32 to index
    %get3A_26 = memref.load %arg1[%get3A_24, %get3A_25] : memref<5x24xi32, #tpu.memory_space<smem>>
    %eq3A_27 = arith.constant 1 : i32
    %eq3A_28 = arith.cmpi eq, %get3A_26, %eq3A_27 : i32
    %convert_element_type3A_29 = arith.extui %eq3A_28 : i1 to i32
    %cond3A_30 = arith.constant 0 : i32
    %cond3A_31 = arith.cmpi ne, %convert_element_type3A_29, %cond3A_30 : i32
    scf.if %cond3A_31 {
      %get3A_32 = arith.constant 0 : index
      %get3A_33 = arith.constant 0 : index
      %get3A_34 = vector.load %arg2[%get3A_32, %get3A_33] : memref<256x768xf32, #tpu.memory_space<vmem>>, vector<256x768xf32>
      %get3A_35 = arith.index_cast %get3A_4 : i32 to index
      %get3A_36 = arith.constant 0 : index
      %get3A_37 = arith.constant 0 : index
      %get3A_38 = vector.load %arg8[%get3A_35, %get3A_36, %get3A_37] : memref<2x768x1536xf32, #tpu.memory_space<vmem>>, vector<1x768x1536xf32>
      %get3A_39 = vector.shape_cast %get3A_38 : vector<1x768x1536xf32> to vector<768x1536xf32>
      %dot_general3A = arith.constant dense<0.000000e+00> : vector<256x1536xf32>
      %dot_general3A_40 = tpu.matmul %get3A_34, %get3A_39, %dot_general3A {dimension_numbers = #tpu.dot_dimension_numbers<[1], [0], [0], [1], [0, 0, 1, 1], [], []>, transpose_lhs_hint = false} : vector<256x768xf32>, vector<768x1536xf32>, vector<256x1536xf32> -> vector<256x1536xf32>
      %get3A_41 = arith.constant 0 : index
      %get3A_42 = arith.constant 0 : index
      %get3A_43 = arith.constant 0 : index
      %get3A_44 = vector.load %arg3[%get3A_41, %get3A_42, %get3A_43] : memref<1x1x1536xf32, #tpu.memory_space<vmem>>, vector<1x1x1536xf32>
      %get3A_45 = vector.shape_cast %get3A_44 : vector<1x1x1536xf32> to vector<1x1536xf32>
      %add3A = vector.broadcast %get3A_45 : vector<1x1536xf32> to vector<256x1536xf32>
      %add3A_46 = arith.addf %dot_general3A_40, %add3A : vector<256x1536xf32>
      %integer_pow3A = arith.mulf %add3A_46, %add3A_46 : vector<256x1536xf32>
      %integer_pow3A_47 = arith.mulf %add3A_46, %integer_pow3A : vector<256x1536xf32>
      %mul3A = arith.constant 4.471500e-02 : f32
      %mul3A_48 = vector.broadcast %mul3A : f32 to vector<256x1536xf32>
      %mul3A_49 = arith.mulf %mul3A_48, %integer_pow3A_47 : vector<256x1536xf32>
      %add3A_50 = arith.addf %add3A_46, %mul3A_49 : vector<256x1536xf32>
      %mul3A_51 = arith.constant 0.797884583 : f32
      %mul3A_52 = vector.broadcast %mul3A_51 : f32 to vector<256x1536xf32>
      %mul3A_53 = arith.mulf %mul3A_52, %add3A_50 : vector<256x1536xf32>
      %tanh3A = math.tanh %mul3A_53 : vector<256x1536xf32>
      %add3A_54 = arith.constant 1.000000e+00 : f32
      %add3A_55 = vector.broadcast %add3A_54 : f32 to vector<256x1536xf32>
      %add3A_56 = arith.addf %add3A_55, %tanh3A : vector<256x1536xf32>
      %mul3A_57 = arith.constant 5.000000e-01 : f32
      %mul3A_58 = vector.broadcast %mul3A_57 : f32 to vector<256x1536xf32>
      %mul3A_59 = arith.mulf %mul3A_58, %add3A_56 : vector<256x1536xf32>
      %mul3A_60 = arith.mulf %add3A_46, %mul3A_59 : vector<256x1536xf32>
      %get3A_61 = arith.index_cast %get3A_4 : i32 to index
      %get3A_62 = arith.constant 0 : index
      %get3A_63 = arith.constant 0 : index
      %get3A_64 = vector.load %arg9[%get3A_61, %get3A_62, %get3A_63] : memref<2x1536x768xf32, #tpu.memory_space<vmem>>, vector<1x1536x768xf32>
      %get3A_65 = vector.shape_cast %get3A_64 : vector<1x1536x768xf32> to vector<1536x768xf32>
      %dot_general3A_66 = arith.constant dense<0.000000e+00> : vector<256x768xf32>
      %dot_general3A_67 = tpu.matmul %mul3A_60, %get3A_65, %dot_general3A_66 {dimension_numbers = #tpu.dot_dimension_numbers<[1], [0], [0], [1], [0, 0, 1, 1], [], []>, transpose_lhs_hint = false} : vector<256x1536xf32>, vector<1536x768xf32>, vector<256x768xf32> -> vector<256x768xf32>
      %get3A_68 = arith.constant 0 : index
      %get3A_69 = arith.constant 0 : index
      %get3A_70 = arith.constant 0 : index
      %get3A_71 = vector.load %arg4[%get3A_68, %get3A_69, %get3A_70] : memref<1x1x768xf32, #tpu.memory_space<vmem>>, vector<1x1x768xf32>
      %get3A_72 = vector.shape_cast %get3A_71 : vector<1x1x768xf32> to vector<1x768xf32>
      %add3A_73 = vector.broadcast %get3A_72 : vector<1x768xf32> to vector<256x768xf32>
      %add3A_74 = arith.addf %dot_general3A_67, %add3A_73 : vector<256x768xf32>
      %swap3A = arith.constant 0 : index
      %swap3A_75 = arith.constant 0 : index
      %swap3A_76 = vector.load %arg7[%swap3A, %swap3A_75] : memref<256x768xf32, #tpu.memory_space<vmem>>, vector<256x768xf32>
      tpu.vector_store %arg7[%swap3A, %swap3A_75], %add3A_74 {strides = array<i32>} : memref<256x768xf32, #tpu.memory_space<vmem>>, vector<256x768xf32>,
    } else {
    }
    return
  }
  func.func @transform_0(%arg0: i32, %arg1: memref<5x24xi32, #tpu.memory_space<smem>>) -> (i32, i32) {
    %get3A = arith.constant 4 : index
    %get3A_0 = arith.index_cast %arg0 : i32 to index
    %get3A_1 = memref.load %arg1[%get3A, %get3A_0] : memref<5x24xi32, #tpu.memory_space<smem>>
    %mul3A = arith.muli %get3A_1, %arg0 : i32
    %c0_i32 = arith.constant 0 : i32
    %c0_i32_2 = arith.constant 0 : i32
    return %mul3A, %c0_i32 : i32, i32
  }
  func.func @transform_1(%arg0: i32, %arg1: memref<5x24xi32, #tpu.memory_space<smem>>) -> (i32, i32, i32) {
    %get3A = arith.constant 0 : index
    %get3A_0 = arith.index_cast %arg0 : i32 to index
    %get3A_1 = memref.load %arg1[%get3A, %get3A_0] : memref<5x24xi32, #tpu.memory_space<smem>>
    %c0_i32 = arith.constant 0 : i32
    %c0_i32_2 = arith.constant 0 : i32
    %c0_i32_3 = arith.constant 0 : i32
    return %get3A_1, %c0_i32, %c0_i32_2 : i32, i32, i32
  }
  func.func @transform_2(%arg0: i32, %arg1: memref<5x24xi32, #tpu.memory_space<smem>>) -> (i32, i32, i32) {
    %get3A = arith.constant 0 : index
    %get3A_0 = arith.index_cast %arg0 : i32 to index
    %get3A_1 = memref.load %arg1[%get3A, %get3A_0] : memref<5x24xi32, #tpu.memory_space<smem>>
    %c0_i32 = arith.constant 0 : i32
    %c0_i32_2 = arith.constant 0 : i32
    %c0_i32_3 = arith.constant 0 : i32
    return %get3A_1, %c0_i32, %c0_i32_2 : i32, i32, i32
  }
  func.func @transform_5(%arg0: i32, %arg1: memref<5x24xi32, #tpu.memory_space<smem>>) -> (i32, i32) {
    %c0_i32 = arith.constant 0 : i32
    %c0_i32_0 = arith.constant 0 : i32
    return %arg0, %c0_i32 : i32, i32
  }
}

</mosaic_0001>

<sc_bundles>
// kernel: kernel.6.cloned.1.call-start
scs
__scs_entry_jumppad:
0x0: {  	(pc) =	sbr.rel $0x88, $3  }
0x1: {  	(tag) =	ssettag $0x0;
	lr =	simm.s32 $0x1  }
0x2: {  	[smem:$0x3F99] =	sst lr;
	_ =	strace $0xD0000000  }
0x3: {  	_ = 	snop  }
0x4: {  	_ = 	snop  }
0x5: {  	_ = 	snop  }
0x6: {  	_ = 	snop  }
0x7: {  	_ = 	snop  }
__scs_overlays_trampoline_lowered:
0x8: {  	[smem:$0x3FA8] =	sst s0  }
0x9: {  	[smem:$0x3FA9] =	sst s1  }
0xa: {  	[smem:$0x3FAA] =	sst s2  }
0xb: {  	[smem:$0x3FAB] =	sst s3  }
0xc: {  	[smem:$0x3FAC] =	sst s4  }
0xd: {  	[smem:$0x3FAD] =	sst s5  }
0xe: {  	[smem:$0x3FAE] =	sst s6  }
0xf: {  	[smem:$0x3FAF] =	sst s7  }
0x10: {  	[smem:$0x3FB0] =	sst s8  }
0x11: {  	[smem:$0x3FB1] =	sst s9;
	s0 =	simm.s32 @!p0 $0x0  }
0x12: {  	s1 =	sld [smem:$0x3F97];
	s0 =	simm.s32 @p0 $0x1  }
0x13: {  	[smem:$0x3FB2] =	sst s0;
	s0 =	simm.s32 @!p1 $0x0  }
0x14: {  	s2 =	sld [smem:$0x3F96];
	s0 =	simm.s32 @p1 $0x1  }
0x15: {  	[smem:$0x3FB3] =	sst s0;
	s0 =	simm.s32 @!p2 $0x0  }
0x16: {  	s3 =	sld [smem:$0x3FDB];
	s0 =	simm.s32 @p2 $0x1  }
0x17: {  	s4 =	simm.s32 $0x1BF5;
	[smem:$0x3FB5] =	sst s0  }
0x18: {  	s0 =	sld [smem:$0x3F98];
	_ =	swait.ge [sflag:s4], $0x0  }
0x19: {  	s7 =	sld [smem:$0x3F99]  }
0x1a: {  	s8 =	sadd.s32 $0xFFFFE003, lr  }
0x1b: {  	s9 =	sadd.s32 $0xFFFFFEF7, lr;
	s5 =	simm.s32 $0xFFFFFFFF;
	p2 =	slt.u32 s8, $0xFFFFF086  }
0x1c: {  	p1 =	slt.u32 s9, $0xF7A;
	s5 =	simm.s32 @!p2 $0x0  }
0x1d: {  	s5 =	simm.s32 @p1 $0x1;
	p0 =	seq.s32 s7, s2  }
0x1e: {  	s7 =	smul.u32 @!p0 $0xF7A, s2;
	p2 =	seq.s32 @!p0 s5, $0x0  }
0x1f: {  	s9 =	smul.u32 $0xF7A, s1;
	s8 =	simm.s32 @!p0 $0x1BF5;
	p2 =	por !p2, p0  }
0x20: {  	[sflag:s8] =	ssyncset.s32 @!p0 $0xFFFFF086;
	s6 =	sadd.s32 @!p0 s3, s7;
	s7 =	simm.s32 @!p0 $0x108  }
0x21: {  	s3 =	sadd.s32 s3, s9;
	s6 =	sadd.s32 @!p0 $0x88, s6;
	s7 =	simm.s32 @p2 $0x1082  }
0x22: {  	[simem:s7], [sflag:s8] =	dma.local @!p0 [hbm:s6], $0xF7A  }
0x23: {  	s9 =	sor.u32 $0xD0000000, s2;
	s6 =	simm.s32 $0x108;
	_ =	swait.ge @!p0 [sflag:s8], $0x0  }
0x24: {  	s3 =	sadd.s32 $0x88, s3;
	s6 =	simm.s32 @!p1 $0x1082;
	[sflag:s4] =	ssyncset.s32 $0xFFFFF086  }
0x25: {  	[simem:s6], [sflag:s4] =	dma.local [hbm:s3], $0xF7A  }
0x26: {  	[smem:$0x3F99] =	sst s1;
	(tag) =	ssettag s2;
	_ =	strace s9  }
0x27: {  	s1 =	sld [smem:$0x3FA9]  }
0x28: {  	s2 =	sld [smem:$0x3FAA]  }
0x29: {  	s4 =	sld [smem:$0x3FAC]  }
0x2a: {  	p0 =	seq.s32 s5, $0x0;
	s5 =	sld [smem:$0x3FAD]  }
0x2b: {  	s6 =	sld [smem:$0x3FAE]  }
0x2c: {  	s7 =	sld [smem:$0x3FAF]  }
0x2d: {  	s3 =	simm.s32 $0x108;
	s8 =	sld [smem:$0x3FB0]  }
0x2e: {  	s3 =	simm.s32 @!p0 $0x1082;
	s9 =	sld [smem:$0x3FB1]  }
0x2f: {  	lr =	sadd.s32 s0, s3;
	s0 =	sld [smem:$0x3FA8]  }
0x30: {  	s3 =	sld [smem:$0x3FAB]  }
0x31: {  	[smem:$0x3FB4] =	sst s10  }
0x32: {  	s10 =	sld [smem:$0x3FB2];
	_ =	sdelay $0x3  }
0x33: {  	p0 =	seq.s32 s10, $0x1;
	s10 =	sld [smem:$0x3FB4];
	_ =	sdelay $0x3  }
0x34: {  	[smem:$0x3FB4] =	sst s10  }
0x35: {  	s10 =	sld [smem:$0x3FB3];
	_ =	sdelay $0x3  }
0x36: {  	p1 =	seq.s32 s10, $0x1;
	s10 =	sld [smem:$0x3FB4];
	_ =	sdelay $0x3  }
0x37: {  	[smem:$0x3FB4] =	sst s10  }
0x38: {  	s10 =	sld [smem:$0x3FB5]  }
0x39: {  	_ = 	snop;
	(pc) =	sbr.ind lr, $3  }
0x3a: {  	_ = 	snop  }
0x3b: {  	_ = 	snop  }
0x3c: {  	p2 =	seq.s32 s10, $0x1;
	s10 =	sld [smem:$0x3FB4]  }
0x3d: {  	_ =	shalt  }
0x3e: {  	_ =	shalt  }
0x3f: {  	_ =	shalt  }
0x40: {  	_ =	shalt  }
0x41: {  	_ =	shalt  }
0x42: {  	_ =	shalt  }
0x43: {  	_ =	shalt  }
0x44: {  	_ =	shalt  }
0x45: {  	_ =	shalt  }
0x46: {  	_ =	shalt  }
0x47: {  	_ =	shalt  }
0x48: {  	_ =	shalt  }
0x49: {  	_ =	shalt  }
0x4a: {  	_ =	shalt  }
0x4b: {  	_ =	shalt  }
0x4c: {  	_ =	shalt  }
0x4d: {  	_ =	shalt  }
0x4e: {  	_ =	shalt  }
0x4f: {  	_ =	shalt  }
0x50: {  	_ =	shalt  }
0x51: {  	_ =	shalt  }
0x52: {  	_ =	shalt  }
0x53: {  	_ =	shalt  }
0x54: {  	_ =	shalt  }
0x55: {  	_ =	shalt  }
0x56: {  	_ =	shalt  }
0x57: {  	_ =	shalt  }
0x58: {  	_ =	shalt  }
0x59: {  	_ =	shalt  }
0x5a: {  	_ =	shalt  }
0x5b: {  	_ =	shalt  }
0x5c: {  	_ =	shalt  }
0x5d: {  	_ =	shalt  }
0x5e: {  	_ =	shalt  }
0x5f: {  	_ =	shalt  }
0x60: {  	_ =	shalt  }
0x61: {  	_ =	shalt  }
0x62: {  	_ =	shalt  }
0x63: {  	_ =	shalt  }
0x64: {  	_ =	shalt  }
0x65: {  	_ =	shalt  }
0x66: {  	_ =	shalt  }
0x67: {  	_ =	shalt  }
0x68: {  	_ =	shalt  }
0x69: {  	_ =	shalt  }
0x6a: {  	_ =	shalt  }
0x6b: {  	_ =	shalt  }
0x6c: {  	_ =	shalt  }
0x6d: {  	_ =	shalt  }
0x6e: {  	_ =	shalt  }
0x6f: {  	_ =	shalt  }
0x70: {  	_ =	shalt  }
0x71: {  	_ =	shalt  }
0x72: {  	_ =	shalt  }
0x73: {  	_ =	shalt  }
0x74: {  	_ =	shalt  }
0x75: {  	_ =	shalt  }
0x76: {  	_ =	shalt  }
0x77: {  	_ =	shalt  }
0x78: {  	_ =	shalt  }
0x79: {  	_ =	shalt  }
0x7a: {  	_ =	shalt  }
0x7b: {  	_ =	shalt  }
0x7c: {  	_ =	shalt  }
0x7d: {  	_ =	shalt  }
0x7e: {  	_ =	shalt  }
0x7f: {  	_ =	shalt  }
0x80: {  	_ =	shalt  }
0x81: {  	_ =	shalt  }
0x82: {  	_ =	shalt  }
0x83: {  	_ =	shalt  }
0x84: {  	_ =	shalt  }
0x85: {  	_ =	shalt  }
0x86: {  	_ =	shalt  }
0x87: {  	_ =	shalt  }
.Lfunc_end0:
.L_simem_size_0:
called_computation_lowered:
.L_overlay_start_0:
0x88: {  	s2 =	sld [smem:$0x3FD9]  }
0x89: {  	s3 =	sld [smem:$0x3FFE];
	_ =	sdelay $0x1  }
0x8a: {  	s1 =	srdreg.scid  }
0x8b: {  	s0 =	sand.u32 $0x1, s1  }
0x8c: {  	s14 =	sshll.u32 s0, $0xA;
	s2 =	sadd.s32 s3, s2  }
0x8d: {  	s2 =	sadd.s32 s2, s14  }
0x8e: {  	[smem:$0x3FC0] =	sst s2  }
0x8f: {  	_ = 	snop  }
0x90: {  	s2 =	sld [smem:$0x3FD0];
	_ =	sdelay $0x2  }
0x91: {  	s15 =	simm.s32 $0xA;
	s4 =	simm.s32 $0x10  }
0x92: {  	[smem:s4], [sflag:s15] =	dma.local [hbm:s2], $0x1  }
0x93: {  	_ =	swait.eq [sflag:s15], $0x1  }
0x94: {  	[sflag:s15] =	ssyncset.done $0x0  }
0x95: {  	s16 =	sld [smem:$0x10];
	[sflag:s15] =	ssyncadd.s32 $0xFFFFFFFF  }
0x96: {  	s17 =	sld [smem:$0x11];
	(tm) =	ssettm $0x1  }
0x97: {  	s18 =	sld [smem:$0x3FFB];
	_ =	sdelay $0x3  }
0x98: {  	_ =	strace s18  }
0x99: {  	s4 =	sld [smem:$0x3FFC];
	_ =	sdelay $0x3  }
0x9a: {  	_ =	strace s4  }
0x9b: {  	s4 =	sld [smem:$0x3FFD];
	_ =	sdelay $0x3  }
0x9c: {  	_ =	strace s4  }
0x9d: {  	_ =	strace $0x8FFFFFFF  }
0x9e: {  	s19 =	sld [smem:$0x3FDB];
	_ =	sdelay $0x1  }
0x9f: {  	s5 =	simm.s32 $_scs_section_size  }
0xa0: {  	s6 =	simm.s32 $_size__tile_overlayer_lowered;
	s7 =	simm.s32 $_tile_overlayer_lowered  }
0xa1: {  	s22 =	simm.s32 $0x1BFF;
	s21 =	sshll.u32 s7, $0x1;
	s4 =	sadd.s32 s5, s19  }
0xa2: {  	s8 =	simm.s32 $0x0;
	s20 =	sshll.u32 s6, $0x1;
	s6 =	sadd.s32 s21, s4  }
0xa3: {  	[timem:s8], [sflag:s22] =	dma.local [hbm:s6], s20  }
0xa4: {  	_ =	swait.ge [sflag:s22], s20  }
0xa5: {  	s5 =	ssub.s32 $0x0, s20;
	[sflag:s22] =	ssyncset.done $0x0  }
0xa6: {  	[sflag:s22] =	ssyncadd.s32 s5;
	_ =	sdelay $0x1  }
0xa7: {  	s23 =	simm.s32 $0x1B8B  }
0xa8: {  	_ =	swait.ge [sflag:s23], $0x1  }
0xa9: {  	[sflag:s23] =	ssyncset.done $0x0  }
0xaa: {  	s25 =	simm.s32 $0x1B8E;
	s24 =	sld [smem:$0x3FFE];
	[sflag:s23] =	ssyncadd.s32 $0xFFFFFFFF  }
0xab: {  	s26 =	simm.s32 $execute0_lowered;
	[smem:$0x3FD2] =	sst s25  }
0xac: {  	s6 =	sshll.u32 s26, $0x1;
	_ =	strace $0x80000046;
	[dreg:$0x1] =	wrdreg $0xFFFFFFFF  }
0xad: {  	s28 =	simm.s32 $_size_execute0_lowered;
	s4 =	sadd.s32 s4, s6;
	[dreg:$0x0] =	wrdreg $0x0  }
0xae: {  	s6 =	sshll.u32 s28, $0x1;
	[dreg:$0x2] =	wrdreg s4  }
0xaf: {  	[dreg:$0x3] =	wrdreg s6  }
0xb0: {  	[dreg:$0x4] =	wrdreg $0xC0  }
0xb1: {  	_ =	task [dreg:s8], $0x5FFFF  }
0xb2: {  	[dreg:$0x1] =	wrdreg $0xFFFFFFFF  }
0xb3: {  	[dreg:$0x0] =	wrdreg $0x60  }
0xb4: {  	[dreg:$0x2] =	wrdreg s17  }
0xb5: {  	[dreg:$0x3] =	wrdreg s24  }
0xb6: {  	[dreg:$0x4] =	wrdreg s16  }
0xb7: {  	[dreg:$0x5] =	wrdreg $0x9  }
0xb8: {  	_ =	task.clear_ibuf [dreg:s8], $0x6FFFF;
	_ =	strace $0x90000046  }
0xb9: {  	s29 =	simm.s32 $0x9;
	_ =	strace $0x80000048  }
0xba: {  	_ =	swait.ge [sflag:s29], $0x1  }
0xbb: {  	[sflag:s29] =	ssyncadd.s32 $0xFFFFFFFF  }
0xbc: {  	_ =	strace $0x90000048  }
0xbd: {  	_ =	sfence  }
0xbe: {  	s30 =	sld [smem:$0x0];
	_ =	sdelay $0x2  }
0xbf: {  	s31 =	sshll.u32 s1, $0xD;
	s1 =	sshrl.u32 s1, $0x2  }
0xc0: {  	s3 =	sand.u32 $0x4000, s31;
	s1 =	sadd.s32 s1, s30  }
0xc1: {  	s0 =	sor.u32 s3, s0;
	s1 =	sshll.u32 s1, $0x11  }
0xc2: {  	s0 =	sor.u32 s1, s0  }
0xc3: {  	s0 =	sadd.s32 $0x8F2B, s0  }
0xc4: {  	[sflag:s0] =	ssyncadd.remote.s32 $0x1  }
0xc5: {  	_ =	sfence.sel $0xFFFF  }
0xc6: {  	[dreg:$0x0] =	wrdreg $0xFFFFFFFF;
	(pc) =	sbr.abs _section_cstart, $3  }
0xc7: {  	[dreg:$0x1] =	wrdreg $0xFFFFFFFF  }
0xc8: {  	_ =	task.clear_ibuf [dreg:s8], $0x2FFFF;
	_ =	strace $0x9FFFFFFF  }
0xc9: {  	(tm) =	ssettm $0x7FFFFFFF  }
tec
execute0_lowered:
.L_overlay_start_1:
0x0: {  	(tag) =	ssettag $0x1  }
0x1: {  	s0 =	rddreg [dreg:$0x0]  }
0x2: {  	s1 =	rddreg [dreg:$0x1];
	s2 =	srdreg.scid  }
0x3: {  	s4 =	rddreg [dreg:$0x2];
	s7 =	stileid.u32  }
0x4: {  	s23 =	simm.s32 $0x80;
	s24 =	simm.s32 $0x200;
	s25 =	simm.s32 $0x100  }
0x5: {  	s26 =	simm.s32 $0x180;
	s28 =	simm.s32 $0x8A80;
	s29 =	simm.s32 $0x9280  }
0x6: {  	s30 =	simm.s32 $0x9A80;
	s31 =	simm.s32 $0xA280;
	s5 =	sand.u32 $0x1, s2  }
0x7: {  	s2 =	simm.s32 $0x0;
	s6 =	sshll.u32 s7, $0x4;
	s9 =	sadd.s32 $0x92200, s1  }
0x8: {  	s3 =	sshll.u32 s5, $0x4;
	[smem:$0x7FF] =	sst s2;
	s13 =	sand.u32 $0x70, s6  }
0x9: {  	s5 =	ssub.s32 $0x2, s5;
	_ =	strace $0x80000047;
	[dreg:$0xa] =	wrdreg s23  }
0xa: {  	s7 =	sor.u32 s7, s3;
	s8 =	sadd.s32 s13, s1;
	[dreg:$0xb] =	wrdreg s24  }
0xb: {  	s3 =	sadd.s32 $0x2200, s1;
	s19 =	sshrl.u32 s5, $0x1;
	[dreg:$0xc] =	wrdreg s25  }
0xc: {  	[dreg:$0xd] =	wrdreg s26;
	s13 =	simm.s32 $0x1A80;
	s23 =	simm.s32 $0x6A80  }
0xd: {  	s24 =	simm.s32 $0x7280;
	s25 =	simm.s32 $0x7A80;
	s26 =	simm.s32 $0x8280  }
0xe: {  	s14 =	smul.u32 $0x1800, s7;
	s15 =	sshll.u32 s7, $0x3;
	s16 =	sshll.u32 s7, $0x4  }
0xf: {  	s21 =	ssub.s32 s5, s19;
	s5 =	sadd.s32 $0x2400, s1;
	s19 =	simm.s32 $0x4A80  }
0x10: {  	s7 =	simm.s32 $0xBA80;
	s17 =	sadd.s32 s0, s15;
	s10 =	sor.u32 $0x100, s15  }
0x11: {  	s20 =	sadd.s32 s9, s15;
	s6 =	smax.u32 s21, $0x1;
	s15 =	simm.s32 $0x2A80  }
0x12: {  	s21 =	simm.s32 $0x5A80;
	s4 =	sadd.s32 s4, s14;
	[dreg:$0x5] =	wrdreg s17  }
0x13: {  	s0 =	sadd.s32 s0, s10;
	[dreg:$0x8] =	wrdreg s20;
	s22 =	sadd.s32 s9, s10  }
0x14: {  	v0 =	vimm.s32 $0x0;
	vm2 =	vcmask $0xF0C;
	vm9 =	vcmask $0x714;
	s9 =	simm.s32 $0x2;
	s10 =	simm.s32 $0x280;
	[dreg:$0x4] =	wrdreg s4  }
0x15: {  	vm0 =	vmmov $0xffff;
	v1 =	vimm.s32 $0x0;
	vm2 =	vmor vm9, vm2;
	s14 =	simm.s32 $0x2280;
	s17 =	simm.s32 $0x3A80;
	[dreg:$0x6] =	wrdreg s0  }
0x16: {  	vm1 =	vmmov $0x1;
	v3 =	vlaneseq.u32;
	v1 =	vsel vm2, $0xFFFFFFFF, v1;
	s20 =	simm.s32 $0x5280;
	s4 =	sand.u32 $0x180, s16;
	[dreg:$0x9] =	wrdreg s22  }
0x17: {  	vm5 =	vcmask $0xB20;
	vm6 =	vcmask $0xF20;
	[tilespmem:$0x1FFD0] =	vst v1;
	v1 =	vand.u32 $0x7, v3;
	s16 =	simm.s32 $0x3280;
	s22 =	simm.s32 $0x6280;
	s4 =	sadd.s32 s4, s8  }
0x18: {  	vm7 =	vcmask $0x1320;
	v2 =	vshrl.u32 v3, $0x3;
	[tilespmem:$0x1FFE0] =	vst v1;
	v1 =	vor.u32 $0x8, v3;
	s8 =	simm.s32 $0x3;
	s18 =	sadd.s32 $0x1E00, s4;
	s4 =	sadd.s32 $0x2300, s1  }
0x19: {  	vm8 =	vcmask $0x1720;
	vm3 =	vcmask $0x1B20;
	v39 =	vmul.u32 $0x8, v2;
	[tilespmem:$0x1FFF0] =	vst v1;
	s1 =	simm.s32 $0xB280;
	[dreg:$0x7] =	wrdreg s18;
	s18 =	simm.s32 $0x4280  }
.LBB2_1:
0x1a: {  	s11 =	rddreg [dreg:$0x4]  }
0x1b: {  	[tilespmem:s10], [sflag:$0x2] =	stream.linear.gather [hbm4b:s11+s2], $0xC000, $0x38;
	[tilespmem:$0xC280] =	vst v63  }
0x1c: {  	s12 =	rddreg [dreg:$0x5]  }
0x1d: {  	[tilespmem:s2], [sflag:$0x3] =	stream.linear.gather [hbm4b:s12+s2], $0x40, $0x38;
	[tilespmem:$0xC280] =	vst v63  }
0x1e: {  	_ =	swait.ge [sflag:s8], $0x40  }
0x1f: {  	s12 =	rddreg [dreg:$0x6];
	[sflag:s8] =	ssyncset.done $0x0  }
0x20: {  	s0 =	rddreg [dreg:$0xa];
	[sflag:s8] =	ssyncadd.s32 $0xFFFFFFC0  }
0x21: {  	[tilespmem:s0], [sflag:$0x3] =	stream.linear.gather [hbm4b:s12+s2], $0x40, $0x38;
	[tilespmem:$0xC280] =	vst v63  }
0x22: {  	_ =	swait.ge [sflag:s8], $0x40  }
0x23: {  	s12 =	rddreg [dreg:$0x7];
	[sflag:s8] =	ssyncset.done $0x0  }
0x24: {  	s0 =	rddreg [dreg:$0xb];
	[sflag:s8] =	ssyncadd.s32 $0xFFFFFFC0  }
0x25: {  	[tilespmem:s0], [sflag:$0x3] =	stream.linear.gather [hbm4b:s12+s2], $0x80, $0x38;
	[tilespmem:$0xC280] =	vst v63  }
0x26: {  	_ =	swait.ge [sflag:s8], $0x80  }
0x27: {  	[sflag:s8] =	ssyncset.done $0x0  }
0x28: {  	[sflag:s8] =	ssyncadd.s32 $0xFFFFFF80  }
0x29: {  	v4 =	vld [tilespmem:$0x0];
	_ =	sdelay $0x4  }
0x2a: {  	vm2 =	veq.s32 v4, $0x0  }
0x2b: {  	v5 =	vsel vm2, $0x1, v0  }
0x2c: {  	v6 =	vld [tilespmem:$0x200];
	vm12 =	veq.s32 v4, $0x1;
	(xrf0) =	vadd.scan.msk.s32 $0xffff, v5  }
0x2d: {  	v17 =	vld [tilespmem:$0x10];
	vm10 =	veq.s32 v4, $0x2;
	v20 =	vsel vm12, $0x1, v0  }
0x2e: {  	v21 =	vsel vm10, $0x1, v0;
	(xrf0) =	vadd.scan.msk.s32 $0xffff, v20  }
0x2f: {  	(xrf0) =	vadd.scan.msk.s32 $0xffff, v21  }
0x30: {  	vm13 =	vcmask $0x320;
	vm4 =	vcmask $0x720  }
0x31: {  	vm11 =	veq.s32 v4, $0x3;
	vm9 =	veq.s32 v4, $0x4;
	vm14 =	veq.s32 v4, $0x5  }
0x32: {  	v25 =	vperm.xlane v6, v4;
	vm15 =	veq.s32 v17, $0x2;
	v7 =	vsel vm11, $0x1, v0;
	v22, _, _ =	vpop (xrf0)  }
0x33: {  	v23 =	vsel vm9, $0x1, v0;
	v24 =	vsel vm14, $0x1, v0;
	v8 =	vadd.s32 $0xFFFFFFFF, v22  }
0x34: {  	v38 =	vsel vm15, $0x1, v0;
	(xrf0) =	vadd.scan.msk.s32 $0xffff, v7;
	v5 =	vbroadcast v22, $0xF;
	v9, _, _ =	vpop (xrf0);
	v8 =	vnsel vm2, $0x0, v8  }
0x35: {  	v10 =	vadd.s32 $0xFFFFFFFF, v9;
	v9 =	vbroadcast v9, $0xF;
	v12, _, _ =	vpop (xrf0);
	vm2 =	veq.s32 v4, $0x6  }
0x36: {  	(xrf0) =	vadd.scan.msk.s32 $0xffff, v23;
	v5 =	vadd.s32 v6, v5;
	v10 =	vnsel vm12, $0x0, v10;
	v13 =	vbroadcast v12, $0xF  }
0x37: {  	(xrf0) =	vadd.scan.msk.s32 $0xffff, v24;
	v12 =	vadd.s32 $0xFFFFFFFF, v12;
	v15 =	vsel vm2, $0x1, v0;
	vm12 =	veq.s32 v17, $0x1  }
0x38: {  	v11 =	vsel vm1, v5, v6;
	v9 =	vadd.s32 v9, v6;
	v12 =	vnsel vm10, $0x0, v12  }
0x39: {  	vm10 =	veq.s32 v17, $0x0;
	v7 =	vadd.s32 v25, v10;
	v35 =	vsel vm12, $0x1, v0  }
0x3a: {  	v11 =	vsel vm13, v11, v9;
	v13 =	vadd.s32 v13, v6;
	v22 =	vsel vm10, $0x1, v0;
	v14, _, _ =	vpop (xrf0)  }
0x3b: {  	v7 =	vadd.s32 v8, v7;
	(xrf0) =	vadd.scan.msk.s32 $0xffff, v15;
	v11 =	vsel vm4, v11, v13;
	v16 =	vadd.s32 $0xFFFFFFFF, v14  }
0x3c: {  	v14 =	vbroadcast v14, $0xF;
	v27, _, _ =	vpop (xrf0);
	v26 =	vnsel vm11, $0x0, v16;
	vm11 =	veq.s32 v4, $0x7  }
0x3d: {  	v7 =	vadd.s32 v12, v7;
	v18 =	vbroadcast v27, $0xF;
	v19, _, _ =	vpop (xrf0);
	v20 =	vsel vm11, $0x1, v0  }
0x3e: {  	v28 =	vadd.s32 $0xFFFFFFFF, v27;
	v14 =	vadd.s32 v14, v6;
	v29 =	vbroadcast v19, $0xF;
	(xrf0) =	vadd.scan.msk.s32 $0xffff, v20  }
0x3f: {  	v4 =	vnsel vm9, $0x0, v28;
	v19 =	vadd.s32 $0xFFFFFFFF, v19;
	v7 =	vadd.s32 v26, v7  }
0x40: {  	vm9 =	veq.s32 v17, $0x4;
	v11 =	vsel vm5, v11, v14;
	v18 =	vadd.s32 v18, v6  }
0x41: {  	v19 =	vnsel vm14, $0x0, v19;
	v4 =	vadd.s32 v4, v7;
	vm14 =	veq.s32 v17, $0x3;
	v30, _, _ =	vpop (xrf0);
	(xrf0) =	vadd.scan.msk.s32 $0xffff, v22  }
0x42: {  	v45 =	vsel vm9, $0x1, v0;
	v11 =	vsel vm6, v11, v18;
	v16 =	vadd.s32 v29, v6;
	(xrf0) =	vadd.scan.msk.s32 $0xffff, v35  }
0x43: {  	v4 =	vadd.s32 v19, v4;
	v21 =	vadd.s32 $0xFFFFFFFF, v30;
	v20 =	vbroadcast v30, $0xF  }
0x44: {  	v42 =	vsel vm14, $0x1, v0;
	v11 =	vsel vm7, v11, v16;
	v21 =	vnsel vm2, $0x0, v21;
	v36, _, _ =	vpop (xrf0)  }
0x45: {  	vm2 =	veq.s32 v17, $0x6;
	v31 =	vadd.s32 v20, v6;
	v40 =	vbroadcast v36, $0xF  }
0x46: {  	v4 =	vadd.s32 v21, v4;
	v56 =	vsel vm2, $0x1, v0;
	(xrf0) =	vadd.scan.msk.s32 $0xffff, v38;
	v37 =	vadd.s32 $0xFFFFFFFF, v36  }
0x47: {  	v11 =	vsel vm8, v11, v31;
	v41 =	vnsel vm11, $0x0, v37;
	v43, _, _ =	vpop (xrf0);
	v12 =	vadd.s32 v40, v6  }
0x48: {  	(xrf0) =	vadd.scan.msk.s32 $0xffff, v42;
	v44 =	vadd.s32 $0xFFFFFFFF, v43;
	v6 =	vbroadcast v43, $0xF;
	v1 =	vadd.s32 v41, v4;
	v47, _, _ =	vpop (xrf0)  }
0x49: {  	v46 =	vsel vm3, v11, v12;
	v7 =	vnsel vm10, $0x0, v44;
	v48 =	vadd.s32 $0xFFFFFFFF, v47  }
0x4a: {  	(xrf0) =	vadd.scan.msk.s32 $0xffff, v45;
	v8 =	vbroadcast v47, $0xF;
	vm10 =	veq.s32 v17, $0x5;
	v5 =	vadd.s32 v6, v5  }
0x4b: {  	v49 =	vnsel vm12, $0x0, v48;
	v52 =	vsel vm10, $0x1, v0;
	vm12 =	veq.s32 v17, $0x7  }
0x4c: {  	v41 =	vperm.xlane v46, v17;
	v11 =	vsel vm1, v5, v46;
	v50, _, _ =	vpop (xrf0);
	v20 =	vadd.s32 v8, v9  }
0x4d: {  	v6 =	vld [tilespmem:$0x20];
	v61 =	vsel vm12, $0x1, v0;
	v51 =	vbroadcast v50, $0xF;
	v53 =	vadd.s32 $0xFFFFFFFF, v50  }
0x4e: {  	v11 =	vsel vm13, v11, v20;
	v49 =	vadd.s32 v41, v49;
	v54, _, _ =	vpop (xrf0);
	v23 =	vnsel vm15, $0x0, v53  }
0x4f: {  	v7 =	vadd.s32 v7, v49;
	v25 =	vadd.s32 v51, v13;
	v55 =	vbroadcast v54, $0xF  }
0x50: {  	(xrf0) =	vadd.scan.msk.s32 $0xffff, v52;
	v57 =	vadd.s32 $0xFFFFFFFF, v54;
	v58, _, _ =	vpop (xrf0);
	v7 =	vadd.s32 v23, v7;
	v11 =	vsel vm4, v11, v25  }
0x51: {  	v59 =	vbroadcast v58, $0xF;
	v24 =	vnsel vm14, $0x0, v57;
	v62 =	vadd.s32 $0xFFFFFFFF, v58  }
0x52: {  	(xrf0) =	vadd.scan.msk.s32 $0xffff, v56;
	vm13 =	veq.s32 v6, $0x0;
	vm15 =	veq.s32 v6, $0x1;
	vm11 =	veq.s32 v6, $0x2  }
0x53: {  	(xrf0) =	vadd.scan.msk.s32 $0xffff, v61;
	vm14 =	veq.s32 v6, $0x4;
	vm4 =	vcmask $0x320;
	v22 =	vadd.s32 v55, v14  }
0x54: {  	v63 =	vnsel vm9, $0x0, v62;
	v33 =	vsel vm13, $0x1, v0;
	v36 =	vsel vm15, $0x1, v0  }
0x55: {  	v38 =	vsel vm11, $0x1, v0;
	vm9 =	veq.s32 v6, $0x3;
	v48 =	vsel vm14, $0x1, v0  }
0x56: {  	v7 =	vadd.s32 v24, v7;
	v60 =	vsel vm5, v11, v22;
	v11 =	vadd.s32 v59, v18;
	v32, _, _ =	vpop (xrf0);
	(xrf0) =	vadd.scan.msk.s32 $0xffff, v33  }
0x57: {  	v43 =	vsel vm9, $0x1, v0;
	v7 =	vadd.s32 v63, v7;
	v34 =	vadd.s32 $0xFFFFFFFF, v32;
	(xrf0) =	vadd.scan.msk.s32 $0xffff, v36  }
0x58: {  	v8 =	vsel vm6, v60, v11;
	v9 =	vbroadcast v32, $0xF;
	v35, _, _ =	vpop (xrf0);
	v26 =	vnsel vm10, $0x0, v34;
	(xrf0) =	vadd.scan.msk.s32 $0xffff, v38  }
0x59: {  	v37 =	vadd.s32 $0xFFFFFFFF, v35;
	v40 =	vbroadcast v35, $0xF;
	v42, _, _ =	vpop (xrf0);
	vm10 =	veq.s32 v6, $0x7  }
0x5a: {  	v14 =	vadd.s32 v9, v16;
	v27 =	vnsel vm2, $0x0, v37;
	v44 =	vadd.s32 $0xFFFFFFFF, v42;
	(xrf0) =	vadd.scan.msk.s32 $0xffff, v43  }
0x5b: {  	v13 =	vld [tilespmem:$0x30];
	v45 =	vbroadcast v42, $0xF;
	v19 =	vnsel vm12, $0x0, v44;
	vm12 =	veq.s32 v6, $0x5  }
0x5c: {  	v56 =	vsel vm10, $0x1, v0;
	v7 =	vadd.s32 v26, v7;
	v52 =	vsel vm12, $0x1, v0;
	v28, _, _ =	vpop (xrf0);
	(xrf0) =	vadd.scan.msk.s32 $0xffff, v48  }
0x5d: {  	v8 =	vsel vm7, v8, v14;
	v17 =	vadd.s32 v40, v31;
	v47 =	vadd.s32 $0xFFFFFFFF, v28;
	v50, _, _ =	vpop (xrf0);
	(xrf0) =	vadd.scan.msk.s32 $0xffff, v52  }
0x5e: {  	v7 =	vadd.s32 v27, v7;
	v9 =	vnsel vm13, $0x0, v47;
	v29, _, _ =	vpop (xrf0);
	vm13 =	veq.s32 v6, $0x6  }
0x5f: {  	[tilespmem:$0x1FFA0] =	vst v1;
	v46 =	vsel vm8, v8, v17;
	v53 =	vadd.s32 $0xFFFFFFFF, v29;
	v54 =	vsel vm13, $0x1, v0  }
0x60: {  	v8 =	vadd.s32 v45, v12;
	v30, _, _ =	vpop (xrf0);
	v12 =	vnsel vm11, $0x0, v53;
	(xrf0) =	vadd.scan.msk.s32 $0xffff, v54;
	vm11 =	veq.s32 v13, $0x0  }
0x61: {  	vm2 =	vcmask $0x720;
	v1 =	vadd.s32 v19, v7;
	(xrf0) =	vadd.scan.msk.s32 $0xffff, v56;
	v58 =	vsel vm11, $0x1, v0  }
0x62: {  	v31 =	vsel vm3, v46, v8;
	v59 =	vbroadcast v28, $0xF;
	v51 =	vadd.s32 $0xFFFFFFFF, v50;
	v57, _, _ =	vpop (xrf0);
	(xrf0) =	vadd.scan.msk.s32 $0xffff, v58  }
0x63: {  	v32 =	vbroadcast v50, $0xF;
	v21 =	vnsel vm15, $0x0, v51;
	v55 =	vadd.s32 $0xFFFFFFFF, v30;
	v26, _, _ =	vpop (xrf0)  }
0x64: {  	v24 =	vnsel vm9, $0x0, v55;
	vm9 =	veq.s32 v13, $0x1;
	v61 =	vadd.s32 $0xFFFFFFFF, v26  }
0x65: {  	v62 =	vsel vm9, $0x1, v0;
	v38 =	vnsel vm12, $0x0, v61;
	vm12 =	veq.s32 v13, $0x2  }
0x66: {  	v10 =	vadd.s32 v59, v5;
	vm15 =	veq.s32 v13, $0x3;
	(xrf0) =	vadd.scan.msk.s32 $0xffff, v62;
	v34, _, _ =	vpop (xrf0);
	v35 =	vsel vm12, $0x1, v0  }
0x67: {  	v48 =	vbroadcast v29, $0xF;
	v45 =	vsel vm15, $0x1, v0;
	v33 =	vadd.s32 $0xFFFFFFFF, v34;
	v36, _, _ =	vpop (xrf0);
	(xrf0) =	vadd.scan.msk.s32 $0xffff, v35  }
0x68: {  	v63 =	vsel vm1, v10, v31;
	v40 =	vnsel vm13, $0x0, v33;
	v42, _, _ =	vpop (xrf0);
	vm13 =	veq.s32 v13, $0x4;
	(xrf0) =	vadd.scan.msk.s32 $0xffff, v45  }
0x69: {  	v15 =	vadd.s32 v32, v20;
	v51 =	vbroadcast v30, $0xF;
	v47 =	vsel vm13, $0x1, v0  }
0x6a: {  	v49 =	vsel vm4, v63, v15;
	v19 =	vadd.s32 v48, v25;
	v60 =	vadd.s32 $0xFFFFFFFF, v57;
	(xrf0) =	vadd.scan.msk.s32 $0xffff, v47  }
0x6b: {  	v37 =	vnsel vm14, $0x0, v60;
	vm14 =	veq.s32 v13, $0x5;
	v46 =	vadd.s32 $0xFFFFFFFF, v42  }
0x6c: {  	v7 =	vld [tilespmem:$0x80];
	v50 =	vsel vm14, $0x1, v0;
	v43, _, _ =	vpop (xrf0);
	v23 =	vnsel vm11, $0x0, v46;
	vm11 =	veq.s32 v13, $0x6  }
0x6d: {  	v63 =	vperm.xlane v31, v6;
	v18 =	vbroadcast v57, $0xF;
	(xrf0) =	vadd.scan.msk.s32 $0xffff, v50;
	v55 =	vsel vm11, $0x1, v0;
	v45, _, _ =	vpop (xrf0)  }
0x6e: {  	v53 =	vsel vm2, v49, v19;
	v20 =	vadd.s32 v51, v22;
	v44 =	vadd.s32 $0xFFFFFFFF, v36;
	v47, _, _ =	vpop (xrf0);
	(xrf0) =	vadd.scan.msk.s32 $0xffff, v55  }
0x6f: {  	v51 =	vadd.s32 v18, v11;
	v16 =	vnsel vm10, $0x0, v44;
	vm10 =	veq.s32 v13, $0x7  }
0x70: {  	v11 =	vadd.s32 v63, v21;
	v57 =	vsel vm10, $0x1, v0;
	v54 =	vadd.s32 $0xFFFFFFFF, v45;
	v33, _, _ =	vpop (xrf0)  }
0x71: {  	v27 =	vnsel vm12, $0x0, v54;
	vm12 =	veq.s32 v7, $0x0;
	v58 =	vadd.s32 $0xFFFFFFFF, v33  }
0x72: {  	(xrf0) =	vadd.scan.msk.s32 $0xffff, v57;
	v59 =	vsel vm12, $0x1, v0;
	v30 =	vnsel vm13, $0x0, v58;
	vm13 =	veq.s32 v7, $0x1  }
0x73: {  	v62 =	vbroadcast v26, $0xF;
	v9 =	vadd.s32 v9, v11;
	v25, _, _ =	vpop (xrf0);
	(xrf0) =	vadd.scan.msk.s32 $0xffff, v59;
	v61 =	vsel vm13, $0x1, v0  }
0x74: {  	v35 =	vsel vm5, v53, v20;
	v41 =	vbroadcast v34, $0xF;
	v52 =	vadd.s32 $0xFFFFFFFF, v43;
	(xrf0) =	vadd.scan.msk.s32 $0xffff, v61;
	v26, _, _ =	vpop (xrf0)  }
0x75: {  	v28 =	vnsel vm9, $0x0, v52;
	vm9 =	veq.s32 v7, $0x2;
	v46 =	vadd.s32 $0xFFFFFFFF, v26  }
0x76: {  	v53 =	vadd.s32 v62, v14;
	v31 =	vsel vm6, v35, v51;
	v35 =	vsel vm9, $0x1, v0  }
0x77: {  	v6 =	vsel vm7, v31, v53;
	v49 =	vadd.s32 v41, v17;
	v60 =	vadd.s32 $0xFFFFFFFF, v25;
	(xrf0) =	vadd.scan.msk.s32 $0xffff, v35  }
0x78: {  	v32 =	vnsel vm14, $0x0, v60;
	vm14 =	veq.s32 v7, $0x3;
	v4 =	vnsel vm11, $0x0, v46;
	v46, _, _ =	vpop (xrf0)  }
0x79: {  	v52 =	vbroadcast v36, $0xF;
	v50 =	vsel vm14, $0x1, v0;
	vm11 =	veq.s32 v7, $0x4;
	v35, _, _ =	vpop (xrf0)  }
0x7a: {  	v56 =	vadd.s32 $0xFFFFFFFF, v47;
	v55 =	vsel vm11, $0x1, v0;
	(xrf0) =	vadd.scan.msk.s32 $0xffff, v50;
	v54 =	vadd.s32 $0xFFFFFFFF, v35;
	v36, _, _ =	vpop (xrf0)  }
0x7b: {  	v29 =	vnsel vm15, $0x0, v56;
	(xrf0) =	vadd.scan.msk.s32 $0xffff, v55;
	v14 =	vnsel vm12, $0x0, v54;
	v56 =	vadd.s32 $0xFFFFFFFF, v36  }
0x7c: {  	vm12 =	veq.s32 v7, $0x5;
	v18 =	vnsel vm13, $0x0, v56;
	vm13 =	veq.s32 v7, $0x6  }
0x7d: {  	v44 =	vsel vm8, v6, v49;
	v6 =	vld [tilespmem:$0x90];
	v34, _, _ =	vpop (xrf0);
	v57 =	vsel vm12, $0x1, v0;
	v41 =	vsel vm13, $0x1, v0  }
0x7e: {  	v59 =	vadd.s32 v12, v9;
	v58 =	vadd.s32 $0xFFFFFFFF, v34;
	(xrf0) =	vadd.scan.msk.s32 $0xffff, v57  }
0x7f: {  	v56 =	vadd.s32 v52, v8;
	v8 =	vadd.s32 v24, v59;
	v22 =	vnsel vm9, $0x0, v58  }
0x80: {  	vm9 =	veq.s32 v7, $0x7;
	v50 =	vsel vm3, v44, v56;
	v8 =	vadd.s32 v37, v8;
	(xrf0) =	vadd.scan.msk.s32 $0xffff, v41;
	v41, _, _ =	vpop (xrf0)  }
0x81: {  	v60 =	vsel vm9, $0x1, v0;
	v8 =	vadd.s32 v38, v8;
	v61 =	vadd.s32 $0xFFFFFFFF, v41;
	v44, _, _ =	vpop (xrf0)  }
0x82: {  	v24 =	vnsel vm14, $0x0, v61;
	vm14 =	veq.s32 v6, $0x0;
	v62 =	vadd.s32 $0xFFFFFFFF, v44  }
0x83: {  	(xrf0) =	vadd.scan.msk.s32 $0xffff, v60;
	v63 =	vsel vm14, $0x1, v0;
	v17 =	vnsel vm11, $0x0, v62;
	vm11 =	veq.s32 v6, $0x1  }
0x84: {  	v8 =	vadd.s32 v40, v8;
	v37, _, _ =	vpop (xrf0);
	(xrf0) =	vadd.scan.msk.s32 $0xffff, v63;
	v40 =	vsel vm11, $0x1, v0  }
0x85: {  	v5 =	vbroadcast v42, $0xF;
	vm15 =	vmmov vm4;
	v33 =	vbroadcast v33, $0xF;
	(xrf0) =	vadd.scan.msk.s32 $0xffff, v40  }
0x86: {  	v25 =	vbroadcast v25, $0xF;
	v48 =	vadd.s32 $0xFFFFFFFF, v46;
	v21 =	vadd.s32 $0xFFFFFFFF, v37;
	v38, _, _ =	vpop (xrf0)  }
0x87: {  	v21 =	vnsel vm12, $0x0, v21;
	v42 =	vadd.s32 $0xFFFFFFFF, v38;
	vm12 =	veq.s32 v6, $0x2  }
0x88: {  	v31 =	vnsel vm10, $0x0, v48;
	v55 =	vadd.s32 v5, v10;
	v48 =	vsel vm12, $0x1, v0  }
0x89: {  	vm10 =	veq.s32 v6, $0x6;
	v9 =	vnsel vm13, $0x0, v42;
	vm13 =	veq.s32 v6, $0x3;
	v40, _, _ =	vpop (xrf0);
	(xrf0) =	vadd.scan.msk.s32 $0xffff, v48  }
0x8a: {  	v59 =	vbroadcast v43, $0xF;
	v58 =	vsel vm13, $0x1, v0;
	v57 =	vadd.s32 $0xFFFFFFFF, v40;
	v42, _, _ =	vpop (xrf0)  }
0x8b: {  	v62 =	vbroadcast v45, $0xF;
	(xrf0) =	vadd.scan.msk.s32 $0xffff, v58;
	v10 =	vnsel vm9, $0x0, v57;
	vm9 =	veq.s32 v6, $0x4;
	v43, _, _ =	vpop (xrf0)  }
0x8c: {  	v61 =	vsel vm9, $0x1, v0;
	v63 =	vadd.s32 $0xFFFFFFFF, v42;
	v45 =	vadd.s32 $0xFFFFFFFF, v43  }
0x8d: {  	v35 =	vbroadcast v35, $0xF;
	(xrf0) =	vadd.scan.msk.s32 $0xffff, v61;
	v11 =	vnsel vm14, $0x0, v63;
	vm14 =	veq.s32 v6, $0x5  }
0x8e: {  	v12 =	vld [tilespmem:$0xA0];
	v54 =	vbroadcast v47, $0xF;
	v60 =	vsel vm1, v55, v50;
	v48 =	vsel vm14, $0x1, v0  }
0x8f: {  	v58 =	vadd.s32 v62, v19;
	v57 =	vadd.s32 v59, v15;
	v19 =	vnsel vm11, $0x0, v45;
	v45, _, _ =	vpop (xrf0);
	(xrf0) =	vadd.scan.msk.s32 $0xffff, v48  }
0x90: {  	[tilespmem:$0x1FFB0] =	vst v1;
	v1 =	vadd.s32 v16, v8;
	v5 =	vsel vm4, v60, v57;
	v59 =	vadd.s32 $0xFFFFFFFF, v45  }
0x91: {  	v60 =	vsel vm10, $0x1, v0;
	v47, _, _ =	vpop (xrf0);
	v15 =	vnsel vm12, $0x0, v59;
	vm12 =	veq.s32 v6, $0x7  }
0x92: {  	v52 =	vsel vm2, v5, v58;
	(xrf0) =	vadd.scan.msk.s32 $0xffff, v60;
	v61 =	vadd.s32 $0xFFFFFFFF, v47;
	v59 =	vsel vm12, $0x1, v0  }
0x93: {  	v60 =	vadd.s32 v54, v20;
	v48, _, _ =	vpop (xrf0);
	v16 =	vnsel vm13, $0x0, v61;
	vm13 =	veq.s32 v12, $0x0;
	(xrf0) =	vadd.scan.msk.s32 $0xffff, v59  }
0x94: {  	v62 =	vadd.s32 $0xFFFFFFFF, v48;
	v61 =	vadd.s32 v33, v51;
	v63 =	vsel vm13, $0x1, v0  }
0x95: {  	v20 =	vnsel vm9, $0x0, v62;
	v59 =	vperm.xlane v50, v13;
	v13 =	vsel vm5, v52, v60;
	v50, _, _ =	vpop (xrf0)  }
0x96: {  	vm9 =	veq.s32 v12, $0x1;
	v51 =	vsel vm6, v13, v61;
	v8 =	vadd.s32 $0xFFFFFFFF, v50  }
0x97: {  	(xrf0) =	vadd.scan.msk.s32 $0xffff, v63;
	v5 =	vsel vm9, $0x1, v0;
	v13 =	vnsel vm14, $0x0, v8;
	vm14 =	veq.s32 v12, $0x2  }
0x98: {  	v2 =	vbroadcast v46, $0xF;
	v62 =	vadd.s32 v25, v53;
	(xrf0) =	vadd.scan.msk.s32 $0xffff, v5;
	v52, _, _ =	vpop (xrf0);
	v54 =	vsel vm14, $0x1, v0  }
0x99: {  	v35 =	vadd.s32 v35, v55;
	v34 =	vbroadcast v34, $0xF;
	v63 =	vsel vm7, v51, v62;
	v51, _, _ =	vpop (xrf0);
	(xrf0) =	vadd.scan.msk.s32 $0xffff, v54  }
0x9a: {  	v2 =	vadd.s32 v2, v56;
	[tilespmem:$0x1FFC0] =	vst v1;
	v1 =	vbroadcast v26, $0xF;
	v53 =	vadd.s32 $0xFFFFFFFF, v52  }
0x9b: {  	v41 =	vbroadcast v41, $0xF;
	v44 =	vbroadcast v44, $0xF;
	vm11 =	veq.s32 v12, $0x3  }
0x9c: {  	v1 =	vadd.s32 v1, v49;
	v37 =	vbroadcast v37, $0xF;
	v8 =	vsel vm11, $0x1, v0  }
0x9d: {  	v38 =	vbroadcast v38, $0xF;
	v25 =	vnsel vm10, $0x0, v53;
	v5 =	vadd.s32 $0xFFFFFFFF, v51;
	v53, _, _ =	vpop (xrf0);
	(xrf0) =	vadd.scan.msk.s32 $0xffff, v8  }
0x9e: {  	v40 =	vbroadcast v40, $0xF;
	v26 =	vnsel vm12, $0x0, v5;
	v5 =	vadd.s32 $0xFFFFFFFF, v53;
	v54, _, _ =	vpop (xrf0)  }
0x9f: {  	v34 =	vadd.s32 v34, v58;
	vm12 =	veq.s32 v12, $0x4;
	v33 =	vnsel vm13, $0x0, v5;
	v49, _, _ =	vpop (xrf0)  }
0xa0: {  	v46 =	vld [tilespmem:$0xB0];
	v3 =	vsel vm12, $0x1, v0;
	vm13 =	veq.s32 v12, $0x5;
	v56 =	vadd.s32 $0xFFFFFFFF, v49  }
0xa1: {  	v59 =	vadd.s32 v59, v28;
	v8 =	vadd.s32 $0xFFFFFFFF, v54;
	(xrf0) =	vadd.scan.msk.s32 $0xffff, v3;
	v3 =	vsel vm13, $0x1, v0  }
0xa2: {  	vm4 =	vmmov vm2;
	v28 =	vnsel vm9, $0x0, v8;
	(xrf0) =	vadd.scan.msk.s32 $0xffff, v3;
	v3 =	vadd.s32 v23, v59  }
0xa3: {  	vm9 =	veq.s32 v12, $0x6;
	v3 =	vadd.s32 v27, v3;
	v23 =	vnsel vm14, $0x0, v56;
	v56, _, _ =	vpop (xrf0)  }
0xa4: {  	v8 =	vsel vm9, $0x1, v0;
	v3 =	vadd.s32 v29, v3;
	v59 =	vadd.s32 $0xFFFFFFFF, v56  }
0xa5: {  	vm2 =	veq.s32 v46, $0x1;
	(xrf0) =	vadd.scan.msk.s32 $0xffff, v8;
	vm14 =	veq.s32 v12, $0x7;
	v3 =	vadd.s32 v30, v3  }
0xa6: {  	v8 =	vsel vm14, $0x1, v0;
	v27 =	vnsel vm11, $0x0, v59;
	vm11 =	veq.s32 v46, $0x0  }
0xa7: {  	v41 =	vadd.s32 v41, v60;
	v3 =	vadd.s32 v32, v3;
	v59, _, _ =	vpop (xrf0);
	(xrf0) =	vadd.scan.msk.s32 $0xffff, v8;
	v8 =	vsel vm11, $0x1, v0  }
0xa8: {  	v47 =	vbroadcast v47, $0xF;
	v3 =	vadd.s32 v4, v3;
	v4 =	vadd.s32 $0xFFFFFFFF, v59;
	(xrf0) =	vadd.scan.msk.s32 $0xffff, v8  }
0xa9: {  	v44 =	vadd.s32 v44, v61;
	v37 =	vadd.s32 v37, v62;
	vm10 =	veq.s32 v46, $0x2  }
0xaa: {  	v3 =	vadd.s32 v31, v3;
	v5, _, _ =	vpop (xrf0);
	v8 =	vsel vm2, $0x1, v0;
	v29 =	vnsel vm12, $0x0, v4  }
0xab: {  	v32 =	vadd.s32 $0xFFFFFFFF, v5;
	v5 =	vbroadcast v5, $0xF;
	v4, _, _ =	vpop (xrf0);
	(xrf0) =	vadd.scan.msk.s32 $0xffff, v8;
	v8 =	vsel vm10, $0x1, v0  }
0xac: {  	v30 =	vnsel vm13, $0x0, v32;
	v32 =	vadd.s32 $0xFFFFFFFF, v4;
	(xrf0) =	vadd.scan.msk.s32 $0xffff, v8;
	v8 =	vbroadcast v36, $0xF  }
0xad: {  	v4 =	vbroadcast v4, $0xF;
	v32 =	vnsel vm9, $0x0, v32;
	vm9 =	veq.s32 v46, $0x3;
	v36, _, _ =	vpop (xrf0)  }
0xae: {  	v31 =	vsel vm9, $0x1, v0;
	v8 =	vadd.s32 v8, v57;
	v55 =	vadd.s32 $0xFFFFFFFF, v36;
	v57, _, _ =	vpop (xrf0)  }
0xaf: {  	(xrf0) =	vadd.scan.msk.s32 $0xffff, v31;
	v31 =	vnsel vm14, $0x0, v55;
	v55 =	vsel vm8, v63, v1;
	v57 =	vadd.s32 $0xFFFFFFFF, v57  }
0xb0: {  	v1 =	vadd.s32 v38, v1;
	v38 =	vadd.s32 v47, v41;
	v47 =	vbroadcast v49, $0xF  }
0xb1: {  	v57 =	vnsel vm11, $0x0, v57;
	vm11 =	veq.s32 v46, $0x4;
	v55 =	vsel vm3, v55, v2  }
0xb2: {  	v2 =	vadd.s32 v40, v2;
	v40 =	vbroadcast v43, $0xF;
	v43 =	vbroadcast v45, $0xF  }
0xb3: {  	v63, _, _ =	vpop (xrf0);
	v61 =	vsel vm11, $0x1, v0;
	v7 =	vperm.xlane v55, v7;
	v55 =	vsel vm1, v35, v55  }
0xb4: {  	v58 =	vadd.s32 $0xFFFFFFFF, v63;
	v60, _, _ =	vpop (xrf0);
	v55 =	vsel vm15, v55, v8;
	v63 =	vbroadcast v42, $0xF  }
0xb5: {  	v8 =	vadd.s32 v40, v8;
	v58 =	vnsel vm2, $0x0, v58;
	v60 =	vadd.s32 $0xFFFFFFFF, v60  }
0xb6: {  	v55 =	vsel vm4, v55, v34;
	v7 =	vadd.s32 v7, v18;
	vm2 =	veq.s32 v46, $0x5  }
0xb7: {  	v34 =	vadd.s32 v43, v34;
	v43 =	vbroadcast v53, $0xF;
	v60 =	vnsel vm10, $0x0, v60  }
0xb8: {  	v55 =	vsel vm5, v55, v41;
	v7 =	vadd.s32 v14, v7;
	v42 =	vsel vm2, $0x1, v0  }
0xb9: {  	(xrf0) =	vadd.scan.msk.s32 $0xffff, v61;
	v49 =	vadd.s32 v47, v34;
	v55 =	vsel vm6, v55, v44;
	v7 =	vadd.s32 v22, v7  }
0xba: {  	v61, _, _ =	vpop (xrf0);
	v22 =	vadd.s32 v63, v35;
	v63 =	vbroadcast v52, $0xF;
	v52 =	vbroadcast v36, $0xF  }
0xbb: {  	v61 =	vadd.s32 $0xFFFFFFFF, v61;
	v18 =	vsel vm7, v55, v37;
	v7 =	vadd.s32 v24, v7  }
0xbc: {  	v55 =	vbroadcast v48, $0xF;
	v48 =	vbroadcast v56, $0xF;
	v61 =	vnsel vm9, $0x0, v61  }
0xbd: {  	v18 =	vsel vm8, v18, v1;
	v7 =	vadd.s32 v17, v7;
	v1 =	vadd.s32 v63, v1  }
0xbe: {  	vm9 =	veq.s32 v46, $0x7;
	v18 =	vsel vm3, v18, v2;
	v35 =	vadd.s32 v55, v44  }
0xbf: {  	v62, _, _ =	vpop (xrf0);
	(xrf0) =	vadd.scan.msk.s32 $0xffff, v42;
	v7 =	vadd.s32 v21, v7;
	v42 =	vbroadcast v51, $0xF;
	v45 =	vsel vm1, v22, v18  }
0xc0: {  	v44 =	vbroadcast v54, $0xF;
	v55 =	vsel vm9, $0x1, v0;
	v24 =	vsel vm15, v45, v8  }
0xc1: {  	v14 =	vadd.s32 $0xFFFFFFFF, v62;
	v62 =	vbroadcast v50, $0xF;
	v24 =	vsel vm4, v24, v34  }
0xc2: {  	v50 =	vbroadcast v59, $0xF;
	v6 =	vperm.xlane v18, v6;
	v24 =	vsel vm5, v24, v38  }
0xc3: {  	v51 =	vld [tilespmem:$0x1FFD0];
	v7 =	vadd.s32 v9, v7;
	v40 =	vadd.s32 v62, v37;
	v35 =	vsel vm6, v24, v35  }
0xc4: {  	v14 =	vnsel vm11, $0x0, v14;
	v2 =	vadd.s32 v42, v2;
	v17 =	vsel vm7, v35, v40  }
0xc5: {  	v8 =	vadd.s32 v44, v8;
	vm4 =	vcmask $0x30C;
	v41, _, _ =	vpop (xrf0);
	v1 =	vsel vm8, v17, v1  }
0xc6: {  	v21 =	vadd.s32 $0xFFFFFFFF, v41;
	v1 =	vsel vm3, v1, v2;
	v2 =	vadd.s32 v43, v22  }
0xc7: {  	v21 =	vnsel vm2, $0x0, v21;
	vm2 =	veq.s32 v46, $0x6;
	v2 =	vsel vm1, v2, v1  }
0xc8: {  	v45 =	vsel vm2, $0x1, v0;
	v2 =	vsel vm4, v2, v8;
	vm4 =	vnez.u8 v51  }
0xc9: {  	(xrf0) =	vadd.scan.msk.s32 $0xffff, v45;
	v8 =	vsel vm4, v2, v49;
	v17 =	vadd.s32 v48, v2;
	vm4 =	vcmask $0xB14  }
0xca: {  	v2 =	vadd.s32 v50, v2;
	v8 =	vsel vm4, v8, v17;
	vm4 =	vcmask $0xF18  }
0xcb: {  	v2 =	vsel vm4, v8, v2;
	v5 =	vadd.s32 v5, v8;
	vm4 =	vcmask $0x131C  }
0xcc: {  	v1 =	vperm.xlane v1, v12;
	v5 =	vsel vm4, v2, v5;
	v2 =	vadd.s32 v4, v2  }
0xcd: {  	v6 =	vadd.s32 v6, v19;
	v2 =	vsel vm8, v5, v2;
	v4 =	vadd.s32 v52, v5  }
0xce: {  	v6 =	vadd.s32 v11, v6;
	v1 =	vadd.s32 v1, v28;
	v2 =	vsel vm3, v2, v4  }
0xcf: {  	v59 =	vld [tilespmem:$0x1FFB0];
	v6 =	vadd.s32 v15, v6;
	v1 =	vadd.s32 v33, v1;
	v53, _, _ =	vpop (xrf0);
	(xrf0) =	vadd.scan.msk.s32 $0xffff, v55;
	v2 =	vperm.xlane v2, v46  }
0xd0: {  	v56 =	vadd.s32 v10, v7;
	v6 =	vadd.s32 v16, v6;
	v1 =	vadd.s32 v23, v1  }
0xd1: {  	v6 =	vadd.s32 v20, v6;
	v1 =	vadd.s32 v27, v1;
	v2 =	vadd.s32 v2, v58  }
0xd2: {  	[tilespmem:$0x130] =	vst v3;
	v6 =	vadd.s32 v13, v6;
	v1 =	vadd.s32 v29, v1;
	v58 =	vld [tilespmem:$0x1FFA0];
	v2 =	vadd.s32 v57, v2  }
0xd3: {  	[tilespmem:$0x180] =	vst v56;
	v6 =	vadd.s32 v25, v6;
	v1 =	vadd.s32 v30, v1;
	v2 =	vadd.s32 v60, v2;
	v60 =	vld [tilespmem:$0x1FFC0]  }
0xd4: {  	[tilespmem:$0x110] =	vst v59;
	v3 =	vadd.s32 v26, v6;
	v1 =	vadd.s32 v32, v1;
	v2 =	vadd.s32 v61, v2  }
0xd5: {  	[tilespmem:$0x190] =	vst v3;
	v8 =	vadd.s32 $0xFFFFFFFF, v53;
	v1 =	vadd.s32 v31, v1;
	v61, _, _ =	vpop (xrf0);
	v2 =	vadd.s32 v14, v2  }
0xd6: {  	v54 =	vnsel vm2, $0x0, v8;
	[tilespmem:$0x1A0] =	vst v1;
	v62 =	vadd.s32 $0xFFFFFFFF, v61;
	v2 =	vadd.s32 v21, v2  }
0xd7: {  	[tilespmem:$0x100] =	vst v58;
	v3 =	vnsel vm9, $0x0, v62;
	v2 =	vadd.s32 v54, v2  }
0xd8: {  	s12 =	rddreg [dreg:$0x8];
	[tilespmem:$0x120] =	vst v60;
	v1 =	vadd.s32 v3, v2  }
0xd9: {  	s0 =	rddreg [dreg:$0xc];
	[tilespmem:$0x1B0] =	vst v1  }
0xda: {  	[hbm4b:s12+s2] =	stream.linear.scatter [tilespmem:s0], [sflag:$0x3], $0x40, $0x38;
	[tilespmem:$0xC280] =	vst v63  }
0xdb: {  	_ =	swait.ge [sflag:s8], $0x40  }
0xdc: {  	s12 =	rddreg [dreg:$0x9];
	[sflag:s8] =	ssyncset.done $0x0  }
0xdd: {  	s0 =	rddreg [dreg:$0xd];
	[sflag:s8] =	ssyncadd.s32 $0xFFFFFFC0  }
0xde: {  	[hbm4b:s12+s2] =	stream.linear.scatter [tilespmem:s0], [sflag:$0x3], $0x40, $0x38;
	[tilespmem:$0xC280] =	vst v63  }
0xdf: {  	_ =	swait.ge [sflag:s8], $0x40  }
0xe0: {  	[sflag:s8] =	ssyncset.done $0x0  }
0xe1: {  	[sflag:s8] =	ssyncadd.s32 $0xFFFFFFC0  }
0xe2: {  	_ =	swait.ge [sflag:s9], $0xC000  }
0xe3: {  	[sflag:s9] =	ssyncset.done $0x0  }
0xe4: {  	[sflag:s9] =	ssyncadd.s32 $0xFFFF4000  }
0xe5: {  	v1 =	vld [tilespmem:$0x100];
	_ =	sdelay $0x3  }
0xe6: {  	v3 =	vld [tilespmem:$0x1FFE0]  }
0xe7: {  	v2 =	vshrl.u32 v1, $0x3  }
0xe8: {  	v2 =	vmul.u32 $0x30, v2  }
0xe9: {  	v1 =	vand.u32 $0x7, v1  }
0xea: {  	v1 =	vor.u32 v1, v2  }
0xeb: {  	v2 =	vperm.xlane v1, v3  }
0xec: {  	v63 =	vld [tilespmem:$0x1FFF0]  }
0xed: {  	v2 =	vadd.s32 v39, v2;
	_ =	sdelay $0x3  }
0xee: {  	v1 =	vperm.xlane v1, v63  }
0xef: {  	[hbm4b:s3+s2] =	stream.indirect_vreg.scatter [tilespmem:s10], [sflag:$0x1], $0x80, v2, vm0, $0xb8;
	[tilespmem:$0xC280] =	vst v63  }
0xf0: {  	s11 =	simm.s32 $0xA80;
	v1 =	vadd.s32 v39, v1  }
0xf1: {  	[hbm4b:s4+s2] =	stream.indirect_vreg.scatter [tilespmem:s11], [sflag:$0x1], $0x80, v2, vm0, $0xb8;
	[tilespmem:$0xC280] =	vst v63  }
0xf2: {  	s12 =	simm.s32 $0x1280  }
0xf3: {  	[hbm4b:s5+s2] =	stream.indirect_vreg.scatter [tilespmem:s12], [sflag:$0x1], $0x80, v2, vm0, $0xb8;
	[tilespmem:$0xC280] =	vst v63  }
0xf4: {  	_ = 	snop  }
0xf5: {  	[hbm4b:s3+s2] =	stream.indirect_vreg.scatter [tilespmem:s13], [sflag:$0x1], $0x80, v1, vm0, $0xb8;
	[tilespmem:$0xC280] =	vst v63  }
0xf6: {  	_ = 	snop  }
0xf7: {  	[hbm4b:s4+s2] =	stream.indirect_vreg.scatter [tilespmem:s14], [sflag:$0x1], $0x80, v1, vm0, $0xb8;
	[tilespmem:$0xC280] =	vst v63  }
0xf8: {  	_ = 	snop  }
0xf9: {  	[hbm4b:s5+s2] =	stream.indirect_vreg.scatter [tilespmem:s15], [sflag:$0x1], $0x80, v1, vm0, $0xb8;
	[tilespmem:$0xC280] =	vst v63  }
0xfa: {  	v1 =	vld [tilespmem:$0x110];
	_ =	sdelay $0x4  }
0xfb: {  	v2 =	vshrl.u32 v1, $0x3  }
0xfc: {  	v2 =	vmul.u32 $0x30, v2  }
0xfd: {  	v1 =	vand.u32 $0x7, v1  }
0xfe: {  	v1 =	vor.u32 v1, v2  }
0xff: {  	v2 =	vperm.xlane v1, v3;
	_ =	sdelay $0x1  }
0x100: {  	v2 =	vadd.s32 v39, v2;
	_ =	sdelay $0x3  }
0x101: {  	v1 =	vperm.xlane v1, v63  }
0x102: {  	[hbm4b:s3+s2] =	stream.indirect_vreg.scatter [tilespmem:s16], [sflag:$0x1], $0x80, v2, vm0, $0xb8;
	[tilespmem:$0xC280] =	vst v63  }
0x103: {  	v1 =	vadd.s32 v39, v1  }
0x104: {  	[hbm4b:s4+s2] =	stream.indirect_vreg.scatter [tilespmem:s17], [sflag:$0x1], $0x80, v2, vm0, $0xb8;
	[tilespmem:$0xC280] =	vst v63  }
0x105: {  	_ = 	snop  }
0x106: {  	[hbm4b:s5+s2] =	stream.indirect_vreg.scatter [tilespmem:s18], [sflag:$0x1], $0x80, v2, vm0, $0xb8;
	[tilespmem:$0xC280] =	vst v63  }
0x107: {  	_ = 	snop  }
0x108: {  	[hbm4b:s3+s2] =	stream.indirect_vreg.scatter [tilespmem:s19], [sflag:$0x1], $0x80, v1, vm0, $0xb8;
	[tilespmem:$0xC280] =	vst v63  }
0x109: {  	_ = 	snop  }
0x10a: {  	[hbm4b:s4+s2] =	stream.indirect_vreg.scatter [tilespmem:s20], [sflag:$0x1], $0x80, v1, vm0, $0xb8;
	[tilespmem:$0xC280] =	vst v63  }
0x10b: {  	_ = 	snop  }
0x10c: {  	[hbm4b:s5+s2] =	stream.indirect_vreg.scatter [tilespmem:s21], [sflag:$0x1], $0x80, v1, vm0, $0xb8;
	[tilespmem:$0xC280] =	vst v63  }
0x10d: {  	v1 =	vld [tilespmem:$0x120];
	_ =	sdelay $0x4  }
0x10e: {  	v2 =	vshrl.u32 v1, $0x3  }
0x10f: {  	v2 =	vmul.u32 $0x30, v2  }
0x110: {  	v1 =	vand.u32 $0x7, v1  }
0x111: {  	v1 =	vor.u32 v1, v2  }
0x112: {  	v2 =	vperm.xlane v1, v3;
	_ =	sdelay $0x1  }
0x113: {  	v2 =	vadd.s32 v39, v2;
	_ =	sdelay $0x3  }
0x114: {  	v1 =	vperm.xlane v1, v63  }
0x115: {  	[hbm4b:s3+s2] =	stream.indirect_vreg.scatter [tilespmem:s22], [sflag:$0x1], $0x80, v2, vm0, $0xb8;
	[tilespmem:$0xC280] =	vst v63  }
0x116: {  	v1 =	vadd.s32 v39, v1  }
0x117: {  	[hbm4b:s4+s2] =	stream.indirect_vreg.scatter [tilespmem:s23], [sflag:$0x1], $0x80, v2, vm0, $0xb8;
	[tilespmem:$0xC280] =	vst v63  }
0x118: {  	_ = 	snop  }
0x119: {  	[hbm4b:s5+s2] =	stream.indirect_vreg.scatter [tilespmem:s24], [sflag:$0x1], $0x80, v2, vm0, $0xb8;
	[tilespmem:$0xC280] =	vst v63  }
0x11a: {  	_ = 	snop  }
0x11b: {  	[hbm4b:s3+s2] =	stream.indirect_vreg.scatter [tilespmem:s25], [sflag:$0x1], $0x80, v1, vm0, $0xb8;
	[tilespmem:$0xC280] =	vst v63  }
0x11c: {  	_ = 	snop  }
0x11d: {  	[hbm4b:s4+s2] =	stream.indirect_vreg.scatter [tilespmem:s26], [sflag:$0x1], $0x80, v1, vm0, $0xb8;
	[tilespmem:$0xC280] =	vst v63  }
0x11e: {  	_ = 	snop  }
0x11f: {  	[hbm4b:s5+s2] =	stream.indirect_vreg.scatter [tilespmem:s28], [sflag:$0x1], $0x80, v1, vm0, $0xb8;
	[tilespmem:$0xC280] =	vst v63  }
0x120: {  	v1 =	vld [tilespmem:$0x130];
	_ =	sdelay $0x4  }
0x121: {  	v2 =	vshrl.u32 v1, $0x3  }
0x122: {  	v2 =	vmul.u32 $0x30, v2  }
0x123: {  	v1 =	vand.u32 $0x7, v1  }
0x124: {  	v1 =	vor.u32 v1, v2  }
0x125: {  	v2 =	vperm.xlane v1, v3;
	_ =	sdelay $0x1  }
0x126: {  	v2 =	vadd.s32 v39, v2;
	_ =	sdelay $0x3  }
0x127: {  	v1 =	vperm.xlane v1, v63  }
0x128: {  	[hbm4b:s3+s2] =	stream.indirect_vreg.scatter [tilespmem:s29], [sflag:$0x1], $0x80, v2, vm0, $0xb8;
	[tilespmem:$0xC280] =	vst v63  }
0x129: {  	v1 =	vadd.s32 v39, v1  }
0x12a: {  	[hbm4b:s4+s2] =	stream.indirect_vreg.scatter [tilespmem:s30], [sflag:$0x1], $0x80, v2, vm0, $0xb8;
	[tilespmem:$0xC280] =	vst v63  }
0x12b: {  	_ = 	snop  }
0x12c: {  	[hbm4b:s5+s2] =	stream.indirect_vreg.scatter [tilespmem:s31], [sflag:$0x1], $0x80, v2, vm0, $0xb8;
	[tilespmem:$0xC280] =	vst v63  }
0x12d: {  	s0 =	simm.s32 $0xAA80  }
0x12e: {  	[hbm4b:s3+s2] =	stream.indirect_vreg.scatter [tilespmem:s0], [sflag:$0x1], $0x80, v1, vm0, $0xb8;
	[tilespmem:$0xC280] =	vst v63  }
0x12f: {  	_ = 	snop  }
0x130: {  	[hbm4b:s4+s2] =	stream.indirect_vreg.scatter [tilespmem:s1], [sflag:$0x1], $0x80, v1, vm0, $0xb8;
	[tilespmem:$0xC280] =	vst v63  }
0x131: {  	_ = 	snop  }
0x132: {  	[hbm4b:s5+s2] =	stream.indirect_vreg.scatter [tilespmem:s7], [sflag:$0x1], $0x80, v1, vm0, $0xb8;
	[tilespmem:$0xC280] =	vst v63  }
0x133: {  	v1 =	vld [tilespmem:$0x180];
	_ =	sdelay $0x4  }
0x134: {  	v2 =	vshrl.u32 v1, $0x3  }
0x135: {  	v2 =	vmul.u32 $0x30, v2  }
0x136: {  	v1 =	vand.u32 $0x7, v1  }
0x137: {  	v1 =	vor.u32 v1, v2  }
0x138: {  	v2 =	vperm.xlane v1, v3;
	_ =	sdelay $0x1  }
0x139: {  	v2 =	vadd.s32 v39, v2;
	_ =	sdelay $0x3  }
0x13a: {  	v1 =	vperm.xlane v1, v63  }
0x13b: {  	[hbm4b:s3+s2] =	stream.indirect_vreg.scatter [tilespmem:s10], [sflag:$0x2], $0x80, v2, vm0, $0xb8;
	[tilespmem:$0xC280] =	vst v63  }
0x13c: {  	v1 =	vadd.s32 v39, v1  }
0x13d: {  	[hbm4b:s4+s2] =	stream.indirect_vreg.scatter [tilespmem:s11], [sflag:$0x2], $0x80, v2, vm0, $0xb8;
	[tilespmem:$0xC280] =	vst v63  }
0x13e: {  	_ = 	snop  }
0x13f: {  	[hbm4b:s5+s2] =	stream.indirect_vreg.scatter [tilespmem:s12], [sflag:$0x2], $0x80, v2, vm0, $0xb8;
	[tilespmem:$0xC280] =	vst v63  }
0x140: {  	_ = 	snop  }
0x141: {  	[hbm4b:s3+s2] =	stream.indirect_vreg.scatter [tilespmem:s13], [sflag:$0x2], $0x80, v1, vm0, $0xb8;
	[tilespmem:$0xC280] =	vst v63  }
0x142: {  	_ = 	snop  }
0x143: {  	[hbm4b:s4+s2] =	stream.indirect_vreg.scatter [tilespmem:s14], [sflag:$0x2], $0x80, v1, vm0, $0xb8;
	[tilespmem:$0xC280] =	vst v63  }
0x144: {  	_ = 	snop  }
0x145: {  	[hbm4b:s5+s2] =	stream.indirect_vreg.scatter [tilespmem:s15], [sflag:$0x2], $0x80, v1, vm0, $0xb8;
	[tilespmem:$0xC280] =	vst v63  }
0x146: {  	v1 =	vld [tilespmem:$0x190];
	_ =	sdelay $0x4  }
0x147: {  	v2 =	vshrl.u32 v1, $0x3  }
0x148: {  	v2 =	vmul.u32 $0x30, v2  }
0x149: {  	v1 =	vand.u32 $0x7, v1  }
0x14a: {  	v1 =	vor.u32 v1, v2  }
0x14b: {  	v2 =	vperm.xlane v1, v3;
	_ =	sdelay $0x1  }
0x14c: {  	v2 =	vadd.s32 v39, v2;
	_ =	sdelay $0x3  }
0x14d: {  	v1 =	vperm.xlane v1, v63  }
0x14e: {  	[hbm4b:s3+s2] =	stream.indirect_vreg.scatter [tilespmem:s16], [sflag:$0x2], $0x80, v2, vm0, $0xb8;
	[tilespmem:$0xC280] =	vst v63  }
0x14f: {  	v1 =	vadd.s32 v39, v1  }
0x150: {  	[hbm4b:s4+s2] =	stream.indirect_vreg.scatter [tilespmem:s17], [sflag:$0x2], $0x80, v2, vm0, $0xb8;
	[tilespmem:$0xC280] =	vst v63  }
0x151: {  	_ = 	snop  }
0x152: {  	[hbm4b:s5+s2] =	stream.indirect_vreg.scatter [tilespmem:s18], [sflag:$0x2], $0x80, v2, vm0, $0xb8;
	[tilespmem:$0xC280] =	vst v63  }
0x153: {  	_ = 	snop  }
0x154: {  	[hbm4b:s3+s2] =	stream.indirect_vreg.scatter [tilespmem:s19], [sflag:$0x2], $0x80, v1, vm0, $0xb8;
	[tilespmem:$0xC280] =	vst v63  }
0x155: {  	_ = 	snop  }
0x156: {  	[hbm4b:s4+s2] =	stream.indirect_vreg.scatter [tilespmem:s20], [sflag:$0x2], $0x80, v1, vm0, $0xb8;
	[tilespmem:$0xC280] =	vst v63  }
0x157: {  	_ = 	snop  }
0x158: {  	[hbm4b:s5+s2] =	stream.indirect_vreg.scatter [tilespmem:s21], [sflag:$0x2], $0x80, v1, vm0, $0xb8;
	[tilespmem:$0xC280] =	vst v63  }
0x159: {  	v1 =	vld [tilespmem:$0x1A0];
	_ =	sdelay $0x4  }
0x15a: {  	v2 =	vshrl.u32 v1, $0x3  }
0x15b: {  	v2 =	vmul.u32 $0x30, v2  }
0x15c: {  	v1 =	vand.u32 $0x7, v1  }
0x15d: {  	v1 =	vor.u32 v1, v2  }
0x15e: {  	v2 =	vperm.xlane v1, v3;
	_ =	sdelay $0x1  }
0x15f: {  	v2 =	vadd.s32 v39, v2;
	_ =	sdelay $0x3  }
0x160: {  	v1 =	vperm.xlane v1, v63  }
0x161: {  	[hbm4b:s3+s2] =	stream.indirect_vreg.scatter [tilespmem:s22], [sflag:$0x2], $0x80, v2, vm0, $0xb8;
	[tilespmem:$0xC280] =	vst v63  }
0x162: {  	v1 =	vadd.s32 v39, v1  }
0x163: {  	[hbm4b:s4+s2] =	stream.indirect_vreg.scatter [tilespmem:s23], [sflag:$0x2], $0x80, v2, vm0, $0xb8;
	[tilespmem:$0xC280] =	vst v63  }
0x164: {  	_ = 	snop  }
0x165: {  	[hbm4b:s5+s2] =	stream.indirect_vreg.scatter [tilespmem:s24], [sflag:$0x2], $0x80, v2, vm0, $0xb8;
	[tilespmem:$0xC280] =	vst v63  }
0x166: {  	_ = 	snop  }
0x167: {  	[hbm4b:s3+s2] =	stream.indirect_vreg.scatter [tilespmem:s25], [sflag:$0x2], $0x80, v1, vm0, $0xb8;
	[tilespmem:$0xC280] =	vst v63  }
0x168: {  	_ = 	snop  }
0x169: {  	[hbm4b:s4+s2] =	stream.indirect_vreg.scatter [tilespmem:s26], [sflag:$0x2], $0x80, v1, vm0, $0xb8;
	[tilespmem:$0xC280] =	vst v63  }
0x16a: {  	_ = 	snop  }
0x16b: {  	[hbm4b:s5+s2] =	stream.indirect_vreg.scatter [tilespmem:s28], [sflag:$0x2], $0x80, v1, vm0, $0xb8;
	[tilespmem:$0xC280] =	vst v63  }
0x16c: {  	v1 =	vld [tilespmem:$0x1B0];
	_ =	sdelay $0x4  }
0x16d: {  	v2 =	vshrl.u32 v1, $0x3  }
0x16e: {  	v2 =	vmul.u32 $0x30, v2  }
0x16f: {  	v1 =	vand.u32 $0x7, v1  }
0x170: {  	v1 =	vor.u32 v1, v2  }
0x171: {  	v2 =	vperm.xlane v1, v3;
	_ =	sdelay $0x1  }
0x172: {  	v2 =	vadd.s32 v39, v2;
	_ =	sdelay $0x3  }
0x173: {  	v1 =	vperm.xlane v1, v63  }
0x174: {  	[hbm4b:s3+s2] =	stream.indirect_vreg.scatter [tilespmem:s29], [sflag:$0x2], $0x80, v2, vm0, $0xb8;
	[tilespmem:$0xC280] =	vst v63  }
0x175: {  	v1 =	vadd.s32 v39, v1  }
0x176: {  	[hbm4b:s4+s2] =	stream.indirect_vreg.scatter [tilespmem:s30], [sflag:$0x2], $0x80, v2, vm0, $0xb8;
	[tilespmem:$0xC280] =	vst v63  }
0x177: {  	_ = 	snop  }
0x178: {  	[hbm4b:s5+s2] =	stream.indirect_vreg.scatter [tilespmem:s31], [sflag:$0x2], $0x80, v2, vm0, $0xb8;
	[tilespmem:$0xC280] =	vst v63  }
0x179: {  	_ = 	snop  }
0x17a: {  	[hbm4b:s3+s2] =	stream.indirect_vreg.scatter [tilespmem:s0], [sflag:$0x2], $0x80, v1, vm0, $0xb8;
	[tilespmem:$0xC280] =	vst v63  }
0x17b: {  	_ = 	snop  }
0x17c: {  	[hbm4b:s4+s2] =	stream.indirect_vreg.scatter [tilespmem:s1], [sflag:$0x2], $0x80, v1, vm0, $0xb8;
	[tilespmem:$0xC280] =	vst v63  }
0x17d: {  	s12 =	simm.s32 $0x1  }
0x17e: {  	[hbm4b:s5+s2] =	stream.indirect_vreg.scatter [tilespmem:s7], [sflag:$0x2], $0x80, v1, vm0, $0xb8;
	[tilespmem:$0xC280] =	vst v63  }
0x17f: {  	p0 =	sne.s32 s6, $0x1;
	_ =	swait.ge [sflag:s12], $0xC000  }
.Ltmp0:
0x180: {  	[sflag:s12] =	ssyncset.done $0x0;
	(pc) =	sbr.rel @p0 .LBB2_1-.Ltmp0, $4  }
0x181: {  	[sflag:s12] =	ssyncadd.s32 $0xFFFF4000  }
0x182: {  	_ =	swait.ge [sflag:s9], $0xC000  }
0x183: {  	[sflag:s9] =	ssyncset.done $0x0  }
0x184: {  	s6 =	sadd.s32 $0xFFFFFFFF, s6;
	[sflag:s9] =	ssyncadd.s32 $0xFFFF4000  }
0x185: {  	_ =	sfence.sel $0x180000  }
0x186: {  	[bflag:$0x0] =	sbarrier.arrive $0xFFFF  }
0x187: {  	_ =	strace $0x90000047  }
0x188: {  	s0 =	stileid.u32;
	[bflag:$0x2] =	sbarrier.arrive $0xFFFF  }
0x189: {  	p0 =	sne.s32 s0, $0x0;
	s0 =	rddreg [dreg:$0x3]  }
0x18a: {  	s0 =	sadd.s32 @!p0 $0x100000, s0  }
0x18b: {  	[sflag:s0] =	ssyncadd.tile.s32 @!p0 $0x1;
	_ =	shalt  }
.Lfunc_end2:
_tile_overlayer_lowered:
.L_overlay_start_2:
0x18c: {  	(tag) =	ssettag $0x2  }
0x18d: {  	s0 =	rddreg [dreg:$0x0];
	s2 =	stileid.u32  }
0x18e: {  	s1 =	rddreg [dreg:$0x1];
	p0 =	sne.s32 s2, $0x0  }
0x18f: {  	s3 =	rddreg [dreg:$0x2];
	[bflag:$0x3] =	sbarrier.arrive $0xFFFF;
	s2 =	simm.s32 @!p0 $0x1C03  }
0x190: {  	[timem:s3], [sflag:s2] =	dma.local @!p0 [hbm:s0], s1  }
0x191: {  	s0 =	simm.s32 @!p0 $0x3  }
0x192: {  	_ =	swait.ge @!p0 [sflag:s0], s1  }
0x193: {  	s1 =	ssub.s32 @!p0 $0x0, s1;
	[sflag:s0] =	ssyncset.done @!p0 $0x0  }
0x194: {  	[sflag:s0] =	ssyncadd.s32 @!p0 s1  }
0x195: {  	[bflag:$0x3] =	sbarrier.arrive $0xFFFF  }
0x196: {  	_ =	shalt  }

// kernel: kernel.9.cloned.1.call-start
scs
__scs_entry_jumppad:
0x0: {  	(pc) =	sbr.rel $0x88, $3  }
0x1: {  	(tag) =	ssettag $0x0;
	lr =	simm.s32 $0x1  }
0x2: {  	[smem:$0x3F99] =	sst lr;
	_ =	strace $0xD0000000  }
0x3: {  	_ = 	snop  }
0x4: {  	_ = 	snop  }
0x5: {  	_ = 	snop  }
0x6: {  	_ = 	snop  }
0x7: {  	_ = 	snop  }
__scs_overlays_trampoline_lowered:
0x8: {  	[smem:$0x3FA8] =	sst s0  }
0x9: {  	[smem:$0x3FA9] =	sst s1  }
0xa: {  	[smem:$0x3FAA] =	sst s2  }
0xb: {  	[smem:$0x3FAB] =	sst s3  }
0xc: {  	[smem:$0x3FAC] =	sst s4  }
0xd: {  	[smem:$0x3FAD] =	sst s5  }
0xe: {  	[smem:$0x3FAE] =	sst s6  }
0xf: {  	[smem:$0x3FAF] =	sst s7  }
0x10: {  	[smem:$0x3FB0] =	sst s8  }
0x11: {  	[smem:$0x3FB1] =	sst s9;
	s0 =	simm.s32 @!p0 $0x0  }
0x12: {  	s1 =	sld [smem:$0x3F97];
	s0 =	simm.s32 @p0 $0x1  }
0x13: {  	[smem:$0x3FB2] =	sst s0;
	s0 =	simm.s32 @!p1 $0x0  }
0x14: {  	s2 =	sld [smem:$0x3F96];
	s0 =	simm.s32 @p1 $0x1  }
0x15: {  	[smem:$0x3FB3] =	sst s0;
	s0 =	simm.s32 @!p2 $0x0  }
0x16: {  	s3 =	sld [smem:$0x3FDB];
	s0 =	simm.s32 @p2 $0x1  }
0x17: {  	s4 =	simm.s32 $0x1BF5;
	[smem:$0x3FB5] =	sst s0  }
0x18: {  	s0 =	sld [smem:$0x3F98];
	_ =	swait.ge [sflag:s4], $0x0  }
0x19: {  	s7 =	sld [smem:$0x3F99]  }
0x1a: {  	s8 =	sadd.s32 $0xFFFFE003, lr  }
0x1b: {  	s9 =	sadd.s32 $0xFFFFFEF7, lr;
	s5 =	simm.s32 $0xFFFFFFFF;
	p2 =	slt.u32 s8, $0xFFFFF086  }
0x1c: {  	p1 =	slt.u32 s9, $0xF7A;
	s5 =	simm.s32 @!p2 $0x0  }
0x1d: {  	s5 =	simm.s32 @p1 $0x1;
	p0 =	seq.s32 s7, s2  }
0x1e: {  	s7 =	smul.u32 @!p0 $0xF7A, s2;
	p2 =	seq.s32 @!p0 s5, $0x0  }
0x1f: {  	s9 =	smul.u32 $0xF7A, s1;
	s8 =	simm.s32 @!p0 $0x1BF5;
	p2 =	por !p2, p0  }
0x20: {  	[sflag:s8] =	ssyncset.s32 @!p0 $0xFFFFF086;
	s6 =	sadd.s32 @!p0 s3, s7;
	s7 =	simm.s32 @!p0 $0x108  }
0x21: {  	s3 =	sadd.s32 s3, s9;
	s6 =	sadd.s32 @!p0 $0x88, s6;
	s7 =	simm.s32 @p2 $0x1082  }
0x22: {  	[simem:s7], [sflag:s8] =	dma.local @!p0 [hbm:s6], $0xF7A  }
0x23: {  	s9 =	sor.u32 $0xD0000000, s2;
	s6 =	simm.s32 $0x108;
	_ =	swait.ge @!p0 [sflag:s8], $0x0  }
0x24: {  	s3 =	sadd.s32 $0x88, s3;
	s6 =	simm.s32 @!p1 $0x1082;
	[sflag:s4] =	ssyncset.s32 $0xFFFFF086  }
0x25: {  	[simem:s6], [sflag:s4] =	dma.local [hbm:s3], $0xF7A  }
0x26: {  	[smem:$0x3F99] =	sst s1;
	(tag) =	ssettag s2;
	_ =	strace s9  }
0x27: {  	s1 =	sld [smem:$0x3FA9]  }
0x28: {  	s2 =	sld [smem:$0x3FAA]  }
0x29: {  	s4 =	sld [smem:$0x3FAC]  }
0x2a: {  	p0 =	seq.s32 s5, $0x0;
	s5 =	sld [smem:$0x3FAD]  }
0x2b: {  	s6 =	sld [smem:$0x3FAE]  }
0x2c: {  	s7 =	sld [smem:$0x3FAF]  }
0x2d: {  	s3 =	simm.s32 $0x108;
	s8 =	sld [smem:$0x3FB0]  }
0x2e: {  	s3 =	simm.s32 @!p0 $0x1082;
	s9 =	sld [smem:$0x3FB1]  }
0x2f: {  	lr =	sadd.s32 s0, s3;
	s0 =	sld [smem:$0x3FA8]  }
0x30: {  	s3 =	sld [smem:$0x3FAB]  }
0x31: {  	[smem:$0x3FB4] =	sst s10  }
0x32: {  	s10 =	sld [smem:$0x3FB2];
	_ =	sdelay $0x3  }
0x33: {  	p0 =	seq.s32 s10, $0x1;
	s10 =	sld [smem:$0x3FB4];
	_ =	sdelay $0x3  }
0x34: {  	[smem:$0x3FB4] =	sst s10  }
0x35: {  	s10 =	sld [smem:$0x3FB3];
	_ =	sdelay $0x3  }
0x36: {  	p1 =	seq.s32 s10, $0x1;
	s10 =	sld [smem:$0x3FB4];
	_ =	sdelay $0x3  }
0x37: {  	[smem:$0x3FB4] =	sst s10  }
0x38: {  	s10 =	sld [smem:$0x3FB5]  }
0x39: {  	_ = 	snop;
	(pc) =	sbr.ind lr, $3  }
0x3a: {  	_ = 	snop  }
0x3b: {  	_ = 	snop  }
0x3c: {  	p2 =	seq.s32 s10, $0x1;
	s10 =	sld [smem:$0x3FB4]  }
0x3d: {  	_ =	shalt  }
0x3e: {  	_ =	shalt  }
0x3f: {  	_ =	shalt  }
0x40: {  	_ =	shalt  }
0x41: {  	_ =	shalt  }
0x42: {  	_ =	shalt  }
0x43: {  	_ =	shalt  }
0x44: {  	_ =	shalt  }
0x45: {  	_ =	shalt  }
0x46: {  	_ =	shalt  }
0x47: {  	_ =	shalt  }
0x48: {  	_ =	shalt  }
0x49: {  	_ =	shalt  }
0x4a: {  	_ =	shalt  }
0x4b: {  	_ =	shalt  }
0x4c: {  	_ =	shalt  }
0x4d: {  	_ =	shalt  }
0x4e: {  	_ =	shalt  }
0x4f: {  	_ =	shalt  }
0x50: {  	_ =	shalt  }
0x51: {  	_ =	shalt  }
0x52: {  	_ =	shalt  }
0x53: {  	_ =	shalt  }
0x54: {  	_ =	shalt  }
0x55: {  	_ =	shalt  }
0x56: {  	_ =	shalt  }
0x57: {  	_ =	shalt  }
0x58: {  	_ =	shalt  }
0x59: {  	_ =	shalt  }
0x5a: {  	_ =	shalt  }
0x5b: {  	_ =	shalt  }
0x5c: {  	_ =	shalt  }
0x5d: {  	_ =	shalt  }
0x5e: {  	_ =	shalt  }
0x5f: {  	_ =	shalt  }
0x60: {  	_ =	shalt  }
0x61: {  	_ =	shalt  }
0x62: {  	_ =	shalt  }
0x63: {  	_ =	shalt  }
0x64: {  	_ =	shalt  }
0x65: {  	_ =	shalt  }
0x66: {  	_ =	shalt  }
0x67: {  	_ =	shalt  }
0x68: {  	_ =	shalt  }
0x69: {  	_ =	shalt  }
0x6a: {  	_ =	shalt  }
0x6b: {  	_ =	shalt  }
0x6c: {  	_ =	shalt  }
0x6d: {  	_ =	shalt  }
0x6e: {  	_ =	shalt  }
0x6f: {  	_ =	shalt  }
0x70: {  	_ =	shalt  }
0x71: {  	_ =	shalt  }
0x72: {  	_ =	shalt  }
0x73: {  	_ =	shalt  }
0x74: {  	_ =	shalt  }
0x75: {  	_ =	shalt  }
0x76: {  	_ =	shalt  }
0x77: {  	_ =	shalt  }
0x78: {  	_ =	shalt  }
0x79: {  	_ =	shalt  }
0x7a: {  	_ =	shalt  }
0x7b: {  	_ =	shalt  }
0x7c: {  	_ =	shalt  }
0x7d: {  	_ =	shalt  }
0x7e: {  	_ =	shalt  }
0x7f: {  	_ =	shalt  }
0x80: {  	_ =	shalt  }
0x81: {  	_ =	shalt  }
0x82: {  	_ =	shalt  }
0x83: {  	_ =	shalt  }
0x84: {  	_ =	shalt  }
0x85: {  	_ =	shalt  }
0x86: {  	_ =	shalt  }
0x87: {  	_ =	shalt  }
.Lfunc_end0:
.L_simem_size_0:
called_computation.1_lowered:
.L_overlay_start_0:
0x88: {  	s2 =	sld [smem:$0x3FD9]  }
0x89: {  	s3 =	sld [smem:$0x3FFE];
	_ =	sdelay $0x1  }
0x8a: {  	s1 =	srdreg.scid  }
0x8b: {  	s0 =	sand.u32 $0x1, s1  }
0x8c: {  	s14 =	sshll.u32 s0, $0xA;
	s2 =	sadd.s32 s3, s2  }
0x8d: {  	s2 =	sadd.s32 s2, s14  }
0x8e: {  	[smem:$0x3FC0] =	sst s2  }
0x8f: {  	_ = 	snop  }
0x90: {  	s2 =	sld [smem:$0x3FD0];
	_ =	sdelay $0x2  }
0x91: {  	s15 =	simm.s32 $0xA;
	s4 =	simm.s32 $0x10  }
0x92: {  	[smem:s4], [sflag:s15] =	dma.local [hbm:s2], $0x1  }
0x93: {  	_ =	swait.eq [sflag:s15], $0x1  }
0x94: {  	[sflag:s15] =	ssyncset.done $0x0  }
0x95: {  	[sflag:s15] =	ssyncadd.s32 $0xFFFFFFFF  }
0x96: {  	s16 =	sld [smem:$0x10];
	(tm) =	ssettm $0x1  }
0x97: {  	s17 =	sld [smem:$0x3FFB];
	_ =	sdelay $0x3  }
0x98: {  	_ =	strace s17  }
0x99: {  	s3 =	sld [smem:$0x3FFC];
	_ =	sdelay $0x3  }
0x9a: {  	_ =	strace s3  }
0x9b: {  	s3 =	sld [smem:$0x3FFD];
	_ =	sdelay $0x3  }
0x9c: {  	_ =	strace s3  }
0x9d: {  	_ =	strace $0x8FFFFFFF  }
0x9e: {  	s18 =	sld [smem:$0x3FDB];
	_ =	sdelay $0x1  }
0x9f: {  	s19 =	simm.s32 $_scs_section_size  }
0xa0: {  	s5 =	simm.s32 $_size__tile_overlayer_lowered;
	s6 =	simm.s32 $_tile_overlayer_lowered  }
0xa1: {  	s22 =	simm.s32 $0x1BFF;
	s21 =	sshll.u32 s6, $0x1;
	s3 =	sadd.s32 s19, s18  }
0xa2: {  	s7 =	simm.s32 $0x0;
	s20 =	sshll.u32 s5, $0x1;
	s5 =	sadd.s32 s21, s3  }
0xa3: {  	[timem:s7], [sflag:s22] =	dma.local [hbm:s5], s20  }
0xa4: {  	_ =	swait.ge [sflag:s22], s20  }
0xa5: {  	s4 =	ssub.s32 $0x0, s20;
	[sflag:s22] =	ssyncset.done $0x0  }
0xa6: {  	[sflag:s22] =	ssyncadd.s32 s4;
	_ =	sdelay $0x1  }
0xa7: {  	s23 =	simm.s32 $0x1B8B  }
0xa8: {  	_ =	swait.ge [sflag:s23], $0x1  }
0xa9: {  	[sflag:s23] =	ssyncset.done $0x0  }
0xaa: {  	s25 =	simm.s32 $0x1B8E;
	s24 =	sld [smem:$0x3FFE];
	[sflag:s23] =	ssyncadd.s32 $0xFFFFFFFF  }
0xab: {  	s26 =	simm.s32 $execute0_lowered;
	[smem:$0x3FD2] =	sst s25  }
0xac: {  	s5 =	sshll.u32 s26, $0x1;
	_ =	strace $0x80000049;
	[dreg:$0x1] =	wrdreg $0xFFFFFFFF  }
0xad: {  	s28 =	simm.s32 $_size_execute0_lowered;
	s3 =	sadd.s32 s3, s5;
	[dreg:$0x0] =	wrdreg $0x0  }
0xae: {  	s5 =	sshll.u32 s28, $0x1;
	[dreg:$0x2] =	wrdreg s3  }
0xaf: {  	[dreg:$0x3] =	wrdreg s5  }
0xb0: {  	[dreg:$0x4] =	wrdreg $0xC0  }
0xb1: {  	_ =	task [dreg:s7], $0x5FFFF  }
0xb2: {  	[dreg:$0x1] =	wrdreg $0xFFFFFFFF  }
0xb3: {  	[dreg:$0x0] =	wrdreg $0x60  }
0xb4: {  	[dreg:$0x2] =	wrdreg s24  }
0xb5: {  	[dreg:$0x3] =	wrdreg s16  }
0xb6: {  	[dreg:$0x4] =	wrdreg $0x9  }
0xb7: {  	_ =	task.clear_ibuf [dreg:s7], $0x5FFFF;
	_ =	strace $0x90000049  }
0xb8: {  	s29 =	simm.s32 $0x9;
	_ =	strace $0x8000004B  }
0xb9: {  	_ =	swait.ge [sflag:s29], $0x1  }
0xba: {  	[sflag:s29] =	ssyncadd.s32 $0xFFFFFFFF  }
0xbb: {  	_ =	strace $0x9000004B  }
0xbc: {  	_ =	sfence  }
0xbd: {  	s30 =	sld [smem:$0x0];
	_ =	sdelay $0x2  }
0xbe: {  	s31 =	sshll.u32 s1, $0xD;
	s1 =	sshrl.u32 s1, $0x2  }
0xbf: {  	s3 =	sand.u32 $0x4000, s31;
	s1 =	sadd.s32 s1, s30  }
0xc0: {  	s0 =	sor.u32 s3, s0;
	s1 =	sshll.u32 s1, $0x11  }
0xc1: {  	s0 =	sor.u32 s1, s0  }
0xc2: {  	s0 =	sadd.s32 $0x8F2B, s0  }
0xc3: {  	[sflag:s0] =	ssyncadd.remote.s32 $0x1  }
0xc4: {  	_ =	sfence.sel $0xFFFF  }
0xc5: {  	[dreg:$0x0] =	wrdreg $0xFFFFFFFF;
	(pc) =	sbr.abs _section_cstart, $3  }
0xc6: {  	[dreg:$0x1] =	wrdreg $0xFFFFFFFF  }
0xc7: {  	_ =	task.clear_ibuf [dreg:s7], $0x2FFFF;
	_ =	strace $0x9FFFFFFF  }
0xc8: {  	(tm) =	ssettm $0x7FFFFFFF  }
0xc9: {  	_ =	shalt  }
tec
execute0_lowered:
.L_overlay_start_1:
0x0: {  	(tag) =	ssettag $0x1  }
0x1: {  	s0 =	rddreg [dreg:$0x0]  }
0x2: {  	s1 =	rddreg [dreg:$0x1]  }
0x3: {  	s2 =	srdreg.scid;
	s5 =	stileid.u32;
	s12 =	simm.s32 $0x3  }
0x4: {  	s16 =	simm.s32 $0x200;
	s15 =	simm.s32 $0x13200;
	s17 =	simm.s32 $0x13A00  }
0x5: {  	s18 =	simm.s32 $0x14200;
	s19 =	simm.s32 $0x14A00;
	s20 =	simm.s32 $0x15200  }
0x6: {  	s21 =	simm.s32 $0x15A00;
	s22 =	simm.s32 $0x16200;
	s23 =	simm.s32 $0x16A00  }
0x7: {  	s28 =	simm.s32 $0x2;
	s29 =	simm.s32 $0x0;
	s4 =	sand.u32 $0x1, s2  }
0x8: {  	s2 =	simm.s32 $0x0;
	s5 =	sshll.u32 s5, $0x6;
	s9 =	sadd.s32 $0x2000, s0  }
0x9: {  	s3 =	sshll.u32 s4, $0xA;
	[smem:$0x7FF] =	sst s2;
	s4 =	ssub.s32 $0x2, s4  }
0xa: {  	s6 =	sor.u32 s5, s3;
	_ =	strace $0x8000004A;
	s3 =	sadd.s32 $0x2200, s0  }
0xb: {  	s10 =	sshrl.u32 s4, $0x1;
	s5 =	sand.u32 $0x40, s5;
	s7 =	sshrl.u32 s6, $0x3  }
0xc: {  	s6 =	sshll.u32 s6, $0x1;
	s11 =	ssub.s32 s4, s10;
	s8 =	sadd.s32 s7, s0  }
0xd: {  	s24 =	sand.u32 $0xF00, s6;
	s6 =	sor.u32 s5, s6;
	s31 =	smul.u32 $0x300, s7  }
0xe: {  	s11 =	smax.u32 s11, $0x1;
	s4 =	sadd.s32 $0x92200, s8;
	s10 =	sor.u32 s5, s24  }
0xf: {  	s5 =	sadd.s32 $0x92300, s8;
	s26 =	sshrl.u32 s6, $0x3;
	s8 =	sadd.s32 $0x2300, s0  }
0x10: {  	v2 =	vlaneseq.u32;
	s24 =	simm.s32 $0x17200;
	s25 =	sshrl.u32 s10, $0x3;
	s30 =	sor.u32 $0x10, s26  }
0x11: {  	vm0 =	vmmov $0xffff;
	v1 =	vshrl.u32 v2, $0x3;
	s10 =	sadd.s32 s1, s31;
	s26 =	simm.s32 $0x1;
	s6 =	sadd.s32 s9, s25  }
0x12: {  	v0 =	vand.u32 $0x7, v2;
	v2 =	vor.u32 $0x8, v2;
	v1 =	vmul.u32 $0x8, v1;
	s7 =	sadd.s32 s9, s30;
	s9 =	sadd.s32 $0x2400, s0;
	s25 =	simm.s32 $0x17A00  }
.LBB2_1:
0x13: {  	[tilespmem:s2], [sflag:$0x3] =	stream.linear.gather [hbm4b:s4+s2], $0x40, $0x38;
	[tilespmem:$0x18200] =	vst v63  }
0x14: {  	_ =	swait.ge [sflag:s12], $0x40  }
0x15: {  	[sflag:s12] =	ssyncset.done $0x0  }
0x16: {  	s0 =	simm.s32 $0x80;
	[sflag:s12] =	ssyncadd.s32 $0xFFFFFFC0  }
0x17: {  	[tilespmem:s0], [sflag:$0x3] =	stream.linear.gather [hbm4b:s5+s2], $0x40, $0x38;
	[tilespmem:$0x18200] =	vst v63  }
0x18: {  	_ =	swait.ge [sflag:s12], $0x40  }
0x19: {  	[sflag:s12] =	ssyncset.done $0x0  }
0x1a: {  	s14 =	simm.s32 $0x100;
	[sflag:s12] =	ssyncadd.s32 $0xFFFFFFC0  }
0x1b: {  	[tilespmem:s14], [sflag:$0x3] =	stream.linear.gather [hbm4b:s6+s2], $0x40, $0x38;
	[tilespmem:$0x18200] =	vst v63  }
0x1c: {  	_ =	swait.ge [sflag:s12], $0x40  }
0x1d: {  	[sflag:s12] =	ssyncset.done $0x0  }
0x1e: {  	s1 =	simm.s32 $0x180;
	[sflag:s12] =	ssyncadd.s32 $0xFFFFFFC0  }
0x1f: {  	[tilespmem:s1], [sflag:$0x3] =	stream.linear.gather [hbm4b:s7+s2], $0x40, $0x38;
	[tilespmem:$0x18200] =	vst v63  }
0x20: {  	_ =	swait.ge [sflag:s12], $0x40  }
0x21: {  	[sflag:s12] =	ssyncset.done $0x0  }
0x22: {  	[sflag:s12] =	ssyncadd.s32 $0xFFFFFFC0  }
0x23: {  	v3 =	vld [tilespmem:$0x0];
	_ =	sdelay $0x4  }
0x24: {  	v4 =	vshrl.u32 v3, $0x3  }
0x25: {  	v4 =	vmul.u32 $0x30, v4  }
0x26: {  	v3 =	vand.u32 $0x7, v3  }
0x27: {  	v3 =	vor.u32 v3, v4  }
0x28: {  	v4 =	vperm.xlane v3, v0;
	_ =	sdelay $0x1  }
0x29: {  	v4 =	vadd.s32 v1, v4;
	_ =	sdelay $0x3  }
0x2a: {  	v3 =	vperm.xlane v3, v2  }
0x2b: {  	[tilespmem:s16], [sflag:$0x1] =	stream.indirect_vreg.gather [hbm4b:s3+s2], $0x80, v4, vm0, $0xb8;
	[tilespmem:$0x18200] =	vst v63  }
0x2c: {  	s13 =	simm.s32 $0xA00;
	v3 =	vadd.s32 v1, v3  }
0x2d: {  	[tilespmem:s13], [sflag:$0x1] =	stream.indirect_vreg.gather [hbm4b:s8+s2], $0x80, v4, vm0, $0xb8;
	[tilespmem:$0x18200] =	vst v63  }
0x2e: {  	s14 =	simm.s32 $0x1200  }
0x2f: {  	[tilespmem:s14], [sflag:$0x1] =	stream.indirect_vreg.gather [hbm4b:s9+s2], $0x80, v4, vm0, $0xb8;
	[tilespmem:$0x18200] =	vst v63  }
0x30: {  	s1 =	simm.s32 $0x1A00  }
0x31: {  	[tilespmem:s1], [sflag:$0x1] =	stream.indirect_vreg.gather [hbm4b:s3+s2], $0x80, v3, vm0, $0xb8;
	[tilespmem:$0x18200] =	vst v63  }
0x32: {  	s13 =	simm.s32 $0x2200  }
0x33: {  	[tilespmem:s13], [sflag:$0x1] =	stream.indirect_vreg.gather [hbm4b:s8+s2], $0x80, v3, vm0, $0xb8;
	[tilespmem:$0x18200] =	vst v63  }
0x34: {  	s14 =	simm.s32 $0x2A00  }
0x35: {  	[tilespmem:s14], [sflag:$0x1] =	stream.indirect_vreg.gather [hbm4b:s9+s2], $0x80, v3, vm0, $0xb8;
	[tilespmem:$0x18200] =	vst v63  }
0x36: {  	v3 =	vld [tilespmem:$0x10];
	_ =	sdelay $0x4  }
0x37: {  	v4 =	vshrl.u32 v3, $0x3  }
0x38: {  	v4 =	vmul.u32 $0x30, v4  }
0x39: {  	v3 =	vand.u32 $0x7, v3  }
0x3a: {  	v3 =	vor.u32 v3, v4  }
0x3b: {  	v4 =	vperm.xlane v3, v0;
	_ =	sdelay $0x1  }
0x3c: {  	v4 =	vadd.s32 v1, v4;
	_ =	sdelay $0x3  }
0x3d: {  	s1 =	simm.s32 $0x3200;
	v3 =	vperm.xlane v3, v2  }
0x3e: {  	[tilespmem:s1], [sflag:$0x1] =	stream.indirect_vreg.gather [hbm4b:s3+s2], $0x80, v4, vm0, $0xb8;
	[tilespmem:$0x18200] =	vst v63  }
0x3f: {  	s13 =	simm.s32 $0x3A00;
	v3 =	vadd.s32 v1, v3  }
0x40: {  	[tilespmem:s13], [sflag:$0x1] =	stream.indirect_vreg.gather [hbm4b:s8+s2], $0x80, v4, vm0, $0xb8;
	[tilespmem:$0x18200] =	vst v63  }
0x41: {  	s14 =	simm.s32 $0x4200  }
0x42: {  	[tilespmem:s14], [sflag:$0x1] =	stream.indirect_vreg.gather [hbm4b:s9+s2], $0x80, v4, vm0, $0xb8;
	[tilespmem:$0x18200] =	vst v63  }
0x43: {  	s1 =	simm.s32 $0x4A00  }
0x44: {  	[tilespmem:s1], [sflag:$0x1] =	stream.indirect_vreg.gather [hbm4b:s3+s2], $0x80, v3, vm0, $0xb8;
	[tilespmem:$0x18200] =	vst v63  }
0x45: {  	s13 =	simm.s32 $0x5200  }
0x46: {  	[tilespmem:s13], [sflag:$0x1] =	stream.indirect_vreg.gather [hbm4b:s8+s2], $0x80, v3, vm0, $0xb8;
	[tilespmem:$0x18200] =	vst v63  }
0x47: {  	s14 =	simm.s32 $0x5A00  }
0x48: {  	[tilespmem:s14], [sflag:$0x1] =	stream.indirect_vreg.gather [hbm4b:s9+s2], $0x80, v3, vm0, $0xb8;
	[tilespmem:$0x18200] =	vst v63  }
0x49: {  	v3 =	vld [tilespmem:$0x20];
	_ =	sdelay $0x4  }
0x4a: {  	v4 =	vshrl.u32 v3, $0x3  }
0x4b: {  	v4 =	vmul.u32 $0x30, v4  }
0x4c: {  	v3 =	vand.u32 $0x7, v3  }
0x4d: {  	v3 =	vor.u32 v3, v4  }
0x4e: {  	v4 =	vperm.xlane v3, v0;
	_ =	sdelay $0x1  }
0x4f: {  	v4 =	vadd.s32 v1, v4;
	_ =	sdelay $0x3  }
0x50: {  	s1 =	simm.s32 $0x6200;
	v3 =	vperm.xlane v3, v2  }
0x51: {  	[tilespmem:s1], [sflag:$0x1] =	stream.indirect_vreg.gather [hbm4b:s3+s2], $0x80, v4, vm0, $0xb8;
	[tilespmem:$0x18200] =	vst v63  }
0x52: {  	s13 =	simm.s32 $0x6A00;
	v3 =	vadd.s32 v1, v3  }
0x53: {  	[tilespmem:s13], [sflag:$0x1] =	stream.indirect_vreg.gather [hbm4b:s8+s2], $0x80, v4, vm0, $0xb8;
	[tilespmem:$0x18200] =	vst v63  }
0x54: {  	s14 =	simm.s32 $0x7200  }
0x55: {  	[tilespmem:s14], [sflag:$0x1] =	stream.indirect_vreg.gather [hbm4b:s9+s2], $0x80, v4, vm0, $0xb8;
	[tilespmem:$0x18200] =	vst v63  }
0x56: {  	s1 =	simm.s32 $0x7A00  }
0x57: {  	[tilespmem:s1], [sflag:$0x1] =	stream.indirect_vreg.gather [hbm4b:s3+s2], $0x80, v3, vm0, $0xb8;
	[tilespmem:$0x18200] =	vst v63  }
0x58: {  	s13 =	simm.s32 $0x8200  }
0x59: {  	[tilespmem:s13], [sflag:$0x1] =	stream.indirect_vreg.gather [hbm4b:s8+s2], $0x80, v3, vm0, $0xb8;
	[tilespmem:$0x18200] =	vst v63  }
0x5a: {  	s14 =	simm.s32 $0x8A00  }
0x5b: {  	[tilespmem:s14], [sflag:$0x1] =	stream.indirect_vreg.gather [hbm4b:s9+s2], $0x80, v3, vm0, $0xb8;
	[tilespmem:$0x18200] =	vst v63  }
0x5c: {  	v3 =	vld [tilespmem:$0x30];
	_ =	sdelay $0x4  }
0x5d: {  	v4 =	vshrl.u32 v3, $0x3  }
0x5e: {  	v4 =	vmul.u32 $0x30, v4  }
0x5f: {  	v3 =	vand.u32 $0x7, v3  }
0x60: {  	v3 =	vor.u32 v3, v4  }
0x61: {  	v4 =	vperm.xlane v3, v0;
	_ =	sdelay $0x1  }
0x62: {  	v4 =	vadd.s32 v1, v4;
	_ =	sdelay $0x3  }
0x63: {  	s1 =	simm.s32 $0x9200;
	v3 =	vperm.xlane v3, v2  }
0x64: {  	[tilespmem:s1], [sflag:$0x1] =	stream.indirect_vreg.gather [hbm4b:s3+s2], $0x80, v4, vm0, $0xb8;
	[tilespmem:$0x18200] =	vst v63  }
0x65: {  	s13 =	simm.s32 $0x9A00;
	v3 =	vadd.s32 v1, v3  }
0x66: {  	[tilespmem:s13], [sflag:$0x1] =	stream.indirect_vreg.gather [hbm4b:s8+s2], $0x80, v4, vm0, $0xb8;
	[tilespmem:$0x18200] =	vst v63  }
0x67: {  	s14 =	simm.s32 $0xA200  }
0x68: {  	[tilespmem:s14], [sflag:$0x1] =	stream.indirect_vreg.gather [hbm4b:s9+s2], $0x80, v4, vm0, $0xb8;
	[tilespmem:$0x18200] =	vst v63  }
0x69: {  	s1 =	simm.s32 $0xAA00  }
0x6a: {  	[tilespmem:s1], [sflag:$0x1] =	stream.indirect_vreg.gather [hbm4b:s3+s2], $0x80, v3, vm0, $0xb8;
	[tilespmem:$0x18200] =	vst v63  }
0x6b: {  	s13 =	simm.s32 $0xB200  }
0x6c: {  	[tilespmem:s13], [sflag:$0x1] =	stream.indirect_vreg.gather [hbm4b:s8+s2], $0x80, v3, vm0, $0xb8;
	[tilespmem:$0x18200] =	vst v63  }
0x6d: {  	s14 =	simm.s32 $0xBA00  }
0x6e: {  	[tilespmem:s14], [sflag:$0x1] =	stream.indirect_vreg.gather [hbm4b:s9+s2], $0x80, v3, vm0, $0xb8;
	[tilespmem:$0x18200] =	vst v63  }
0x6f: {  	v3 =	vld [tilespmem:$0x80];
	_ =	sdelay $0x4  }
0x70: {  	v4 =	vshrl.u32 v3, $0x3  }
0x71: {  	v4 =	vmul.u32 $0x30, v4  }
0x72: {  	v3 =	vand.u32 $0x7, v3  }
0x73: {  	v3 =	vor.u32 v3, v4  }
0x74: {  	v4 =	vperm.xlane v3, v0;
	_ =	sdelay $0x1  }
0x75: {  	v4 =	vadd.s32 v1, v4;
	_ =	sdelay $0x3  }
0x76: {  	s1 =	simm.s32 $0xC200;
	v3 =	vperm.xlane v3, v2  }
0x77: {  	[tilespmem:s1], [sflag:$0x2] =	stream.indirect_vreg.gather [hbm4b:s3+s2], $0x80, v4, vm0, $0xb8;
	[tilespmem:$0x18200] =	vst v63  }
0x78: {  	s13 =	simm.s32 $0xCA00;
	v3 =	vadd.s32 v1, v3  }
0x79: {  	[tilespmem:s13], [sflag:$0x2] =	stream.indirect_vreg.gather [hbm4b:s8+s2], $0x80, v4, vm0, $0xb8;
	[tilespmem:$0x18200] =	vst v63  }
0x7a: {  	s14 =	simm.s32 $0xD200  }
0x7b: {  	[tilespmem:s14], [sflag:$0x2] =	stream.indirect_vreg.gather [hbm4b:s9+s2], $0x80, v4, vm0, $0xb8;
	[tilespmem:$0x18200] =	vst v63  }
0x7c: {  	s1 =	simm.s32 $0xDA00  }
0x7d: {  	[tilespmem:s1], [sflag:$0x2] =	stream.indirect_vreg.gather [hbm4b:s3+s2], $0x80, v3, vm0, $0xb8;
	[tilespmem:$0x18200] =	vst v63  }
0x7e: {  	s13 =	simm.s32 $0xE200  }
0x7f: {  	[tilespmem:s13], [sflag:$0x2] =	stream.indirect_vreg.gather [hbm4b:s8+s2], $0x80, v3, vm0, $0xb8;
	[tilespmem:$0x18200] =	vst v63  }
0x80: {  	s14 =	simm.s32 $0xEA00  }
0x81: {  	[tilespmem:s14], [sflag:$0x2] =	stream.indirect_vreg.gather [hbm4b:s9+s2], $0x80, v3, vm0, $0xb8;
	[tilespmem:$0x18200] =	vst v63  }
0x82: {  	v3 =	vld [tilespmem:$0x90];
	_ =	sdelay $0x4  }
0x83: {  	v4 =	vshrl.u32 v3, $0x3  }
0x84: {  	v4 =	vmul.u32 $0x30, v4  }
0x85: {  	v3 =	vand.u32 $0x7, v3  }
0x86: {  	v3 =	vor.u32 v3, v4  }
0x87: {  	v4 =	vperm.xlane v3, v0;
	_ =	sdelay $0x1  }
0x88: {  	v4 =	vadd.s32 v1, v4;
	_ =	sdelay $0x3  }
0x89: {  	s1 =	simm.s32 $0xF200;
	v3 =	vperm.xlane v3, v2  }
0x8a: {  	[tilespmem:s1], [sflag:$0x2] =	stream.indirect_vreg.gather [hbm4b:s3+s2], $0x80, v4, vm0, $0xb8;
	[tilespmem:$0x18200] =	vst v63  }
0x8b: {  	s13 =	simm.s32 $0xFA00;
	v3 =	vadd.s32 v1, v3  }
0x8c: {  	[tilespmem:s13], [sflag:$0x2] =	stream.indirect_vreg.gather [hbm4b:s8+s2], $0x80, v4, vm0, $0xb8;
	[tilespmem:$0x18200] =	vst v63  }
0x8d: {  	s14 =	simm.s32 $0x10200  }
0x8e: {  	[tilespmem:s14], [sflag:$0x2] =	stream.indirect_vreg.gather [hbm4b:s9+s2], $0x80, v4, vm0, $0xb8;
	[tilespmem:$0x18200] =	vst v63  }
0x8f: {  	s1 =	simm.s32 $0x10A00  }
0x90: {  	[tilespmem:s1], [sflag:$0x2] =	stream.indirect_vreg.gather [hbm4b:s3+s2], $0x80, v3, vm0, $0xb8;
	[tilespmem:$0x18200] =	vst v63  }
0x91: {  	s13 =	simm.s32 $0x11200  }
0x92: {  	[tilespmem:s13], [sflag:$0x2] =	stream.indirect_vreg.gather [hbm4b:s8+s2], $0x80, v3, vm0, $0xb8;
	[tilespmem:$0x18200] =	vst v63  }
0x93: {  	s14 =	simm.s32 $0x11A00  }
0x94: {  	[tilespmem:s14], [sflag:$0x2] =	stream.indirect_vreg.gather [hbm4b:s9+s2], $0x80, v3, vm0, $0xb8;
	[tilespmem:$0x18200] =	vst v63  }
0x95: {  	v3 =	vld [tilespmem:$0xA0];
	_ =	sdelay $0x4  }
0x96: {  	v4 =	vshrl.u32 v3, $0x3  }
0x97: {  	v4 =	vmul.u32 $0x30, v4  }
0x98: {  	v3 =	vand.u32 $0x7, v3  }
0x99: {  	v3 =	vor.u32 v3, v4  }
0x9a: {  	v4 =	vperm.xlane v3, v0;
	_ =	sdelay $0x1  }
0x9b: {  	v4 =	vadd.s32 v1, v4;
	_ =	sdelay $0x3  }
0x9c: {  	s1 =	simm.s32 $0x12200;
	v3 =	vperm.xlane v3, v2  }
0x9d: {  	[tilespmem:s1], [sflag:$0x2] =	stream.indirect_vreg.gather [hbm4b:s3+s2], $0x80, v4, vm0, $0xb8;
	[tilespmem:$0x18200] =	vst v63  }
0x9e: {  	s13 =	simm.s32 $0x12A00;
	v3 =	vadd.s32 v1, v3  }
0x9f: {  	[tilespmem:s13], [sflag:$0x2] =	stream.indirect_vreg.gather [hbm4b:s8+s2], $0x80, v4, vm0, $0xb8;
	[tilespmem:$0x18200] =	vst v63  }
0xa0: {  	_ = 	snop  }
0xa1: {  	[tilespmem:s15], [sflag:$0x2] =	stream.indirect_vreg.gather [hbm4b:s9+s2], $0x80, v4, vm0, $0xb8;
	[tilespmem:$0x18200] =	vst v63  }
0xa2: {  	_ = 	snop  }
0xa3: {  	[tilespmem:s17], [sflag:$0x2] =	stream.indirect_vreg.gather [hbm4b:s3+s2], $0x80, v3, vm0, $0xb8;
	[tilespmem:$0x18200] =	vst v63  }
0xa4: {  	_ = 	snop  }
0xa5: {  	[tilespmem:s18], [sflag:$0x2] =	stream.indirect_vreg.gather [hbm4b:s8+s2], $0x80, v3, vm0, $0xb8;
	[tilespmem:$0x18200] =	vst v63  }
0xa6: {  	_ = 	snop  }
0xa7: {  	[tilespmem:s19], [sflag:$0x2] =	stream.indirect_vreg.gather [hbm4b:s9+s2], $0x80, v3, vm0, $0xb8;
	[tilespmem:$0x18200] =	vst v63  }
0xa8: {  	v3 =	vld [tilespmem:$0xB0];
	_ =	sdelay $0x4  }
0xa9: {  	v4 =	vshrl.u32 v3, $0x3  }
0xaa: {  	v4 =	vmul.u32 $0x30, v4  }
0xab: {  	v3 =	vand.u32 $0x7, v3  }
0xac: {  	v3 =	vor.u32 v3, v4  }
0xad: {  	v4 =	vperm.xlane v3, v0;
	_ =	sdelay $0x1  }
0xae: {  	v4 =	vadd.s32 v1, v4;
	_ =	sdelay $0x3  }
0xaf: {  	v3 =	vperm.xlane v3, v2  }
0xb0: {  	[tilespmem:s20], [sflag:$0x2] =	stream.indirect_vreg.gather [hbm4b:s3+s2], $0x80, v4, vm0, $0xb8;
	[tilespmem:$0x18200] =	vst v63  }
0xb1: {  	v3 =	vadd.s32 v1, v3  }
0xb2: {  	[tilespmem:s21], [sflag:$0x2] =	stream.indirect_vreg.gather [hbm4b:s8+s2], $0x80, v4, vm0, $0xb8;
	[tilespmem:$0x18200] =	vst v63  }
0xb3: {  	_ = 	snop  }
0xb4: {  	[tilespmem:s22], [sflag:$0x2] =	stream.indirect_vreg.gather [hbm4b:s9+s2], $0x80, v4, vm0, $0xb8;
	[tilespmem:$0x18200] =	vst v63  }
0xb5: {  	_ = 	snop  }
0xb6: {  	[tilespmem:s23], [sflag:$0x2] =	stream.indirect_vreg.gather [hbm4b:s3+s2], $0x80, v3, vm0, $0xb8;
	[tilespmem:$0x18200] =	vst v63  }
0xb7: {  	_ = 	snop  }
0xb8: {  	[tilespmem:s24], [sflag:$0x2] =	stream.indirect_vreg.gather [hbm4b:s8+s2], $0x80, v3, vm0, $0xb8;
	[tilespmem:$0x18200] =	vst v63  }
0xb9: {  	_ = 	snop  }
0xba: {  	[tilespmem:s25], [sflag:$0x2] =	stream.indirect_vreg.gather [hbm4b:s9+s2], $0x80, v3, vm0, $0xb8;
	[tilespmem:$0x18200] =	vst v63  }
0xbb: {  	_ =	swait.ge [sflag:s26], $0xC000  }
0xbc: {  	[sflag:s26] =	ssyncset.done $0x0  }
0xbd: {  	s14 =	simm.s32 $0x0;
	[sflag:s26] =	ssyncadd.s32 $0xFFFF4000  }
0xbe: {  	s0 =	smul.u32 $0x1800, s14;
	_ =	swait.ge [sflag:s28], $0xC000  }
0xbf: {  	s1 =	sand.u32 $0x380, s2;
	[sflag:s28] =	ssyncset.done $0x0  }
0xc0: {  	s30 =	sor.u32 s1, s0;
	[sflag:s28] =	ssyncadd.s32 $0xFFFF4000  }
0xc1: {  	v3 =	vld [tilespmem:s30+$0xC200]  }
0xc2: {  	v4 =	vld [tilespmem:s30+$0x210]  }
0xc3: {  	v5 =	vld [tilespmem:s30+$0xC210]  }
0xc4: {  	v6 =	vld [tilespmem:s30+$0x220]  }
0xc5: {  	v7 =	vld [tilespmem:s30+$0xC220]  }
0xc6: {  	v8 =	vld [tilespmem:s30+$0x230]  }
0xc7: {  	v9 =	vld [tilespmem:s30+$0xC230]  }
0xc8: {  	v10 =	vld [tilespmem:s30+$0x240]  }
0xc9: {  	v11 =	vld [tilespmem:s30+$0xC240]  }
0xca: {  	v12 =	vld [tilespmem:s30+$0x250]  }
0xcb: {  	v13 =	vld [tilespmem:s30+$0x260]  }
0xcc: {  	v14 =	vld [tilespmem:s30+$0x270]  }
0xcd: {  	v15 =	vld [tilespmem:s30+$0x600]  }
0xce: {  	v16 =	vld [tilespmem:s30+$0x610]  }
0xcf: {  	v17 =	vld [tilespmem:s30+$0x620]  }
0xd0: {  	v18 =	vld [tilespmem:s30+$0x630]  }
0xd1: {  	v19 =	vld [tilespmem:s30+$0x640]  }
0xd2: {  	v20 =	vld [tilespmem:s30+$0x650]  }
0xd3: {  	v21 =	vld [tilespmem:s30+$0x660]  }
0xd4: {  	v22 =	vld [tilespmem:s30+$0x670]  }
0xd5: {  	v23 =	vld [tilespmem:s30+$0xA00]  }
0xd6: {  	v24 =	vld [tilespmem:s30+$0xA10]  }
0xd7: {  	v25 =	vld [tilespmem:s30+$0xA20]  }
0xd8: {  	v26 =	vld [tilespmem:s30+$0xA30]  }
0xd9: {  	v27 =	vld [tilespmem:s30+$0xA40]  }
0xda: {  	v28 =	vld [tilespmem:s30+$0xA50]  }
0xdb: {  	v29 =	vld [tilespmem:s30+$0xA60]  }
0xdc: {  	v30 =	vld [tilespmem:s30+$0xA70]  }
0xdd: {  	v31 =	vld [tilespmem:s30+$0xE00]  }
0xde: {  	v32 =	vld [tilespmem:s30+$0xE10]  }
0xdf: {  	v35 =	vld [tilespmem:s30+$0xE20]  }
0xe0: {  	v36 =	vld [tilespmem:s30+$0xE30]  }
0xe1: {  	v37 =	vld [tilespmem:s30+$0xE40]  }
0xe2: {  	v38 =	vld [tilespmem:s30+$0xE50]  }
0xe3: {  	v39 =	vld [tilespmem:s30+$0xE60]  }
0xe4: {  	v40 =	vld [tilespmem:s30+$0xE70]  }
0xe5: {  	v41 =	vld [tilespmem:s30+$0x1200]  }
0xe6: {  	v42 =	vld [tilespmem:s30+$0x1210]  }
0xe7: {  	v43 =	vld [tilespmem:s30+$0x1220]  }
0xe8: {  	v44 =	vld [tilespmem:s30+$0x1230]  }
0xe9: {  	v45 =	vld [tilespmem:s30+$0x1240]  }
0xea: {  	v46 =	vld [tilespmem:s30+$0x1250]  }
0xeb: {  	v47 =	vld [tilespmem:s30+$0x1260]  }
0xec: {  	v48 =	vld [tilespmem:s30+$0x1270]  }
0xed: {  	v49 =	vld [tilespmem:s30+$0x1600]  }
0xee: {  	s31 =	simm.s32 $0x0;
	v50 =	vld [tilespmem:s30+$0x1610]  }
0xef: {  	s0 =	simm.s32 $0x1;
	s1 =	simm.s32 $0x0;
	s13 =	sand.u32 $0x30, s2;
	v51 =	vld [tilespmem:s30+$0xD620]  }
.LBB2_2:
0xf0: {  	p0 =	sne.s32 s0, $0x3F;
	v33 =	vld [tilespmem:s13+$0x100]  }
0xf1: {  	v34 =	vld [tilespmem:s13+$0x180]  }
0xf2: {  	v52 =	vld [tilespmem:s30+$0xD630]  }
0xf3: {  	v53 =	vld [tilespmem:s30+$0x1630]  }
0xf4: {  	s13 =	sand.u32 $0xF, s31;
	s31 =	smov.u32 s0;
	v54 =	vld [tilespmem:s30+$0x1620]  }
0xf5: {  	v55 =	vmov s13;
	v56 =	vld [tilespmem:s30+$0xD610]  }
0xf6: {  	v33 =	vperm.xlane v33, v55;
	v34 =	vperm.xlane v34, v55;
	v55 =	vld [tilespmem:s30+$0xD600]  }
0xf7: {  	v57 =	vld [tilespmem:s30+$0xD270]  }
0xf8: {  	v58 =	vld [tilespmem:s30+$0xD260];
	v53 =	vmul.f32 v53, v33;
	v52 =	vmul.f32 v52, v34  }
0xf9: {  	v51 =	vmul.f32 v51, v34;
	v59 =	vld [tilespmem:s30+$0xD250];
	v54 =	vmul.f32 v54, v33  }
0xfa: {  	v50 =	vmul.f32 v50, v33;
	v60 =	vld [tilespmem:s30+$0xD240];
	v56 =	vmul.f32 v56, v34;
	v52 =	vadd.f32 v52, v53  }
0xfb: {  	v49 =	vmul.f32 v49, v33;
	v53 =	vld [tilespmem:s30+$0xD230];
	v55 =	vmul.f32 v55, v34;
	v51 =	vadd.f32 v51, v54  }
0xfc: {  	v48 =	vmul.f32 v48, v33;
	v54 =	vld [tilespmem:s30+$0xD220];
	v57 =	vmul.f32 v57, v34;
	v50 =	vadd.f32 v56, v50;
	[tilespmem:s30+$0x1630] =	vst v52  }
0xfd: {  	v47 =	vmul.f32 v47, v33;
	v52 =	vld [tilespmem:s30+$0xD210];
	v56 =	vmul.f32 v58, v34;
	v49 =	vadd.f32 v55, v49;
	[tilespmem:s30+$0x1620] =	vst v51  }
0xfe: {  	v46 =	vmul.f32 v46, v33;
	v51 =	vld [tilespmem:s30+$0xD200];
	v55 =	vmul.f32 v59, v34;
	v48 =	vadd.f32 v57, v48;
	[tilespmem:s30+$0x1610] =	vst v50  }
0xff: {  	v45 =	vmul.f32 v45, v33;
	v50 =	vld [tilespmem:s30+$0xCE70];
	v57 =	vmul.f32 v60, v34;
	v47 =	vadd.f32 v56, v47;
	[tilespmem:s30+$0x1600] =	vst v49  }
0x100: {  	v44 =	vmul.f32 v44, v33;
	v49 =	vld [tilespmem:s30+$0xCE60];
	v53 =	vmul.f32 v53, v34;
	v46 =	vadd.f32 v55, v46;
	[tilespmem:s30+$0x1270] =	vst v48  }
0x101: {  	v43 =	vmul.f32 v43, v33;
	v48 =	vld [tilespmem:s30+$0xCE50];
	v54 =	vmul.f32 v54, v34;
	v45 =	vadd.f32 v57, v45;
	[tilespmem:s30+$0x1260] =	vst v47  }
0x102: {  	v42 =	vmul.f32 v42, v33;
	v47 =	vld [tilespmem:s30+$0xCE40];
	v52 =	vmul.f32 v52, v34;
	v44 =	vadd.f32 v53, v44;
	[tilespmem:s30+$0x1250] =	vst v46  }
0x103: {  	v41 =	vmul.f32 v41, v33;
	v46 =	vld [tilespmem:s30+$0xCE30];
	v51 =	vmul.f32 v51, v34;
	v43 =	vadd.f32 v54, v43;
	[tilespmem:s30+$0x1240] =	vst v45  }
0x104: {  	v40 =	vmul.f32 v40, v33;
	v45 =	vld [tilespmem:s30+$0xCE20];
	v50 =	vmul.f32 v50, v34;
	v42 =	vadd.f32 v52, v42;
	[tilespmem:s30+$0x1230] =	vst v44  }
0x105: {  	v39 =	vmul.f32 v39, v33;
	v44 =	vld [tilespmem:s30+$0xCE10];
	v49 =	vmul.f32 v49, v34;
	v41 =	vadd.f32 v51, v41;
	[tilespmem:s30+$0x1220] =	vst v43  }
0x106: {  	v38 =	vmul.f32 v38, v33;
	v43 =	vld [tilespmem:s30+$0xCE00];
	v48 =	vmul.f32 v48, v34;
	v40 =	vadd.f32 v50, v40;
	[tilespmem:s30+$0x1210] =	vst v42  }
0x107: {  	v37 =	vmul.f32 v37, v33;
	v42 =	vld [tilespmem:s30+$0xCA70];
	v47 =	vmul.f32 v47, v34;
	v39 =	vadd.f32 v49, v39;
	[tilespmem:s30+$0x1200] =	vst v41  }
0x108: {  	v36 =	vmul.f32 v36, v33;
	v41 =	vld [tilespmem:s30+$0xCA60];
	v46 =	vmul.f32 v46, v34;
	v38 =	vadd.f32 v48, v38;
	[tilespmem:s30+$0xE70] =	vst v40  }
0x109: {  	v35 =	vmul.f32 v35, v33;
	v40 =	vld [tilespmem:s30+$0xCA50];
	v45 =	vmul.f32 v45, v34;
	v37 =	vadd.f32 v47, v37;
	[tilespmem:s30+$0xE60] =	vst v39  }
0x10a: {  	v32 =	vmul.f32 v32, v33;
	v39 =	vld [tilespmem:s30+$0xCA40];
	v44 =	vmul.f32 v44, v34;
	v36 =	vadd.f32 v46, v36;
	[tilespmem:s30+$0xE50] =	vst v38  }
0x10b: {  	v31 =	vmul.f32 v31, v33;
	v38 =	vld [tilespmem:s30+$0xCA30];
	v43 =	vmul.f32 v43, v34;
	v35 =	vadd.f32 v45, v35;
	[tilespmem:s30+$0xE40] =	vst v37  }
0x10c: {  	v30 =	vmul.f32 v30, v33;
	v37 =	vld [tilespmem:s30+$0xCA20];
	v42 =	vmul.f32 v42, v34;
	v32 =	vadd.f32 v44, v32;
	[tilespmem:s30+$0xE30] =	vst v36  }
0x10d: {  	v29 =	vmul.f32 v29, v33;
	v36 =	vld [tilespmem:s30+$0xCA10];
	v41 =	vmul.f32 v41, v34;
	v31 =	vadd.f32 v43, v31;
	[tilespmem:s30+$0xE20] =	vst v35  }
0x10e: {  	v28 =	vmul.f32 v28, v33;
	v35 =	vld [tilespmem:s30+$0xCA00];
	v40 =	vmul.f32 v40, v34;
	v30 =	vadd.f32 v42, v30;
	[tilespmem:s30+$0xE10] =	vst v32  }
0x10f: {  	v27 =	vmul.f32 v27, v33;
	v32 =	vld [tilespmem:s30+$0xC670];
	v39 =	vmul.f32 v39, v34;
	v29 =	vadd.f32 v41, v29;
	[tilespmem:s30+$0xE00] =	vst v31  }
0x110: {  	v26 =	vmul.f32 v26, v33;
	v31 =	vld [tilespmem:s30+$0xC660];
	v38 =	vmul.f32 v38, v34;
	v28 =	vadd.f32 v40, v28;
	[tilespmem:s30+$0xA70] =	vst v30  }
0x111: {  	v25 =	vmul.f32 v25, v33;
	v30 =	vld [tilespmem:s30+$0xC650];
	v37 =	vmul.f32 v37, v34;
	v27 =	vadd.f32 v39, v27;
	[tilespmem:s30+$0xA60] =	vst v29  }
0x112: {  	v24 =	vmul.f32 v24, v33;
	v29 =	vld [tilespmem:s30+$0xC640];
	v36 =	vmul.f32 v36, v34;
	v26 =	vadd.f32 v38, v26;
	[tilespmem:s30+$0xA50] =	vst v28  }
0x113: {  	v23 =	vmul.f32 v23, v33;
	v28 =	vld [tilespmem:s30+$0xC630];
	v35 =	vmul.f32 v35, v34;
	v25 =	vadd.f32 v37, v25;
	[tilespmem:s30+$0xA40] =	vst v27  }
0x114: {  	v22 =	vmul.f32 v22, v33;
	v27 =	vld [tilespmem:s30+$0xC620];
	v32 =	vmul.f32 v32, v34;
	v24 =	vadd.f32 v36, v24;
	[tilespmem:s30+$0xA30] =	vst v26  }
0x115: {  	v21 =	vmul.f32 v21, v33;
	v26 =	vld [tilespmem:s30+$0xC610];
	v31 =	vmul.f32 v31, v34;
	v23 =	vadd.f32 v35, v23;
	[tilespmem:s30+$0xA20] =	vst v25  }
0x116: {  	v20 =	vmul.f32 v20, v33;
	v25 =	vld [tilespmem:s30+$0xC600];
	v30 =	vmul.f32 v30, v34;
	v22 =	vadd.f32 v32, v22;
	[tilespmem:s30+$0xA10] =	vst v24  }
0x117: {  	v19 =	vmul.f32 v19, v33;
	v24 =	vld [tilespmem:s30+$0xC270];
	v29 =	vmul.f32 v29, v34;
	v21 =	vadd.f32 v31, v21;
	[tilespmem:s30+$0xA00] =	vst v23  }
0x118: {  	v18 =	vmul.f32 v18, v33;
	v23 =	vld [tilespmem:s30+$0xC260];
	v28 =	vmul.f32 v28, v34;
	v20 =	vadd.f32 v30, v20;
	[tilespmem:s30+$0x670] =	vst v22  }
0x119: {  	v17 =	vmul.f32 v17, v33;
	v22 =	vld [tilespmem:s30+$0xC250];
	v27 =	vmul.f32 v27, v34;
	v19 =	vadd.f32 v29, v19;
	[tilespmem:s30+$0x660] =	vst v21  }
0x11a: {  	v16 =	vmul.f32 v16, v33;
	v21 =	vmul.f32 v26, v34;
	v18 =	vadd.f32 v28, v18;
	[tilespmem:s30+$0x650] =	vst v20;
	v20 =	vld [tilespmem:s30+$0xD640]  }
0x11b: {  	v15 =	vmul.f32 v15, v33;
	v25 =	vmul.f32 v25, v34;
	v17 =	vadd.f32 v27, v17;
	[tilespmem:s30+$0x640] =	vst v19;
	v19 =	vld [tilespmem:s30+$0xD650]  }
0x11c: {  	v14 =	vmul.f32 v14, v33;
	v24 =	vmul.f32 v24, v34;
	v16 =	vadd.f32 v21, v16;
	[tilespmem:s30+$0x630] =	vst v18;
	v18 =	vld [tilespmem:s30+$0xD660]  }
0x11d: {  	v13 =	vmul.f32 v13, v33;
	v21 =	vmul.f32 v23, v34;
	v15 =	vadd.f32 v25, v15;
	[tilespmem:s30+$0x620] =	vst v17;
	v17 =	vld [tilespmem:s30+$0xD670]  }
0x11e: {  	v12 =	vmul.f32 v12, v33;
	v22 =	vmul.f32 v22, v34;
	v14 =	vadd.f32 v24, v14;
	[tilespmem:s30+$0x610] =	vst v16;
	v16 =	vld [tilespmem:s30+$0x1640]  }
0x11f: {  	v10 =	vmul.f32 v10, v33;
	v11 =	vmul.f32 v11, v34;
	v13 =	vadd.f32 v21, v13;
	[tilespmem:s30+$0x600] =	vst v15;
	v15 =	vld [tilespmem:s30+$0x1650]  }
0x120: {  	v8 =	vmul.f32 v8, v33;
	v9 =	vmul.f32 v9, v34;
	v12 =	vadd.f32 v22, v12;
	[tilespmem:s30+$0x270] =	vst v14;
	v14 =	vld [tilespmem:s30+$0x1660]  }
0x121: {  	v6 =	vmul.f32 v6, v33;
	v7 =	vmul.f32 v7, v34;
	v10 =	vadd.f32 v11, v10;
	[tilespmem:s30+$0x260] =	vst v13;
	v11 =	vld [tilespmem:s30+$0x1670]  }
0x122: {  	s13 =	sshrl.u32 s0, $0x3;
	v4 =	vmul.f32 v4, v33;
	v5 =	vmul.f32 v5, v34;
	v8 =	vadd.f32 v9, v8;
	v13 =	vld [tilespmem:s30+$0x200];
	[tilespmem:s30+$0x250] =	vst v12  }
0x123: {  	s1 =	sadd.s32 $0x80, s1;
	s13 =	smul.u32 $0x1800, s13;
	v6 =	vadd.f32 v7, v6;
	v9 =	vmul.f32 v20, v34;
	[tilespmem:s30+$0x240] =	vst v10;
	v7 =	vmul.f32 v16, v33  }
0x124: {  	s14 =	sand.u32 $0x380, s1;
	v4 =	vadd.f32 v5, v4;
	[tilespmem:s30+$0x230] =	vst v8;
	v5 =	vmul.f32 v15, v33;
	v8 =	vmul.f32 v19, v34  }
0x125: {  	s13 =	sor.u32 s14, s13;
	[tilespmem:s30+$0x220] =	vst v6;
	v6 =	vadd.f32 v9, v7;
	v7 =	vmul.f32 v14, v33;
	v9 =	vmul.f32 v18, v34  }
0x126: {  	v12 =	vmul.f32 v17, v34;
	v10 =	vld [tilespmem:s13+$0xC200];
	[tilespmem:s30+$0x210] =	vst v4;
	v8 =	vadd.f32 v8, v5;
	v11 =	vmul.f32 v11, v33  }
0x127: {  	v3 =	vmul.f32 v3, v34;
	v4 =	vld [tilespmem:s13+$0x210];
	v13 =	vmul.f32 v13, v33;
	[tilespmem:s30+$0x1640] =	vst v6;
	v7 =	vadd.f32 v9, v7  }
0x128: {  	v5 =	vld [tilespmem:s13+$0xC210];
	[tilespmem:s30+$0x1650] =	vst v8;
	v8 =	vadd.f32 v12, v11  }
0x129: {  	v6 =	vld [tilespmem:s13+$0x220];
	v9 =	vadd.f32 v3, v13;
	[tilespmem:s30+$0x1660] =	vst v7  }
0x12a: {  	v7 =	vld [tilespmem:s13+$0xC220];
	[tilespmem:s30+$0x1670] =	vst v8  }
0x12b: {  	v8 =	vld [tilespmem:s13+$0x230];
	[tilespmem:s30+$0x200] =	vst v9;
	v3 =	vmov v10;
	s30 =	smov.u32 s13  }
0x12c: {  	v9 =	vld [tilespmem:s30+$0xC230]  }
0x12d: {  	v10 =	vld [tilespmem:s30+$0x240]  }
0x12e: {  	v11 =	vld [tilespmem:s30+$0xC240]  }
0x12f: {  	v12 =	vld [tilespmem:s30+$0x250]  }
0x130: {  	v13 =	vld [tilespmem:s30+$0x260]  }
0x131: {  	v14 =	vld [tilespmem:s30+$0x270]  }
0x132: {  	v15 =	vld [tilespmem:s30+$0x600]  }
0x133: {  	v16 =	vld [tilespmem:s30+$0x610]  }
0x134: {  	v17 =	vld [tilespmem:s30+$0x620]  }
0x135: {  	v18 =	vld [tilespmem:s30+$0x630]  }
0x136: {  	v19 =	vld [tilespmem:s30+$0x640]  }
0x137: {  	v20 =	vld [tilespmem:s30+$0x650]  }
0x138: {  	v21 =	vld [tilespmem:s30+$0x660]  }
0x139: {  	v22 =	vld [tilespmem:s30+$0x670]  }
0x13a: {  	v23 =	vld [tilespmem:s30+$0xA00]  }
0x13b: {  	v24 =	vld [tilespmem:s30+$0xA10]  }
0x13c: {  	v25 =	vld [tilespmem:s30+$0xA20]  }
0x13d: {  	v26 =	vld [tilespmem:s30+$0xA30]  }
0x13e: {  	v27 =	vld [tilespmem:s30+$0xA40]  }
0x13f: {  	v28 =	vld [tilespmem:s30+$0xA50]  }
0x140: {  	v29 =	vld [tilespmem:s30+$0xA60]  }
0x141: {  	v30 =	vld [tilespmem:s30+$0xA70]  }
0x142: {  	v31 =	vld [tilespmem:s30+$0xE00]  }
0x143: {  	v32 =	vld [tilespmem:s30+$0xE10]  }
0x144: {  	v35 =	vld [tilespmem:s30+$0xE20]  }
0x145: {  	v36 =	vld [tilespmem:s30+$0xE30]  }
0x146: {  	v37 =	vld [tilespmem:s30+$0xE40]  }
0x147: {  	v38 =	vld [tilespmem:s30+$0xE50]  }
0x148: {  	v39 =	vld [tilespmem:s30+$0xE60]  }
0x149: {  	v40 =	vld [tilespmem:s30+$0xE70]  }
0x14a: {  	v41 =	vld [tilespmem:s30+$0x1200]  }
0x14b: {  	v42 =	vld [tilespmem:s30+$0x1210]  }
0x14c: {  	v43 =	vld [tilespmem:s30+$0x1220]  }
0x14d: {  	v44 =	vld [tilespmem:s30+$0x1230]  }
0x14e: {  	v45 =	vld [tilespmem:s30+$0x1240]  }
0x14f: {  	v46 =	vld [tilespmem:s30+$0x1250]  }
.Ltmp0:
0x150: {  	v47 =	vld [tilespmem:s30+$0x1260];
	(pc) =	sbr.rel @p0 .LBB2_2-.Ltmp0, $4  }
0x151: {  	v48 =	vld [tilespmem:s30+$0x1270]  }
0x152: {  	v49 =	vld [tilespmem:s30+$0x1600]  }
0x153: {  	v50 =	vld [tilespmem:s30+$0x1610]  }
0x154: {  	s0 =	sadd.s32 $0x1, s0;
	s13 =	sand.u32 $0x30, s31;
	v51 =	vld [tilespmem:s30+$0xD620]  }
0x155: {  	v33 =	vld [tilespmem:s13+$0x100]  }
0x156: {  	v34 =	vld [tilespmem:s13+$0x180]  }
0x157: {  	v52 =	vld [tilespmem:s30+$0xD630]  }
0x158: {  	v53 =	vld [tilespmem:s30+$0x1630]  }
0x159: {  	v54 =	vld [tilespmem:s30+$0x1620];
	s0 =	sand.u32 $0xF, s31  }
0x15a: {  	v55 =	vld [tilespmem:s30+$0xD610];
	v56 =	vmov s0  }
0x15b: {  	v57 =	vld [tilespmem:s30+$0xD600];
	v33 =	vperm.xlane v33, v56;
	v34 =	vperm.xlane v34, v56;
	_ =	sdelay $0x1  }
0x15c: {  	v58 =	vld [tilespmem:s30+$0xD260];
	v53 =	vmul.f32 v53, v33;
	v52 =	vmul.f32 v52, v34  }
0x15d: {  	v54 =	vmul.f32 v54, v33;
	v51 =	vmul.f32 v51, v34  }
0x15e: {  	v59 =	vld [tilespmem:s30+$0xD250];
	v50 =	vmul.f32 v50, v33;
	v62 =	vmul.f32 v55, v34  }
0x15f: {  	v60 =	vld [tilespmem:s30+$0xD240];
	v49 =	vmul.f32 v49, v33;
	v63 =	vmul.f32 v57, v34  }
0x160: {  	v61 =	vld [tilespmem:s30+$0xD220];
	v48 =	vmul.f32 v48, v33;
	v47 =	vmul.f32 v47, v33;
	v52 =	vadd.f32 v52, v53  }
0x161: {  	v56 =	vld [tilespmem:s30+$0xD270];
	v58 =	vmul.f32 v58, v34;
	v46 =	vmul.f32 v46, v33;
	v51 =	vadd.f32 v51, v54  }
0x162: {  	v55 =	vld [tilespmem:s30+$0xC650];
	v10 =	vmul.f32 v10, v33;
	v11 =	vmul.f32 v11, v34;
	v50 =	vadd.f32 v62, v50;
	[tilespmem:s30+$0x1630] =	vst v52  }
0x163: {  	v8 =	vmul.f32 v8, v33;
	v9 =	vmul.f32 v9, v34;
	v53 =	vld [tilespmem:s30+$0xD230];
	v49 =	vadd.f32 v63, v49;
	[tilespmem:s30+$0x1620] =	vst v51  }
0x164: {  	v6 =	vmul.f32 v6, v33;
	v7 =	vmul.f32 v7, v34;
	v47 =	vadd.f32 v58, v47;
	v58 =	vld [tilespmem:s30+$0xCE20];
	[tilespmem:s30+$0x1610] =	vst v50  }
0x165: {  	v4 =	vmul.f32 v4, v33;
	v62 =	vmul.f32 v59, v34;
	v59 =	vld [tilespmem:s30+$0xCE10];
	v10 =	vadd.f32 v11, v10;
	[tilespmem:s30+$0x1600] =	vst v49  }
0x166: {  	v5 =	vmul.f32 v5, v34;
	v63 =	vmul.f32 v60, v34;
	v60 =	vld [tilespmem:s30+$0xCE00];
	v8 =	vadd.f32 v9, v8;
	[tilespmem:s30+$0x1260] =	vst v47  }
0x167: {  	v45 =	vmul.f32 v45, v33;
	v44 =	vmul.f32 v44, v33;
	v54 =	vld [tilespmem:s30+$0xC660];
	v6 =	vadd.f32 v7, v6;
	[tilespmem:s30+$0x240] =	vst v10  }
0x168: {  	v43 =	vmul.f32 v43, v33;
	v4 =	vadd.f32 v5, v4;
	v57 =	vmul.f32 v56, v34;
	v52 =	vld [tilespmem:s30+$0xD210];
	[tilespmem:s30+$0x230] =	vst v8  }
0x169: {  	v42 =	vmul.f32 v42, v33;
	v41 =	vmul.f32 v41, v33;
	v51 =	vld [tilespmem:s30+$0xD200];
	v46 =	vadd.f32 v62, v46;
	[tilespmem:s30+$0x220] =	vst v6  }
0x16a: {  	v50 =	vld [tilespmem:s30+$0xCE70];
	v45 =	vadd.f32 v63, v45;
	[tilespmem:s30+$0x210] =	vst v4;
	v48 =	vadd.f32 v57, v48;
	v57 =	vmul.f32 v61, v34  }
0x16b: {  	v40 =	vmul.f32 v40, v33;
	v49 =	vld [tilespmem:s30+$0xCE60];
	[tilespmem:s30+$0x1250] =	vst v46;
	v53 =	vmul.f32 v53, v34  }
0x16c: {  	v35 =	vmul.f32 v35, v33;
	v47 =	vld [tilespmem:s30+$0xCE40];
	[tilespmem:s30+$0x1240] =	vst v45;
	v43 =	vadd.f32 v57, v43;
	v45 =	vmul.f32 v58, v34  }
0x16d: {  	v39 =	vmul.f32 v39, v33;
	v56 =	vld [tilespmem:s30+$0xC640];
	[tilespmem:s30+$0x1270] =	vst v48;
	v44 =	vadd.f32 v53, v44;
	v52 =	vmul.f32 v52, v34  }
0x16e: {  	v38 =	vmul.f32 v38, v33;
	v46 =	vld [tilespmem:s30+$0xCE30];
	v51 =	vmul.f32 v51, v34;
	[tilespmem:s30+$0x1220] =	vst v43;
	v35 =	vadd.f32 v45, v35  }
0x16f: {  	v37 =	vmul.f32 v37, v33;
	v62 =	vld [tilespmem:s30+$0xCA60];
	v50 =	vmul.f32 v50, v34;
	[tilespmem:s30+$0x1230] =	vst v44;
	v42 =	vadd.f32 v52, v42  }
0x170: {  	v36 =	vmul.f32 v36, v33;
	v48 =	vld [tilespmem:s30+$0xCE50];
	v49 =	vmul.f32 v49, v34;
	v41 =	vadd.f32 v51, v41;
	[tilespmem:s30+$0xE20] =	vst v35  }
0x171: {  	v32 =	vmul.f32 v32, v33;
	v61 =	vld [tilespmem:s30+$0xCA70];
	v47 =	vmul.f32 v47, v34;
	v40 =	vadd.f32 v50, v40;
	[tilespmem:s30+$0x1210] =	vst v42  }
0x172: {  	v31 =	vmul.f32 v31, v33;
	v63 =	vld [tilespmem:s30+$0xCA50];
	v43 =	vmul.f32 v60, v34;
	v39 =	vadd.f32 v49, v39;
	[tilespmem:s30+$0x1200] =	vst v41  }
0x173: {  	v30 =	vmul.f32 v30, v33;
	v57 =	vld [tilespmem:s30+$0xC630];
	v46 =	vmul.f32 v46, v34;
	v37 =	vadd.f32 v47, v37;
	[tilespmem:s30+$0xE70] =	vst v40  }
0x174: {  	v29 =	vmul.f32 v29, v33;
	v58 =	vld [tilespmem:s30+$0xC620];
	v44 =	vmul.f32 v59, v34;
	v31 =	vadd.f32 v43, v31;
	[tilespmem:s30+$0xE60] =	vst v39  }
0x175: {  	v28 =	vmul.f32 v28, v33;
	v53 =	vld [tilespmem:s30+$0xC670];
	v48 =	vmul.f32 v48, v34;
	v36 =	vadd.f32 v46, v36;
	[tilespmem:s30+$0xE40] =	vst v37  }
0x176: {  	v27 =	vmul.f32 v27, v33;
	v60 =	vld [tilespmem:s30+$0xC600];
	v32 =	vadd.f32 v44, v32;
	v42 =	vmul.f32 v61, v34;
	[tilespmem:s30+$0xE00] =	vst v31  }
0x177: {  	v26 =	vmul.f32 v26, v33;
	v45 =	vld [tilespmem:s30+$0x1640];
	v41 =	vmul.f32 v62, v34;
	v38 =	vadd.f32 v48, v38;
	[tilespmem:s30+$0xE30] =	vst v36  }
0x178: {  	v25 =	vmul.f32 v25, v33;
	v49 =	vld [tilespmem:s30+$0xCA30];
	v40 =	vmul.f32 v63, v34;
	[tilespmem:s30+$0xE10] =	vst v32;
	v30 =	vadd.f32 v42, v30  }
0x179: {  	v21 =	vmul.f32 v21, v33;
	v50 =	vld [tilespmem:s30+$0xCA20];
	v31 =	vmul.f32 v54, v34;
	v29 =	vadd.f32 v41, v29;
	[tilespmem:s30+$0xE50] =	vst v38  }
0x17a: {  	v20 =	vmul.f32 v20, v33;
	v51 =	vld [tilespmem:s30+$0xCA10];
	v62 =	vmul.f32 v55, v34;
	v28 =	vadd.f32 v40, v28;
	[tilespmem:s30+$0xA70] =	vst v30  }
0x17b: {  	v22 =	vmul.f32 v22, v33;
	v52 =	vld [tilespmem:s30+$0xCA00];
	v32 =	vmul.f32 v53, v34;
	v21 =	vadd.f32 v31, v21;
	[tilespmem:s30+$0xA60] =	vst v29  }
0x17c: {  	v19 =	vmul.f32 v19, v33;
	v59 =	vld [tilespmem:s30+$0xC610];
	v31 =	vmul.f32 v56, v34;
	v20 =	vadd.f32 v62, v20;
	[tilespmem:s30+$0xA50] =	vst v28  }
0x17d: {  	v15 =	vmul.f32 v15, v33;
	v43 =	vld [tilespmem:s30+$0xD670];
	v40 =	vmul.f32 v60, v34;
	v22 =	vadd.f32 v32, v22;
	[tilespmem:s30+$0x660] =	vst v21  }
0x17e: {  	v24 =	vmul.f32 v24, v33;
	v61 =	vld [tilespmem:s30+$0xC270];
	v38 =	vmul.f32 v49, v34;
	v19 =	vadd.f32 v31, v19;
	[tilespmem:s30+$0x650] =	vst v20  }
0x17f: {  	v23 =	vmul.f32 v23, v33;
	v63 =	vld [tilespmem:s30+$0xC260];
	v37 =	vmul.f32 v50, v34;
	v15 =	vadd.f32 v40, v15;
	[tilespmem:s30+$0x670] =	vst v22  }
0x180: {  	v48 =	vld [tilespmem:s30+$0xCA40];
	v36 =	vmul.f32 v51, v34;
	v35 =	vmul.f32 v52, v34;
	v26 =	vadd.f32 v38, v26;
	[tilespmem:s30+$0x640] =	vst v19  }
0x181: {  	v18 =	vmul.f32 v18, v33;
	v17 =	vmul.f32 v17, v33;
	v46 =	vld [tilespmem:s30+$0x1650];
	v25 =	vadd.f32 v37, v25;
	[tilespmem:s30+$0x600] =	vst v15  }
0x182: {  	v41 =	vld [tilespmem:s30+$0xD660];
	v24 =	vadd.f32 v36, v24;
	v23 =	vadd.f32 v35, v23;
	v35 =	vmul.f32 v57, v34;
	[tilespmem:s30+$0xA30] =	vst v26  }
0x183: {  	v14 =	vmul.f32 v14, v33;
	v49 =	vld [tilespmem:s30+$0x1670];
	v37 =	vmul.f32 v58, v34;
	[tilespmem:s30+$0xA20] =	vst v25  }
0x184: {  	v13 =	vmul.f32 v13, v33;
	v50 =	vld [tilespmem:s30+$0x200];
	v42 =	vmul.f32 v61, v34;
	[tilespmem:s30+$0xA10] =	vst v24;
	v18 =	vadd.f32 v35, v18  }
0x185: {  	v32 =	vld [tilespmem:s30+$0xC250];
	v44 =	vmul.f32 v63, v34;
	v39 =	vmul.f32 v48, v34;
	[tilespmem:s30+$0xA00] =	vst v23;
	v17 =	vadd.f32 v37, v17  }
0x186: {  	v16 =	vmul.f32 v16, v33;
	v36 =	vld [tilespmem:s30+$0xD640];
	v14 =	vadd.f32 v42, v14;
	[tilespmem:s30+$0x630] =	vst v18  }
0x187: {  	v38 =	vld [tilespmem:s30+$0xD650];
	v13 =	vadd.f32 v44, v13;
	v27 =	vadd.f32 v39, v27;
	v39 =	vmul.f32 v59, v34;
	[tilespmem:s30+$0x620] =	vst v17  }
0x188: {  	v60 =	vmul.f32 v43, v34;
	v48 =	vld [tilespmem:s30+$0x1660];
	v59 =	vmul.f32 v49, v33;
	[tilespmem:s30+$0x270] =	vst v14  }
0x189: {  	v3 =	vmul.f32 v3, v34;
	v61 =	vmul.f32 v50, v33;
	[tilespmem:s30+$0x260] =	vst v13;
	v16 =	vadd.f32 v39, v16  }
0x18a: {  	v12 =	vmul.f32 v12, v33;
	v47 =	vmul.f32 v32, v34;
	[tilespmem:s30+$0xA40] =	vst v27;
	v63 =	vadd.f32 v60, v59  }
0x18b: {  	v51 =	vmul.f32 v45, v33;
	v52 =	vmul.f32 v36, v34;
	v3 =	vadd.f32 v3, v61;
	[tilespmem:s30+$0x610] =	vst v16  }
0x18c: {  	v53 =	vmul.f32 v46, v33;
	v54 =	vmul.f32 v38, v34;
	v12 =	vadd.f32 v47, v12;
	[tilespmem:s30+$0x1670] =	vst v63  }
0x18d: {  	v57 =	vmul.f32 v41, v34;
	v56 =	vmul.f32 v48, v33;
	v55 =	vadd.f32 v52, v51;
	[tilespmem:s30+$0x200] =	vst v3  }
0x18e: {  	v58 =	vadd.f32 v54, v53;
	[tilespmem:s30+$0x250] =	vst v12  }
0x18f: {  	s29 =	sadd.s32 $0x1, s29;
	v62 =	vadd.f32 v57, v56;
	[tilespmem:s30+$0x1640] =	vst v55  }
0x190: {  	p0 =	sne.s32 s29, s11;
	[tilespmem:s30+$0x1650] =	vst v58  }
.Ltmp1:
0x191: {  	[tilespmem:s30+$0x1660] =	vst v62;
	(pc) =	sbr.rel @p0 .LBB2_1-.Ltmp1, $4  }
0x192: {  	[hbm4b:s10+s2] =	stream.linear.scatter [tilespmem:s16], [sflag:$0x3], $0xC000, $0x38;
	[tilespmem:$0x18200] =	vst v63  }
0x193: {  	_ =	swait.ge [sflag:s12], $0xC000  }
0x194: {  	[sflag:s12] =	ssyncset.done $0x0  }
0x195: {  	[sflag:s12] =	ssyncadd.s32 $0xFFFF4000  }
0x196: {  	_ =	sfence.sel $0x180000  }
0x197: {  	[bflag:$0x0] =	sbarrier.arrive $0xFFFF  }
0x198: {  	_ =	strace $0x9000004A  }
0x199: {  	s0 =	stileid.u32;
	[bflag:$0x2] =	sbarrier.arrive $0xFFFF  }
0x19a: {  	p0 =	sne.s32 s0, $0x0;
	s0 =	rddreg [dreg:$0x2]  }
0x19b: {  	s0 =	sadd.s32 @!p0 $0x100000, s0  }
0x19c: {  	[sflag:s0] =	ssyncadd.tile.s32 @!p0 $0x1;
	_ =	shalt  }
.Lfunc_end2:
_tile_overlayer_lowered:
.L_overlay_start_2:
0x19d: {  	(tag) =	ssettag $0x2  }
0x19e: {  	s0 =	rddreg [dreg:$0x0];
	s2 =	stileid.u32  }
0x19f: {  	s1 =	rddreg [dreg:$0x1];
	p0 =	sne.s32 s2, $0x0  }
0x1a0: {  	s3 =	rddreg [dreg:$0x2];
	[bflag:$0x3] =	sbarrier.arrive $0xFFFF;
	s2 =	simm.s32 @!p0 $0x1C03  }
0x1a1: {  	[timem:s3], [sflag:s2] =	dma.local @!p0 [hbm:s0], s1  }
0x1a2: {  	s0 =	simm.s32 @!p0 $0x3  }
0x1a3: {  	_ =	swait.ge @!p0 [sflag:s0], s1  }
0x1a4: {  	s1 =	ssub.s32 @!p0 $0x0, s1;
	[sflag:s0] =	ssyncset.done @!p0 $0x0  }
0x1a5: {  	[sflag:s0] =	ssyncadd.s32 @!p0 s1  }
0x1a6: {  	[bflag:$0x3] =	sbarrier.arrive $0xFFFF  }
0x1a7: {  	_ =	shalt  }

</sc_bundles>
